<compile_context>
chip_gen: v7x
topology: tpu7x:2x2x1
jax: 0.10.2.dev20260603
libtpu: 0.0.44.dev20260713+nightly
codegen_flags: <defaults>
</compile_context>

<pallas_src>
import functools

import jax
import jax.numpy as jnp
from jax import lax
from jax.experimental import pallas as pl
from jax.experimental.pallas import tpu as pltpu
from jax.experimental.pallas import tpu_sc as plsc

_L = 16
_NBIN = 256
_UNROLL = 8
_HIST_WORDS = -(-(16 * 257) // (16 * _UNROLL)) * (16 * _UNROLL)


def _logits_body(x_ref, w_ref, out_ref):
    xb = x_ref[0]
    w = w_ref[...]
    out_ref[0] = jax.lax.dot_general(
        w, xb, (((1,), (1,)), ((), ())),
        preferred_element_type=jnp.float32)


def _sc_sort_body(nbatch, t, logit_hbm, sig_hbm, idx_hbm,
                  lg, ka, kb, pa, pb, hist, tot, dbase, sg):
    lane = lax.iota(jnp.int32, _L)
    per_lane = t // _L
    _PL = per_lane + 1
    lane_blk = lane * _PL
    lane_hist = lane * (_NBIN + 1)
    zero16 = jnp.zeros((_L,), jnp.int32)
    ones16 = jnp.ones((_L,), jnp.int32)
    nvec = t // _L

    wid = lax.axis_index("s") * 2 + lax.axis_index("c")

    @pl.when(wid < nbatch)
    def _():
        row = wid * t
        pltpu.sync_copy(logit_hbm.at[pl.ds(row, t)], lg)

        def mk(jo, _):
            for u in range(_UNROLL):
                j = jo * _UNROLL + u
                seq = j * _L + lane
                pad = pl.ds(j * _L + (j // _L), _L)
                v = plsc.bitcast(lg[pl.ds(j * _L, _L)], jnp.int32)
                m = lax.shift_right_arithmetic(v, 31)
                k = v ^ ((m ^ jnp.int32(-1)) & jnp.int32(0x7FFFFFFF))
                ka[pad] = k
                pa[pad] = seq
            return 0
        lax.fori_loop(0, nvec // _UNROLL, mk, 0)

        def radix_pass(src_k, src_p, dst_k, dst_p, shift, last=False):
            def z(jo, _):
                for u in range(_UNROLL):
                    hist[pl.ds((jo * _UNROLL + u) * _L, _L)] = zero16
                return 0
            lax.fori_loop(0, _HIST_WORDS // (_L * _UNROLL), z, 0)

            def h(jo, _):
                for u in range(_UNROLL):
                    j = jo * _UNROLL + u
                    k = plsc.load_gather(src_k, [lane_blk + j])
                    d = lax.shift_right_logical(k, shift) & 255
                    plsc.addupdate_scatter(hist, [lane_hist + d], ones16)
                return 0
            lax.fori_loop(0, nvec // _UNROLL, h, 0)

            def b1(c, _):
                s = zero16
                for l in range(_L):
                    sl = pl.ds(l * (_NBIN + 1) + c * _L, _L)
                    hl = hist[sl]
                    hist[sl] = s
                    s = s + hl
                tot[pl.ds(c * _L, _L)] = s
                return 0
            lax.fori_loop(0, _NBIN // _L, b1, 0)

            def b2(c, carry):
                v = tot[pl.ds(c * _L, _L)]
                incl = plsc.cumsum(v)
                dbase[pl.ds(c * _L, _L)] = (incl - v) + carry
                return carry + jnp.sum(v)
            lax.fori_loop(0, _NBIN // _L, b2, jnp.int32(0))

            def b3(c, _):
                bv = dbase[pl.ds(c * _L, _L)]
                for l in range(_L):
                    sl = pl.ds(l * (_NBIN + 1) + c * _L, _L)
                    hist[sl] = hist[sl] + bv
                return 0
            lax.fori_loop(0, _NBIN // _L, b3, 0)

            def sc(jo, _):
                for u in range(_UNROLL):
                    j = jo * _UNROLL + u
                    k = plsc.load_gather(src_k, [lane_blk + j])
                    p = plsc.load_gather(src_p, [lane_blk + j])
                    d = lax.shift_right_logical(k, shift) & 255
                    hidx = lane_hist + d
                    dest = plsc.load_gather(hist, [hidx])
                    plsc.addupdate_scatter(hist, [hidx], ones16)
                    if last:
                        m2 = lax.shift_right_arithmetic(k, 31)
                        v = plsc.bitcast(
                            k ^ ((m2 ^ jnp.int32(-1)) & jnp.int32(0x7FFFFFFF)),
                            jnp.float32)
                        s = 1.0 / (1.0 + jnp.exp(-v))
                        plsc.store_scatter(sg, [dest], s)
                        plsc.store_scatter(dst_p, [dest], p)
                    else:
                        pdest = dest + lax.shift_right_logical(dest, 8)
                        plsc.store_scatter(dst_k, [pdest], k)
                        plsc.store_scatter(dst_p, [pdest], p)
                return 0
            lax.fori_loop(0, nvec // _UNROLL, sc, 0)

        radix_pass(ka, pa, kb, pb, 0)
        radix_pass(kb, pb, ka, pa, 8)
        radix_pass(ka, pa, kb, pb, 16)
        radix_pass(kb, pb, ka, pa, 24, last=True)

        pltpu.sync_copy(sg, sig_hbm.at[pl.ds(row, t)])
        pltpu.sync_copy(pa.at[pl.ds(0, t)], idx_hbm.at[pl.ds(row, t)])


def kernel(x, W, capacity_factor):
    B, T, C = x.shape
    TT = min(2048, T)

    logits = pl.pallas_call(
        _logits_body,
        grid=(B, T // TT),
        in_specs=[
            pl.BlockSpec((1, TT, C), lambda b, t: (b, t, 0)),
            pl.BlockSpec((1, C), lambda b, t: (0, 0)),
        ],
        out_specs=pl.BlockSpec((1, 1, TT), lambda b, t: (b, 0, t)),
        out_shape=jax.ShapeDtypeStruct((B, 1, T), jnp.float32),
    )(x, W)

    mesh = plsc.VectorSubcoreMesh(core_axis_name="c", subcore_axis_name="s")
    sc_sort = functools.partial(
        pl.kernel,
        mesh=mesh,
        out_type=[
            jax.ShapeDtypeStruct((B * T,), jnp.float32),
            jax.ShapeDtypeStruct((B * T,), jnp.int32),
        ],
        scratch_types=[
            pltpu.VMEM((T,), jnp.float32),
            pltpu.VMEM((T + _L,), jnp.int32),
            pltpu.VMEM((T + _L,), jnp.int32),
            pltpu.VMEM((T + _L,), jnp.int32),
            pltpu.VMEM((T + _L,), jnp.int32),
            pltpu.VMEM((_HIST_WORDS,), jnp.int32),
            pltpu.VMEM((_NBIN,), jnp.int32),
            pltpu.VMEM((_NBIN,), jnp.int32),
            pltpu.VMEM((T,), jnp.float32),
        ],
        compiler_params=pltpu.CompilerParams(
            use_tc_tiling_on_sc=False, needs_layout_passes=False),
    )(functools.partial(_sc_sort_body, B, T))

    sig_flat, idx_flat = sc_sort(logits.reshape(B * T))

    weights = sig_flat.reshape(B, T, 1)
    selected_tokens = idx_flat.reshape(B, T, 1)
    is_final = jnp.zeros((B, T), dtype=bool)
    return (is_final, selected_tokens, weights)

# --- scband reference (transcript-rebuilt; emitter-appended) ---
"""Pipeline reference for scband-mo-dblock-11751030522055 (READ-ONLY COPY).

The authoritative reference and input builder live on the scoring server;
editing this copy changes nothing except your own understanding.
"""

import jax, jax.numpy as jnp
import numpy as np


def setup_inputs(seed: int = 0) -> dict:
    key = jax.random.key(seed)
    k1, k2 = jax.random.split(key)
    B, T, C = 4, 4096, 2048
    x = jax.random.normal(k1, (B, T, C), dtype=jnp.float32)
    # nn.Linear(C, 1, bias=False) weight: [1, C]
    W = jax.random.normal(k2, (1, C), dtype=jnp.float32) * 0.02
    capacity_factor = 1  # harness passes shape=[] int as python int
    return {"x": x, "W": W, "capacity_factor": capacity_factor}


def reference(x, W, capacity_factor):
    B, T, C = x.shape
    top_k = T
    # STEP 1: router logits [B, T, 1]
    router_logits = jnp.einsum('btc,oc->bto', x, W)
    # torch.topk(..., dim=1): top_k over the T axis
    lw, li = jax.lax.top_k(jnp.swapaxes(router_logits, 1, 2), top_k)  # [B, 1, top_k]
    weights = jax.nn.sigmoid(jnp.swapaxes(lw, 1, 2))  # [B, top_k, 1]
    selected_tokens = jnp.swapaxes(li, 1, 2)          # [B, top_k, 1]
    is_final = jnp.ones((B, T), dtype=bool)
    row_indices = jnp.arange(B)[:, None]
    is_final = is_final.at[row_indices, selected_tokens.squeeze(2)].set(
        capacity_factor != capacity_factor
    )
    return (is_final, selected_tokens, weights)

if __name__ == "__main__":
    import jax
    _d = setup_inputs()
    print(jax.jit(kernel)(*tuple(_d.values())))

</pallas_src>

<mosaic_0001>
#map = affine_map<(d0, d1) -> (0)>
module attributes {stable_mosaic.version = 14 : i64} {
  func.func @_sc_sort_body(%arg0: i32, %arg1: i32, %arg2: memref<16384xf32, #tpu.memory_space<hbm>>, %arg3: memref<16384xf32, #tpu.memory_space<hbm>>, %arg4: memref<16384xi32, #tpu.memory_space<hbm>>, %arg5: memref<4096xf32, #tpu.memory_space<vmem>>, %arg6: memref<4112xi32, #tpu.memory_space<vmem>>, %arg7: memref<4112xi32, #tpu.memory_space<vmem>>, %arg8: memref<4112xi32, #tpu.memory_space<vmem>>, %arg9: memref<4112xi32, #tpu.memory_space<vmem>>, %arg10: memref<4224xi32, #tpu.memory_space<vmem>>, %arg11: memref<256xi32, #tpu.memory_space<vmem>>, %arg12: memref<256xi32, #tpu.memory_space<vmem>>, %arg13: memref<4096xf32, #tpu.memory_space<vmem>>) attributes {dimension_semantics = [#tpu.dimension_semantics<core_parallel>, #tpu.dimension_semantics<subcore_parallel>], iteration_bounds = array<i64: 2, 16>, scalar_prefetch = 0 : i64, scratch_operands = 9 : i64, tpu.core_type = #tpu.core_type<sc_vector_subcore>, window_params = [{transform_indices = #map}, {transform_indices = #map}, {transform_indices = #map}]} {
    %iota3A = tpu.iota {dimensions = array<i32: 0>} : vector<16xi32>
    %mul3A = arith.constant 257 : i32
    %mul3A_0 = vector.broadcast %mul3A : i32 to vector<16xi32>
    %mul3A_1 = arith.muli %iota3A, %mul3A_0 : vector<16xi32>
    %mul3A_2 = arith.constant 257 : i32
    %mul3A_3 = vector.broadcast %mul3A_2 : i32 to vector<16xi32>
    %mul3A_4 = arith.muli %iota3A, %mul3A_3 : vector<16xi32>
    %broadcast_in_dim3A = arith.constant 0 : i32
    %broadcast_in_dim3A_5 = vector.broadcast %broadcast_in_dim3A : i32 to vector<16xi32>
    %broadcast_in_dim3A_6 = arith.constant 1 : i32
    %broadcast_in_dim3A_7 = vector.broadcast %broadcast_in_dim3A_6 : i32 to vector<16xi32>
    %mul3A_8 = arith.constant 2 : i32
    %mul3A_9 = arith.muli %arg1, %mul3A_8 : i32
    %add3A = arith.addi %mul3A_9, %arg0 : i32
    %lt3A = arith.constant 4 : i32
    %lt3A_10 = arith.cmpi slt, %add3A, %lt3A : i32
    %convert_element_type3A = arith.extui %lt3A_10 : i1 to i32
    %cond3A = arith.constant 0 : i32
    %cond3A_11 = arith.cmpi ne, %convert_element_type3A, %cond3A : i32
    scf.if %cond3A_11 {
      %mul3A_12 = arith.constant 4096 : i32
      %mul3A_13 = arith.muli %add3A, %mul3A_12 : i32
      "tpu.region"() ({
        %run_scoped3A = tpu.sem_alloc : memref<!tpu.dma_semaphore, #tpu.memory_space<semaphore_mem>>
        %dma_start3A = tpu.memref_slice %arg2[%mul3A_13] : memref<16384xf32, #tpu.memory_space<hbm>> -> memref<4096xf32, #tpu.memory_space<hbm>>
        %dma_start3A_188 = tpu.memref_slice %arg2[%mul3A_13] : memref<16384xf32, #tpu.memory_space<hbm>> -> memref<4096xf32, #tpu.memory_space<hbm>>
        tpu.enqueue_dma source(%dma_start3A_188 : memref<4096xf32, #tpu.memory_space<hbm>>) target(%arg5 : memref<4096xf32, #tpu.memory_space<vmem>>) target_semaphore(%run_scoped3A : memref<!tpu.dma_semaphore, #tpu.memory_space<semaphore_mem>>)
        %dma_wait3A = tpu.memref_slice %arg2[%mul3A_13] : memref<16384xf32, #tpu.memory_space<hbm>> -> memref<4096xf32, #tpu.memory_space<hbm>>
        %dma_wait3A_189 = tpu.memref_slice %arg2[%mul3A_13] : memref<16384xf32, #tpu.memory_space<hbm>> -> memref<4096xf32, #tpu.memory_space<hbm>>
        tpu.wait_dma2 semaphore(%run_scoped3A : memref<!tpu.dma_semaphore, #tpu.memory_space<semaphore_mem>>) src(%dma_wait3A_189 : memref<4096xf32, #tpu.memory_space<hbm>>) dst(%arg5 : memref<4096xf32, #tpu.memory_space<vmem>>)
        tpu.yield
      }) : () -> ()
      %scan3A = arith.constant 0 : i32
      %scan3A_14 = arith.constant 0 : i32
      %scan3A_15 = arith.constant 32 : i32
      %scan3A_16 = arith.addi %scan3A_14, %scan3A_15 : i32
      %scan3A_17 = arith.constant 1 : i32
      %scan3A_18 = scf.for %scan3A_188 = %scan3A_14 to %scan3A_16 step %scan3A_17 iter_args(%scan3A_189 = %scan3A) -> (i32)  : i32 {
        %mul3A_190 = arith.constant 8 : i32
        %mul3A_191 = arith.muli %scan3A_188, %mul3A_190 : i32
        %add3A_192 = arith.constant 0 : i32
        %add3A_193 = arith.addi %mul3A_191, %add3A_192 : i32
        %mul3A_194 = arith.constant 16 : i32
        %mul3A_195 = arith.muli %add3A_193, %mul3A_194 : i32
        %add3A_196 = vector.broadcast %mul3A_195 : i32 to vector<16xi32>
        %add3A_197 = arith.addi %add3A_196, %iota3A : vector<16xi32>
        %mul3A_198 = arith.constant 16 : i32
        %mul3A_199 = arith.muli %add3A_193, %mul3A_198 : i32
        %jit3A = arith.constant 16 : i32
        %div3A = arith.divsi %add3A_193, %jit3A : i32
        %sign3A = arith.constant 0 : i32
        %sign3A_200 = arith.cmpi sgt, %add3A_193, %sign3A : i32
        %sign3A_201 = arith.extui %sign3A_200 : i1 to i32
        %sign3A_202 = arith.constant 0 : i32
        %sign3A_203 = arith.cmpi slt, %add3A_193, %sign3A_202 : i32
        %sign3A_204 = arith.extui %sign3A_203 : i1 to i32
        %sign3A_205 = arith.subi %sign3A_201, %sign3A_204 : i32
        %sign3A_206 = arith.constant 0 : i32
        %sign3A_207 = arith.cmpi sgt, %jit3A, %sign3A_206 : i32
        %sign3A_208 = arith.extui %sign3A_207 : i1 to i32
        %sign3A_209 = arith.constant 0 : i32
        %sign3A_210 = arith.cmpi slt, %jit3A, %sign3A_209 : i32
        %sign3A_211 = arith.extui %sign3A_210 : i1 to i32
        %sign3A_212 = arith.subi %sign3A_208, %sign3A_211 : i32
        %ne3A = arith.cmpi ne, %sign3A_205, %sign3A_212 : i32
        %rem3A = arith.remsi %add3A_193, %jit3A : i32
        %ne3A_213 = arith.constant 0 : i32
        %ne3A_214 = arith.cmpi ne, %rem3A, %ne3A_213 : i32
        %and3A = arith.andi %ne3A, %ne3A_214 : i1
        %sub3A = arith.constant 1 : i32
        %sub3A_215 = arith.subi %div3A, %sub3A : i32
        %select_n3A = arith.select %and3A, %sub3A_215, %div3A : i32
        %add3A_216 = arith.addi %mul3A_199, %select_n3A : i32
        %mul3A_217 = arith.constant 16 : i32
        %mul3A_218 = arith.muli %add3A_193, %mul3A_217 : i32
        %get3A = arith.index_cast %mul3A_218 : i32 to index
        %get3A_219 = tpu.vector_load %arg5[%get3A] {strides = array<i32>} : memref<4096xf32, #tpu.memory_space<vmem>>, vector<16xf32>,
        %bitcast3A = vector.bitcast %get3A_219 : vector<16xf32> to vector<16xi32>
        %shift_right_arithmetic3A = arith.constant 31 : i32
        %shift_right_arithmetic3A_220 = vector.broadcast %shift_right_arithmetic3A : i32 to vector<16xi32>
        %shift_right_arithmetic3A_221 = arith.shrsi %bitcast3A, %shift_right_arithmetic3A_220 : vector<16xi32>
        %xor3A = arith.constant -1 : i32
        %xor3A_222 = vector.broadcast %xor3A : i32 to vector<16xi32>
        %xor3A_223 = arith.xori %shift_right_arithmetic3A_221, %xor3A_222 : vector<16xi32>
        %and3A_224 = arith.constant 2147483647 : i32
        %and3A_225 = vector.broadcast %and3A_224 : i32 to vector<16xi32>
        %and3A_226 = arith.andi %xor3A_223, %and3A_225 : vector<16xi32>
        %xor3A_227 = arith.xori %bitcast3A, %and3A_226 : vector<16xi32>
        %swap3A = arith.index_cast %add3A_216 : i32 to index
        %swap3A_228 = tpu.vector_load %arg6[%swap3A] {strides = array<i32>} : memref<4112xi32, #tpu.memory_space<vmem>>, vector<16xi32>,
        tpu.vector_store %arg6[%swap3A], %xor3A_227 {strides = array<i32>} : memref<4112xi32, #tpu.memory_space<vmem>>, vector<16xi32>,
        %swap3A_229 = arith.index_cast %add3A_216 : i32 to index
        %swap3A_230 = tpu.vector_load %arg8[%swap3A_229] {strides = array<i32>} : memref<4112xi32, #tpu.memory_space<vmem>>, vector<16xi32>,
        tpu.vector_store %arg8[%swap3A_229], %add3A_197 {strides = array<i32>} : memref<4112xi32, #tpu.memory_space<vmem>>, vector<16xi32>,
        %mul3A_231 = arith.constant 8 : i32
        %mul3A_232 = arith.muli %scan3A_188, %mul3A_231 : i32
        %add3A_233 = arith.constant 1 : i32
        %add3A_234 = arith.addi %mul3A_232, %add3A_233 : i32
        %mul3A_235 = arith.constant 16 : i32
        %mul3A_236 = arith.muli %add3A_234, %mul3A_235 : i32
        %add3A_237 = vector.broadcast %mul3A_236 : i32 to vector<16xi32>
        %add3A_238 = arith.addi %add3A_237, %iota3A : vector<16xi32>
        %mul3A_239 = arith.constant 16 : i32
        %mul3A_240 = arith.muli %add3A_234, %mul3A_239 : i32
        %jit3A_241 = arith.constant 16 : i32
        %div3A_242 = arith.divsi %add3A_234, %jit3A_241 : i32
        %sign3A_243 = arith.constant 0 : i32
        %sign3A_244 = arith.cmpi sgt, %add3A_234, %sign3A_243 : i32
        %sign3A_245 = arith.extui %sign3A_244 : i1 to i32
        %sign3A_246 = arith.constant 0 : i32
        %sign3A_247 = arith.cmpi slt, %add3A_234, %sign3A_246 : i32
        %sign3A_248 = arith.extui %sign3A_247 : i1 to i32
        %sign3A_249 = arith.subi %sign3A_245, %sign3A_248 : i32
        %sign3A_250 = arith.constant 0 : i32
        %sign3A_251 = arith.cmpi sgt, %jit3A_241, %sign3A_250 : i32
        %sign3A_252 = arith.extui %sign3A_251 : i1 to i32
        %sign3A_253 = arith.constant 0 : i32
        %sign3A_254 = arith.cmpi slt, %jit3A_241, %sign3A_253 : i32
        %sign3A_255 = arith.extui %sign3A_254 : i1 to i32
        %sign3A_256 = arith.subi %sign3A_252, %sign3A_255 : i32
        %ne3A_257 = arith.cmpi ne, %sign3A_249, %sign3A_256 : i32
        %rem3A_258 = arith.remsi %add3A_234, %jit3A_241 : i32
        %ne3A_259 = arith.constant 0 : i32
        %ne3A_260 = arith.cmpi ne, %rem3A_258, %ne3A_259 : i32
        %and3A_261 = arith.andi %ne3A_257, %ne3A_260 : i1
        %sub3A_262 = arith.constant 1 : i32
        %sub3A_263 = arith.subi %div3A_242, %sub3A_262 : i32
        %select_n3A_264 = arith.select %and3A_261, %sub3A_263, %div3A_242 : i32
        %add3A_265 = arith.addi %mul3A_240, %select_n3A_264 : i32
        %mul3A_266 = arith.constant 16 : i32
        %mul3A_267 = arith.muli %add3A_234, %mul3A_266 : i32
        %get3A_268 = arith.index_cast %mul3A_267 : i32 to index
        %get3A_269 = tpu.vector_load %arg5[%get3A_268] {strides = array<i32>} : memref<4096xf32, #tpu.memory_space<vmem>>, vector<16xf32>,
        %bitcast3A_270 = vector.bitcast %get3A_269 : vector<16xf32> to vector<16xi32>
        %shift_right_arithmetic3A_271 = arith.constant 31 : i32
        %shift_right_arithmetic3A_272 = vector.broadcast %shift_right_arithmetic3A_271 : i32 to vector<16xi32>
        %shift_right_arithmetic3A_273 = arith.shrsi %bitcast3A_270, %shift_right_arithmetic3A_272 : vector<16xi32>
        %xor3A_274 = arith.constant -1 : i32
        %xor3A_275 = vector.broadcast %xor3A_274 : i32 to vector<16xi32>
        %xor3A_276 = arith.xori %shift_right_arithmetic3A_273, %xor3A_275 : vector<16xi32>
        %and3A_277 = arith.constant 2147483647 : i32
        %and3A_278 = vector.broadcast %and3A_277 : i32 to vector<16xi32>
        %and3A_279 = arith.andi %xor3A_276, %and3A_278 : vector<16xi32>
        %xor3A_280 = arith.xori %bitcast3A_270, %and3A_279 : vector<16xi32>
        %swap3A_281 = arith.index_cast %add3A_265 : i32 to index
        %swap3A_282 = tpu.vector_load %arg6[%swap3A_281] {strides = array<i32>} : memref<4112xi32, #tpu.memory_space<vmem>>, vector<16xi32>,
        tpu.vector_store %arg6[%swap3A_281], %xor3A_280 {strides = array<i32>} : memref<4112xi32, #tpu.memory_space<vmem>>, vector<16xi32>,
        %swap3A_283 = arith.index_cast %add3A_265 : i32 to index
        %swap3A_284 = tpu.vector_load %arg8[%swap3A_283] {strides = array<i32>} : memref<4112xi32, #tpu.memory_space<vmem>>, vector<16xi32>,
        tpu.vector_store %arg8[%swap3A_283], %add3A_238 {strides = array<i32>} : memref<4112xi32, #tpu.memory_space<vmem>>, vector<16xi32>,
        %mul3A_285 = arith.constant 8 : i32
        %mul3A_286 = arith.muli %scan3A_188, %mul3A_285 : i32
        %add3A_287 = arith.constant 2 : i32
        %add3A_288 = arith.addi %mul3A_286, %add3A_287 : i32
        %mul3A_289 = arith.constant 16 : i32
        %mul3A_290 = arith.muli %add3A_288, %mul3A_289 : i32
        %add3A_291 = vector.broadcast %mul3A_290 : i32 to vector<16xi32>
        %add3A_292 = arith.addi %add3A_291, %iota3A : vector<16xi32>
        %mul3A_293 = arith.constant 16 : i32
        %mul3A_294 = arith.muli %add3A_288, %mul3A_293 : i32
        %jit3A_295 = arith.constant 16 : i32
        %div3A_296 = arith.divsi %add3A_288, %jit3A_295 : i32
        %sign3A_297 = arith.constant 0 : i32
        %sign3A_298 = arith.cmpi sgt, %add3A_288, %sign3A_297 : i32
        %sign3A_299 = arith.extui %sign3A_298 : i1 to i32
        %sign3A_300 = arith.constant 0 : i32
        %sign3A_301 = arith.cmpi slt, %add3A_288, %sign3A_300 : i32
        %sign3A_302 = arith.extui %sign3A_301 : i1 to i32
        %sign3A_303 = arith.subi %sign3A_299, %sign3A_302 : i32
        %sign3A_304 = arith.constant 0 : i32
        %sign3A_305 = arith.cmpi sgt, %jit3A_295, %sign3A_304 : i32
        %sign3A_306 = arith.extui %sign3A_305 : i1 to i32
        %sign3A_307 = arith.constant 0 : i32
        %sign3A_308 = arith.cmpi slt, %jit3A_295, %sign3A_307 : i32
        %sign3A_309 = arith.extui %sign3A_308 : i1 to i32
        %sign3A_310 = arith.subi %sign3A_306, %sign3A_309 : i32
        %ne3A_311 = arith.cmpi ne, %sign3A_303, %sign3A_310 : i32
        %rem3A_312 = arith.remsi %add3A_288, %jit3A_295 : i32
        %ne3A_313 = arith.constant 0 : i32
        %ne3A_314 = arith.cmpi ne, %rem3A_312, %ne3A_313 : i32
        %and3A_315 = arith.andi %ne3A_311, %ne3A_314 : i1
        %sub3A_316 = arith.constant 1 : i32
        %sub3A_317 = arith.subi %div3A_296, %sub3A_316 : i32
        %select_n3A_318 = arith.select %and3A_315, %sub3A_317, %div3A_296 : i32
        %add3A_319 = arith.addi %mul3A_294, %select_n3A_318 : i32
        %mul3A_320 = arith.constant 16 : i32
        %mul3A_321 = arith.muli %add3A_288, %mul3A_320 : i32
        %get3A_322 = arith.index_cast %mul3A_321 : i32 to index
        %get3A_323 = tpu.vector_load %arg5[%get3A_322] {strides = array<i32>} : memref<4096xf32, #tpu.memory_space<vmem>>, vector<16xf32>,
        %bitcast3A_324 = vector.bitcast %get3A_323 : vector<16xf32> to vector<16xi32>
        %shift_right_arithmetic3A_325 = arith.constant 31 : i32
        %shift_right_arithmetic3A_326 = vector.broadcast %shift_right_arithmetic3A_325 : i32 to vector<16xi32>
        %shift_right_arithmetic3A_327 = arith.shrsi %bitcast3A_324, %shift_right_arithmetic3A_326 : vector<16xi32>
        %xor3A_328 = arith.constant -1 : i32
        %xor3A_329 = vector.broadcast %xor3A_328 : i32 to vector<16xi32>
        %xor3A_330 = arith.xori %shift_right_arithmetic3A_327, %xor3A_329 : vector<16xi32>
        %and3A_331 = arith.constant 2147483647 : i32
        %and3A_332 = vector.broadcast %and3A_331 : i32 to vector<16xi32>
        %and3A_333 = arith.andi %xor3A_330, %and3A_332 : vector<16xi32>
        %xor3A_334 = arith.xori %bitcast3A_324, %and3A_333 : vector<16xi32>
        %swap3A_335 = arith.index_cast %add3A_319 : i32 to index
        %swap3A_336 = tpu.vector_load %arg6[%swap3A_335] {strides = array<i32>} : memref<4112xi32, #tpu.memory_space<vmem>>, vector<16xi32>,
        tpu.vector_store %arg6[%swap3A_335], %xor3A_334 {strides = array<i32>} : memref<4112xi32, #tpu.memory_space<vmem>>, vector<16xi32>,
        %swap3A_337 = arith.index_cast %add3A_319 : i32 to index
        %swap3A_338 = tpu.vector_load %arg8[%swap3A_337] {strides = array<i32>} : memref<4112xi32, #tpu.memory_space<vmem>>, vector<16xi32>,
        tpu.vector_store %arg8[%swap3A_337], %add3A_292 {strides = array<i32>} : memref<4112xi32, #tpu.memory_space<vmem>>, vector<16xi32>,
        %mul3A_339 = arith.constant 8 : i32
        %mul3A_340 = arith.muli %scan3A_188, %mul3A_339 : i32
        %add3A_341 = arith.constant 3 : i32
        %add3A_342 = arith.addi %mul3A_340, %add3A_341 : i32
        %mul3A_343 = arith.constant 16 : i32
        %mul3A_344 = arith.muli %add3A_342, %mul3A_343 : i32
        %add3A_345 = vector.broadcast %mul3A_344 : i32 to vector<16xi32>
        %add3A_346 = arith.addi %add3A_345, %iota3A : vector<16xi32>
        %mul3A_347 = arith.constant 16 : i32
        %mul3A_348 = arith.muli %add3A_342, %mul3A_347 : i32
        %jit3A_349 = arith.constant 16 : i32
        %div3A_350 = arith.divsi %add3A_342, %jit3A_349 : i32
        %sign3A_351 = arith.constant 0 : i32
        %sign3A_352 = arith.cmpi sgt, %add3A_342, %sign3A_351 : i32
        %sign3A_353 = arith.extui %sign3A_352 : i1 to i32
        %sign3A_354 = arith.constant 0 : i32
        %sign3A_355 = arith.cmpi slt, %add3A_342, %sign3A_354 : i32
        %sign3A_356 = arith.extui %sign3A_355 : i1 to i32
        %sign3A_357 = arith.subi %sign3A_353, %sign3A_356 : i32
        %sign3A_358 = arith.constant 0 : i32
        %sign3A_359 = arith.cmpi sgt, %jit3A_349, %sign3A_358 : i32
        %sign3A_360 = arith.extui %sign3A_359 : i1 to i32
        %sign3A_361 = arith.constant 0 : i32
        %sign3A_362 = arith.cmpi slt, %jit3A_349, %sign3A_361 : i32
        %sign3A_363 = arith.extui %sign3A_362 : i1 to i32
        %sign3A_364 = arith.subi %sign3A_360, %sign3A_363 : i32
        %ne3A_365 = arith.cmpi ne, %sign3A_357, %sign3A_364 : i32
        %rem3A_366 = arith.remsi %add3A_342, %jit3A_349 : i32
        %ne3A_367 = arith.constant 0 : i32
        %ne3A_368 = arith.cmpi ne, %rem3A_366, %ne3A_367 : i32
        %and3A_369 = arith.andi %ne3A_365, %ne3A_368 : i1
        %sub3A_370 = arith.constant 1 : i32
        %sub3A_371 = arith.subi %div3A_350, %sub3A_370 : i32
        %select_n3A_372 = arith.select %and3A_369, %sub3A_371, %div3A_350 : i32
        %add3A_373 = arith.addi %mul3A_348, %select_n3A_372 : i32
        %mul3A_374 = arith.constant 16 : i32
        %mul3A_375 = arith.muli %add3A_342, %mul3A_374 : i32
        %get3A_376 = arith.index_cast %mul3A_375 : i32 to index
        %get3A_377 = tpu.vector_load %arg5[%get3A_376] {strides = array<i32>} : memref<4096xf32, #tpu.memory_space<vmem>>, vector<16xf32>,
        %bitcast3A_378 = vector.bitcast %get3A_377 : vector<16xf32> to vector<16xi32>
        %shift_right_arithmetic3A_379 = arith.constant 31 : i32
        %shift_right_arithmetic3A_380 = vector.broadcast %shift_right_arithmetic3A_379 : i32 to vector<16xi32>
        %shift_right_arithmetic3A_381 = arith.shrsi %bitcast3A_378, %shift_right_arithmetic3A_380 : vector<16xi32>
        %xor3A_382 = arith.constant -1 : i32
        %xor3A_383 = vector.broadcast %xor3A_382 : i32 to vector<16xi32>
        %xor3A_384 = arith.xori %shift_right_arithmetic3A_381, %xor3A_383 : vector<16xi32>
        %and3A_385 = arith.constant 2147483647 : i32
        %and3A_386 = vector.broadcast %and3A_385 : i32 to vector<16xi32>
        %and3A_387 = arith.andi %xor3A_384, %and3A_386 : vector<16xi32>
        %xor3A_388 = arith.xori %bitcast3A_378, %and3A_387 : vector<16xi32>
        %swap3A_389 = arith.index_cast %add3A_373 : i32 to index
        %swap3A_390 = tpu.vector_load %arg6[%swap3A_389] {strides = array<i32>} : memref<4112xi32, #tpu.memory_space<vmem>>, vector<16xi32>,
        tpu.vector_store %arg6[%swap3A_389], %xor3A_388 {strides = array<i32>} : memref<4112xi32, #tpu.memory_space<vmem>>, vector<16xi32>,
        %swap3A_391 = arith.index_cast %add3A_373 : i32 to index
        %swap3A_392 = tpu.vector_load %arg8[%swap3A_391] {strides = array<i32>} : memref<4112xi32, #tpu.memory_space<vmem>>, vector<16xi32>,
        tpu.vector_store %arg8[%swap3A_391], %add3A_346 {strides = array<i32>} : memref<4112xi32, #tpu.memory_space<vmem>>, vector<16xi32>,
        %mul3A_393 = arith.constant 8 : i32
        %mul3A_394 = arith.muli %scan3A_188, %mul3A_393 : i32
        %add3A_395 = arith.constant 4 : i32
        %add3A_396 = arith.addi %mul3A_394, %add3A_395 : i32
        %mul3A_397 = arith.constant 16 : i32
        %mul3A_398 = arith.muli %add3A_396, %mul3A_397 : i32
        %add3A_399 = vector.broadcast %mul3A_398 : i32 to vector<16xi32>
        %add3A_400 = arith.addi %add3A_399, %iota3A : vector<16xi32>
        %mul3A_401 = arith.constant 16 : i32
        %mul3A_402 = arith.muli %add3A_396, %mul3A_401 : i32
        %jit3A_403 = arith.constant 16 : i32
        %div3A_404 = arith.divsi %add3A_396, %jit3A_403 : i32
        %sign3A_405 = arith.constant 0 : i32
        %sign3A_406 = arith.cmpi sgt, %add3A_396, %sign3A_405 : i32
        %sign3A_407 = arith.extui %sign3A_406 : i1 to i32
        %sign3A_408 = arith.constant 0 : i32
        %sign3A_409 = arith.cmpi slt, %add3A_396, %sign3A_408 : i32
        %sign3A_410 = arith.extui %sign3A_409 : i1 to i32
        %sign3A_411 = arith.subi %sign3A_407, %sign3A_410 : i32
        %sign3A_412 = arith.constant 0 : i32
        %sign3A_413 = arith.cmpi sgt, %jit3A_403, %sign3A_412 : i32
        %sign3A_414 = arith.extui %sign3A_413 : i1 to i32
        %sign3A_415 = arith.constant 0 : i32
        %sign3A_416 = arith.cmpi slt, %jit3A_403, %sign3A_415 : i32
        %sign3A_417 = arith.extui %sign3A_416 : i1 to i32
        %sign3A_418 = arith.subi %sign3A_414, %sign3A_417 : i32
        %ne3A_419 = arith.cmpi ne, %sign3A_411, %sign3A_418 : i32
        %rem3A_420 = arith.remsi %add3A_396, %jit3A_403 : i32
        %ne3A_421 = arith.constant 0 : i32
        %ne3A_422 = arith.cmpi ne, %rem3A_420, %ne3A_421 : i32
        %and3A_423 = arith.andi %ne3A_419, %ne3A_422 : i1
        %sub3A_424 = arith.constant 1 : i32
        %sub3A_425 = arith.subi %div3A_404, %sub3A_424 : i32
        %select_n3A_426 = arith.select %and3A_423, %sub3A_425, %div3A_404 : i32
        %add3A_427 = arith.addi %mul3A_402, %select_n3A_426 : i32
        %mul3A_428 = arith.constant 16 : i32
        %mul3A_429 = arith.muli %add3A_396, %mul3A_428 : i32
        %get3A_430 = arith.index_cast %mul3A_429 : i32 to index
        %get3A_431 = tpu.vector_load %arg5[%get3A_430] {strides = array<i32>} : memref<4096xf32, #tpu.memory_space<vmem>>, vector<16xf32>,
        %bitcast3A_432 = vector.bitcast %get3A_431 : vector<16xf32> to vector<16xi32>
        %shift_right_arithmetic3A_433 = arith.constant 31 : i32
        %shift_right_arithmetic3A_434 = vector.broadcast %shift_right_arithmetic3A_433 : i32 to vector<16xi32>
        %shift_right_arithmetic3A_435 = arith.shrsi %bitcast3A_432, %shift_right_arithmetic3A_434 : vector<16xi32>
        %xor3A_436 = arith.constant -1 : i32
        %xor3A_437 = vector.broadcast %xor3A_436 : i32 to vector<16xi32>
        %xor3A_438 = arith.xori %shift_right_arithmetic3A_435, %xor3A_437 : vector<16xi32>
        %and3A_439 = arith.constant 2147483647 : i32
        %and3A_440 = vector.broadcast %and3A_439 : i32 to vector<16xi32>
        %and3A_441 = arith.andi %xor3A_438, %and3A_440 : vector<16xi32>
        %xor3A_442 = arith.xori %bitcast3A_432, %and3A_441 : vector<16xi32>
        %swap3A_443 = arith.index_cast %add3A_427 : i32 to index
        %swap3A_444 = tpu.vector_load %arg6[%swap3A_443] {strides = array<i32>} : memref<4112xi32, #tpu.memory_space<vmem>>, vector<16xi32>,
        tpu.vector_store %arg6[%swap3A_443], %xor3A_442 {strides = array<i32>} : memref<4112xi32, #tpu.memory_space<vmem>>, vector<16xi32>,
        %swap3A_445 = arith.index_cast %add3A_427 : i32 to index
        %swap3A_446 = tpu.vector_load %arg8[%swap3A_445] {strides = array<i32>} : memref<4112xi32, #tpu.memory_space<vmem>>, vector<16xi32>,
        tpu.vector_store %arg8[%swap3A_445], %add3A_400 {strides = array<i32>} : memref<4112xi32, #tpu.memory_space<vmem>>, vector<16xi32>,
        %mul3A_447 = arith.constant 8 : i32
        %mul3A_448 = arith.muli %scan3A_188, %mul3A_447 : i32
        %add3A_449 = arith.constant 5 : i32
        %add3A_450 = arith.addi %mul3A_448, %add3A_449 : i32
        %mul3A_451 = arith.constant 16 : i32
        %mul3A_452 = arith.muli %add3A_450, %mul3A_451 : i32
        %add3A_453 = vector.broadcast %mul3A_452 : i32 to vector<16xi32>
        %add3A_454 = arith.addi %add3A_453, %iota3A : vector<16xi32>
        %mul3A_455 = arith.constant 16 : i32
        %mul3A_456 = arith.muli %add3A_450, %mul3A_455 : i32
        %jit3A_457 = arith.constant 16 : i32
        %div3A_458 = arith.divsi %add3A_450, %jit3A_457 : i32
        %sign3A_459 = arith.constant 0 : i32
        %sign3A_460 = arith.cmpi sgt, %add3A_450, %sign3A_459 : i32
        %sign3A_461 = arith.extui %sign3A_460 : i1 to i32
        %sign3A_462 = arith.constant 0 : i32
        %sign3A_463 = arith.cmpi slt, %add3A_450, %sign3A_462 : i32
        %sign3A_464 = arith.extui %sign3A_463 : i1 to i32
        %sign3A_465 = arith.subi %sign3A_461, %sign3A_464 : i32
        %sign3A_466 = arith.constant 0 : i32
        %sign3A_467 = arith.cmpi sgt, %jit3A_457, %sign3A_466 : i32
        %sign3A_468 = arith.extui %sign3A_467 : i1 to i32
        %sign3A_469 = arith.constant 0 : i32
        %sign3A_470 = arith.cmpi slt, %jit3A_457, %sign3A_469 : i32
        %sign3A_471 = arith.extui %sign3A_470 : i1 to i32
        %sign3A_472 = arith.subi %sign3A_468, %sign3A_471 : i32
        %ne3A_473 = arith.cmpi ne, %sign3A_465, %sign3A_472 : i32
        %rem3A_474 = arith.remsi %add3A_450, %jit3A_457 : i32
        %ne3A_475 = arith.constant 0 : i32
        %ne3A_476 = arith.cmpi ne, %rem3A_474, %ne3A_475 : i32
        %and3A_477 = arith.andi %ne3A_473, %ne3A_476 : i1
        %sub3A_478 = arith.constant 1 : i32
        %sub3A_479 = arith.subi %div3A_458, %sub3A_478 : i32
        %select_n3A_480 = arith.select %and3A_477, %sub3A_479, %div3A_458 : i32
        %add3A_481 = arith.addi %mul3A_456, %select_n3A_480 : i32
        %mul3A_482 = arith.constant 16 : i32
        %mul3A_483 = arith.muli %add3A_450, %mul3A_482 : i32
        %get3A_484 = arith.index_cast %mul3A_483 : i32 to index
        %get3A_485 = tpu.vector_load %arg5[%get3A_484] {strides = array<i32>} : memref<4096xf32, #tpu.memory_space<vmem>>, vector<16xf32>,
        %bitcast3A_486 = vector.bitcast %get3A_485 : vector<16xf32> to vector<16xi32>
        %shift_right_arithmetic3A_487 = arith.constant 31 : i32
        %shift_right_arithmetic3A_488 = vector.broadcast %shift_right_arithmetic3A_487 : i32 to vector<16xi32>
        %shift_right_arithmetic3A_489 = arith.shrsi %bitcast3A_486, %shift_right_arithmetic3A_488 : vector<16xi32>
        %xor3A_490 = arith.constant -1 : i32
        %xor3A_491 = vector.broadcast %xor3A_490 : i32 to vector<16xi32>
        %xor3A_492 = arith.xori %shift_right_arithmetic3A_489, %xor3A_491 : vector<16xi32>
        %and3A_493 = arith.constant 2147483647 : i32
        %and3A_494 = vector.broadcast %and3A_493 : i32 to vector<16xi32>
        %and3A_495 = arith.andi %xor3A_492, %and3A_494 : vector<16xi32>
        %xor3A_496 = arith.xori %bitcast3A_486, %and3A_495 : vector<16xi32>
        %swap3A_497 = arith.index_cast %add3A_481 : i32 to index
        %swap3A_498 = tpu.vector_load %arg6[%swap3A_497] {strides = array<i32>} : memref<4112xi32, #tpu.memory_space<vmem>>, vector<16xi32>,
        tpu.vector_store %arg6[%swap3A_497], %xor3A_496 {strides = array<i32>} : memref<4112xi32, #tpu.memory_space<vmem>>, vector<16xi32>,
        %swap3A_499 = arith.index_cast %add3A_481 : i32 to index
        %swap3A_500 = tpu.vector_load %arg8[%swap3A_499] {strides = array<i32>} : memref<4112xi32, #tpu.memory_space<vmem>>, vector<16xi32>,
        tpu.vector_store %arg8[%swap3A_499], %add3A_454 {strides = array<i32>} : memref<4112xi32, #tpu.memory_space<vmem>>, vector<16xi32>,
        %mul3A_501 = arith.constant 8 : i32
        %mul3A_502 = arith.muli %scan3A_188, %mul3A_501 : i32
        %add3A_503 = arith.constant 6 : i32
        %add3A_504 = arith.addi %mul3A_502, %add3A_503 : i32
        %mul3A_505 = arith.constant 16 : i32
        %mul3A_506 = arith.muli %add3A_504, %mul3A_505 : i32
        %add3A_507 = vector.broadcast %mul3A_506 : i32 to vector<16xi32>
        %add3A_508 = arith.addi %add3A_507, %iota3A : vector<16xi32>
        %mul3A_509 = arith.constant 16 : i32
        %mul3A_510 = arith.muli %add3A_504, %mul3A_509 : i32
        %jit3A_511 = arith.constant 16 : i32
        %div3A_512 = arith.divsi %add3A_504, %jit3A_511 : i32
        %sign3A_513 = arith.constant 0 : i32
        %sign3A_514 = arith.cmpi sgt, %add3A_504, %sign3A_513 : i32
        %sign3A_515 = arith.extui %sign3A_514 : i1 to i32
        %sign3A_516 = arith.constant 0 : i32
        %sign3A_517 = arith.cmpi slt, %add3A_504, %sign3A_516 : i32
        %sign3A_518 = arith.extui %sign3A_517 : i1 to i32
        %sign3A_519 = arith.subi %sign3A_515, %sign3A_518 : i32
        %sign3A_520 = arith.constant 0 : i32
        %sign3A_521 = arith.cmpi sgt, %jit3A_511, %sign3A_520 : i32
        %sign3A_522 = arith.extui %sign3A_521 : i1 to i32
        %sign3A_523 = arith.constant 0 : i32
        %sign3A_524 = arith.cmpi slt, %jit3A_511, %sign3A_523 : i32
        %sign3A_525 = arith.extui %sign3A_524 : i1 to i32
        %sign3A_526 = arith.subi %sign3A_522, %sign3A_525 : i32
        %ne3A_527 = arith.cmpi ne, %sign3A_519, %sign3A_526 : i32
        %rem3A_528 = arith.remsi %add3A_504, %jit3A_511 : i32
        %ne3A_529 = arith.constant 0 : i32
        %ne3A_530 = arith.cmpi ne, %rem3A_528, %ne3A_529 : i32
        %and3A_531 = arith.andi %ne3A_527, %ne3A_530 : i1
        %sub3A_532 = arith.constant 1 : i32
        %sub3A_533 = arith.subi %div3A_512, %sub3A_532 : i32
        %select_n3A_534 = arith.select %and3A_531, %sub3A_533, %div3A_512 : i32
        %add3A_535 = arith.addi %mul3A_510, %select_n3A_534 : i32
        %mul3A_536 = arith.constant 16 : i32
        %mul3A_537 = arith.muli %add3A_504, %mul3A_536 : i32
        %get3A_538 = arith.index_cast %mul3A_537 : i32 to index
        %get3A_539 = tpu.vector_load %arg5[%get3A_538] {strides = array<i32>} : memref<4096xf32, #tpu.memory_space<vmem>>, vector<16xf32>,
        %bitcast3A_540 = vector.bitcast %get3A_539 : vector<16xf32> to vector<16xi32>
        %shift_right_arithmetic3A_541 = arith.constant 31 : i32
        %shift_right_arithmetic3A_542 = vector.broadcast %shift_right_arithmetic3A_541 : i32 to vector<16xi32>
        %shift_right_arithmetic3A_543 = arith.shrsi %bitcast3A_540, %shift_right_arithmetic3A_542 : vector<16xi32>
        %xor3A_544 = arith.constant -1 : i32
        %xor3A_545 = vector.broadcast %xor3A_544 : i32 to vector<16xi32>
        %xor3A_546 = arith.xori %shift_right_arithmetic3A_543, %xor3A_545 : vector<16xi32>
        %and3A_547 = arith.constant 2147483647 : i32
        %and3A_548 = vector.broadcast %and3A_547 : i32 to vector<16xi32>
        %and3A_549 = arith.andi %xor3A_546, %and3A_548 : vector<16xi32>
        %xor3A_550 = arith.xori %bitcast3A_540, %and3A_549 : vector<16xi32>
        %swap3A_551 = arith.index_cast %add3A_535 : i32 to index
        %swap3A_552 = tpu.vector_load %arg6[%swap3A_551] {strides = array<i32>} : memref<4112xi32, #tpu.memory_space<vmem>>, vector<16xi32>,
        tpu.vector_store %arg6[%swap3A_551], %xor3A_550 {strides = array<i32>} : memref<4112xi32, #tpu.memory_space<vmem>>, vector<16xi32>,
        %swap3A_553 = arith.index_cast %add3A_535 : i32 to index
        %swap3A_554 = tpu.vector_load %arg8[%swap3A_553] {strides = array<i32>} : memref<4112xi32, #tpu.memory_space<vmem>>, vector<16xi32>,
        tpu.vector_store %arg8[%swap3A_553], %add3A_508 {strides = array<i32>} : memref<4112xi32, #tpu.memory_space<vmem>>, vector<16xi32>,
        %mul3A_555 = arith.constant 8 : i32
        %mul3A_556 = arith.muli %scan3A_188, %mul3A_555 : i32
        %add3A_557 = arith.constant 7 : i32
        %add3A_558 = arith.addi %mul3A_556, %add3A_557 : i32
        %mul3A_559 = arith.constant 16 : i32
        %mul3A_560 = arith.muli %add3A_558, %mul3A_559 : i32
        %add3A_561 = vector.broadcast %mul3A_560 : i32 to vector<16xi32>
        %add3A_562 = arith.addi %add3A_561, %iota3A : vector<16xi32>
        %mul3A_563 = arith.constant 16 : i32
        %mul3A_564 = arith.muli %add3A_558, %mul3A_563 : i32
        %jit3A_565 = arith.constant 16 : i32
        %div3A_566 = arith.divsi %add3A_558, %jit3A_565 : i32
        %sign3A_567 = arith.constant 0 : i32
        %sign3A_568 = arith.cmpi sgt, %add3A_558, %sign3A_567 : i32
        %sign3A_569 = arith.extui %sign3A_568 : i1 to i32
        %sign3A_570 = arith.constant 0 : i32
        %sign3A_571 = arith.cmpi slt, %add3A_558, %sign3A_570 : i32
        %sign3A_572 = arith.extui %sign3A_571 : i1 to i32
        %sign3A_573 = arith.subi %sign3A_569, %sign3A_572 : i32
        %sign3A_574 = arith.constant 0 : i32
        %sign3A_575 = arith.cmpi sgt, %jit3A_565, %sign3A_574 : i32
        %sign3A_576 = arith.extui %sign3A_575 : i1 to i32
        %sign3A_577 = arith.constant 0 : i32
        %sign3A_578 = arith.cmpi slt, %jit3A_565, %sign3A_577 : i32
        %sign3A_579 = arith.extui %sign3A_578 : i1 to i32
        %sign3A_580 = arith.subi %sign3A_576, %sign3A_579 : i32
        %ne3A_581 = arith.cmpi ne, %sign3A_573, %sign3A_580 : i32
        %rem3A_582 = arith.remsi %add3A_558, %jit3A_565 : i32
        %ne3A_583 = arith.constant 0 : i32
        %ne3A_584 = arith.cmpi ne, %rem3A_582, %ne3A_583 : i32
        %and3A_585 = arith.andi %ne3A_581, %ne3A_584 : i1
        %sub3A_586 = arith.constant 1 : i32
        %sub3A_587 = arith.subi %div3A_566, %sub3A_586 : i32
        %select_n3A_588 = arith.select %and3A_585, %sub3A_587, %div3A_566 : i32
        %add3A_589 = arith.addi %mul3A_564, %select_n3A_588 : i32
        %mul3A_590 = arith.constant 16 : i32
        %mul3A_591 = arith.muli %add3A_558, %mul3A_590 : i32
        %get3A_592 = arith.index_cast %mul3A_591 : i32 to index
        %get3A_593 = tpu.vector_load %arg5[%get3A_592] {strides = array<i32>} : memref<4096xf32, #tpu.memory_space<vmem>>, vector<16xf32>,
        %bitcast3A_594 = vector.bitcast %get3A_593 : vector<16xf32> to vector<16xi32>
        %shift_right_arithmetic3A_595 = arith.constant 31 : i32
        %shift_right_arithmetic3A_596 = vector.broadcast %shift_right_arithmetic3A_595 : i32 to vector<16xi32>
        %shift_right_arithmetic3A_597 = arith.shrsi %bitcast3A_594, %shift_right_arithmetic3A_596 : vector<16xi32>
        %xor3A_598 = arith.constant -1 : i32
        %xor3A_599 = vector.broadcast %xor3A_598 : i32 to vector<16xi32>
        %xor3A_600 = arith.xori %shift_right_arithmetic3A_597, %xor3A_599 : vector<16xi32>
        %and3A_601 = arith.constant 2147483647 : i32
        %and3A_602 = vector.broadcast %and3A_601 : i32 to vector<16xi32>
        %and3A_603 = arith.andi %xor3A_600, %and3A_602 : vector<16xi32>
        %xor3A_604 = arith.xori %bitcast3A_594, %and3A_603 : vector<16xi32>
        %swap3A_605 = arith.index_cast %add3A_589 : i32 to index
        %swap3A_606 = tpu.vector_load %arg6[%swap3A_605] {strides = array<i32>} : memref<4112xi32, #tpu.memory_space<vmem>>, vector<16xi32>,
        tpu.vector_store %arg6[%swap3A_605], %xor3A_604 {strides = array<i32>} : memref<4112xi32, #tpu.memory_space<vmem>>, vector<16xi32>,
        %swap3A_607 = arith.index_cast %add3A_589 : i32 to index
        %swap3A_608 = tpu.vector_load %arg8[%swap3A_607] {strides = array<i32>} : memref<4112xi32, #tpu.memory_space<vmem>>, vector<16xi32>,
        tpu.vector_store %arg8[%swap3A_607], %add3A_562 {strides = array<i32>} : memref<4112xi32, #tpu.memory_space<vmem>>, vector<16xi32>,
        %scan3A_609 = arith.constant 0 : i32
        scf.yield %scan3A_609 : i32
      }
      %scan3A_19 = arith.constant 32 : i32
      %scan3A_20 = arith.constant 0 : i32
      %scan3A_21 = arith.constant 0 : i32
      %scan3A_22 = arith.constant 33 : i32
      %scan3A_23 = arith.addi %scan3A_21, %scan3A_22 : i32
      %scan3A_24 = arith.constant 1 : i32
      %scan3A_25 = scf.for %scan3A_188 = %scan3A_21 to %scan3A_23 step %scan3A_24 iter_args(%scan3A_189 = %scan3A_20) -> (i32)  : i32 {
        %mul3A_190 = arith.constant 8 : i32
        %mul3A_191 = arith.muli %scan3A_188, %mul3A_190 : i32
        %add3A_192 = arith.constant 0 : i32
        %add3A_193 = arith.addi %mul3A_191, %add3A_192 : i32
        %mul3A_194 = arith.constant 16 : i32
        %mul3A_195 = arith.muli %add3A_193, %mul3A_194 : i32
        %swap3A = arith.index_cast %mul3A_195 : i32 to index
        %swap3A_196 = tpu.vector_load %arg10[%swap3A] {strides = array<i32>} : memref<4224xi32, #tpu.memory_space<vmem>>, vector<16xi32>,
        tpu.vector_store %arg10[%swap3A], %broadcast_in_dim3A_5 {strides = array<i32>} : memref<4224xi32, #tpu.memory_space<vmem>>, vector<16xi32>,
        %mul3A_197 = arith.constant 8 : i32
        %mul3A_198 = arith.muli %scan3A_188, %mul3A_197 : i32
        %add3A_199 = arith.constant 1 : i32
        %add3A_200 = arith.addi %mul3A_198, %add3A_199 : i32
        %mul3A_201 = arith.constant 16 : i32
        %mul3A_202 = arith.muli %add3A_200, %mul3A_201 : i32
        %swap3A_203 = arith.index_cast %mul3A_202 : i32 to index
        %swap3A_204 = tpu.vector_load %arg10[%swap3A_203] {strides = array<i32>} : memref<4224xi32, #tpu.memory_space<vmem>>, vector<16xi32>,
        tpu.vector_store %arg10[%swap3A_203], %broadcast_in_dim3A_5 {strides = array<i32>} : memref<4224xi32, #tpu.memory_space<vmem>>, vector<16xi32>,
        %mul3A_205 = arith.constant 8 : i32
        %mul3A_206 = arith.muli %scan3A_188, %mul3A_205 : i32
        %add3A_207 = arith.constant 2 : i32
        %add3A_208 = arith.addi %mul3A_206, %add3A_207 : i32
        %mul3A_209 = arith.constant 16 : i32
        %mul3A_210 = arith.muli %add3A_208, %mul3A_209 : i32
        %swap3A_211 = arith.index_cast %mul3A_210 : i32 to index
        %swap3A_212 = tpu.vector_load %arg10[%swap3A_211] {strides = array<i32>} : memref<4224xi32, #tpu.memory_space<vmem>>, vector<16xi32>,
        tpu.vector_store %arg10[%swap3A_211], %broadcast_in_dim3A_5 {strides = array<i32>} : memref<4224xi32, #tpu.memory_space<vmem>>, vector<16xi32>,
        %mul3A_213 = arith.constant 8 : i32
        %mul3A_214 = arith.muli %scan3A_188, %mul3A_213 : i32
        %add3A_215 = arith.constant 3 : i32
        %add3A_216 = arith.addi %mul3A_214, %add3A_215 : i32
        %mul3A_217 = arith.constant 16 : i32
        %mul3A_218 = arith.muli %add3A_216, %mul3A_217 : i32
        %swap3A_219 = arith.index_cast %mul3A_218 : i32 to index
        %swap3A_220 = tpu.vector_load %arg10[%swap3A_219] {strides = array<i32>} : memref<4224xi32, #tpu.memory_space<vmem>>, vector<16xi32>,
        tpu.vector_store %arg10[%swap3A_219], %broadcast_in_dim3A_5 {strides = array<i32>} : memref<4224xi32, #tpu.memory_space<vmem>>, vector<16xi32>,
        %mul3A_221 = arith.constant 8 : i32
        %mul3A_222 = arith.muli %scan3A_188, %mul3A_221 : i32
        %add3A_223 = arith.constant 4 : i32
        %add3A_224 = arith.addi %mul3A_222, %add3A_223 : i32
        %mul3A_225 = arith.constant 16 : i32
        %mul3A_226 = arith.muli %add3A_224, %mul3A_225 : i32
        %swap3A_227 = arith.index_cast %mul3A_226 : i32 to index
        %swap3A_228 = tpu.vector_load %arg10[%swap3A_227] {strides = array<i32>} : memref<4224xi32, #tpu.memory_space<vmem>>, vector<16xi32>,
        tpu.vector_store %arg10[%swap3A_227], %broadcast_in_dim3A_5 {strides = array<i32>} : memref<4224xi32, #tpu.memory_space<vmem>>, vector<16xi32>,
        %mul3A_229 = arith.constant 8 : i32
        %mul3A_230 = arith.muli %scan3A_188, %mul3A_229 : i32
        %add3A_231 = arith.constant 5 : i32
        %add3A_232 = arith.addi %mul3A_230, %add3A_231 : i32
        %mul3A_233 = arith.constant 16 : i32
        %mul3A_234 = arith.muli %add3A_232, %mul3A_233 : i32
        %swap3A_235 = arith.index_cast %mul3A_234 : i32 to index
        %swap3A_236 = tpu.vector_load %arg10[%swap3A_235] {strides = array<i32>} : memref<4224xi32, #tpu.memory_space<vmem>>, vector<16xi32>,
        tpu.vector_store %arg10[%swap3A_235], %broadcast_in_dim3A_5 {strides = array<i32>} : memref<4224xi32, #tpu.memory_space<vmem>>, vector<16xi32>,
        %mul3A_237 = arith.constant 8 : i32
        %mul3A_238 = arith.muli %scan3A_188, %mul3A_237 : i32
        %add3A_239 = arith.constant 6 : i32
        %add3A_240 = arith.addi %mul3A_238, %add3A_239 : i32
        %mul3A_241 = arith.constant 16 : i32
        %mul3A_242 = arith.muli %add3A_240, %mul3A_241 : i32
        %swap3A_243 = arith.index_cast %mul3A_242 : i32 to index
        %swap3A_244 = tpu.vector_load %arg10[%swap3A_243] {strides = array<i32>} : memref<4224xi32, #tpu.memory_space<vmem>>, vector<16xi32>,
        tpu.vector_store %arg10[%swap3A_243], %broadcast_in_dim3A_5 {strides = array<i32>} : memref<4224xi32, #tpu.memory_space<vmem>>, vector<16xi32>,
        %mul3A_245 = arith.constant 8 : i32
        %mul3A_246 = arith.muli %scan3A_188, %mul3A_245 : i32
        %add3A_247 = arith.constant 7 : i32
        %add3A_248 = arith.addi %mul3A_246, %add3A_247 : i32
        %mul3A_249 = arith.constant 16 : i32
        %mul3A_250 = arith.muli %add3A_248, %mul3A_249 : i32
        %swap3A_251 = arith.index_cast %mul3A_250 : i32 to index
        %swap3A_252 = tpu.vector_load %arg10[%swap3A_251] {strides = array<i32>} : memref<4224xi32, #tpu.memory_space<vmem>>, vector<16xi32>,
        tpu.vector_store %arg10[%swap3A_251], %broadcast_in_dim3A_5 {strides = array<i32>} : memref<4224xi32, #tpu.memory_space<vmem>>, vector<16xi32>,
        %scan3A_253 = arith.constant 0 : i32
        scf.yield %scan3A_253 : i32
      }
      %scan3A_26 = arith.constant 33 : i32
      %scan3A_27 = arith.constant 0 : i32
      %scan3A_28 = arith.constant 0 : i32
      %scan3A_29 = arith.constant 32 : i32
      %scan3A_30 = arith.addi %scan3A_28, %scan3A_29 : i32
      %scan3A_31 = arith.constant 1 : i32
      %scan3A_32 = scf.for %scan3A_188 = %scan3A_28 to %scan3A_30 step %scan3A_31 iter_args(%scan3A_189 = %scan3A_27) -> (i32)  : i32 {
        %mul3A_190 = arith.constant 8 : i32
        %mul3A_191 = arith.muli %scan3A_188, %mul3A_190 : i32
        %add3A_192 = arith.constant 0 : i32
        %add3A_193 = arith.addi %mul3A_191, %add3A_192 : i32
        %add3A_194 = vector.broadcast %add3A_193 : i32 to vector<16xi32>
        %add3A_195 = arith.addi %mul3A_1, %add3A_194 : vector<16xi32>
        %gather3A = tpu.vector_load_idx %arg6[%add3A_195] : memref<4112xi32, #tpu.memory_space<vmem>>[vector<16xi32>], vector<16xi32>,
        %shift_right_logical3A = arith.constant 0 : i32
        %shift_right_logical3A_196 = vector.broadcast %shift_right_logical3A : i32 to vector<16xi32>
        %shift_right_logical3A_197 = arith.shrui %gather3A, %shift_right_logical3A_196 : vector<16xi32>
        %and3A = arith.constant 255 : i32
        %and3A_198 = vector.broadcast %and3A : i32 to vector<16xi32>
        %and3A_199 = arith.andi %shift_right_logical3A_197, %and3A_198 : vector<16xi32>
        %add3A_200 = arith.addi %mul3A_4, %and3A_199 : vector<16xi32>
        tpu.vector_store_idx %arg10[%add3A_200], %broadcast_in_dim3A_7 {add = true} : memref<4224xi32, #tpu.memory_space<vmem>>[vector<16xi32>], vector<16xi32>,
        %mul3A_201 = arith.constant 8 : i32
        %mul3A_202 = arith.muli %scan3A_188, %mul3A_201 : i32
        %add3A_203 = arith.constant 1 : i32
        %add3A_204 = arith.addi %mul3A_202, %add3A_203 : i32
        %add3A_205 = vector.broadcast %add3A_204 : i32 to vector<16xi32>
        %add3A_206 = arith.addi %mul3A_1, %add3A_205 : vector<16xi32>
        %gather3A_207 = tpu.vector_load_idx %arg6[%add3A_206] : memref<4112xi32, #tpu.memory_space<vmem>>[vector<16xi32>], vector<16xi32>,
        %shift_right_logical3A_208 = arith.constant 0 : i32
        %shift_right_logical3A_209 = vector.broadcast %shift_right_logical3A_208 : i32 to vector<16xi32>
        %shift_right_logical3A_210 = arith.shrui %gather3A_207, %shift_right_logical3A_209 : vector<16xi32>
        %and3A_211 = arith.constant 255 : i32
        %and3A_212 = vector.broadcast %and3A_211 : i32 to vector<16xi32>
        %and3A_213 = arith.andi %shift_right_logical3A_210, %and3A_212 : vector<16xi32>
        %add3A_214 = arith.addi %mul3A_4, %and3A_213 : vector<16xi32>
        tpu.vector_store_idx %arg10[%add3A_214], %broadcast_in_dim3A_7 {add = true} : memref<4224xi32, #tpu.memory_space<vmem>>[vector<16xi32>], vector<16xi32>,
        %mul3A_215 = arith.constant 8 : i32
        %mul3A_216 = arith.muli %scan3A_188, %mul3A_215 : i32
        %add3A_217 = arith.constant 2 : i32
        %add3A_218 = arith.addi %mul3A_216, %add3A_217 : i32
        %add3A_219 = vector.broadcast %add3A_218 : i32 to vector<16xi32>
        %add3A_220 = arith.addi %mul3A_1, %add3A_219 : vector<16xi32>
        %gather3A_221 = tpu.vector_load_idx %arg6[%add3A_220] : memref<4112xi32, #tpu.memory_space<vmem>>[vector<16xi32>], vector<16xi32>,
        %shift_right_logical3A_222 = arith.constant 0 : i32
        %shift_right_logical3A_223 = vector.broadcast %shift_right_logical3A_222 : i32 to vector<16xi32>
        %shift_right_logical3A_224 = arith.shrui %gather3A_221, %shift_right_logical3A_223 : vector<16xi32>
        %and3A_225 = arith.constant 255 : i32
        %and3A_226 = vector.broadcast %and3A_225 : i32 to vector<16xi32>
        %and3A_227 = arith.andi %shift_right_logical3A_224, %and3A_226 : vector<16xi32>
        %add3A_228 = arith.addi %mul3A_4, %and3A_227 : vector<16xi32>
        tpu.vector_store_idx %arg10[%add3A_228], %broadcast_in_dim3A_7 {add = true} : memref<4224xi32, #tpu.memory_space<vmem>>[vector<16xi32>], vector<16xi32>,
        %mul3A_229 = arith.constant 8 : i32
        %mul3A_230 = arith.muli %scan3A_188, %mul3A_229 : i32
        %add3A_231 = arith.constant 3 : i32
        %add3A_232 = arith.addi %mul3A_230, %add3A_231 : i32
        %add3A_233 = vector.broadcast %add3A_232 : i32 to vector<16xi32>
        %add3A_234 = arith.addi %mul3A_1, %add3A_233 : vector<16xi32>
        %gather3A_235 = tpu.vector_load_idx %arg6[%add3A_234] : memref<4112xi32, #tpu.memory_space<vmem>>[vector<16xi32>], vector<16xi32>,
        %shift_right_logical3A_236 = arith.constant 0 : i32
        %shift_right_logical3A_237 = vector.broadcast %shift_right_logical3A_236 : i32 to vector<16xi32>
        %shift_right_logical3A_238 = arith.shrui %gather3A_235, %shift_right_logical3A_237 : vector<16xi32>
        %and3A_239 = arith.constant 255 : i32
        %and3A_240 = vector.broadcast %and3A_239 : i32 to vector<16xi32>
        %and3A_241 = arith.andi %shift_right_logical3A_238, %and3A_240 : vector<16xi32>
        %add3A_242 = arith.addi %mul3A_4, %and3A_241 : vector<16xi32>
        tpu.vector_store_idx %arg10[%add3A_242], %broadcast_in_dim3A_7 {add = true} : memref<4224xi32, #tpu.memory_space<vmem>>[vector<16xi32>], vector<16xi32>,
        %mul3A_243 = arith.constant 8 : i32
        %mul3A_244 = arith.muli %scan3A_188, %mul3A_243 : i32
        %add3A_245 = arith.constant 4 : i32
        %add3A_246 = arith.addi %mul3A_244, %add3A_245 : i32
        %add3A_247 = vector.broadcast %add3A_246 : i32 to vector<16xi32>
        %add3A_248 = arith.addi %mul3A_1, %add3A_247 : vector<16xi32>
        %gather3A_249 = tpu.vector_load_idx %arg6[%add3A_248] : memref<4112xi32, #tpu.memory_space<vmem>>[vector<16xi32>], vector<16xi32>,
        %shift_right_logical3A_250 = arith.constant 0 : i32
        %shift_right_logical3A_251 = vector.broadcast %shift_right_logical3A_250 : i32 to vector<16xi32>
        %shift_right_logical3A_252 = arith.shrui %gather3A_249, %shift_right_logical3A_251 : vector<16xi32>
        %and3A_253 = arith.constant 255 : i32
        %and3A_254 = vector.broadcast %and3A_253 : i32 to vector<16xi32>
        %and3A_255 = arith.andi %shift_right_logical3A_252, %and3A_254 : vector<16xi32>
        %add3A_256 = arith.addi %mul3A_4, %and3A_255 : vector<16xi32>
        tpu.vector_store_idx %arg10[%add3A_256], %broadcast_in_dim3A_7 {add = true} : memref<4224xi32, #tpu.memory_space<vmem>>[vector<16xi32>], vector<16xi32>,
        %mul3A_257 = arith.constant 8 : i32
        %mul3A_258 = arith.muli %scan3A_188, %mul3A_257 : i32
        %add3A_259 = arith.constant 5 : i32
        %add3A_260 = arith.addi %mul3A_258, %add3A_259 : i32
        %add3A_261 = vector.broadcast %add3A_260 : i32 to vector<16xi32>
        %add3A_262 = arith.addi %mul3A_1, %add3A_261 : vector<16xi32>
        %gather3A_263 = tpu.vector_load_idx %arg6[%add3A_262] : memref<4112xi32, #tpu.memory_space<vmem>>[vector<16xi32>], vector<16xi32>,
        %shift_right_logical3A_264 = arith.constant 0 : i32
        %shift_right_logical3A_265 = vector.broadcast %shift_right_logical3A_264 : i32 to vector<16xi32>
        %shift_right_logical3A_266 = arith.shrui %gather3A_263, %shift_right_logical3A_265 : vector<16xi32>
        %and3A_267 = arith.constant 255 : i32
        %and3A_268 = vector.broadcast %and3A_267 : i32 to vector<16xi32>
        %and3A_269 = arith.andi %shift_right_logical3A_266, %and3A_268 : vector<16xi32>
        %add3A_270 = arith.addi %mul3A_4, %and3A_269 : vector<16xi32>
        tpu.vector_store_idx %arg10[%add3A_270], %broadcast_in_dim3A_7 {add = true} : memref<4224xi32, #tpu.memory_space<vmem>>[vector<16xi32>], vector<16xi32>,
        %mul3A_271 = arith.constant 8 : i32
        %mul3A_272 = arith.muli %scan3A_188, %mul3A_271 : i32
        %add3A_273 = arith.constant 6 : i32
        %add3A_274 = arith.addi %mul3A_272, %add3A_273 : i32
        %add3A_275 = vector.broadcast %add3A_274 : i32 to vector<16xi32>
        %add3A_276 = arith.addi %mul3A_1, %add3A_275 : vector<16xi32>
        %gather3A_277 = tpu.vector_load_idx %arg6[%add3A_276] : memref<4112xi32, #tpu.memory_space<vmem>>[vector<16xi32>], vector<16xi32>,
        %shift_right_logical3A_278 = arith.constant 0 : i32
        %shift_right_logical3A_279 = vector.broadcast %shift_right_logical3A_278 : i32 to vector<16xi32>
        %shift_right_logical3A_280 = arith.shrui %gather3A_277, %shift_right_logical3A_279 : vector<16xi32>
        %and3A_281 = arith.constant 255 : i32
        %and3A_282 = vector.broadcast %and3A_281 : i32 to vector<16xi32>
        %and3A_283 = arith.andi %shift_right_logical3A_280, %and3A_282 : vector<16xi32>
        %add3A_284 = arith.addi %mul3A_4, %and3A_283 : vector<16xi32>
        tpu.vector_store_idx %arg10[%add3A_284], %broadcast_in_dim3A_7 {add = true} : memref<4224xi32, #tpu.memory_space<vmem>>[vector<16xi32>], vector<16xi32>,
        %mul3A_285 = arith.constant 8 : i32
        %mul3A_286 = arith.muli %scan3A_188, %mul3A_285 : i32
        %add3A_287 = arith.constant 7 : i32
        %add3A_288 = arith.addi %mul3A_286, %add3A_287 : i32
        %add3A_289 = vector.broadcast %add3A_288 : i32 to vector<16xi32>
        %add3A_290 = arith.addi %mul3A_1, %add3A_289 : vector<16xi32>
        %gather3A_291 = tpu.vector_load_idx %arg6[%add3A_290] : memref<4112xi32, #tpu.memory_space<vmem>>[vector<16xi32>], vector<16xi32>,
        %shift_right_logical3A_292 = arith.constant 0 : i32
        %shift_right_logical3A_293 = vector.broadcast %shift_right_logical3A_292 : i32 to vector<16xi32>
        %shift_right_logical3A_294 = arith.shrui %gather3A_291, %shift_right_logical3A_293 : vector<16xi32>
        %and3A_295 = arith.constant 255 : i32
        %and3A_296 = vector.broadcast %and3A_295 : i32 to vector<16xi32>
        %and3A_297 = arith.andi %shift_right_logical3A_294, %and3A_296 : vector<16xi32>
        %add3A_298 = arith.addi %mul3A_4, %and3A_297 : vector<16xi32>
        tpu.vector_store_idx %arg10[%add3A_298], %broadcast_in_dim3A_7 {add = true} : memref<4224xi32, #tpu.memory_space<vmem>>[vector<16xi32>], vector<16xi32>,
        %scan3A_299 = arith.constant 0 : i32
        scf.yield %scan3A_299 : i32
      }
      %scan3A_33 = arith.constant 32 : i32
      %scan3A_34 = arith.constant 0 : i32
      %scan3A_35 = arith.constant 0 : i32
      %scan3A_36 = arith.constant 16 : i32
      %scan3A_37 = arith.addi %scan3A_35, %scan3A_36 : i32
      %scan3A_38 = arith.constant 1 : i32
      %scan3A_39 = scf.for %scan3A_188 = %scan3A_35 to %scan3A_37 step %scan3A_38 iter_args(%scan3A_189 = %scan3A_34) -> (i32)  : i32 {
        %mul3A_190 = arith.constant 16 : i32
        %mul3A_191 = arith.muli %scan3A_188, %mul3A_190 : i32
        %add3A_192 = arith.constant 0 : i32
        %add3A_193 = arith.addi %add3A_192, %mul3A_191 : i32
        %get3A = arith.index_cast %add3A_193 : i32 to index
        %get3A_194 = tpu.vector_load %arg10[%get3A] {strides = array<i32>} : memref<4224xi32, #tpu.memory_space<vmem>>, vector<16xi32>,
        %swap3A = arith.index_cast %add3A_193 : i32 to index
        %swap3A_195 = tpu.vector_load %arg10[%swap3A] {strides = array<i32>} : memref<4224xi32, #tpu.memory_space<vmem>>, vector<16xi32>,
        tpu.vector_store %arg10[%swap3A], %broadcast_in_dim3A_5 {strides = array<i32>} : memref<4224xi32, #tpu.memory_space<vmem>>, vector<16xi32>,
        %add3A_196 = arith.addi %broadcast_in_dim3A_5, %get3A_194 : vector<16xi32>
        %mul3A_197 = arith.constant 16 : i32
        %mul3A_198 = arith.muli %scan3A_188, %mul3A_197 : i32
        %add3A_199 = arith.constant 257 : i32
        %add3A_200 = arith.addi %add3A_199, %mul3A_198 : i32
        %get3A_201 = arith.index_cast %add3A_200 : i32 to index
        %get3A_202 = tpu.vector_load %arg10[%get3A_201] {strides = array<i32>} : memref<4224xi32, #tpu.memory_space<vmem>>, vector<16xi32>,
        %swap3A_203 = arith.index_cast %add3A_200 : i32 to index
        %swap3A_204 = tpu.vector_load %arg10[%swap3A_203] {strides = array<i32>} : memref<4224xi32, #tpu.memory_space<vmem>>, vector<16xi32>,
        tpu.vector_store %arg10[%swap3A_203], %add3A_196 {strides = array<i32>} : memref<4224xi32, #tpu.memory_space<vmem>>, vector<16xi32>,
        %add3A_205 = arith.addi %add3A_196, %get3A_202 : vector<16xi32>
        %mul3A_206 = arith.constant 16 : i32
        %mul3A_207 = arith.muli %scan3A_188, %mul3A_206 : i32
        %add3A_208 = arith.constant 514 : i32
        %add3A_209 = arith.addi %add3A_208, %mul3A_207 : i32
        %get3A_210 = arith.index_cast %add3A_209 : i32 to index
        %get3A_211 = tpu.vector_load %arg10[%get3A_210] {strides = array<i32>} : memref<4224xi32, #tpu.memory_space<vmem>>, vector<16xi32>,
        %swap3A_212 = arith.index_cast %add3A_209 : i32 to index
        %swap3A_213 = tpu.vector_load %arg10[%swap3A_212] {strides = array<i32>} : memref<4224xi32, #tpu.memory_space<vmem>>, vector<16xi32>,
        tpu.vector_store %arg10[%swap3A_212], %add3A_205 {strides = array<i32>} : memref<4224xi32, #tpu.memory_space<vmem>>, vector<16xi32>,
        %add3A_214 = arith.addi %add3A_205, %get3A_211 : vector<16xi32>
        %mul3A_215 = arith.constant 16 : i32
        %mul3A_216 = arith.muli %scan3A_188, %mul3A_215 : i32
        %add3A_217 = arith.constant 771 : i32
        %add3A_218 = arith.addi %add3A_217, %mul3A_216 : i32
        %get3A_219 = arith.index_cast %add3A_218 : i32 to index
        %get3A_220 = tpu.vector_load %arg10[%get3A_219] {strides = array<i32>} : memref<4224xi32, #tpu.memory_space<vmem>>, vector<16xi32>,
        %swap3A_221 = arith.index_cast %add3A_218 : i32 to index
        %swap3A_222 = tpu.vector_load %arg10[%swap3A_221] {strides = array<i32>} : memref<4224xi32, #tpu.memory_space<vmem>>, vector<16xi32>,
        tpu.vector_store %arg10[%swap3A_221], %add3A_214 {strides = array<i32>} : memref<4224xi32, #tpu.memory_space<vmem>>, vector<16xi32>,
        %add3A_223 = arith.addi %add3A_214, %get3A_220 : vector<16xi32>
        %mul3A_224 = arith.constant 16 : i32
        %mul3A_225 = arith.muli %scan3A_188, %mul3A_224 : i32
        %add3A_226 = arith.constant 1028 : i32
        %add3A_227 = arith.addi %add3A_226, %mul3A_225 : i32
        %get3A_228 = arith.index_cast %add3A_227 : i32 to index
        %get3A_229 = tpu.vector_load %arg10[%get3A_228] {strides = array<i32>} : memref<4224xi32, #tpu.memory_space<vmem>>, vector<16xi32>,
        %swap3A_230 = arith.index_cast %add3A_227 : i32 to index
        %swap3A_231 = tpu.vector_load %arg10[%swap3A_230] {strides = array<i32>} : memref<4224xi32, #tpu.memory_space<vmem>>, vector<16xi32>,
        tpu.vector_store %arg10[%swap3A_230], %add3A_223 {strides = array<i32>} : memref<4224xi32, #tpu.memory_space<vmem>>, vector<16xi32>,
        %add3A_232 = arith.addi %add3A_223, %get3A_229 : vector<16xi32>
        %mul3A_233 = arith.constant 16 : i32
        %mul3A_234 = arith.muli %scan3A_188, %mul3A_233 : i32
        %add3A_235 = arith.constant 1285 : i32
        %add3A_236 = arith.addi %add3A_235, %mul3A_234 : i32
        %get3A_237 = arith.index_cast %add3A_236 : i32 to index
        %get3A_238 = tpu.vector_load %arg10[%get3A_237] {strides = array<i32>} : memref<4224xi32, #tpu.memory_space<vmem>>, vector<16xi32>,
        %swap3A_239 = arith.index_cast %add3A_236 : i32 to index
        %swap3A_240 = tpu.vector_load %arg10[%swap3A_239] {strides = array<i32>} : memref<4224xi32, #tpu.memory_space<vmem>>, vector<16xi32>,
        tpu.vector_store %arg10[%swap3A_239], %add3A_232 {strides = array<i32>} : memref<4224xi32, #tpu.memory_space<vmem>>, vector<16xi32>,
        %add3A_241 = arith.addi %add3A_232, %get3A_238 : vector<16xi32>
        %mul3A_242 = arith.constant 16 : i32
        %mul3A_243 = arith.muli %scan3A_188, %mul3A_242 : i32
        %add3A_244 = arith.constant 1542 : i32
        %add3A_245 = arith.addi %add3A_244, %mul3A_243 : i32
        %get3A_246 = arith.index_cast %add3A_245 : i32 to index
        %get3A_247 = tpu.vector_load %arg10[%get3A_246] {strides = array<i32>} : memref<4224xi32, #tpu.memory_space<vmem>>, vector<16xi32>,
        %swap3A_248 = arith.index_cast %add3A_245 : i32 to index
        %swap3A_249 = tpu.vector_load %arg10[%swap3A_248] {strides = array<i32>} : memref<4224xi32, #tpu.memory_space<vmem>>, vector<16xi32>,
        tpu.vector_store %arg10[%swap3A_248], %add3A_241 {strides = array<i32>} : memref<4224xi32, #tpu.memory_space<vmem>>, vector<16xi32>,
        %add3A_250 = arith.addi %add3A_241, %get3A_247 : vector<16xi32>
        %mul3A_251 = arith.constant 16 : i32
        %mul3A_252 = arith.muli %scan3A_188, %mul3A_251 : i32
        %add3A_253 = arith.constant 1799 : i32
        %add3A_254 = arith.addi %add3A_253, %mul3A_252 : i32
        %get3A_255 = arith.index_cast %add3A_254 : i32 to index
        %get3A_256 = tpu.vector_load %arg10[%get3A_255] {strides = array<i32>} : memref<4224xi32, #tpu.memory_space<vmem>>, vector<16xi32>,
        %swap3A_257 = arith.index_cast %add3A_254 : i32 to index
        %swap3A_258 = tpu.vector_load %arg10[%swap3A_257] {strides = array<i32>} : memref<4224xi32, #tpu.memory_space<vmem>>, vector<16xi32>,
        tpu.vector_store %arg10[%swap3A_257], %add3A_250 {strides = array<i32>} : memref<4224xi32, #tpu.memory_space<vmem>>, vector<16xi32>,
        %add3A_259 = arith.addi %add3A_250, %get3A_256 : vector<16xi32>
        %mul3A_260 = arith.constant 16 : i32
        %mul3A_261 = arith.muli %scan3A_188, %mul3A_260 : i32
        %add3A_262 = arith.constant 2056 : i32
        %add3A_263 = arith.addi %add3A_262, %mul3A_261 : i32
        %get3A_264 = arith.index_cast %add3A_263 : i32 to index
        %get3A_265 = tpu.vector_load %arg10[%get3A_264] {strides = array<i32>} : memref<4224xi32, #tpu.memory_space<vmem>>, vector<16xi32>,
        %swap3A_266 = arith.index_cast %add3A_263 : i32 to index
        %swap3A_267 = tpu.vector_load %arg10[%swap3A_266] {strides = array<i32>} : memref<4224xi32, #tpu.memory_space<vmem>>, vector<16xi32>,
        tpu.vector_store %arg10[%swap3A_266], %add3A_259 {strides = array<i32>} : memref<4224xi32, #tpu.memory_space<vmem>>, vector<16xi32>,
        %add3A_268 = arith.addi %add3A_259, %get3A_265 : vector<16xi32>
        %mul3A_269 = arith.constant 16 : i32
        %mul3A_270 = arith.muli %scan3A_188, %mul3A_269 : i32
        %add3A_271 = arith.constant 2313 : i32
        %add3A_272 = arith.addi %add3A_271, %mul3A_270 : i32
        %get3A_273 = arith.index_cast %add3A_272 : i32 to index
        %get3A_274 = tpu.vector_load %arg10[%get3A_273] {strides = array<i32>} : memref<4224xi32, #tpu.memory_space<vmem>>, vector<16xi32>,
        %swap3A_275 = arith.index_cast %add3A_272 : i32 to index
        %swap3A_276 = tpu.vector_load %arg10[%swap3A_275] {strides = array<i32>} : memref<4224xi32, #tpu.memory_space<vmem>>, vector<16xi32>,
        tpu.vector_store %arg10[%swap3A_275], %add3A_268 {strides = array<i32>} : memref<4224xi32, #tpu.memory_space<vmem>>, vector<16xi32>,
        %add3A_277 = arith.addi %add3A_268, %get3A_274 : vector<16xi32>
        %mul3A_278 = arith.constant 16 : i32
        %mul3A_279 = arith.muli %scan3A_188, %mul3A_278 : i32
        %add3A_280 = arith.constant 2570 : i32
        %add3A_281 = arith.addi %add3A_280, %mul3A_279 : i32
        %get3A_282 = arith.index_cast %add3A_281 : i32 to index
        %get3A_283 = tpu.vector_load %arg10[%get3A_282] {strides = array<i32>} : memref<4224xi32, #tpu.memory_space<vmem>>, vector<16xi32>,
        %swap3A_284 = arith.index_cast %add3A_281 : i32 to index
        %swap3A_285 = tpu.vector_load %arg10[%swap3A_284] {strides = array<i32>} : memref<4224xi32, #tpu.memory_space<vmem>>, vector<16xi32>,
        tpu.vector_store %arg10[%swap3A_284], %add3A_277 {strides = array<i32>} : memref<4224xi32, #tpu.memory_space<vmem>>, vector<16xi32>,
        %add3A_286 = arith.addi %add3A_277, %get3A_283 : vector<16xi32>
        %mul3A_287 = arith.constant 16 : i32
        %mul3A_288 = arith.muli %scan3A_188, %mul3A_287 : i32
        %add3A_289 = arith.constant 2827 : i32
        %add3A_290 = arith.addi %add3A_289, %mul3A_288 : i32
        %get3A_291 = arith.index_cast %add3A_290 : i32 to index
        %get3A_292 = tpu.vector_load %arg10[%get3A_291] {strides = array<i32>} : memref<4224xi32, #tpu.memory_space<vmem>>, vector<16xi32>,
        %swap3A_293 = arith.index_cast %add3A_290 : i32 to index
        %swap3A_294 = tpu.vector_load %arg10[%swap3A_293] {strides = array<i32>} : memref<4224xi32, #tpu.memory_space<vmem>>, vector<16xi32>,
        tpu.vector_store %arg10[%swap3A_293], %add3A_286 {strides = array<i32>} : memref<4224xi32, #tpu.memory_space<vmem>>, vector<16xi32>,
        %add3A_295 = arith.addi %add3A_286, %get3A_292 : vector<16xi32>
        %mul3A_296 = arith.constant 16 : i32
        %mul3A_297 = arith.muli %scan3A_188, %mul3A_296 : i32
        %add3A_298 = arith.constant 3084 : i32
        %add3A_299 = arith.addi %add3A_298, %mul3A_297 : i32
        %get3A_300 = arith.index_cast %add3A_299 : i32 to index
        %get3A_301 = tpu.vector_load %arg10[%get3A_300] {strides = array<i32>} : memref<4224xi32, #tpu.memory_space<vmem>>, vector<16xi32>,
        %swap3A_302 = arith.index_cast %add3A_299 : i32 to index
        %swap3A_303 = tpu.vector_load %arg10[%swap3A_302] {strides = array<i32>} : memref<4224xi32, #tpu.memory_space<vmem>>, vector<16xi32>,
        tpu.vector_store %arg10[%swap3A_302], %add3A_295 {strides = array<i32>} : memref<4224xi32, #tpu.memory_space<vmem>>, vector<16xi32>,
        %add3A_304 = arith.addi %add3A_295, %get3A_301 : vector<16xi32>
        %mul3A_305 = arith.constant 16 : i32
        %mul3A_306 = arith.muli %scan3A_188, %mul3A_305 : i32
        %add3A_307 = arith.constant 3341 : i32
        %add3A_308 = arith.addi %add3A_307, %mul3A_306 : i32
        %get3A_309 = arith.index_cast %add3A_308 : i32 to index
        %get3A_310 = tpu.vector_load %arg10[%get3A_309] {strides = array<i32>} : memref<4224xi32, #tpu.memory_space<vmem>>, vector<16xi32>,
        %swap3A_311 = arith.index_cast %add3A_308 : i32 to index
        %swap3A_312 = tpu.vector_load %arg10[%swap3A_311] {strides = array<i32>} : memref<4224xi32, #tpu.memory_space<vmem>>, vector<16xi32>,
        tpu.vector_store %arg10[%swap3A_311], %add3A_304 {strides = array<i32>} : memref<4224xi32, #tpu.memory_space<vmem>>, vector<16xi32>,
        %add3A_313 = arith.addi %add3A_304, %get3A_310 : vector<16xi32>
        %mul3A_314 = arith.constant 16 : i32
        %mul3A_315 = arith.muli %scan3A_188, %mul3A_314 : i32
        %add3A_316 = arith.constant 3598 : i32
        %add3A_317 = arith.addi %add3A_316, %mul3A_315 : i32
        %get3A_318 = arith.index_cast %add3A_317 : i32 to index
        %get3A_319 = tpu.vector_load %arg10[%get3A_318] {strides = array<i32>} : memref<4224xi32, #tpu.memory_space<vmem>>, vector<16xi32>,
        %swap3A_320 = arith.index_cast %add3A_317 : i32 to index
        %swap3A_321 = tpu.vector_load %arg10[%swap3A_320] {strides = array<i32>} : memref<4224xi32, #tpu.memory_space<vmem>>, vector<16xi32>,
        tpu.vector_store %arg10[%swap3A_320], %add3A_313 {strides = array<i32>} : memref<4224xi32, #tpu.memory_space<vmem>>, vector<16xi32>,
        %add3A_322 = arith.addi %add3A_313, %get3A_319 : vector<16xi32>
        %mul3A_323 = arith.constant 16 : i32
        %mul3A_324 = arith.muli %scan3A_188, %mul3A_323 : i32
        %add3A_325 = arith.constant 3855 : i32
        %add3A_326 = arith.addi %add3A_325, %mul3A_324 : i32
        %get3A_327 = arith.index_cast %add3A_326 : i32 to index
        %get3A_328 = tpu.vector_load %arg10[%get3A_327] {strides = array<i32>} : memref<4224xi32, #tpu.memory_space<vmem>>, vector<16xi32>,
        %swap3A_329 = arith.index_cast %add3A_326 : i32 to index
        %swap3A_330 = tpu.vector_load %arg10[%swap3A_329] {strides = array<i32>} : memref<4224xi32, #tpu.memory_space<vmem>>, vector<16xi32>,
        tpu.vector_store %arg10[%swap3A_329], %add3A_322 {strides = array<i32>} : memref<4224xi32, #tpu.memory_space<vmem>>, vector<16xi32>,
        %add3A_331 = arith.addi %add3A_322, %get3A_328 : vector<16xi32>
        %mul3A_332 = arith.constant 16 : i32
        %mul3A_333 = arith.muli %scan3A_188, %mul3A_332 : i32
        %swap3A_334 = arith.index_cast %mul3A_333 : i32 to index
        %swap3A_335 = tpu.vector_load %arg11[%swap3A_334] {strides = array<i32>} : memref<256xi32, #tpu.memory_space<vmem>>, vector<16xi32>,
        tpu.vector_store %arg11[%swap3A_334], %add3A_331 {strides = array<i32>} : memref<256xi32, #tpu.memory_space<vmem>>, vector<16xi32>,
        %scan3A_336 = arith.constant 0 : i32
        scf.yield %scan3A_336 : i32
      }
      %scan3A_40 = arith.constant 16 : i32
      %scan3A_41 = arith.constant 0 : i32
      %scan3A_42 = arith.constant 0 : i32
      %scan3A_43 = arith.constant 16 : i32
      %scan3A_44 = arith.addi %scan3A_42, %scan3A_43 : i32
      %scan3A_45 = arith.constant 1 : i32
      %scan3A_46 = scf.for %scan3A_188 = %scan3A_42 to %scan3A_44 step %scan3A_45 iter_args(%scan3A_189 = %scan3A_41) -> (i32)  : i32 {
        %mul3A_190 = arith.constant 16 : i32
        %mul3A_191 = arith.muli %scan3A_188, %mul3A_190 : i32
        %get3A = arith.index_cast %mul3A_191 : i32 to index
        %get3A_192 = tpu.vector_load %arg11[%get3A] {strides = array<i32>} : memref<256xi32, #tpu.memory_space<vmem>>, vector<16xi32>,
        %broadcast_in_dim3A_193 = arith.constant true
        %broadcast_in_dim3A_194 = vector.broadcast %broadcast_in_dim3A_193 : i1 to vector<16xi1>
        %masked_cumsum3A = tpu.scan <sum>, %get3A_192 masked %broadcast_in_dim3A_194 : vector<16xi32>, vector<16xi1> -> vector<16xi32>
        %sub3A = arith.subi %masked_cumsum3A, %get3A_192 : vector<16xi32>
        %add3A_195 = vector.broadcast %scan3A_189 : i32 to vector<16xi32>
        %add3A_196 = arith.addi %sub3A, %add3A_195 : vector<16xi32>
        %mul3A_197 = arith.constant 16 : i32
        %mul3A_198 = arith.muli %scan3A_188, %mul3A_197 : i32
        %swap3A = arith.index_cast %mul3A_198 : i32 to index
        %swap3A_199 = tpu.vector_load %arg12[%swap3A] {strides = array<i32>} : memref<256xi32, #tpu.memory_space<vmem>>, vector<16xi32>,
        tpu.vector_store %arg12[%swap3A], %add3A_196 {strides = array<i32>} : memref<256xi32, #tpu.memory_space<vmem>>, vector<16xi32>,
        %reduce_sum3A = arith.constant true
        %reduce_sum3A_200 = vector.broadcast %reduce_sum3A : i1 to vector<16xi1>
        %reduce_sum3A_201 = tpu.scan <sum>, %get3A_192 masked %reduce_sum3A_200 : vector<16xi32>, vector<16xi1> -> vector<16xi32>
        %reduce_sum3A_202 = vector.extract %reduce_sum3A_201[15] : i32 from vector<16xi32>
        %add3A_203 = arith.addi %scan3A_189, %reduce_sum3A_202 : i32
        scf.yield %add3A_203 : i32
      }
      %scan3A_47 = arith.constant 16 : i32
      %scan3A_48 = arith.constant 0 : i32
      %scan3A_49 = arith.constant 0 : i32
      %scan3A_50 = arith.constant 16 : i32
      %scan3A_51 = arith.addi %scan3A_49, %scan3A_50 : i32
      %scan3A_52 = arith.constant 1 : i32
      %scan3A_53 = scf.for %scan3A_188 = %scan3A_49 to %scan3A_51 step %scan3A_52 iter_args(%scan3A_189 = %scan3A_48) -> (i32)  : i32 {
        %mul3A_190 = arith.constant 16 : i32
        %mul3A_191 = arith.muli %scan3A_188, %mul3A_190 : i32
        %get3A = arith.index_cast %mul3A_191 : i32 to index
        %get3A_192 = tpu.vector_load %arg12[%get3A] {strides = array<i32>} : memref<256xi32, #tpu.memory_space<vmem>>, vector<16xi32>,
        %mul3A_193 = arith.constant 16 : i32
        %mul3A_194 = arith.muli %scan3A_188, %mul3A_193 : i32
        %add3A_195 = arith.constant 0 : i32
        %add3A_196 = arith.addi %add3A_195, %mul3A_194 : i32
        %get3A_197 = arith.index_cast %add3A_196 : i32 to index
        %get3A_198 = tpu.vector_load %arg10[%get3A_197] {strides = array<i32>} : memref<4224xi32, #tpu.memory_space<vmem>>, vector<16xi32>,
        %add3A_199 = arith.addi %get3A_198, %get3A_192 : vector<16xi32>
        %swap3A = arith.index_cast %add3A_196 : i32 to index
        %swap3A_200 = tpu.vector_load %arg10[%swap3A] {strides = array<i32>} : memref<4224xi32, #tpu.memory_space<vmem>>, vector<16xi32>,
        tpu.vector_store %arg10[%swap3A], %add3A_199 {strides = array<i32>} : memref<4224xi32, #tpu.memory_space<vmem>>, vector<16xi32>,
        %mul3A_201 = arith.constant 16 : i32
        %mul3A_202 = arith.muli %scan3A_188, %mul3A_201 : i32
        %add3A_203 = arith.constant 257 : i32
        %add3A_204 = arith.addi %add3A_203, %mul3A_202 : i32
        %get3A_205 = arith.index_cast %add3A_204 : i32 to index
        %get3A_206 = tpu.vector_load %arg10[%get3A_205] {strides = array<i32>} : memref<4224xi32, #tpu.memory_space<vmem>>, vector<16xi32>,
        %add3A_207 = arith.addi %get3A_206, %get3A_192 : vector<16xi32>
        %swap3A_208 = arith.index_cast %add3A_204 : i32 to index
        %swap3A_209 = tpu.vector_load %arg10[%swap3A_208] {strides = array<i32>} : memref<4224xi32, #tpu.memory_space<vmem>>, vector<16xi32>,
        tpu.vector_store %arg10[%swap3A_208], %add3A_207 {strides = array<i32>} : memref<4224xi32, #tpu.memory_space<vmem>>, vector<16xi32>,
        %mul3A_210 = arith.constant 16 : i32
        %mul3A_211 = arith.muli %scan3A_188, %mul3A_210 : i32
        %add3A_212 = arith.constant 514 : i32
        %add3A_213 = arith.addi %add3A_212, %mul3A_211 : i32
        %get3A_214 = arith.index_cast %add3A_213 : i32 to index
        %get3A_215 = tpu.vector_load %arg10[%get3A_214] {strides = array<i32>} : memref<4224xi32, #tpu.memory_space<vmem>>, vector<16xi32>,
        %add3A_216 = arith.addi %get3A_215, %get3A_192 : vector<16xi32>
        %swap3A_217 = arith.index_cast %add3A_213 : i32 to index
        %swap3A_218 = tpu.vector_load %arg10[%swap3A_217] {strides = array<i32>} : memref<4224xi32, #tpu.memory_space<vmem>>, vector<16xi32>,
        tpu.vector_store %arg10[%swap3A_217], %add3A_216 {strides = array<i32>} : memref<4224xi32, #tpu.memory_space<vmem>>, vector<16xi32>,
        %mul3A_219 = arith.constant 16 : i32
        %mul3A_220 = arith.muli %scan3A_188, %mul3A_219 : i32
        %add3A_221 = arith.constant 771 : i32
        %add3A_222 = arith.addi %add3A_221, %mul3A_220 : i32
        %get3A_223 = arith.index_cast %add3A_222 : i32 to index
        %get3A_224 = tpu.vector_load %arg10[%get3A_223] {strides = array<i32>} : memref<4224xi32, #tpu.memory_space<vmem>>, vector<16xi32>,
        %add3A_225 = arith.addi %get3A_224, %get3A_192 : vector<16xi32>
        %swap3A_226 = arith.index_cast %add3A_222 : i32 to index
        %swap3A_227 = tpu.vector_load %arg10[%swap3A_226] {strides = array<i32>} : memref<4224xi32, #tpu.memory_space<vmem>>, vector<16xi32>,
        tpu.vector_store %arg10[%swap3A_226], %add3A_225 {strides = array<i32>} : memref<4224xi32, #tpu.memory_space<vmem>>, vector<16xi32>,
        %mul3A_228 = arith.constant 16 : i32
        %mul3A_229 = arith.muli %scan3A_188, %mul3A_228 : i32
        %add3A_230 = arith.constant 1028 : i32
        %add3A_231 = arith.addi %add3A_230, %mul3A_229 : i32
        %get3A_232 = arith.index_cast %add3A_231 : i32 to index
        %get3A_233 = tpu.vector_load %arg10[%get3A_232] {strides = array<i32>} : memref<4224xi32, #tpu.memory_space<vmem>>, vector<16xi32>,
        %add3A_234 = arith.addi %get3A_233, %get3A_192 : vector<16xi32>
        %swap3A_235 = arith.index_cast %add3A_231 : i32 to index
        %swap3A_236 = tpu.vector_load %arg10[%swap3A_235] {strides = array<i32>} : memref<4224xi32, #tpu.memory_space<vmem>>, vector<16xi32>,
        tpu.vector_store %arg10[%swap3A_235], %add3A_234 {strides = array<i32>} : memref<4224xi32, #tpu.memory_space<vmem>>, vector<16xi32>,
        %mul3A_237 = arith.constant 16 : i32
        %mul3A_238 = arith.muli %scan3A_188, %mul3A_237 : i32
        %add3A_239 = arith.constant 1285 : i32
        %add3A_240 = arith.addi %add3A_239, %mul3A_238 : i32
        %get3A_241 = arith.index_cast %add3A_240 : i32 to index
        %get3A_242 = tpu.vector_load %arg10[%get3A_241] {strides = array<i32>} : memref<4224xi32, #tpu.memory_space<vmem>>, vector<16xi32>,
        %add3A_243 = arith.addi %get3A_242, %get3A_192 : vector<16xi32>
        %swap3A_244 = arith.index_cast %add3A_240 : i32 to index
        %swap3A_245 = tpu.vector_load %arg10[%swap3A_244] {strides = array<i32>} : memref<4224xi32, #tpu.memory_space<vmem>>, vector<16xi32>,
        tpu.vector_store %arg10[%swap3A_244], %add3A_243 {strides = array<i32>} : memref<4224xi32, #tpu.memory_space<vmem>>, vector<16xi32>,
        %mul3A_246 = arith.constant 16 : i32
        %mul3A_247 = arith.muli %scan3A_188, %mul3A_246 : i32
        %add3A_248 = arith.constant 1542 : i32
        %add3A_249 = arith.addi %add3A_248, %mul3A_247 : i32
        %get3A_250 = arith.index_cast %add3A_249 : i32 to index
        %get3A_251 = tpu.vector_load %arg10[%get3A_250] {strides = array<i32>} : memref<4224xi32, #tpu.memory_space<vmem>>, vector<16xi32>,
        %add3A_252 = arith.addi %get3A_251, %get3A_192 : vector<16xi32>
        %swap3A_253 = arith.index_cast %add3A_249 : i32 to index
        %swap3A_254 = tpu.vector_load %arg10[%swap3A_253] {strides = array<i32>} : memref<4224xi32, #tpu.memory_space<vmem>>, vector<16xi32>,
        tpu.vector_store %arg10[%swap3A_253], %add3A_252 {strides = array<i32>} : memref<4224xi32, #tpu.memory_space<vmem>>, vector<16xi32>,
        %mul3A_255 = arith.constant 16 : i32
        %mul3A_256 = arith.muli %scan3A_188, %mul3A_255 : i32
        %add3A_257 = arith.constant 1799 : i32
        %add3A_258 = arith.addi %add3A_257, %mul3A_256 : i32
        %get3A_259 = arith.index_cast %add3A_258 : i32 to index
        %get3A_260 = tpu.vector_load %arg10[%get3A_259] {strides = array<i32>} : memref<4224xi32, #tpu.memory_space<vmem>>, vector<16xi32>,
        %add3A_261 = arith.addi %get3A_260, %get3A_192 : vector<16xi32>
        %swap3A_262 = arith.index_cast %add3A_258 : i32 to index
        %swap3A_263 = tpu.vector_load %arg10[%swap3A_262] {strides = array<i32>} : memref<4224xi32, #tpu.memory_space<vmem>>, vector<16xi32>,
        tpu.vector_store %arg10[%swap3A_262], %add3A_261 {strides = array<i32>} : memref<4224xi32, #tpu.memory_space<vmem>>, vector<16xi32>,
        %mul3A_264 = arith.constant 16 : i32
        %mul3A_265 = arith.muli %scan3A_188, %mul3A_264 : i32
        %add3A_266 = arith.constant 2056 : i32
        %add3A_267 = arith.addi %add3A_266, %mul3A_265 : i32
        %get3A_268 = arith.index_cast %add3A_267 : i32 to index
        %get3A_269 = tpu.vector_load %arg10[%get3A_268] {strides = array<i32>} : memref<4224xi32, #tpu.memory_space<vmem>>, vector<16xi32>,
        %add3A_270 = arith.addi %get3A_269, %get3A_192 : vector<16xi32>
        %swap3A_271 = arith.index_cast %add3A_267 : i32 to index
        %swap3A_272 = tpu.vector_load %arg10[%swap3A_271] {strides = array<i32>} : memref<4224xi32, #tpu.memory_space<vmem>>, vector<16xi32>,
        tpu.vector_store %arg10[%swap3A_271], %add3A_270 {strides = array<i32>} : memref<4224xi32, #tpu.memory_space<vmem>>, vector<16xi32>,
        %mul3A_273 = arith.constant 16 : i32
        %mul3A_274 = arith.muli %scan3A_188, %mul3A_273 : i32
        %add3A_275 = arith.constant 2313 : i32
        %add3A_276 = arith.addi %add3A_275, %mul3A_274 : i32
        %get3A_277 = arith.index_cast %add3A_276 : i32 to index
        %get3A_278 = tpu.vector_load %arg10[%get3A_277] {strides = array<i32>} : memref<4224xi32, #tpu.memory_space<vmem>>, vector<16xi32>,
        %add3A_279 = arith.addi %get3A_278, %get3A_192 : vector<16xi32>
        %swap3A_280 = arith.index_cast %add3A_276 : i32 to index
        %swap3A_281 = tpu.vector_load %arg10[%swap3A_280] {strides = array<i32>} : memref<4224xi32, #tpu.memory_space<vmem>>, vector<16xi32>,
        tpu.vector_store %arg10[%swap3A_280], %add3A_279 {strides = array<i32>} : memref<4224xi32, #tpu.memory_space<vmem>>, vector<16xi32>,
        %mul3A_282 = arith.constant 16 : i32
        %mul3A_283 = arith.muli %scan3A_188, %mul3A_282 : i32
        %add3A_284 = arith.constant 2570 : i32
        %add3A_285 = arith.addi %add3A_284, %mul3A_283 : i32
        %get3A_286 = arith.index_cast %add3A_285 : i32 to index
        %get3A_287 = tpu.vector_load %arg10[%get3A_286] {strides = array<i32>} : memref<4224xi32, #tpu.memory_space<vmem>>, vector<16xi32>,
        %add3A_288 = arith.addi %get3A_287, %get3A_192 : vector<16xi32>
        %swap3A_289 = arith.index_cast %add3A_285 : i32 to index
        %swap3A_290 = tpu.vector_load %arg10[%swap3A_289] {strides = array<i32>} : memref<4224xi32, #tpu.memory_space<vmem>>, vector<16xi32>,
        tpu.vector_store %arg10[%swap3A_289], %add3A_288 {strides = array<i32>} : memref<4224xi32, #tpu.memory_space<vmem>>, vector<16xi32>,
        %mul3A_291 = arith.constant 16 : i32
        %mul3A_292 = arith.muli %scan3A_188, %mul3A_291 : i32
        %add3A_293 = arith.constant 2827 : i32
        %add3A_294 = arith.addi %add3A_293, %mul3A_292 : i32
        %get3A_295 = arith.index_cast %add3A_294 : i32 to index
        %get3A_296 = tpu.vector_load %arg10[%get3A_295] {strides = array<i32>} : memref<4224xi32, #tpu.memory_space<vmem>>, vector<16xi32>,
        %add3A_297 = arith.addi %get3A_296, %get3A_192 : vector<16xi32>
        %swap3A_298 = arith.index_cast %add3A_294 : i32 to index
        %swap3A_299 = tpu.vector_load %arg10[%swap3A_298] {strides = array<i32>} : memref<4224xi32, #tpu.memory_space<vmem>>, vector<16xi32>,
        tpu.vector_store %arg10[%swap3A_298], %add3A_297 {strides = array<i32>} : memref<4224xi32, #tpu.memory_space<vmem>>, vector<16xi32>,
        %mul3A_300 = arith.constant 16 : i32
        %mul3A_301 = arith.muli %scan3A_188, %mul3A_300 : i32
        %add3A_302 = arith.constant 3084 : i32
        %add3A_303 = arith.addi %add3A_302, %mul3A_301 : i32
        %get3A_304 = arith.index_cast %add3A_303 : i32 to index
        %get3A_305 = tpu.vector_load %arg10[%get3A_304] {strides = array<i32>} : memref<4224xi32, #tpu.memory_space<vmem>>, vector<16xi32>,
        %add3A_306 = arith.addi %get3A_305, %get3A_192 : vector<16xi32>
        %swap3A_307 = arith.index_cast %add3A_303 : i32 to index
        %swap3A_308 = tpu.vector_load %arg10[%swap3A_307] {strides = array<i32>} : memref<4224xi32, #tpu.memory_space<vmem>>, vector<16xi32>,
        tpu.vector_store %arg10[%swap3A_307], %add3A_306 {strides = array<i32>} : memref<4224xi32, #tpu.memory_space<vmem>>, vector<16xi32>,
        %mul3A_309 = arith.constant 16 : i32
        %mul3A_310 = arith.muli %scan3A_188, %mul3A_309 : i32
        %add3A_311 = arith.constant 3341 : i32
        %add3A_312 = arith.addi %add3A_311, %mul3A_310 : i32
        %get3A_313 = arith.index_cast %add3A_312 : i32 to index
        %get3A_314 = tpu.vector_load %arg10[%get3A_313] {strides = array<i32>} : memref<4224xi32, #tpu.memory_space<vmem>>, vector<16xi32>,
        %add3A_315 = arith.addi %get3A_314, %get3A_192 : vector<16xi32>
        %swap3A_316 = arith.index_cast %add3A_312 : i32 to index
        %swap3A_317 = tpu.vector_load %arg10[%swap3A_316] {strides = array<i32>} : memref<4224xi32, #tpu.memory_space<vmem>>, vector<16xi32>,
        tpu.vector_store %arg10[%swap3A_316], %add3A_315 {strides = array<i32>} : memref<4224xi32, #tpu.memory_space<vmem>>, vector<16xi32>,
        %mul3A_318 = arith.constant 16 : i32
        %mul3A_319 = arith.muli %scan3A_188, %mul3A_318 : i32
        %add3A_320 = arith.constant 3598 : i32
        %add3A_321 = arith.addi %add3A_320, %mul3A_319 : i32
        %get3A_322 = arith.index_cast %add3A_321 : i32 to index
        %get3A_323 = tpu.vector_load %arg10[%get3A_322] {strides = array<i32>} : memref<4224xi32, #tpu.memory_space<vmem>>, vector<16xi32>,
        %add3A_324 = arith.addi %get3A_323, %get3A_192 : vector<16xi32>
        %swap3A_325 = arith.index_cast %add3A_321 : i32 to index
        %swap3A_326 = tpu.vector_load %arg10[%swap3A_325] {strides = array<i32>} : memref<4224xi32, #tpu.memory_space<vmem>>, vector<16xi32>,
        tpu.vector_store %arg10[%swap3A_325], %add3A_324 {strides = array<i32>} : memref<4224xi32, #tpu.memory_space<vmem>>, vector<16xi32>,
        %mul3A_327 = arith.constant 16 : i32
        %mul3A_328 = arith.muli %scan3A_188, %mul3A_327 : i32
        %add3A_329 = arith.constant 3855 : i32
        %add3A_330 = arith.addi %add3A_329, %mul3A_328 : i32
        %get3A_331 = arith.index_cast %add3A_330 : i32 to index
        %get3A_332 = tpu.vector_load %arg10[%get3A_331] {strides = array<i32>} : memref<4224xi32, #tpu.memory_space<vmem>>, vector<16xi32>,
        %add3A_333 = arith.addi %get3A_332, %get3A_192 : vector<16xi32>
        %swap3A_334 = arith.index_cast %add3A_330 : i32 to index
        %swap3A_335 = tpu.vector_load %arg10[%swap3A_334] {strides = array<i32>} : memref<4224xi32, #tpu.memory_space<vmem>>, vector<16xi32>,
        tpu.vector_store %arg10[%swap3A_334], %add3A_333 {strides = array<i32>} : memref<4224xi32, #tpu.memory_space<vmem>>, vector<16xi32>,
        %scan3A_336 = arith.constant 0 : i32
        scf.yield %scan3A_336 : i32
      }
      %scan3A_54 = arith.constant 16 : i32
      %scan3A_55 = arith.constant 0 : i32
      %scan3A_56 = arith.constant 0 : i32
      %scan3A_57 = arith.constant 32 : i32
      %scan3A_58 = arith.addi %scan3A_56, %scan3A_57 : i32
      %scan3A_59 = arith.constant 1 : i32
      %scan3A_60 = scf.for %scan3A_188 = %scan3A_56 to %scan3A_58 step %scan3A_59 iter_args(%scan3A_189 = %scan3A_55) -> (i32)  : i32 {
        %mul3A_190 = arith.constant 8 : i32
        %mul3A_191 = arith.muli %scan3A_188, %mul3A_190 : i32
        %add3A_192 = arith.constant 0 : i32
        %add3A_193 = arith.addi %mul3A_191, %add3A_192 : i32
        %add3A_194 = vector.broadcast %add3A_193 : i32 to vector<16xi32>
        %add3A_195 = arith.addi %mul3A_1, %add3A_194 : vector<16xi32>
        %gather3A = tpu.vector_load_idx %arg6[%add3A_195] : memref<4112xi32, #tpu.memory_space<vmem>>[vector<16xi32>], vector<16xi32>,
        %add3A_196 = vector.broadcast %add3A_193 : i32 to vector<16xi32>
        %add3A_197 = arith.addi %mul3A_1, %add3A_196 : vector<16xi32>
        %gather3A_198 = tpu.vector_load_idx %arg8[%add3A_197] : memref<4112xi32, #tpu.memory_space<vmem>>[vector<16xi32>], vector<16xi32>,
        %shift_right_logical3A = arith.constant 0 : i32
        %shift_right_logical3A_199 = vector.broadcast %shift_right_logical3A : i32 to vector<16xi32>
        %shift_right_logical3A_200 = arith.shrui %gather3A, %shift_right_logical3A_199 : vector<16xi32>
        %and3A = arith.constant 255 : i32
        %and3A_201 = vector.broadcast %and3A : i32 to vector<16xi32>
        %and3A_202 = arith.andi %shift_right_logical3A_200, %and3A_201 : vector<16xi32>
        %add3A_203 = arith.addi %mul3A_4, %and3A_202 : vector<16xi32>
        %gather3A_204 = tpu.vector_load_idx %arg10[%add3A_203] : memref<4224xi32, #tpu.memory_space<vmem>>[vector<16xi32>], vector<16xi32>,
        tpu.vector_store_idx %arg10[%add3A_203], %broadcast_in_dim3A_7 {add = true} : memref<4224xi32, #tpu.memory_space<vmem>>[vector<16xi32>], vector<16xi32>,
        %shift_right_logical3A_205 = arith.constant 8 : i32
        %shift_right_logical3A_206 = vector.broadcast %shift_right_logical3A_205 : i32 to vector<16xi32>
        %shift_right_logical3A_207 = arith.shrui %gather3A_204, %shift_right_logical3A_206 : vector<16xi32>
        %add3A_208 = arith.addi %gather3A_204, %shift_right_logical3A_207 : vector<16xi32>
        tpu.vector_store_idx %arg7[%add3A_208], %gather3A : memref<4112xi32, #tpu.memory_space<vmem>>[vector<16xi32>], vector<16xi32>,
        tpu.vector_store_idx %arg9[%add3A_208], %gather3A_198 : memref<4112xi32, #tpu.memory_space<vmem>>[vector<16xi32>], vector<16xi32>,
        %mul3A_209 = arith.constant 8 : i32
        %mul3A_210 = arith.muli %scan3A_188, %mul3A_209 : i32
        %add3A_211 = arith.constant 1 : i32
        %add3A_212 = arith.addi %mul3A_210, %add3A_211 : i32
        %add3A_213 = vector.broadcast %add3A_212 : i32 to vector<16xi32>
        %add3A_214 = arith.addi %mul3A_1, %add3A_213 : vector<16xi32>
        %gather3A_215 = tpu.vector_load_idx %arg6[%add3A_214] : memref<4112xi32, #tpu.memory_space<vmem>>[vector<16xi32>], vector<16xi32>,
        %add3A_216 = vector.broadcast %add3A_212 : i32 to vector<16xi32>
        %add3A_217 = arith.addi %mul3A_1, %add3A_216 : vector<16xi32>
        %gather3A_218 = tpu.vector_load_idx %arg8[%add3A_217] : memref<4112xi32, #tpu.memory_space<vmem>>[vector<16xi32>], vector<16xi32>,
        %shift_right_logical3A_219 = arith.constant 0 : i32
        %shift_right_logical3A_220 = vector.broadcast %shift_right_logical3A_219 : i32 to vector<16xi32>
        %shift_right_logical3A_221 = arith.shrui %gather3A_215, %shift_right_logical3A_220 : vector<16xi32>
        %and3A_222 = arith.constant 255 : i32
        %and3A_223 = vector.broadcast %and3A_222 : i32 to vector<16xi32>
        %and3A_224 = arith.andi %shift_right_logical3A_221, %and3A_223 : vector<16xi32>
        %add3A_225 = arith.addi %mul3A_4, %and3A_224 : vector<16xi32>
        %gather3A_226 = tpu.vector_load_idx %arg10[%add3A_225] : memref<4224xi32, #tpu.memory_space<vmem>>[vector<16xi32>], vector<16xi32>,
        tpu.vector_store_idx %arg10[%add3A_225], %broadcast_in_dim3A_7 {add = true} : memref<4224xi32, #tpu.memory_space<vmem>>[vector<16xi32>], vector<16xi32>,
        %shift_right_logical3A_227 = arith.constant 8 : i32
        %shift_right_logical3A_228 = vector.broadcast %shift_right_logical3A_227 : i32 to vector<16xi32>
        %shift_right_logical3A_229 = arith.shrui %gather3A_226, %shift_right_logical3A_228 : vector<16xi32>
        %add3A_230 = arith.addi %gather3A_226, %shift_right_logical3A_229 : vector<16xi32>
        tpu.vector_store_idx %arg7[%add3A_230], %gather3A_215 : memref<4112xi32, #tpu.memory_space<vmem>>[vector<16xi32>], vector<16xi32>,
        tpu.vector_store_idx %arg9[%add3A_230], %gather3A_218 : memref<4112xi32, #tpu.memory_space<vmem>>[vector<16xi32>], vector<16xi32>,
        %mul3A_231 = arith.constant 8 : i32
        %mul3A_232 = arith.muli %scan3A_188, %mul3A_231 : i32
        %add3A_233 = arith.constant 2 : i32
        %add3A_234 = arith.addi %mul3A_232, %add3A_233 : i32
        %add3A_235 = vector.broadcast %add3A_234 : i32 to vector<16xi32>
        %add3A_236 = arith.addi %mul3A_1, %add3A_235 : vector<16xi32>
        %gather3A_237 = tpu.vector_load_idx %arg6[%add3A_236] : memref<4112xi32, #tpu.memory_space<vmem>>[vector<16xi32>], vector<16xi32>,
        %add3A_238 = vector.broadcast %add3A_234 : i32 to vector<16xi32>
        %add3A_239 = arith.addi %mul3A_1, %add3A_238 : vector<16xi32>
        %gather3A_240 = tpu.vector_load_idx %arg8[%add3A_239] : memref<4112xi32, #tpu.memory_space<vmem>>[vector<16xi32>], vector<16xi32>,
        %shift_right_logical3A_241 = arith.constant 0 : i32
        %shift_right_logical3A_242 = vector.broadcast %shift_right_logical3A_241 : i32 to vector<16xi32>
        %shift_right_logical3A_243 = arith.shrui %gather3A_237, %shift_right_logical3A_242 : vector<16xi32>
        %and3A_244 = arith.constant 255 : i32
        %and3A_245 = vector.broadcast %and3A_244 : i32 to vector<16xi32>
        %and3A_246 = arith.andi %shift_right_logical3A_243, %and3A_245 : vector<16xi32>
        %add3A_247 = arith.addi %mul3A_4, %and3A_246 : vector<16xi32>
        %gather3A_248 = tpu.vector_load_idx %arg10[%add3A_247] : memref<4224xi32, #tpu.memory_space<vmem>>[vector<16xi32>], vector<16xi32>,
        tpu.vector_store_idx %arg10[%add3A_247], %broadcast_in_dim3A_7 {add = true} : memref<4224xi32, #tpu.memory_space<vmem>>[vector<16xi32>], vector<16xi32>,
        %shift_right_logical3A_249 = arith.constant 8 : i32
        %shift_right_logical3A_250 = vector.broadcast %shift_right_logical3A_249 : i32 to vector<16xi32>
        %shift_right_logical3A_251 = arith.shrui %gather3A_248, %shift_right_logical3A_250 : vector<16xi32>
        %add3A_252 = arith.addi %gather3A_248, %shift_right_logical3A_251 : vector<16xi32>
        tpu.vector_store_idx %arg7[%add3A_252], %gather3A_237 : memref<4112xi32, #tpu.memory_space<vmem>>[vector<16xi32>], vector<16xi32>,
        tpu.vector_store_idx %arg9[%add3A_252], %gather3A_240 : memref<4112xi32, #tpu.memory_space<vmem>>[vector<16xi32>], vector<16xi32>,
        %mul3A_253 = arith.constant 8 : i32
        %mul3A_254 = arith.muli %scan3A_188, %mul3A_253 : i32
        %add3A_255 = arith.constant 3 : i32
        %add3A_256 = arith.addi %mul3A_254, %add3A_255 : i32
        %add3A_257 = vector.broadcast %add3A_256 : i32 to vector<16xi32>
        %add3A_258 = arith.addi %mul3A_1, %add3A_257 : vector<16xi32>
        %gather3A_259 = tpu.vector_load_idx %arg6[%add3A_258] : memref<4112xi32, #tpu.memory_space<vmem>>[vector<16xi32>], vector<16xi32>,
        %add3A_260 = vector.broadcast %add3A_256 : i32 to vector<16xi32>
        %add3A_261 = arith.addi %mul3A_1, %add3A_260 : vector<16xi32>
        %gather3A_262 = tpu.vector_load_idx %arg8[%add3A_261] : memref<4112xi32, #tpu.memory_space<vmem>>[vector<16xi32>], vector<16xi32>,
        %shift_right_logical3A_263 = arith.constant 0 : i32
        %shift_right_logical3A_264 = vector.broadcast %shift_right_logical3A_263 : i32 to vector<16xi32>
        %shift_right_logical3A_265 = arith.shrui %gather3A_259, %shift_right_logical3A_264 : vector<16xi32>
        %and3A_266 = arith.constant 255 : i32
        %and3A_267 = vector.broadcast %and3A_266 : i32 to vector<16xi32>
        %and3A_268 = arith.andi %shift_right_logical3A_265, %and3A_267 : vector<16xi32>
        %add3A_269 = arith.addi %mul3A_4, %and3A_268 : vector<16xi32>
        %gather3A_270 = tpu.vector_load_idx %arg10[%add3A_269] : memref<4224xi32, #tpu.memory_space<vmem>>[vector<16xi32>], vector<16xi32>,
        tpu.vector_store_idx %arg10[%add3A_269], %broadcast_in_dim3A_7 {add = true} : memref<4224xi32, #tpu.memory_space<vmem>>[vector<16xi32>], vector<16xi32>,
        %shift_right_logical3A_271 = arith.constant 8 : i32
        %shift_right_logical3A_272 = vector.broadcast %shift_right_logical3A_271 : i32 to vector<16xi32>
        %shift_right_logical3A_273 = arith.shrui %gather3A_270, %shift_right_logical3A_272 : vector<16xi32>
        %add3A_274 = arith.addi %gather3A_270, %shift_right_logical3A_273 : vector<16xi32>
        tpu.vector_store_idx %arg7[%add3A_274], %gather3A_259 : memref<4112xi32, #tpu.memory_space<vmem>>[vector<16xi32>], vector<16xi32>,
        tpu.vector_store_idx %arg9[%add3A_274], %gather3A_262 : memref<4112xi32, #tpu.memory_space<vmem>>[vector<16xi32>], vector<16xi32>,
        %mul3A_275 = arith.constant 8 : i32
        %mul3A_276 = arith.muli %scan3A_188, %mul3A_275 : i32
        %add3A_277 = arith.constant 4 : i32
        %add3A_278 = arith.addi %mul3A_276, %add3A_277 : i32
        %add3A_279 = vector.broadcast %add3A_278 : i32 to vector<16xi32>
        %add3A_280 = arith.addi %mul3A_1, %add3A_279 : vector<16xi32>
        %gather3A_281 = tpu.vector_load_idx %arg6[%add3A_280] : memref<4112xi32, #tpu.memory_space<vmem>>[vector<16xi32>], vector<16xi32>,
        %add3A_282 = vector.broadcast %add3A_278 : i32 to vector<16xi32>
        %add3A_283 = arith.addi %mul3A_1, %add3A_282 : vector<16xi32>
        %gather3A_284 = tpu.vector_load_idx %arg8[%add3A_283] : memref<4112xi32, #tpu.memory_space<vmem>>[vector<16xi32>], vector<16xi32>,
        %shift_right_logical3A_285 = arith.constant 0 : i32
        %shift_right_logical3A_286 = vector.broadcast %shift_right_logical3A_285 : i32 to vector<16xi32>
        %shift_right_logical3A_287 = arith.shrui %gather3A_281, %shift_right_logical3A_286 : vector<16xi32>
        %and3A_288 = arith.constant 255 : i32
        %and3A_289 = vector.broadcast %and3A_288 : i32 to vector<16xi32>
        %and3A_290 = arith.andi %shift_right_logical3A_287, %and3A_289 : vector<16xi32>
        %add3A_291 = arith.addi %mul3A_4, %and3A_290 : vector<16xi32>
        %gather3A_292 = tpu.vector_load_idx %arg10[%add3A_291] : memref<4224xi32, #tpu.memory_space<vmem>>[vector<16xi32>], vector<16xi32>,
        tpu.vector_store_idx %arg10[%add3A_291], %broadcast_in_dim3A_7 {add = true} : memref<4224xi32, #tpu.memory_space<vmem>>[vector<16xi32>], vector<16xi32>,
        %shift_right_logical3A_293 = arith.constant 8 : i32
        %shift_right_logical3A_294 = vector.broadcast %shift_right_logical3A_293 : i32 to vector<16xi32>
        %shift_right_logical3A_295 = arith.shrui %gather3A_292, %shift_right_logical3A_294 : vector<16xi32>
        %add3A_296 = arith.addi %gather3A_292, %shift_right_logical3A_295 : vector<16xi32>
        tpu.vector_store_idx %arg7[%add3A_296], %gather3A_281 : memref<4112xi32, #tpu.memory_space<vmem>>[vector<16xi32>], vector<16xi32>,
        tpu.vector_store_idx %arg9[%add3A_296], %gather3A_284 : memref<4112xi32, #tpu.memory_space<vmem>>[vector<16xi32>], vector<16xi32>,
        %mul3A_297 = arith.constant 8 : i32
        %mul3A_298 = arith.muli %scan3A_188, %mul3A_297 : i32
        %add3A_299 = arith.constant 5 : i32
        %add3A_300 = arith.addi %mul3A_298, %add3A_299 : i32
        %add3A_301 = vector.broadcast %add3A_300 : i32 to vector<16xi32>
        %add3A_302 = arith.addi %mul3A_1, %add3A_301 : vector<16xi32>
        %gather3A_303 = tpu.vector_load_idx %arg6[%add3A_302] : memref<4112xi32, #tpu.memory_space<vmem>>[vector<16xi32>], vector<16xi32>,
        %add3A_304 = vector.broadcast %add3A_300 : i32 to vector<16xi32>
        %add3A_305 = arith.addi %mul3A_1, %add3A_304 : vector<16xi32>
        %gather3A_306 = tpu.vector_load_idx %arg8[%add3A_305] : memref<4112xi32, #tpu.memory_space<vmem>>[vector<16xi32>], vector<16xi32>,
        %shift_right_logical3A_307 = arith.constant 0 : i32
        %shift_right_logical3A_308 = vector.broadcast %shift_right_logical3A_307 : i32 to vector<16xi32>
        %shift_right_logical3A_309 = arith.shrui %gather3A_303, %shift_right_logical3A_308 : vector<16xi32>
        %and3A_310 = arith.constant 255 : i32
        %and3A_311 = vector.broadcast %and3A_310 : i32 to vector<16xi32>
        %and3A_312 = arith.andi %shift_right_logical3A_309, %and3A_311 : vector<16xi32>
        %add3A_313 = arith.addi %mul3A_4, %and3A_312 : vector<16xi32>
        %gather3A_314 = tpu.vector_load_idx %arg10[%add3A_313] : memref<4224xi32, #tpu.memory_space<vmem>>[vector<16xi32>], vector<16xi32>,
        tpu.vector_store_idx %arg10[%add3A_313], %broadcast_in_dim3A_7 {add = true} : memref<4224xi32, #tpu.memory_space<vmem>>[vector<16xi32>], vector<16xi32>,
        %shift_right_logical3A_315 = arith.constant 8 : i32
        %shift_right_logical3A_316 = vector.broadcast %shift_right_logical3A_315 : i32 to vector<16xi32>
        %shift_right_logical3A_317 = arith.shrui %gather3A_314, %shift_right_logical3A_316 : vector<16xi32>
        %add3A_318 = arith.addi %gather3A_314, %shift_right_logical3A_317 : vector<16xi32>
        tpu.vector_store_idx %arg7[%add3A_318], %gather3A_303 : memref<4112xi32, #tpu.memory_space<vmem>>[vector<16xi32>], vector<16xi32>,
        tpu.vector_store_idx %arg9[%add3A_318], %gather3A_306 : memref<4112xi32, #tpu.memory_space<vmem>>[vector<16xi32>], vector<16xi32>,
        %mul3A_319 = arith.constant 8 : i32
        %mul3A_320 = arith.muli %scan3A_188, %mul3A_319 : i32
        %add3A_321 = arith.constant 6 : i32
        %add3A_322 = arith.addi %mul3A_320, %add3A_321 : i32
        %add3A_323 = vector.broadcast %add3A_322 : i32 to vector<16xi32>
        %add3A_324 = arith.addi %mul3A_1, %add3A_323 : vector<16xi32>
        %gather3A_325 = tpu.vector_load_idx %arg6[%add3A_324] : memref<4112xi32, #tpu.memory_space<vmem>>[vector<16xi32>], vector<16xi32>,
        %add3A_326 = vector.broadcast %add3A_322 : i32 to vector<16xi32>
        %add3A_327 = arith.addi %mul3A_1, %add3A_326 : vector<16xi32>
        %gather3A_328 = tpu.vector_load_idx %arg8[%add3A_327] : memref<4112xi32, #tpu.memory_space<vmem>>[vector<16xi32>], vector<16xi32>,
        %shift_right_logical3A_329 = arith.constant 0 : i32
        %shift_right_logical3A_330 = vector.broadcast %shift_right_logical3A_329 : i32 to vector<16xi32>
        %shift_right_logical3A_331 = arith.shrui %gather3A_325, %shift_right_logical3A_330 : vector<16xi32>
        %and3A_332 = arith.constant 255 : i32
        %and3A_333 = vector.broadcast %and3A_332 : i32 to vector<16xi32>
        %and3A_334 = arith.andi %shift_right_logical3A_331, %and3A_333 : vector<16xi32>
        %add3A_335 = arith.addi %mul3A_4, %and3A_334 : vector<16xi32>
        %gather3A_336 = tpu.vector_load_idx %arg10[%add3A_335] : memref<4224xi32, #tpu.memory_space<vmem>>[vector<16xi32>], vector<16xi32>,
        tpu.vector_store_idx %arg10[%add3A_335], %broadcast_in_dim3A_7 {add = true} : memref<4224xi32, #tpu.memory_space<vmem>>[vector<16xi32>], vector<16xi32>,
        %shift_right_logical3A_337 = arith.constant 8 : i32
        %shift_right_logical3A_338 = vector.broadcast %shift_right_logical3A_337 : i32 to vector<16xi32>
        %shift_right_logical3A_339 = arith.shrui %gather3A_336, %shift_right_logical3A_338 : vector<16xi32>
        %add3A_340 = arith.addi %gather3A_336, %shift_right_logical3A_339 : vector<16xi32>
        tpu.vector_store_idx %arg7[%add3A_340], %gather3A_325 : memref<4112xi32, #tpu.memory_space<vmem>>[vector<16xi32>], vector<16xi32>,
        tpu.vector_store_idx %arg9[%add3A_340], %gather3A_328 : memref<4112xi32, #tpu.memory_space<vmem>>[vector<16xi32>], vector<16xi32>,
        %mul3A_341 = arith.constant 8 : i32
        %mul3A_342 = arith.muli %scan3A_188, %mul3A_341 : i32
        %add3A_343 = arith.constant 7 : i32
        %add3A_344 = arith.addi %mul3A_342, %add3A_343 : i32
        %add3A_345 = vector.broadcast %add3A_344 : i32 to vector<16xi32>
        %add3A_346 = arith.addi %mul3A_1, %add3A_345 : vector<16xi32>
        %gather3A_347 = tpu.vector_load_idx %arg6[%add3A_346] : memref<4112xi32, #tpu.memory_space<vmem>>[vector<16xi32>], vector<16xi32>,
        %add3A_348 = vector.broadcast %add3A_344 : i32 to vector<16xi32>
        %add3A_349 = arith.addi %mul3A_1, %add3A_348 : vector<16xi32>
        %gather3A_350 = tpu.vector_load_idx %arg8[%add3A_349] : memref<4112xi32, #tpu.memory_space<vmem>>[vector<16xi32>], vector<16xi32>,
        %shift_right_logical3A_351 = arith.constant 0 : i32
        %shift_right_logical3A_352 = vector.broadcast %shift_right_logical3A_351 : i32 to vector<16xi32>
        %shift_right_logical3A_353 = arith.shrui %gather3A_347, %shift_right_logical3A_352 : vector<16xi32>
        %and3A_354 = arith.constant 255 : i32
        %and3A_355 = vector.broadcast %and3A_354 : i32 to vector<16xi32>
        %and3A_356 = arith.andi %shift_right_logical3A_353, %and3A_355 : vector<16xi32>
        %add3A_357 = arith.addi %mul3A_4, %and3A_356 : vector<16xi32>
        %gather3A_358 = tpu.vector_load_idx %arg10[%add3A_357] : memref<4224xi32, #tpu.memory_space<vmem>>[vector<16xi32>], vector<16xi32>,
        tpu.vector_store_idx %arg10[%add3A_357], %broadcast_in_dim3A_7 {add = true} : memref<4224xi32, #tpu.memory_space<vmem>>[vector<16xi32>], vector<16xi32>,
        %shift_right_logical3A_359 = arith.constant 8 : i32
        %shift_right_logical3A_360 = vector.broadcast %shift_right_logical3A_359 : i32 to vector<16xi32>
        %shift_right_logical3A_361 = arith.shrui %gather3A_358, %shift_right_logical3A_360 : vector<16xi32>
        %add3A_362 = arith.addi %gather3A_358, %shift_right_logical3A_361 : vector<16xi32>
        tpu.vector_store_idx %arg7[%add3A_362], %gather3A_347 : memref<4112xi32, #tpu.memory_space<vmem>>[vector<16xi32>], vector<16xi32>,
        tpu.vector_store_idx %arg9[%add3A_362], %gather3A_350 : memref<4112xi32, #tpu.memory_space<vmem>>[vector<16xi32>], vector<16xi32>,
        %scan3A_363 = arith.constant 0 : i32
        scf.yield %scan3A_363 : i32
      }
      %scan3A_61 = arith.constant 32 : i32
      %scan3A_62 = arith.constant 0 : i32
      %scan3A_63 = arith.constant 0 : i32
      %scan3A_64 = arith.constant 33 : i32
      %scan3A_65 = arith.addi %scan3A_63, %scan3A_64 : i32
      %scan3A_66 = arith.constant 1 : i32
      %scan3A_67 = scf.for %scan3A_188 = %scan3A_63 to %scan3A_65 step %scan3A_66 iter_args(%scan3A_189 = %scan3A_62) -> (i32)  : i32 {
        %mul3A_190 = arith.constant 8 : i32
        %mul3A_191 = arith.muli %scan3A_188, %mul3A_190 : i32
        %add3A_192 = arith.constant 0 : i32
        %add3A_193 = arith.addi %mul3A_191, %add3A_192 : i32
        %mul3A_194 = arith.constant 16 : i32
        %mul3A_195 = arith.muli %add3A_193, %mul3A_194 : i32
        %swap3A = arith.index_cast %mul3A_195 : i32 to index
        %swap3A_196 = tpu.vector_load %arg10[%swap3A] {strides = array<i32>} : memref<4224xi32, #tpu.memory_space<vmem>>, vector<16xi32>,
        tpu.vector_store %arg10[%swap3A], %broadcast_in_dim3A_5 {strides = array<i32>} : memref<4224xi32, #tpu.memory_space<vmem>>, vector<16xi32>,
        %mul3A_197 = arith.constant 8 : i32
        %mul3A_198 = arith.muli %scan3A_188, %mul3A_197 : i32
        %add3A_199 = arith.constant 1 : i32
        %add3A_200 = arith.addi %mul3A_198, %add3A_199 : i32
        %mul3A_201 = arith.constant 16 : i32
        %mul3A_202 = arith.muli %add3A_200, %mul3A_201 : i32
        %swap3A_203 = arith.index_cast %mul3A_202 : i32 to index
        %swap3A_204 = tpu.vector_load %arg10[%swap3A_203] {strides = array<i32>} : memref<4224xi32, #tpu.memory_space<vmem>>, vector<16xi32>,
        tpu.vector_store %arg10[%swap3A_203], %broadcast_in_dim3A_5 {strides = array<i32>} : memref<4224xi32, #tpu.memory_space<vmem>>, vector<16xi32>,
        %mul3A_205 = arith.constant 8 : i32
        %mul3A_206 = arith.muli %scan3A_188, %mul3A_205 : i32
        %add3A_207 = arith.constant 2 : i32
        %add3A_208 = arith.addi %mul3A_206, %add3A_207 : i32
        %mul3A_209 = arith.constant 16 : i32
        %mul3A_210 = arith.muli %add3A_208, %mul3A_209 : i32
        %swap3A_211 = arith.index_cast %mul3A_210 : i32 to index
        %swap3A_212 = tpu.vector_load %arg10[%swap3A_211] {strides = array<i32>} : memref<4224xi32, #tpu.memory_space<vmem>>, vector<16xi32>,
        tpu.vector_store %arg10[%swap3A_211], %broadcast_in_dim3A_5 {strides = array<i32>} : memref<4224xi32, #tpu.memory_space<vmem>>, vector<16xi32>,
        %mul3A_213 = arith.constant 8 : i32
        %mul3A_214 = arith.muli %scan3A_188, %mul3A_213 : i32
        %add3A_215 = arith.constant 3 : i32
        %add3A_216 = arith.addi %mul3A_214, %add3A_215 : i32
        %mul3A_217 = arith.constant 16 : i32
        %mul3A_218 = arith.muli %add3A_216, %mul3A_217 : i32
        %swap3A_219 = arith.index_cast %mul3A_218 : i32 to index
        %swap3A_220 = tpu.vector_load %arg10[%swap3A_219] {strides = array<i32>} : memref<4224xi32, #tpu.memory_space<vmem>>, vector<16xi32>,
        tpu.vector_store %arg10[%swap3A_219], %broadcast_in_dim3A_5 {strides = array<i32>} : memref<4224xi32, #tpu.memory_space<vmem>>, vector<16xi32>,
        %mul3A_221 = arith.constant 8 : i32
        %mul3A_222 = arith.muli %scan3A_188, %mul3A_221 : i32
        %add3A_223 = arith.constant 4 : i32
        %add3A_224 = arith.addi %mul3A_222, %add3A_223 : i32
        %mul3A_225 = arith.constant 16 : i32
        %mul3A_226 = arith.muli %add3A_224, %mul3A_225 : i32
        %swap3A_227 = arith.index_cast %mul3A_226 : i32 to index
        %swap3A_228 = tpu.vector_load %arg10[%swap3A_227] {strides = array<i32>} : memref<4224xi32, #tpu.memory_space<vmem>>, vector<16xi32>,
        tpu.vector_store %arg10[%swap3A_227], %broadcast_in_dim3A_5 {strides = array<i32>} : memref<4224xi32, #tpu.memory_space<vmem>>, vector<16xi32>,
        %mul3A_229 = arith.constant 8 : i32
        %mul3A_230 = arith.muli %scan3A_188, %mul3A_229 : i32
        %add3A_231 = arith.constant 5 : i32
        %add3A_232 = arith.addi %mul3A_230, %add3A_231 : i32
        %mul3A_233 = arith.constant 16 : i32
        %mul3A_234 = arith.muli %add3A_232, %mul3A_233 : i32
        %swap3A_235 = arith.index_cast %mul3A_234 : i32 to index
        %swap3A_236 = tpu.vector_load %arg10[%swap3A_235] {strides = array<i32>} : memref<4224xi32, #tpu.memory_space<vmem>>, vector<16xi32>,
        tpu.vector_store %arg10[%swap3A_235], %broadcast_in_dim3A_5 {strides = array<i32>} : memref<4224xi32, #tpu.memory_space<vmem>>, vector<16xi32>,
        %mul3A_237 = arith.constant 8 : i32
        %mul3A_238 = arith.muli %scan3A_188, %mul3A_237 : i32
        %add3A_239 = arith.constant 6 : i32
        %add3A_240 = arith.addi %mul3A_238, %add3A_239 : i32
        %mul3A_241 = arith.constant 16 : i32
        %mul3A_242 = arith.muli %add3A_240, %mul3A_241 : i32
        %swap3A_243 = arith.index_cast %mul3A_242 : i32 to index
        %swap3A_244 = tpu.vector_load %arg10[%swap3A_243] {strides = array<i32>} : memref<4224xi32, #tpu.memory_space<vmem>>, vector<16xi32>,
        tpu.vector_store %arg10[%swap3A_243], %broadcast_in_dim3A_5 {strides = array<i32>} : memref<4224xi32, #tpu.memory_space<vmem>>, vector<16xi32>,
        %mul3A_245 = arith.constant 8 : i32
        %mul3A_246 = arith.muli %scan3A_188, %mul3A_245 : i32
        %add3A_247 = arith.constant 7 : i32
        %add3A_248 = arith.addi %mul3A_246, %add3A_247 : i32
        %mul3A_249 = arith.constant 16 : i32
        %mul3A_250 = arith.muli %add3A_248, %mul3A_249 : i32
        %swap3A_251 = arith.index_cast %mul3A_250 : i32 to index
        %swap3A_252 = tpu.vector_load %arg10[%swap3A_251] {strides = array<i32>} : memref<4224xi32, #tpu.memory_space<vmem>>, vector<16xi32>,
        tpu.vector_store %arg10[%swap3A_251], %broadcast_in_dim3A_5 {strides = array<i32>} : memref<4224xi32, #tpu.memory_space<vmem>>, vector<16xi32>,
        %scan3A_253 = arith.constant 0 : i32
        scf.yield %scan3A_253 : i32
      }
      %scan3A_68 = arith.constant 33 : i32
      %scan3A_69 = arith.constant 0 : i32
      %scan3A_70 = arith.constant 0 : i32
      %scan3A_71 = arith.constant 32 : i32
      %scan3A_72 = arith.addi %scan3A_70, %scan3A_71 : i32
      %scan3A_73 = arith.constant 1 : i32
      %scan3A_74 = scf.for %scan3A_188 = %scan3A_70 to %scan3A_72 step %scan3A_73 iter_args(%scan3A_189 = %scan3A_69) -> (i32)  : i32 {
        %mul3A_190 = arith.constant 8 : i32
        %mul3A_191 = arith.muli %scan3A_188, %mul3A_190 : i32
        %add3A_192 = arith.constant 0 : i32
        %add3A_193 = arith.addi %mul3A_191, %add3A_192 : i32
        %add3A_194 = vector.broadcast %add3A_193 : i32 to vector<16xi32>
        %add3A_195 = arith.addi %mul3A_1, %add3A_194 : vector<16xi32>
        %gather3A = tpu.vector_load_idx %arg7[%add3A_195] : memref<4112xi32, #tpu.memory_space<vmem>>[vector<16xi32>], vector<16xi32>,
        %shift_right_logical3A = arith.constant 8 : i32
        %shift_right_logical3A_196 = vector.broadcast %shift_right_logical3A : i32 to vector<16xi32>
        %shift_right_logical3A_197 = arith.shrui %gather3A, %shift_right_logical3A_196 : vector<16xi32>
        %and3A = arith.constant 255 : i32
        %and3A_198 = vector.broadcast %and3A : i32 to vector<16xi32>
        %and3A_199 = arith.andi %shift_right_logical3A_197, %and3A_198 : vector<16xi32>
        %add3A_200 = arith.addi %mul3A_4, %and3A_199 : vector<16xi32>
        tpu.vector_store_idx %arg10[%add3A_200], %broadcast_in_dim3A_7 {add = true} : memref<4224xi32, #tpu.memory_space<vmem>>[vector<16xi32>], vector<16xi32>,
        %mul3A_201 = arith.constant 8 : i32
        %mul3A_202 = arith.muli %scan3A_188, %mul3A_201 : i32
        %add3A_203 = arith.constant 1 : i32
        %add3A_204 = arith.addi %mul3A_202, %add3A_203 : i32
        %add3A_205 = vector.broadcast %add3A_204 : i32 to vector<16xi32>
        %add3A_206 = arith.addi %mul3A_1, %add3A_205 : vector<16xi32>
        %gather3A_207 = tpu.vector_load_idx %arg7[%add3A_206] : memref<4112xi32, #tpu.memory_space<vmem>>[vector<16xi32>], vector<16xi32>,
        %shift_right_logical3A_208 = arith.constant 8 : i32
        %shift_right_logical3A_209 = vector.broadcast %shift_right_logical3A_208 : i32 to vector<16xi32>
        %shift_right_logical3A_210 = arith.shrui %gather3A_207, %shift_right_logical3A_209 : vector<16xi32>
        %and3A_211 = arith.constant 255 : i32
        %and3A_212 = vector.broadcast %and3A_211 : i32 to vector<16xi32>
        %and3A_213 = arith.andi %shift_right_logical3A_210, %and3A_212 : vector<16xi32>
        %add3A_214 = arith.addi %mul3A_4, %and3A_213 : vector<16xi32>
        tpu.vector_store_idx %arg10[%add3A_214], %broadcast_in_dim3A_7 {add = true} : memref<4224xi32, #tpu.memory_space<vmem>>[vector<16xi32>], vector<16xi32>,
        %mul3A_215 = arith.constant 8 : i32
        %mul3A_216 = arith.muli %scan3A_188, %mul3A_215 : i32
        %add3A_217 = arith.constant 2 : i32
        %add3A_218 = arith.addi %mul3A_216, %add3A_217 : i32
        %add3A_219 = vector.broadcast %add3A_218 : i32 to vector<16xi32>
        %add3A_220 = arith.addi %mul3A_1, %add3A_219 : vector<16xi32>
        %gather3A_221 = tpu.vector_load_idx %arg7[%add3A_220] : memref<4112xi32, #tpu.memory_space<vmem>>[vector<16xi32>], vector<16xi32>,
        %shift_right_logical3A_222 = arith.constant 8 : i32
        %shift_right_logical3A_223 = vector.broadcast %shift_right_logical3A_222 : i32 to vector<16xi32>
        %shift_right_logical3A_224 = arith.shrui %gather3A_221, %shift_right_logical3A_223 : vector<16xi32>
        %and3A_225 = arith.constant 255 : i32
        %and3A_226 = vector.broadcast %and3A_225 : i32 to vector<16xi32>
        %and3A_227 = arith.andi %shift_right_logical3A_224, %and3A_226 : vector<16xi32>
        %add3A_228 = arith.addi %mul3A_4, %and3A_227 : vector<16xi32>
        tpu.vector_store_idx %arg10[%add3A_228], %broadcast_in_dim3A_7 {add = true} : memref<4224xi32, #tpu.memory_space<vmem>>[vector<16xi32>], vector<16xi32>,
        %mul3A_229 = arith.constant 8 : i32
        %mul3A_230 = arith.muli %scan3A_188, %mul3A_229 : i32
        %add3A_231 = arith.constant 3 : i32
        %add3A_232 = arith.addi %mul3A_230, %add3A_231 : i32
        %add3A_233 = vector.broadcast %add3A_232 : i32 to vector<16xi32>
        %add3A_234 = arith.addi %mul3A_1, %add3A_233 : vector<16xi32>
        %gather3A_235 = tpu.vector_load_idx %arg7[%add3A_234] : memref<4112xi32, #tpu.memory_space<vmem>>[vector<16xi32>], vector<16xi32>,
        %shift_right_logical3A_236 = arith.constant 8 : i32
        %shift_right_logical3A_237 = vector.broadcast %shift_right_logical3A_236 : i32 to vector<16xi32>
        %shift_right_logical3A_238 = arith.shrui %gather3A_235, %shift_right_logical3A_237 : vector<16xi32>
        %and3A_239 = arith.constant 255 : i32
        %and3A_240 = vector.broadcast %and3A_239 : i32 to vector<16xi32>
        %and3A_241 = arith.andi %shift_right_logical3A_238, %and3A_240 : vector<16xi32>
        %add3A_242 = arith.addi %mul3A_4, %and3A_241 : vector<16xi32>
        tpu.vector_store_idx %arg10[%add3A_242], %broadcast_in_dim3A_7 {add = true} : memref<4224xi32, #tpu.memory_space<vmem>>[vector<16xi32>], vector<16xi32>,
        %mul3A_243 = arith.constant 8 : i32
        %mul3A_244 = arith.muli %scan3A_188, %mul3A_243 : i32
        %add3A_245 = arith.constant 4 : i32
        %add3A_246 = arith.addi %mul3A_244, %add3A_245 : i32
        %add3A_247 = vector.broadcast %add3A_246 : i32 to vector<16xi32>
        %add3A_248 = arith.addi %mul3A_1, %add3A_247 : vector<16xi32>
        %gather3A_249 = tpu.vector_load_idx %arg7[%add3A_248] : memref<4112xi32, #tpu.memory_space<vmem>>[vector<16xi32>], vector<16xi32>,
        %shift_right_logical3A_250 = arith.constant 8 : i32
        %shift_right_logical3A_251 = vector.broadcast %shift_right_logical3A_250 : i32 to vector<16xi32>
        %shift_right_logical3A_252 = arith.shrui %gather3A_249, %shift_right_logical3A_251 : vector<16xi32>
        %and3A_253 = arith.constant 255 : i32
        %and3A_254 = vector.broadcast %and3A_253 : i32 to vector<16xi32>
        %and3A_255 = arith.andi %shift_right_logical3A_252, %and3A_254 : vector<16xi32>
        %add3A_256 = arith.addi %mul3A_4, %and3A_255 : vector<16xi32>
        tpu.vector_store_idx %arg10[%add3A_256], %broadcast_in_dim3A_7 {add = true} : memref<4224xi32, #tpu.memory_space<vmem>>[vector<16xi32>], vector<16xi32>,
        %mul3A_257 = arith.constant 8 : i32
        %mul3A_258 = arith.muli %scan3A_188, %mul3A_257 : i32
        %add3A_259 = arith.constant 5 : i32
        %add3A_260 = arith.addi %mul3A_258, %add3A_259 : i32
        %add3A_261 = vector.broadcast %add3A_260 : i32 to vector<16xi32>
        %add3A_262 = arith.addi %mul3A_1, %add3A_261 : vector<16xi32>
        %gather3A_263 = tpu.vector_load_idx %arg7[%add3A_262] : memref<4112xi32, #tpu.memory_space<vmem>>[vector<16xi32>], vector<16xi32>,
        %shift_right_logical3A_264 = arith.constant 8 : i32
        %shift_right_logical3A_265 = vector.broadcast %shift_right_logical3A_264 : i32 to vector<16xi32>
        %shift_right_logical3A_266 = arith.shrui %gather3A_263, %shift_right_logical3A_265 : vector<16xi32>
        %and3A_267 = arith.constant 255 : i32
        %and3A_268 = vector.broadcast %and3A_267 : i32 to vector<16xi32>
        %and3A_269 = arith.andi %shift_right_logical3A_266, %and3A_268 : vector<16xi32>
        %add3A_270 = arith.addi %mul3A_4, %and3A_269 : vector<16xi32>
        tpu.vector_store_idx %arg10[%add3A_270], %broadcast_in_dim3A_7 {add = true} : memref<4224xi32, #tpu.memory_space<vmem>>[vector<16xi32>], vector<16xi32>,
        %mul3A_271 = arith.constant 8 : i32
        %mul3A_272 = arith.muli %scan3A_188, %mul3A_271 : i32
        %add3A_273 = arith.constant 6 : i32
        %add3A_274 = arith.addi %mul3A_272, %add3A_273 : i32
        %add3A_275 = vector.broadcast %add3A_274 : i32 to vector<16xi32>
        %add3A_276 = arith.addi %mul3A_1, %add3A_275 : vector<16xi32>
        %gather3A_277 = tpu.vector_load_idx %arg7[%add3A_276] : memref<4112xi32, #tpu.memory_space<vmem>>[vector<16xi32>], vector<16xi32>,
        %shift_right_logical3A_278 = arith.constant 8 : i32
        %shift_right_logical3A_279 = vector.broadcast %shift_right_logical3A_278 : i32 to vector<16xi32>
        %shift_right_logical3A_280 = arith.shrui %gather3A_277, %shift_right_logical3A_279 : vector<16xi32>
        %and3A_281 = arith.constant 255 : i32
        %and3A_282 = vector.broadcast %and3A_281 : i32 to vector<16xi32>
        %and3A_283 = arith.andi %shift_right_logical3A_280, %and3A_282 : vector<16xi32>
        %add3A_284 = arith.addi %mul3A_4, %and3A_283 : vector<16xi32>
        tpu.vector_store_idx %arg10[%add3A_284], %broadcast_in_dim3A_7 {add = true} : memref<4224xi32, #tpu.memory_space<vmem>>[vector<16xi32>], vector<16xi32>,
        %mul3A_285 = arith.constant 8 : i32
        %mul3A_286 = arith.muli %scan3A_188, %mul3A_285 : i32
        %add3A_287 = arith.constant 7 : i32
        %add3A_288 = arith.addi %mul3A_286, %add3A_287 : i32
        %add3A_289 = vector.broadcast %add3A_288 : i32 to vector<16xi32>
        %add3A_290 = arith.addi %mul3A_1, %add3A_289 : vector<16xi32>
        %gather3A_291 = tpu.vector_load_idx %arg7[%add3A_290] : memref<4112xi32, #tpu.memory_space<vmem>>[vector<16xi32>], vector<16xi32>,
        %shift_right_logical3A_292 = arith.constant 8 : i32
        %shift_right_logical3A_293 = vector.broadcast %shift_right_logical3A_292 : i32 to vector<16xi32>
        %shift_right_logical3A_294 = arith.shrui %gather3A_291, %shift_right_logical3A_293 : vector<16xi32>
        %and3A_295 = arith.constant 255 : i32
        %and3A_296 = vector.broadcast %and3A_295 : i32 to vector<16xi32>
        %and3A_297 = arith.andi %shift_right_logical3A_294, %and3A_296 : vector<16xi32>
        %add3A_298 = arith.addi %mul3A_4, %and3A_297 : vector<16xi32>
        tpu.vector_store_idx %arg10[%add3A_298], %broadcast_in_dim3A_7 {add = true} : memref<4224xi32, #tpu.memory_space<vmem>>[vector<16xi32>], vector<16xi32>,
        %scan3A_299 = arith.constant 0 : i32
        scf.yield %scan3A_299 : i32
      }
      %scan3A_75 = arith.constant 32 : i32
      %scan3A_76 = arith.constant 0 : i32
      %scan3A_77 = arith.constant 0 : i32
      %scan3A_78 = arith.constant 16 : i32
      %scan3A_79 = arith.addi %scan3A_77, %scan3A_78 : i32
      %scan3A_80 = arith.constant 1 : i32
      %scan3A_81 = scf.for %scan3A_188 = %scan3A_77 to %scan3A_79 step %scan3A_80 iter_args(%scan3A_189 = %scan3A_76) -> (i32)  : i32 {
        %mul3A_190 = arith.constant 16 : i32
        %mul3A_191 = arith.muli %scan3A_188, %mul3A_190 : i32
        %add3A_192 = arith.constant 0 : i32
        %add3A_193 = arith.addi %add3A_192, %mul3A_191 : i32
        %get3A = arith.index_cast %add3A_193 : i32 to index
        %get3A_194 = tpu.vector_load %arg10[%get3A] {strides = array<i32>} : memref<4224xi32, #tpu.memory_space<vmem>>, vector<16xi32>,
        %swap3A = arith.index_cast %add3A_193 : i32 to index
        %swap3A_195 = tpu.vector_load %arg10[%swap3A] {strides = array<i32>} : memref<4224xi32, #tpu.memory_space<vmem>>, vector<16xi32>,
        tpu.vector_store %arg10[%swap3A], %broadcast_in_dim3A_5 {strides = array<i32>} : memref<4224xi32, #tpu.memory_space<vmem>>, vector<16xi32>,
        %add3A_196 = arith.addi %broadcast_in_dim3A_5, %get3A_194 : vector<16xi32>
        %mul3A_197 = arith.constant 16 : i32
        %mul3A_198 = arith.muli %scan3A_188, %mul3A_197 : i32
        %add3A_199 = arith.constant 257 : i32
        %add3A_200 = arith.addi %add3A_199, %mul3A_198 : i32
        %get3A_201 = arith.index_cast %add3A_200 : i32 to index
        %get3A_202 = tpu.vector_load %arg10[%get3A_201] {strides = array<i32>} : memref<4224xi32, #tpu.memory_space<vmem>>, vector<16xi32>,
        %swap3A_203 = arith.index_cast %add3A_200 : i32 to index
        %swap3A_204 = tpu.vector_load %arg10[%swap3A_203] {strides = array<i32>} : memref<4224xi32, #tpu.memory_space<vmem>>, vector<16xi32>,
        tpu.vector_store %arg10[%swap3A_203], %add3A_196 {strides = array<i32>} : memref<4224xi32, #tpu.memory_space<vmem>>, vector<16xi32>,
        %add3A_205 = arith.addi %add3A_196, %get3A_202 : vector<16xi32>
        %mul3A_206 = arith.constant 16 : i32
        %mul3A_207 = arith.muli %scan3A_188, %mul3A_206 : i32
        %add3A_208 = arith.constant 514 : i32
        %add3A_209 = arith.addi %add3A_208, %mul3A_207 : i32
        %get3A_210 = arith.index_cast %add3A_209 : i32 to index
        %get3A_211 = tpu.vector_load %arg10[%get3A_210] {strides = array<i32>} : memref<4224xi32, #tpu.memory_space<vmem>>, vector<16xi32>,
        %swap3A_212 = arith.index_cast %add3A_209 : i32 to index
        %swap3A_213 = tpu.vector_load %arg10[%swap3A_212] {strides = array<i32>} : memref<4224xi32, #tpu.memory_space<vmem>>, vector<16xi32>,
        tpu.vector_store %arg10[%swap3A_212], %add3A_205 {strides = array<i32>} : memref<4224xi32, #tpu.memory_space<vmem>>, vector<16xi32>,
        %add3A_214 = arith.addi %add3A_205, %get3A_211 : vector<16xi32>
        %mul3A_215 = arith.constant 16 : i32
        %mul3A_216 = arith.muli %scan3A_188, %mul3A_215 : i32
        %add3A_217 = arith.constant 771 : i32
        %add3A_218 = arith.addi %add3A_217, %mul3A_216 : i32
        %get3A_219 = arith.index_cast %add3A_218 : i32 to index
        %get3A_220 = tpu.vector_load %arg10[%get3A_219] {strides = array<i32>} : memref<4224xi32, #tpu.memory_space<vmem>>, vector<16xi32>,
        %swap3A_221 = arith.index_cast %add3A_218 : i32 to index
        %swap3A_222 = tpu.vector_load %arg10[%swap3A_221] {strides = array<i32>} : memref<4224xi32, #tpu.memory_space<vmem>>, vector<16xi32>,
        tpu.vector_store %arg10[%swap3A_221], %add3A_214 {strides = array<i32>} : memref<4224xi32, #tpu.memory_space<vmem>>, vector<16xi32>,
        %add3A_223 = arith.addi %add3A_214, %get3A_220 : vector<16xi32>
        %mul3A_224 = arith.constant 16 : i32
        %mul3A_225 = arith.muli %scan3A_188, %mul3A_224 : i32
        %add3A_226 = arith.constant 1028 : i32
        %add3A_227 = arith.addi %add3A_226, %mul3A_225 : i32
        %get3A_228 = arith.index_cast %add3A_227 : i32 to index
        %get3A_229 = tpu.vector_load %arg10[%get3A_228] {strides = array<i32>} : memref<4224xi32, #tpu.memory_space<vmem>>, vector<16xi32>,
        %swap3A_230 = arith.index_cast %add3A_227 : i32 to index
        %swap3A_231 = tpu.vector_load %arg10[%swap3A_230] {strides = array<i32>} : memref<4224xi32, #tpu.memory_space<vmem>>, vector<16xi32>,
        tpu.vector_store %arg10[%swap3A_230], %add3A_223 {strides = array<i32>} : memref<4224xi32, #tpu.memory_space<vmem>>, vector<16xi32>,
        %add3A_232 = arith.addi %add3A_223, %get3A_229 : vector<16xi32>
        %mul3A_233 = arith.constant 16 : i32
        %mul3A_234 = arith.muli %scan3A_188, %mul3A_233 : i32
        %add3A_235 = arith.constant 1285 : i32
        %add3A_236 = arith.addi %add3A_235, %mul3A_234 : i32
        %get3A_237 = arith.index_cast %add3A_236 : i32 to index
        %get3A_238 = tpu.vector_load %arg10[%get3A_237] {strides = array<i32>} : memref<4224xi32, #tpu.memory_space<vmem>>, vector<16xi32>,
        %swap3A_239 = arith.index_cast %add3A_236 : i32 to index
        %swap3A_240 = tpu.vector_load %arg10[%swap3A_239] {strides = array<i32>} : memref<4224xi32, #tpu.memory_space<vmem>>, vector<16xi32>,
        tpu.vector_store %arg10[%swap3A_239], %add3A_232 {strides = array<i32>} : memref<4224xi32, #tpu.memory_space<vmem>>, vector<16xi32>,
        %add3A_241 = arith.addi %add3A_232, %get3A_238 : vector<16xi32>
        %mul3A_242 = arith.constant 16 : i32
        %mul3A_243 = arith.muli %scan3A_188, %mul3A_242 : i32
        %add3A_244 = arith.constant 1542 : i32
        %add3A_245 = arith.addi %add3A_244, %mul3A_243 : i32
        %get3A_246 = arith.index_cast %add3A_245 : i32 to index
        %get3A_247 = tpu.vector_load %arg10[%get3A_246] {strides = array<i32>} : memref<4224xi32, #tpu.memory_space<vmem>>, vector<16xi32>,
        %swap3A_248 = arith.index_cast %add3A_245 : i32 to index
        %swap3A_249 = tpu.vector_load %arg10[%swap3A_248] {strides = array<i32>} : memref<4224xi32, #tpu.memory_space<vmem>>, vector<16xi32>,
        tpu.vector_store %arg10[%swap3A_248], %add3A_241 {strides = array<i32>} : memref<4224xi32, #tpu.memory_space<vmem>>, vector<16xi32>,
        %add3A_250 = arith.addi %add3A_241, %get3A_247 : vector<16xi32>
        %mul3A_251 = arith.constant 16 : i32
        %mul3A_252 = arith.muli %scan3A_188, %mul3A_251 : i32
        %add3A_253 = arith.constant 1799 : i32
        %add3A_254 = arith.addi %add3A_253, %mul3A_252 : i32
        %get3A_255 = arith.index_cast %add3A_254 : i32 to index
        %get3A_256 = tpu.vector_load %arg10[%get3A_255] {strides = array<i32>} : memref<4224xi32, #tpu.memory_space<vmem>>, vector<16xi32>,
        %swap3A_257 = arith.index_cast %add3A_254 : i32 to index
        %swap3A_258 = tpu.vector_load %arg10[%swap3A_257] {strides = array<i32>} : memref<4224xi32, #tpu.memory_space<vmem>>, vector<16xi32>,
        tpu.vector_store %arg10[%swap3A_257], %add3A_250 {strides = array<i32>} : memref<4224xi32, #tpu.memory_space<vmem>>, vector<16xi32>,
        %add3A_259 = arith.addi %add3A_250, %get3A_256 : vector<16xi32>
        %mul3A_260 = arith.constant 16 : i32
        %mul3A_261 = arith.muli %scan3A_188, %mul3A_260 : i32
        %add3A_262 = arith.constant 2056 : i32
        %add3A_263 = arith.addi %add3A_262, %mul3A_261 : i32
        %get3A_264 = arith.index_cast %add3A_263 : i32 to index
        %get3A_265 = tpu.vector_load %arg10[%get3A_264] {strides = array<i32>} : memref<4224xi32, #tpu.memory_space<vmem>>, vector<16xi32>,
        %swap3A_266 = arith.index_cast %add3A_263 : i32 to index
        %swap3A_267 = tpu.vector_load %arg10[%swap3A_266] {strides = array<i32>} : memref<4224xi32, #tpu.memory_space<vmem>>, vector<16xi32>,
        tpu.vector_store %arg10[%swap3A_266], %add3A_259 {strides = array<i32>} : memref<4224xi32, #tpu.memory_space<vmem>>, vector<16xi32>,
        %add3A_268 = arith.addi %add3A_259, %get3A_265 : vector<16xi32>
        %mul3A_269 = arith.constant 16 : i32
        %mul3A_270 = arith.muli %scan3A_188, %mul3A_269 : i32
        %add3A_271 = arith.constant 2313 : i32
        %add3A_272 = arith.addi %add3A_271, %mul3A_270 : i32
        %get3A_273 = arith.index_cast %add3A_272 : i32 to index
        %get3A_274 = tpu.vector_load %arg10[%get3A_273] {strides = array<i32>} : memref<4224xi32, #tpu.memory_space<vmem>>, vector<16xi32>,
        %swap3A_275 = arith.index_cast %add3A_272 : i32 to index
        %swap3A_276 = tpu.vector_load %arg10[%swap3A_275] {strides = array<i32>} : memref<4224xi32, #tpu.memory_space<vmem>>, vector<16xi32>,
        tpu.vector_store %arg10[%swap3A_275], %add3A_268 {strides = array<i32>} : memref<4224xi32, #tpu.memory_space<vmem>>, vector<16xi32>,
        %add3A_277 = arith.addi %add3A_268, %get3A_274 : vector<16xi32>
        %mul3A_278 = arith.constant 16 : i32
        %mul3A_279 = arith.muli %scan3A_188, %mul3A_278 : i32
        %add3A_280 = arith.constant 2570 : i32
        %add3A_281 = arith.addi %add3A_280, %mul3A_279 : i32
        %get3A_282 = arith.index_cast %add3A_281 : i32 to index
        %get3A_283 = tpu.vector_load %arg10[%get3A_282] {strides = array<i32>} : memref<4224xi32, #tpu.memory_space<vmem>>, vector<16xi32>,
        %swap3A_284 = arith.index_cast %add3A_281 : i32 to index
        %swap3A_285 = tpu.vector_load %arg10[%swap3A_284] {strides = array<i32>} : memref<4224xi32, #tpu.memory_space<vmem>>, vector<16xi32>,
        tpu.vector_store %arg10[%swap3A_284], %add3A_277 {strides = array<i32>} : memref<4224xi32, #tpu.memory_space<vmem>>, vector<16xi32>,
        %add3A_286 = arith.addi %add3A_277, %get3A_283 : vector<16xi32>
        %mul3A_287 = arith.constant 16 : i32
        %mul3A_288 = arith.muli %scan3A_188, %mul3A_287 : i32
        %add3A_289 = arith.constant 2827 : i32
        %add3A_290 = arith.addi %add3A_289, %mul3A_288 : i32
        %get3A_291 = arith.index_cast %add3A_290 : i32 to index
        %get3A_292 = tpu.vector_load %arg10[%get3A_291] {strides = array<i32>} : memref<4224xi32, #tpu.memory_space<vmem>>, vector<16xi32>,
        %swap3A_293 = arith.index_cast %add3A_290 : i32 to index
        %swap3A_294 = tpu.vector_load %arg10[%swap3A_293] {strides = array<i32>} : memref<4224xi32, #tpu.memory_space<vmem>>, vector<16xi32>,
        tpu.vector_store %arg10[%swap3A_293], %add3A_286 {strides = array<i32>} : memref<4224xi32, #tpu.memory_space<vmem>>, vector<16xi32>,
        %add3A_295 = arith.addi %add3A_286, %get3A_292 : vector<16xi32>
        %mul3A_296 = arith.constant 16 : i32
        %mul3A_297 = arith.muli %scan3A_188, %mul3A_296 : i32
        %add3A_298 = arith.constant 3084 : i32
        %add3A_299 = arith.addi %add3A_298, %mul3A_297 : i32
        %get3A_300 = arith.index_cast %add3A_299 : i32 to index
        %get3A_301 = tpu.vector_load %arg10[%get3A_300] {strides = array<i32>} : memref<4224xi32, #tpu.memory_space<vmem>>, vector<16xi32>,
        %swap3A_302 = arith.index_cast %add3A_299 : i32 to index
        %swap3A_303 = tpu.vector_load %arg10[%swap3A_302] {strides = array<i32>} : memref<4224xi32, #tpu.memory_space<vmem>>, vector<16xi32>,
        tpu.vector_store %arg10[%swap3A_302], %add3A_295 {strides = array<i32>} : memref<4224xi32, #tpu.memory_space<vmem>>, vector<16xi32>,
        %add3A_304 = arith.addi %add3A_295, %get3A_301 : vector<16xi32>
        %mul3A_305 = arith.constant 16 : i32
        %mul3A_306 = arith.muli %scan3A_188, %mul3A_305 : i32
        %add3A_307 = arith.constant 3341 : i32
        %add3A_308 = arith.addi %add3A_307, %mul3A_306 : i32
        %get3A_309 = arith.index_cast %add3A_308 : i32 to index
        %get3A_310 = tpu.vector_load %arg10[%get3A_309] {strides = array<i32>} : memref<4224xi32, #tpu.memory_space<vmem>>, vector<16xi32>,
        %swap3A_311 = arith.index_cast %add3A_308 : i32 to index
        %swap3A_312 = tpu.vector_load %arg10[%swap3A_311] {strides = array<i32>} : memref<4224xi32, #tpu.memory_space<vmem>>, vector<16xi32>,
        tpu.vector_store %arg10[%swap3A_311], %add3A_304 {strides = array<i32>} : memref<4224xi32, #tpu.memory_space<vmem>>, vector<16xi32>,
        %add3A_313 = arith.addi %add3A_304, %get3A_310 : vector<16xi32>
        %mul3A_314 = arith.constant 16 : i32
        %mul3A_315 = arith.muli %scan3A_188, %mul3A_314 : i32
        %add3A_316 = arith.constant 3598 : i32
        %add3A_317 = arith.addi %add3A_316, %mul3A_315 : i32
        %get3A_318 = arith.index_cast %add3A_317 : i32 to index
        %get3A_319 = tpu.vector_load %arg10[%get3A_318] {strides = array<i32>} : memref<4224xi32, #tpu.memory_space<vmem>>, vector<16xi32>,
        %swap3A_320 = arith.index_cast %add3A_317 : i32 to index
        %swap3A_321 = tpu.vector_load %arg10[%swap3A_320] {strides = array<i32>} : memref<4224xi32, #tpu.memory_space<vmem>>, vector<16xi32>,
        tpu.vector_store %arg10[%swap3A_320], %add3A_313 {strides = array<i32>} : memref<4224xi32, #tpu.memory_space<vmem>>, vector<16xi32>,
        %add3A_322 = arith.addi %add3A_313, %get3A_319 : vector<16xi32>
        %mul3A_323 = arith.constant 16 : i32
        %mul3A_324 = arith.muli %scan3A_188, %mul3A_323 : i32
        %add3A_325 = arith.constant 3855 : i32
        %add3A_326 = arith.addi %add3A_325, %mul3A_324 : i32
        %get3A_327 = arith.index_cast %add3A_326 : i32 to index
        %get3A_328 = tpu.vector_load %arg10[%get3A_327] {strides = array<i32>} : memref<4224xi32, #tpu.memory_space<vmem>>, vector<16xi32>,
        %swap3A_329 = arith.index_cast %add3A_326 : i32 to index
        %swap3A_330 = tpu.vector_load %arg10[%swap3A_329] {strides = array<i32>} : memref<4224xi32, #tpu.memory_space<vmem>>, vector<16xi32>,
        tpu.vector_store %arg10[%swap3A_329], %add3A_322 {strides = array<i32>} : memref<4224xi32, #tpu.memory_space<vmem>>, vector<16xi32>,
        %add3A_331 = arith.addi %add3A_322, %get3A_328 : vector<16xi32>
        %mul3A_332 = arith.constant 16 : i32
        %mul3A_333 = arith.muli %scan3A_188, %mul3A_332 : i32
        %swap3A_334 = arith.index_cast %mul3A_333 : i32 to index
        %swap3A_335 = tpu.vector_load %arg11[%swap3A_334] {strides = array<i32>} : memref<256xi32, #tpu.memory_space<vmem>>, vector<16xi32>,
        tpu.vector_store %arg11[%swap3A_334], %add3A_331 {strides = array<i32>} : memref<256xi32, #tpu.memory_space<vmem>>, vector<16xi32>,
        %scan3A_336 = arith.constant 0 : i32
        scf.yield %scan3A_336 : i32
      }
      %scan3A_82 = arith.constant 16 : i32
      %scan3A_83 = arith.constant 0 : i32
      %scan3A_84 = arith.constant 0 : i32
      %scan3A_85 = arith.constant 16 : i32
      %scan3A_86 = arith.addi %scan3A_84, %scan3A_85 : i32
      %scan3A_87 = arith.constant 1 : i32
      %scan3A_88 = scf.for %scan3A_188 = %scan3A_84 to %scan3A_86 step %scan3A_87 iter_args(%scan3A_189 = %scan3A_83) -> (i32)  : i32 {
        %mul3A_190 = arith.constant 16 : i32
        %mul3A_191 = arith.muli %scan3A_188, %mul3A_190 : i32
        %get3A = arith.index_cast %mul3A_191 : i32 to index
        %get3A_192 = tpu.vector_load %arg11[%get3A] {strides = array<i32>} : memref<256xi32, #tpu.memory_space<vmem>>, vector<16xi32>,
        %broadcast_in_dim3A_193 = arith.constant true
        %broadcast_in_dim3A_194 = vector.broadcast %broadcast_in_dim3A_193 : i1 to vector<16xi1>
        %masked_cumsum3A = tpu.scan <sum>, %get3A_192 masked %broadcast_in_dim3A_194 : vector<16xi32>, vector<16xi1> -> vector<16xi32>
        %sub3A = arith.subi %masked_cumsum3A, %get3A_192 : vector<16xi32>
        %add3A_195 = vector.broadcast %scan3A_189 : i32 to vector<16xi32>
        %add3A_196 = arith.addi %sub3A, %add3A_195 : vector<16xi32>
        %mul3A_197 = arith.constant 16 : i32
        %mul3A_198 = arith.muli %scan3A_188, %mul3A_197 : i32
        %swap3A = arith.index_cast %mul3A_198 : i32 to index
        %swap3A_199 = tpu.vector_load %arg12[%swap3A] {strides = array<i32>} : memref<256xi32, #tpu.memory_space<vmem>>, vector<16xi32>,
        tpu.vector_store %arg12[%swap3A], %add3A_196 {strides = array<i32>} : memref<256xi32, #tpu.memory_space<vmem>>, vector<16xi32>,
        %reduce_sum3A = arith.constant true
        %reduce_sum3A_200 = vector.broadcast %reduce_sum3A : i1 to vector<16xi1>
        %reduce_sum3A_201 = tpu.scan <sum>, %get3A_192 masked %reduce_sum3A_200 : vector<16xi32>, vector<16xi1> -> vector<16xi32>
        %reduce_sum3A_202 = vector.extract %reduce_sum3A_201[15] : i32 from vector<16xi32>
        %add3A_203 = arith.addi %scan3A_189, %reduce_sum3A_202 : i32
        scf.yield %add3A_203 : i32
      }
      %scan3A_89 = arith.constant 16 : i32
      %scan3A_90 = arith.constant 0 : i32
      %scan3A_91 = arith.constant 0 : i32
      %scan3A_92 = arith.constant 16 : i32
      %scan3A_93 = arith.addi %scan3A_91, %scan3A_92 : i32
      %scan3A_94 = arith.constant 1 : i32
      %scan3A_95 = scf.for %scan3A_188 = %scan3A_91 to %scan3A_93 step %scan3A_94 iter_args(%scan3A_189 = %scan3A_90) -> (i32)  : i32 {
        %mul3A_190 = arith.constant 16 : i32
        %mul3A_191 = arith.muli %scan3A_188, %mul3A_190 : i32
        %get3A = arith.index_cast %mul3A_191 : i32 to index
        %get3A_192 = tpu.vector_load %arg12[%get3A] {strides = array<i32>} : memref<256xi32, #tpu.memory_space<vmem>>, vector<16xi32>,
        %mul3A_193 = arith.constant 16 : i32
        %mul3A_194 = arith.muli %scan3A_188, %mul3A_193 : i32
        %add3A_195 = arith.constant 0 : i32
        %add3A_196 = arith.addi %add3A_195, %mul3A_194 : i32
        %get3A_197 = arith.index_cast %add3A_196 : i32 to index
        %get3A_198 = tpu.vector_load %arg10[%get3A_197] {strides = array<i32>} : memref<4224xi32, #tpu.memory_space<vmem>>, vector<16xi32>,
        %add3A_199 = arith.addi %get3A_198, %get3A_192 : vector<16xi32>
        %swap3A = arith.index_cast %add3A_196 : i32 to index
        %swap3A_200 = tpu.vector_load %arg10[%swap3A] {strides = array<i32>} : memref<4224xi32, #tpu.memory_space<vmem>>, vector<16xi32>,
        tpu.vector_store %arg10[%swap3A], %add3A_199 {strides = array<i32>} : memref<4224xi32, #tpu.memory_space<vmem>>, vector<16xi32>,
        %mul3A_201 = arith.constant 16 : i32
        %mul3A_202 = arith.muli %scan3A_188, %mul3A_201 : i32
        %add3A_203 = arith.constant 257 : i32
        %add3A_204 = arith.addi %add3A_203, %mul3A_202 : i32
        %get3A_205 = arith.index_cast %add3A_204 : i32 to index
        %get3A_206 = tpu.vector_load %arg10[%get3A_205] {strides = array<i32>} : memref<4224xi32, #tpu.memory_space<vmem>>, vector<16xi32>,
        %add3A_207 = arith.addi %get3A_206, %get3A_192 : vector<16xi32>
        %swap3A_208 = arith.index_cast %add3A_204 : i32 to index
        %swap3A_209 = tpu.vector_load %arg10[%swap3A_208] {strides = array<i32>} : memref<4224xi32, #tpu.memory_space<vmem>>, vector<16xi32>,
        tpu.vector_store %arg10[%swap3A_208], %add3A_207 {strides = array<i32>} : memref<4224xi32, #tpu.memory_space<vmem>>, vector<16xi32>,
        %mul3A_210 = arith.constant 16 : i32
        %mul3A_211 = arith.muli %scan3A_188, %mul3A_210 : i32
        %add3A_212 = arith.constant 514 : i32
        %add3A_213 = arith.addi %add3A_212, %mul3A_211 : i32
        %get3A_214 = arith.index_cast %add3A_213 : i32 to index
        %get3A_215 = tpu.vector_load %arg10[%get3A_214] {strides = array<i32>} : memref<4224xi32, #tpu.memory_space<vmem>>, vector<16xi32>,
        %add3A_216 = arith.addi %get3A_215, %get3A_192 : vector<16xi32>
        %swap3A_217 = arith.index_cast %add3A_213 : i32 to index
        %swap3A_218 = tpu.vector_load %arg10[%swap3A_217] {strides = array<i32>} : memref<4224xi32, #tpu.memory_space<vmem>>, vector<16xi32>,
        tpu.vector_store %arg10[%swap3A_217], %add3A_216 {strides = array<i32>} : memref<4224xi32, #tpu.memory_space<vmem>>, vector<16xi32>,
        %mul3A_219 = arith.constant 16 : i32
        %mul3A_220 = arith.muli %scan3A_188, %mul3A_219 : i32
        %add3A_221 = arith.constant 771 : i32
        %add3A_222 = arith.addi %add3A_221, %mul3A_220 : i32
        %get3A_223 = arith.index_cast %add3A_222 : i32 to index
        %get3A_224 = tpu.vector_load %arg10[%get3A_223] {strides = array<i32>} : memref<4224xi32, #tpu.memory_space<vmem>>, vector<16xi32>,
        %add3A_225 = arith.addi %get3A_224, %get3A_192 : vector<16xi32>
        %swap3A_226 = arith.index_cast %add3A_222 : i32 to index
        %swap3A_227 = tpu.vector_load %arg10[%swap3A_226] {strides = array<i32>} : memref<4224xi32, #tpu.memory_space<vmem>>, vector<16xi32>,
        tpu.vector_store %arg10[%swap3A_226], %add3A_225 {strides = array<i32>} : memref<4224xi32, #tpu.memory_space<vmem>>, vector<16xi32>,
        %mul3A_228 = arith.constant 16 : i32
        %mul3A_229 = arith.muli %scan3A_188, %mul3A_228 : i32
        %add3A_230 = arith.constant 1028 : i32
        %add3A_231 = arith.addi %add3A_230, %mul3A_229 : i32
        %get3A_232 = arith.index_cast %add3A_231 : i32 to index
        %get3A_233 = tpu.vector_load %arg10[%get3A_232] {strides = array<i32>} : memref<4224xi32, #tpu.memory_space<vmem>>, vector<16xi32>,
        %add3A_234 = arith.addi %get3A_233, %get3A_192 : vector<16xi32>
        %swap3A_235 = arith.index_cast %add3A_231 : i32 to index
        %swap3A_236 = tpu.vector_load %arg10[%swap3A_235] {strides = array<i32>} : memref<4224xi32, #tpu.memory_space<vmem>>, vector<16xi32>,
        tpu.vector_store %arg10[%swap3A_235], %add3A_234 {strides = array<i32>} : memref<4224xi32, #tpu.memory_space<vmem>>, vector<16xi32>,
        %mul3A_237 = arith.constant 16 : i32
        %mul3A_238 = arith.muli %scan3A_188, %mul3A_237 : i32
        %add3A_239 = arith.constant 1285 : i32
        %add3A_240 = arith.addi %add3A_239, %mul3A_238 : i32
        %get3A_241 = arith.index_cast %add3A_240 : i32 to index
        %get3A_242 = tpu.vector_load %arg10[%get3A_241] {strides = array<i32>} : memref<4224xi32, #tpu.memory_space<vmem>>, vector<16xi32>,
        %add3A_243 = arith.addi %get3A_242, %get3A_192 : vector<16xi32>
        %swap3A_244 = arith.index_cast %add3A_240 : i32 to index
        %swap3A_245 = tpu.vector_load %arg10[%swap3A_244] {strides = array<i32>} : memref<4224xi32, #tpu.memory_space<vmem>>, vector<16xi32>,
        tpu.vector_store %arg10[%swap3A_244], %add3A_243 {strides = array<i32>} : memref<4224xi32, #tpu.memory_space<vmem>>, vector<16xi32>,
        %mul3A_246 = arith.constant 16 : i32
        %mul3A_247 = arith.muli %scan3A_188, %mul3A_246 : i32
        %add3A_248 = arith.constant 1542 : i32
        %add3A_249 = arith.addi %add3A_248, %mul3A_247 : i32
        %get3A_250 = arith.index_cast %add3A_249 : i32 to index
        %get3A_251 = tpu.vector_load %arg10[%get3A_250] {strides = array<i32>} : memref<4224xi32, #tpu.memory_space<vmem>>, vector<16xi32>,
        %add3A_252 = arith.addi %get3A_251, %get3A_192 : vector<16xi32>
        %swap3A_253 = arith.index_cast %add3A_249 : i32 to index
        %swap3A_254 = tpu.vector_load %arg10[%swap3A_253] {strides = array<i32>} : memref<4224xi32, #tpu.memory_space<vmem>>, vector<16xi32>,
        tpu.vector_store %arg10[%swap3A_253], %add3A_252 {strides = array<i32>} : memref<4224xi32, #tpu.memory_space<vmem>>, vector<16xi32>,
        %mul3A_255 = arith.constant 16 : i32
        %mul3A_256 = arith.muli %scan3A_188, %mul3A_255 : i32
        %add3A_257 = arith.constant 1799 : i32
        %add3A_258 = arith.addi %add3A_257, %mul3A_256 : i32
        %get3A_259 = arith.index_cast %add3A_258 : i32 to index
        %get3A_260 = tpu.vector_load %arg10[%get3A_259] {strides = array<i32>} : memref<4224xi32, #tpu.memory_space<vmem>>, vector<16xi32>,
        %add3A_261 = arith.addi %get3A_260, %get3A_192 : vector<16xi32>
        %swap3A_262 = arith.index_cast %add3A_258 : i32 to index
        %swap3A_263 = tpu.vector_load %arg10[%swap3A_262] {strides = array<i32>} : memref<4224xi32, #tpu.memory_space<vmem>>, vector<16xi32>,
        tpu.vector_store %arg10[%swap3A_262], %add3A_261 {strides = array<i32>} : memref<4224xi32, #tpu.memory_space<vmem>>, vector<16xi32>,
        %mul3A_264 = arith.constant 16 : i32
        %mul3A_265 = arith.muli %scan3A_188, %mul3A_264 : i32
        %add3A_266 = arith.constant 2056 : i32
        %add3A_267 = arith.addi %add3A_266, %mul3A_265 : i32
        %get3A_268 = arith.index_cast %add3A_267 : i32 to index
        %get3A_269 = tpu.vector_load %arg10[%get3A_268] {strides = array<i32>} : memref<4224xi32, #tpu.memory_space<vmem>>, vector<16xi32>,
        %add3A_270 = arith.addi %get3A_269, %get3A_192 : vector<16xi32>
        %swap3A_271 = arith.index_cast %add3A_267 : i32 to index
        %swap3A_272 = tpu.vector_load %arg10[%swap3A_271] {strides = array<i32>} : memref<4224xi32, #tpu.memory_space<vmem>>, vector<16xi32>,
        tpu.vector_store %arg10[%swap3A_271], %add3A_270 {strides = array<i32>} : memref<4224xi32, #tpu.memory_space<vmem>>, vector<16xi32>,
        %mul3A_273 = arith.constant 16 : i32
        %mul3A_274 = arith.muli %scan3A_188, %mul3A_273 : i32
        %add3A_275 = arith.constant 2313 : i32
        %add3A_276 = arith.addi %add3A_275, %mul3A_274 : i32
        %get3A_277 = arith.index_cast %add3A_276 : i32 to index
        %get3A_278 = tpu.vector_load %arg10[%get3A_277] {strides = array<i32>} : memref<4224xi32, #tpu.memory_space<vmem>>, vector<16xi32>,
        %add3A_279 = arith.addi %get3A_278, %get3A_192 : vector<16xi32>
        %swap3A_280 = arith.index_cast %add3A_276 : i32 to index
        %swap3A_281 = tpu.vector_load %arg10[%swap3A_280] {strides = array<i32>} : memref<4224xi32, #tpu.memory_space<vmem>>, vector<16xi32>,
        tpu.vector_store %arg10[%swap3A_280], %add3A_279 {strides = array<i32>} : memref<4224xi32, #tpu.memory_space<vmem>>, vector<16xi32>,
        %mul3A_282 = arith.constant 16 : i32
        %mul3A_283 = arith.muli %scan3A_188, %mul3A_282 : i32
        %add3A_284 = arith.constant 2570 : i32
        %add3A_285 = arith.addi %add3A_284, %mul3A_283 : i32
        %get3A_286 = arith.index_cast %add3A_285 : i32 to index
        %get3A_287 = tpu.vector_load %arg10[%get3A_286] {strides = array<i32>} : memref<4224xi32, #tpu.memory_space<vmem>>, vector<16xi32>,
        %add3A_288 = arith.addi %get3A_287, %get3A_192 : vector<16xi32>
        %swap3A_289 = arith.index_cast %add3A_285 : i32 to index
        %swap3A_290 = tpu.vector_load %arg10[%swap3A_289] {strides = array<i32>} : memref<4224xi32, #tpu.memory_space<vmem>>, vector<16xi32>,
        tpu.vector_store %arg10[%swap3A_289], %add3A_288 {strides = array<i32>} : memref<4224xi32, #tpu.memory_space<vmem>>, vector<16xi32>,
        %mul3A_291 = arith.constant 16 : i32
        %mul3A_292 = arith.muli %scan3A_188, %mul3A_291 : i32
        %add3A_293 = arith.constant 2827 : i32
        %add3A_294 = arith.addi %add3A_293, %mul3A_292 : i32
        %get3A_295 = arith.index_cast %add3A_294 : i32 to index
        %get3A_296 = tpu.vector_load %arg10[%get3A_295] {strides = array<i32>} : memref<4224xi32, #tpu.memory_space<vmem>>, vector<16xi32>,
        %add3A_297 = arith.addi %get3A_296, %get3A_192 : vector<16xi32>
        %swap3A_298 = arith.index_cast %add3A_294 : i32 to index
        %swap3A_299 = tpu.vector_load %arg10[%swap3A_298] {strides = array<i32>} : memref<4224xi32, #tpu.memory_space<vmem>>, vector<16xi32>,
        tpu.vector_store %arg10[%swap3A_298], %add3A_297 {strides = array<i32>} : memref<4224xi32, #tpu.memory_space<vmem>>, vector<16xi32>,
        %mul3A_300 = arith.constant 16 : i32
        %mul3A_301 = arith.muli %scan3A_188, %mul3A_300 : i32
        %add3A_302 = arith.constant 3084 : i32
        %add3A_303 = arith.addi %add3A_302, %mul3A_301 : i32
        %get3A_304 = arith.index_cast %add3A_303 : i32 to index
        %get3A_305 = tpu.vector_load %arg10[%get3A_304] {strides = array<i32>} : memref<4224xi32, #tpu.memory_space<vmem>>, vector<16xi32>,
        %add3A_306 = arith.addi %get3A_305, %get3A_192 : vector<16xi32>
        %swap3A_307 = arith.index_cast %add3A_303 : i32 to index
        %swap3A_308 = tpu.vector_load %arg10[%swap3A_307] {strides = array<i32>} : memref<4224xi32, #tpu.memory_space<vmem>>, vector<16xi32>,
        tpu.vector_store %arg10[%swap3A_307], %add3A_306 {strides = array<i32>} : memref<4224xi32, #tpu.memory_space<vmem>>, vector<16xi32>,
        %mul3A_309 = arith.constant 16 : i32
        %mul3A_310 = arith.muli %scan3A_188, %mul3A_309 : i32
        %add3A_311 = arith.constant 3341 : i32
        %add3A_312 = arith.addi %add3A_311, %mul3A_310 : i32
        %get3A_313 = arith.index_cast %add3A_312 : i32 to index
        %get3A_314 = tpu.vector_load %arg10[%get3A_313] {strides = array<i32>} : memref<4224xi32, #tpu.memory_space<vmem>>, vector<16xi32>,
        %add3A_315 = arith.addi %get3A_314, %get3A_192 : vector<16xi32>
        %swap3A_316 = arith.index_cast %add3A_312 : i32 to index
        %swap3A_317 = tpu.vector_load %arg10[%swap3A_316] {strides = array<i32>} : memref<4224xi32, #tpu.memory_space<vmem>>, vector<16xi32>,
        tpu.vector_store %arg10[%swap3A_316], %add3A_315 {strides = array<i32>} : memref<4224xi32, #tpu.memory_space<vmem>>, vector<16xi32>,
        %mul3A_318 = arith.constant 16 : i32
        %mul3A_319 = arith.muli %scan3A_188, %mul3A_318 : i32
        %add3A_320 = arith.constant 3598 : i32
        %add3A_321 = arith.addi %add3A_320, %mul3A_319 : i32
        %get3A_322 = arith.index_cast %add3A_321 : i32 to index
        %get3A_323 = tpu.vector_load %arg10[%get3A_322] {strides = array<i32>} : memref<4224xi32, #tpu.memory_space<vmem>>, vector<16xi32>,
        %add3A_324 = arith.addi %get3A_323, %get3A_192 : vector<16xi32>
        %swap3A_325 = arith.index_cast %add3A_321 : i32 to index
        %swap3A_326 = tpu.vector_load %arg10[%swap3A_325] {strides = array<i32>} : memref<4224xi32, #tpu.memory_space<vmem>>, vector<16xi32>,
        tpu.vector_store %arg10[%swap3A_325], %add3A_324 {strides = array<i32>} : memref<4224xi32, #tpu.memory_space<vmem>>, vector<16xi32>,
        %mul3A_327 = arith.constant 16 : i32
        %mul3A_328 = arith.muli %scan3A_188, %mul3A_327 : i32
        %add3A_329 = arith.constant 3855 : i32
        %add3A_330 = arith.addi %add3A_329, %mul3A_328 : i32
        %get3A_331 = arith.index_cast %add3A_330 : i32 to index
        %get3A_332 = tpu.vector_load %arg10[%get3A_331] {strides = array<i32>} : memref<4224xi32, #tpu.memory_space<vmem>>, vector<16xi32>,
        %add3A_333 = arith.addi %get3A_332, %get3A_192 : vector<16xi32>
        %swap3A_334 = arith.index_cast %add3A_330 : i32 to index
        %swap3A_335 = tpu.vector_load %arg10[%swap3A_334] {strides = array<i32>} : memref<4224xi32, #tpu.memory_space<vmem>>, vector<16xi32>,
        tpu.vector_store %arg10[%swap3A_334], %add3A_333 {strides = array<i32>} : memref<4224xi32, #tpu.memory_space<vmem>>, vector<16xi32>,
        %scan3A_336 = arith.constant 0 : i32
        scf.yield %scan3A_336 : i32
      }
      %scan3A_96 = arith.constant 16 : i32
      %scan3A_97 = arith.constant 0 : i32
      %scan3A_98 = arith.constant 0 : i32
      %scan3A_99 = arith.constant 32 : i32
      %scan3A_100 = arith.addi %scan3A_98, %scan3A_99 : i32
      %scan3A_101 = arith.constant 1 : i32
      %scan3A_102 = scf.for %scan3A_188 = %scan3A_98 to %scan3A_100 step %scan3A_101 iter_args(%scan3A_189 = %scan3A_97) -> (i32)  : i32 {
        %mul3A_190 = arith.constant 8 : i32
        %mul3A_191 = arith.muli %scan3A_188, %mul3A_190 : i32
        %add3A_192 = arith.constant 0 : i32
        %add3A_193 = arith.addi %mul3A_191, %add3A_192 : i32
        %add3A_194 = vector.broadcast %add3A_193 : i32 to vector<16xi32>
        %add3A_195 = arith.addi %mul3A_1, %add3A_194 : vector<16xi32>
        %gather3A = tpu.vector_load_idx %arg7[%add3A_195] : memref<4112xi32, #tpu.memory_space<vmem>>[vector<16xi32>], vector<16xi32>,
        %add3A_196 = vector.broadcast %add3A_193 : i32 to vector<16xi32>
        %add3A_197 = arith.addi %mul3A_1, %add3A_196 : vector<16xi32>
        %gather3A_198 = tpu.vector_load_idx %arg9[%add3A_197] : memref<4112xi32, #tpu.memory_space<vmem>>[vector<16xi32>], vector<16xi32>,
        %shift_right_logical3A = arith.constant 8 : i32
        %shift_right_logical3A_199 = vector.broadcast %shift_right_logical3A : i32 to vector<16xi32>
        %shift_right_logical3A_200 = arith.shrui %gather3A, %shift_right_logical3A_199 : vector<16xi32>
        %and3A = arith.constant 255 : i32
        %and3A_201 = vector.broadcast %and3A : i32 to vector<16xi32>
        %and3A_202 = arith.andi %shift_right_logical3A_200, %and3A_201 : vector<16xi32>
        %add3A_203 = arith.addi %mul3A_4, %and3A_202 : vector<16xi32>
        %gather3A_204 = tpu.vector_load_idx %arg10[%add3A_203] : memref<4224xi32, #tpu.memory_space<vmem>>[vector<16xi32>], vector<16xi32>,
        tpu.vector_store_idx %arg10[%add3A_203], %broadcast_in_dim3A_7 {add = true} : memref<4224xi32, #tpu.memory_space<vmem>>[vector<16xi32>], vector<16xi32>,
        %shift_right_logical3A_205 = arith.constant 8 : i32
        %shift_right_logical3A_206 = vector.broadcast %shift_right_logical3A_205 : i32 to vector<16xi32>
        %shift_right_logical3A_207 = arith.shrui %gather3A_204, %shift_right_logical3A_206 : vector<16xi32>
        %add3A_208 = arith.addi %gather3A_204, %shift_right_logical3A_207 : vector<16xi32>
        tpu.vector_store_idx %arg6[%add3A_208], %gather3A : memref<4112xi32, #tpu.memory_space<vmem>>[vector<16xi32>], vector<16xi32>,
        tpu.vector_store_idx %arg8[%add3A_208], %gather3A_198 : memref<4112xi32, #tpu.memory_space<vmem>>[vector<16xi32>], vector<16xi32>,
        %mul3A_209 = arith.constant 8 : i32
        %mul3A_210 = arith.muli %scan3A_188, %mul3A_209 : i32
        %add3A_211 = arith.constant 1 : i32
        %add3A_212 = arith.addi %mul3A_210, %add3A_211 : i32
        %add3A_213 = vector.broadcast %add3A_212 : i32 to vector<16xi32>
        %add3A_214 = arith.addi %mul3A_1, %add3A_213 : vector<16xi32>
        %gather3A_215 = tpu.vector_load_idx %arg7[%add3A_214] : memref<4112xi32, #tpu.memory_space<vmem>>[vector<16xi32>], vector<16xi32>,
        %add3A_216 = vector.broadcast %add3A_212 : i32 to vector<16xi32>
        %add3A_217 = arith.addi %mul3A_1, %add3A_216 : vector<16xi32>
        %gather3A_218 = tpu.vector_load_idx %arg9[%add3A_217] : memref<4112xi32, #tpu.memory_space<vmem>>[vector<16xi32>], vector<16xi32>,
        %shift_right_logical3A_219 = arith.constant 8 : i32
        %shift_right_logical3A_220 = vector.broadcast %shift_right_logical3A_219 : i32 to vector<16xi32>
        %shift_right_logical3A_221 = arith.shrui %gather3A_215, %shift_right_logical3A_220 : vector<16xi32>
        %and3A_222 = arith.constant 255 : i32
        %and3A_223 = vector.broadcast %and3A_222 : i32 to vector<16xi32>
        %and3A_224 = arith.andi %shift_right_logical3A_221, %and3A_223 : vector<16xi32>
        %add3A_225 = arith.addi %mul3A_4, %and3A_224 : vector<16xi32>
        %gather3A_226 = tpu.vector_load_idx %arg10[%add3A_225] : memref<4224xi32, #tpu.memory_space<vmem>>[vector<16xi32>], vector<16xi32>,
        tpu.vector_store_idx %arg10[%add3A_225], %broadcast_in_dim3A_7 {add = true} : memref<4224xi32, #tpu.memory_space<vmem>>[vector<16xi32>], vector<16xi32>,
        %shift_right_logical3A_227 = arith.constant 8 : i32
        %shift_right_logical3A_228 = vector.broadcast %shift_right_logical3A_227 : i32 to vector<16xi32>
        %shift_right_logical3A_229 = arith.shrui %gather3A_226, %shift_right_logical3A_228 : vector<16xi32>
        %add3A_230 = arith.addi %gather3A_226, %shift_right_logical3A_229 : vector<16xi32>
        tpu.vector_store_idx %arg6[%add3A_230], %gather3A_215 : memref<4112xi32, #tpu.memory_space<vmem>>[vector<16xi32>], vector<16xi32>,
        tpu.vector_store_idx %arg8[%add3A_230], %gather3A_218 : memref<4112xi32, #tpu.memory_space<vmem>>[vector<16xi32>], vector<16xi32>,
        %mul3A_231 = arith.constant 8 : i32
        %mul3A_232 = arith.muli %scan3A_188, %mul3A_231 : i32
        %add3A_233 = arith.constant 2 : i32
        %add3A_234 = arith.addi %mul3A_232, %add3A_233 : i32
        %add3A_235 = vector.broadcast %add3A_234 : i32 to vector<16xi32>
        %add3A_236 = arith.addi %mul3A_1, %add3A_235 : vector<16xi32>
        %gather3A_237 = tpu.vector_load_idx %arg7[%add3A_236] : memref<4112xi32, #tpu.memory_space<vmem>>[vector<16xi32>], vector<16xi32>,
        %add3A_238 = vector.broadcast %add3A_234 : i32 to vector<16xi32>
        %add3A_239 = arith.addi %mul3A_1, %add3A_238 : vector<16xi32>
        %gather3A_240 = tpu.vector_load_idx %arg9[%add3A_239] : memref<4112xi32, #tpu.memory_space<vmem>>[vector<16xi32>], vector<16xi32>,
        %shift_right_logical3A_241 = arith.constant 8 : i32
        %shift_right_logical3A_242 = vector.broadcast %shift_right_logical3A_241 : i32 to vector<16xi32>
        %shift_right_logical3A_243 = arith.shrui %gather3A_237, %shift_right_logical3A_242 : vector<16xi32>
        %and3A_244 = arith.constant 255 : i32
        %and3A_245 = vector.broadcast %and3A_244 : i32 to vector<16xi32>
        %and3A_246 = arith.andi %shift_right_logical3A_243, %and3A_245 : vector<16xi32>
        %add3A_247 = arith.addi %mul3A_4, %and3A_246 : vector<16xi32>
        %gather3A_248 = tpu.vector_load_idx %arg10[%add3A_247] : memref<4224xi32, #tpu.memory_space<vmem>>[vector<16xi32>], vector<16xi32>,
        tpu.vector_store_idx %arg10[%add3A_247], %broadcast_in_dim3A_7 {add = true} : memref<4224xi32, #tpu.memory_space<vmem>>[vector<16xi32>], vector<16xi32>,
        %shift_right_logical3A_249 = arith.constant 8 : i32
        %shift_right_logical3A_250 = vector.broadcast %shift_right_logical3A_249 : i32 to vector<16xi32>
        %shift_right_logical3A_251 = arith.shrui %gather3A_248, %shift_right_logical3A_250 : vector<16xi32>
        %add3A_252 = arith.addi %gather3A_248, %shift_right_logical3A_251 : vector<16xi32>
        tpu.vector_store_idx %arg6[%add3A_252], %gather3A_237 : memref<4112xi32, #tpu.memory_space<vmem>>[vector<16xi32>], vector<16xi32>,
        tpu.vector_store_idx %arg8[%add3A_252], %gather3A_240 : memref<4112xi32, #tpu.memory_space<vmem>>[vector<16xi32>], vector<16xi32>,
        %mul3A_253 = arith.constant 8 : i32
        %mul3A_254 = arith.muli %scan3A_188, %mul3A_253 : i32
        %add3A_255 = arith.constant 3 : i32
        %add3A_256 = arith.addi %mul3A_254, %add3A_255 : i32
        %add3A_257 = vector.broadcast %add3A_256 : i32 to vector<16xi32>
        %add3A_258 = arith.addi %mul3A_1, %add3A_257 : vector<16xi32>
        %gather3A_259 = tpu.vector_load_idx %arg7[%add3A_258] : memref<4112xi32, #tpu.memory_space<vmem>>[vector<16xi32>], vector<16xi32>,
        %add3A_260 = vector.broadcast %add3A_256 : i32 to vector<16xi32>
        %add3A_261 = arith.addi %mul3A_1, %add3A_260 : vector<16xi32>
        %gather3A_262 = tpu.vector_load_idx %arg9[%add3A_261] : memref<4112xi32, #tpu.memory_space<vmem>>[vector<16xi32>], vector<16xi32>,
        %shift_right_logical3A_263 = arith.constant 8 : i32
        %shift_right_logical3A_264 = vector.broadcast %shift_right_logical3A_263 : i32 to vector<16xi32>
        %shift_right_logical3A_265 = arith.shrui %gather3A_259, %shift_right_logical3A_264 : vector<16xi32>
        %and3A_266 = arith.constant 255 : i32
        %and3A_267 = vector.broadcast %and3A_266 : i32 to vector<16xi32>
        %and3A_268 = arith.andi %shift_right_logical3A_265, %and3A_267 : vector<16xi32>
        %add3A_269 = arith.addi %mul3A_4, %and3A_268 : vector<16xi32>
        %gather3A_270 = tpu.vector_load_idx %arg10[%add3A_269] : memref<4224xi32, #tpu.memory_space<vmem>>[vector<16xi32>], vector<16xi32>,
        tpu.vector_store_idx %arg10[%add3A_269], %broadcast_in_dim3A_7 {add = true} : memref<4224xi32, #tpu.memory_space<vmem>>[vector<16xi32>], vector<16xi32>,
        %shift_right_logical3A_271 = arith.constant 8 : i32
        %shift_right_logical3A_272 = vector.broadcast %shift_right_logical3A_271 : i32 to vector<16xi32>
        %shift_right_logical3A_273 = arith.shrui %gather3A_270, %shift_right_logical3A_272 : vector<16xi32>
        %add3A_274 = arith.addi %gather3A_270, %shift_right_logical3A_273 : vector<16xi32>
        tpu.vector_store_idx %arg6[%add3A_274], %gather3A_259 : memref<4112xi32, #tpu.memory_space<vmem>>[vector<16xi32>], vector<16xi32>,
        tpu.vector_store_idx %arg8[%add3A_274], %gather3A_262 : memref<4112xi32, #tpu.memory_space<vmem>>[vector<16xi32>], vector<16xi32>,
        %mul3A_275 = arith.constant 8 : i32
        %mul3A_276 = arith.muli %scan3A_188, %mul3A_275 : i32
        %add3A_277 = arith.constant 4 : i32
        %add3A_278 = arith.addi %mul3A_276, %add3A_277 : i32
        %add3A_279 = vector.broadcast %add3A_278 : i32 to vector<16xi32>
        %add3A_280 = arith.addi %mul3A_1, %add3A_279 : vector<16xi32>
        %gather3A_281 = tpu.vector_load_idx %arg7[%add3A_280] : memref<4112xi32, #tpu.memory_space<vmem>>[vector<16xi32>], vector<16xi32>,
        %add3A_282 = vector.broadcast %add3A_278 : i32 to vector<16xi32>
        %add3A_283 = arith.addi %mul3A_1, %add3A_282 : vector<16xi32>
        %gather3A_284 = tpu.vector_load_idx %arg9[%add3A_283] : memref<4112xi32, #tpu.memory_space<vmem>>[vector<16xi32>], vector<16xi32>,
        %shift_right_logical3A_285 = arith.constant 8 : i32
        %shift_right_logical3A_286 = vector.broadcast %shift_right_logical3A_285 : i32 to vector<16xi32>
        %shift_right_logical3A_287 = arith.shrui %gather3A_281, %shift_right_logical3A_286 : vector<16xi32>
        %and3A_288 = arith.constant 255 : i32
        %and3A_289 = vector.broadcast %and3A_288 : i32 to vector<16xi32>
        %and3A_290 = arith.andi %shift_right_logical3A_287, %and3A_289 : vector<16xi32>
        %add3A_291 = arith.addi %mul3A_4, %and3A_290 : vector<16xi32>
        %gather3A_292 = tpu.vector_load_idx %arg10[%add3A_291] : memref<4224xi32, #tpu.memory_space<vmem>>[vector<16xi32>], vector<16xi32>,
        tpu.vector_store_idx %arg10[%add3A_291], %broadcast_in_dim3A_7 {add = true} : memref<4224xi32, #tpu.memory_space<vmem>>[vector<16xi32>], vector<16xi32>,
        %shift_right_logical3A_293 = arith.constant 8 : i32
        %shift_right_logical3A_294 = vector.broadcast %shift_right_logical3A_293 : i32 to vector<16xi32>
        %shift_right_logical3A_295 = arith.shrui %gather3A_292, %shift_right_logical3A_294 : vector<16xi32>
        %add3A_296 = arith.addi %gather3A_292, %shift_right_logical3A_295 : vector<16xi32>
        tpu.vector_store_idx %arg6[%add3A_296], %gather3A_281 : memref<4112xi32, #tpu.memory_space<vmem>>[vector<16xi32>], vector<16xi32>,
        tpu.vector_store_idx %arg8[%add3A_296], %gather3A_284 : memref<4112xi32, #tpu.memory_space<vmem>>[vector<16xi32>], vector<16xi32>,
        %mul3A_297 = arith.constant 8 : i32
        %mul3A_298 = arith.muli %scan3A_188, %mul3A_297 : i32
        %add3A_299 = arith.constant 5 : i32
        %add3A_300 = arith.addi %mul3A_298, %add3A_299 : i32
        %add3A_301 = vector.broadcast %add3A_300 : i32 to vector<16xi32>
        %add3A_302 = arith.addi %mul3A_1, %add3A_301 : vector<16xi32>
        %gather3A_303 = tpu.vector_load_idx %arg7[%add3A_302] : memref<4112xi32, #tpu.memory_space<vmem>>[vector<16xi32>], vector<16xi32>,
        %add3A_304 = vector.broadcast %add3A_300 : i32 to vector<16xi32>
        %add3A_305 = arith.addi %mul3A_1, %add3A_304 : vector<16xi32>
        %gather3A_306 = tpu.vector_load_idx %arg9[%add3A_305] : memref<4112xi32, #tpu.memory_space<vmem>>[vector<16xi32>], vector<16xi32>,
        %shift_right_logical3A_307 = arith.constant 8 : i32
        %shift_right_logical3A_308 = vector.broadcast %shift_right_logical3A_307 : i32 to vector<16xi32>
        %shift_right_logical3A_309 = arith.shrui %gather3A_303, %shift_right_logical3A_308 : vector<16xi32>
        %and3A_310 = arith.constant 255 : i32
        %and3A_311 = vector.broadcast %and3A_310 : i32 to vector<16xi32>
        %and3A_312 = arith.andi %shift_right_logical3A_309, %and3A_311 : vector<16xi32>
        %add3A_313 = arith.addi %mul3A_4, %and3A_312 : vector<16xi32>
        %gather3A_314 = tpu.vector_load_idx %arg10[%add3A_313] : memref<4224xi32, #tpu.memory_space<vmem>>[vector<16xi32>], vector<16xi32>,
        tpu.vector_store_idx %arg10[%add3A_313], %broadcast_in_dim3A_7 {add = true} : memref<4224xi32, #tpu.memory_space<vmem>>[vector<16xi32>], vector<16xi32>,
        %shift_right_logical3A_315 = arith.constant 8 : i32
        %shift_right_logical3A_316 = vector.broadcast %shift_right_logical3A_315 : i32 to vector<16xi32>
        %shift_right_logical3A_317 = arith.shrui %gather3A_314, %shift_right_logical3A_316 : vector<16xi32>
        %add3A_318 = arith.addi %gather3A_314, %shift_right_logical3A_317 : vector<16xi32>
        tpu.vector_store_idx %arg6[%add3A_318], %gather3A_303 : memref<4112xi32, #tpu.memory_space<vmem>>[vector<16xi32>], vector<16xi32>,
        tpu.vector_store_idx %arg8[%add3A_318], %gather3A_306 : memref<4112xi32, #tpu.memory_space<vmem>>[vector<16xi32>], vector<16xi32>,
        %mul3A_319 = arith.constant 8 : i32
        %mul3A_320 = arith.muli %scan3A_188, %mul3A_319 : i32
        %add3A_321 = arith.constant 6 : i32
        %add3A_322 = arith.addi %mul3A_320, %add3A_321 : i32
        %add3A_323 = vector.broadcast %add3A_322 : i32 to vector<16xi32>
        %add3A_324 = arith.addi %mul3A_1, %add3A_323 : vector<16xi32>
        %gather3A_325 = tpu.vector_load_idx %arg7[%add3A_324] : memref<4112xi32, #tpu.memory_space<vmem>>[vector<16xi32>], vector<16xi32>,
        %add3A_326 = vector.broadcast %add3A_322 : i32 to vector<16xi32>
        %add3A_327 = arith.addi %mul3A_1, %add3A_326 : vector<16xi32>
        %gather3A_328 = tpu.vector_load_idx %arg9[%add3A_327] : memref<4112xi32, #tpu.memory_space<vmem>>[vector<16xi32>], vector<16xi32>,
        %shift_right_logical3A_329 = arith.constant 8 : i32
        %shift_right_logical3A_330 = vector.broadcast %shift_right_logical3A_329 : i32 to vector<16xi32>
        %shift_right_logical3A_331 = arith.shrui %gather3A_325, %shift_right_logical3A_330 : vector<16xi32>
        %and3A_332 = arith.constant 255 : i32
        %and3A_333 = vector.broadcast %and3A_332 : i32 to vector<16xi32>
        %and3A_334 = arith.andi %shift_right_logical3A_331, %and3A_333 : vector<16xi32>
        %add3A_335 = arith.addi %mul3A_4, %and3A_334 : vector<16xi32>
        %gather3A_336 = tpu.vector_load_idx %arg10[%add3A_335] : memref<4224xi32, #tpu.memory_space<vmem>>[vector<16xi32>], vector<16xi32>,
        tpu.vector_store_idx %arg10[%add3A_335], %broadcast_in_dim3A_7 {add = true} : memref<4224xi32, #tpu.memory_space<vmem>>[vector<16xi32>], vector<16xi32>,
        %shift_right_logical3A_337 = arith.constant 8 : i32
        %shift_right_logical3A_338 = vector.broadcast %shift_right_logical3A_337 : i32 to vector<16xi32>
        %shift_right_logical3A_339 = arith.shrui %gather3A_336, %shift_right_logical3A_338 : vector<16xi32>
        %add3A_340 = arith.addi %gather3A_336, %shift_right_logical3A_339 : vector<16xi32>
        tpu.vector_store_idx %arg6[%add3A_340], %gather3A_325 : memref<4112xi32, #tpu.memory_space<vmem>>[vector<16xi32>], vector<16xi32>,
        tpu.vector_store_idx %arg8[%add3A_340], %gather3A_328 : memref<4112xi32, #tpu.memory_space<vmem>>[vector<16xi32>], vector<16xi32>,
        %mul3A_341 = arith.constant 8 : i32
        %mul3A_342 = arith.muli %scan3A_188, %mul3A_341 : i32
        %add3A_343 = arith.constant 7 : i32
        %add3A_344 = arith.addi %mul3A_342, %add3A_343 : i32
        %add3A_345 = vector.broadcast %add3A_344 : i32 to vector<16xi32>
        %add3A_346 = arith.addi %mul3A_1, %add3A_345 : vector<16xi32>
        %gather3A_347 = tpu.vector_load_idx %arg7[%add3A_346] : memref<4112xi32, #tpu.memory_space<vmem>>[vector<16xi32>], vector<16xi32>,
        %add3A_348 = vector.broadcast %add3A_344 : i32 to vector<16xi32>
        %add3A_349 = arith.addi %mul3A_1, %add3A_348 : vector<16xi32>
        %gather3A_350 = tpu.vector_load_idx %arg9[%add3A_349] : memref<4112xi32, #tpu.memory_space<vmem>>[vector<16xi32>], vector<16xi32>,
        %shift_right_logical3A_351 = arith.constant 8 : i32
        %shift_right_logical3A_352 = vector.broadcast %shift_right_logical3A_351 : i32 to vector<16xi32>
        %shift_right_logical3A_353 = arith.shrui %gather3A_347, %shift_right_logical3A_352 : vector<16xi32>
        %and3A_354 = arith.constant 255 : i32
        %and3A_355 = vector.broadcast %and3A_354 : i32 to vector<16xi32>
        %and3A_356 = arith.andi %shift_right_logical3A_353, %and3A_355 : vector<16xi32>
        %add3A_357 = arith.addi %mul3A_4, %and3A_356 : vector<16xi32>
        %gather3A_358 = tpu.vector_load_idx %arg10[%add3A_357] : memref<4224xi32, #tpu.memory_space<vmem>>[vector<16xi32>], vector<16xi32>,
        tpu.vector_store_idx %arg10[%add3A_357], %broadcast_in_dim3A_7 {add = true} : memref<4224xi32, #tpu.memory_space<vmem>>[vector<16xi32>], vector<16xi32>,
        %shift_right_logical3A_359 = arith.constant 8 : i32
        %shift_right_logical3A_360 = vector.broadcast %shift_right_logical3A_359 : i32 to vector<16xi32>
        %shift_right_logical3A_361 = arith.shrui %gather3A_358, %shift_right_logical3A_360 : vector<16xi32>
        %add3A_362 = arith.addi %gather3A_358, %shift_right_logical3A_361 : vector<16xi32>
        tpu.vector_store_idx %arg6[%add3A_362], %gather3A_347 : memref<4112xi32, #tpu.memory_space<vmem>>[vector<16xi32>], vector<16xi32>,
        tpu.vector_store_idx %arg8[%add3A_362], %gather3A_350 : memref<4112xi32, #tpu.memory_space<vmem>>[vector<16xi32>], vector<16xi32>,
        %scan3A_363 = arith.constant 0 : i32
        scf.yield %scan3A_363 : i32
      }
      %scan3A_103 = arith.constant 32 : i32
      %scan3A_104 = arith.constant 0 : i32
      %scan3A_105 = arith.constant 0 : i32
      %scan3A_106 = arith.constant 33 : i32
      %scan3A_107 = arith.addi %scan3A_105, %scan3A_106 : i32
      %scan3A_108 = arith.constant 1 : i32
      %scan3A_109 = scf.for %scan3A_188 = %scan3A_105 to %scan3A_107 step %scan3A_108 iter_args(%scan3A_189 = %scan3A_104) -> (i32)  : i32 {
        %mul3A_190 = arith.constant 8 : i32
        %mul3A_191 = arith.muli %scan3A_188, %mul3A_190 : i32
        %add3A_192 = arith.constant 0 : i32
        %add3A_193 = arith.addi %mul3A_191, %add3A_192 : i32
        %mul3A_194 = arith.constant 16 : i32
        %mul3A_195 = arith.muli %add3A_193, %mul3A_194 : i32
        %swap3A = arith.index_cast %mul3A_195 : i32 to index
        %swap3A_196 = tpu.vector_load %arg10[%swap3A] {strides = array<i32>} : memref<4224xi32, #tpu.memory_space<vmem>>, vector<16xi32>,
        tpu.vector_store %arg10[%swap3A], %broadcast_in_dim3A_5 {strides = array<i32>} : memref<4224xi32, #tpu.memory_space<vmem>>, vector<16xi32>,
        %mul3A_197 = arith.constant 8 : i32
        %mul3A_198 = arith.muli %scan3A_188, %mul3A_197 : i32
        %add3A_199 = arith.constant 1 : i32
        %add3A_200 = arith.addi %mul3A_198, %add3A_199 : i32
        %mul3A_201 = arith.constant 16 : i32
        %mul3A_202 = arith.muli %add3A_200, %mul3A_201 : i32
        %swap3A_203 = arith.index_cast %mul3A_202 : i32 to index
        %swap3A_204 = tpu.vector_load %arg10[%swap3A_203] {strides = array<i32>} : memref<4224xi32, #tpu.memory_space<vmem>>, vector<16xi32>,
        tpu.vector_store %arg10[%swap3A_203], %broadcast_in_dim3A_5 {strides = array<i32>} : memref<4224xi32, #tpu.memory_space<vmem>>, vector<16xi32>,
        %mul3A_205 = arith.constant 8 : i32
        %mul3A_206 = arith.muli %scan3A_188, %mul3A_205 : i32
        %add3A_207 = arith.constant 2 : i32
        %add3A_208 = arith.addi %mul3A_206, %add3A_207 : i32
        %mul3A_209 = arith.constant 16 : i32
        %mul3A_210 = arith.muli %add3A_208, %mul3A_209 : i32
        %swap3A_211 = arith.index_cast %mul3A_210 : i32 to index
        %swap3A_212 = tpu.vector_load %arg10[%swap3A_211] {strides = array<i32>} : memref<4224xi32, #tpu.memory_space<vmem>>, vector<16xi32>,
        tpu.vector_store %arg10[%swap3A_211], %broadcast_in_dim3A_5 {strides = array<i32>} : memref<4224xi32, #tpu.memory_space<vmem>>, vector<16xi32>,
        %mul3A_213 = arith.constant 8 : i32
        %mul3A_214 = arith.muli %scan3A_188, %mul3A_213 : i32
        %add3A_215 = arith.constant 3 : i32
        %add3A_216 = arith.addi %mul3A_214, %add3A_215 : i32
        %mul3A_217 = arith.constant 16 : i32
        %mul3A_218 = arith.muli %add3A_216, %mul3A_217 : i32
        %swap3A_219 = arith.index_cast %mul3A_218 : i32 to index
        %swap3A_220 = tpu.vector_load %arg10[%swap3A_219] {strides = array<i32>} : memref<4224xi32, #tpu.memory_space<vmem>>, vector<16xi32>,
        tpu.vector_store %arg10[%swap3A_219], %broadcast_in_dim3A_5 {strides = array<i32>} : memref<4224xi32, #tpu.memory_space<vmem>>, vector<16xi32>,
        %mul3A_221 = arith.constant 8 : i32
        %mul3A_222 = arith.muli %scan3A_188, %mul3A_221 : i32
        %add3A_223 = arith.constant 4 : i32
        %add3A_224 = arith.addi %mul3A_222, %add3A_223 : i32
        %mul3A_225 = arith.constant 16 : i32
        %mul3A_226 = arith.muli %add3A_224, %mul3A_225 : i32
        %swap3A_227 = arith.index_cast %mul3A_226 : i32 to index
        %swap3A_228 = tpu.vector_load %arg10[%swap3A_227] {strides = array<i32>} : memref<4224xi32, #tpu.memory_space<vmem>>, vector<16xi32>,
        tpu.vector_store %arg10[%swap3A_227], %broadcast_in_dim3A_5 {strides = array<i32>} : memref<4224xi32, #tpu.memory_space<vmem>>, vector<16xi32>,
        %mul3A_229 = arith.constant 8 : i32
        %mul3A_230 = arith.muli %scan3A_188, %mul3A_229 : i32
        %add3A_231 = arith.constant 5 : i32
        %add3A_232 = arith.addi %mul3A_230, %add3A_231 : i32
        %mul3A_233 = arith.constant 16 : i32
        %mul3A_234 = arith.muli %add3A_232, %mul3A_233 : i32
        %swap3A_235 = arith.index_cast %mul3A_234 : i32 to index
        %swap3A_236 = tpu.vector_load %arg10[%swap3A_235] {strides = array<i32>} : memref<4224xi32, #tpu.memory_space<vmem>>, vector<16xi32>,
        tpu.vector_store %arg10[%swap3A_235], %broadcast_in_dim3A_5 {strides = array<i32>} : memref<4224xi32, #tpu.memory_space<vmem>>, vector<16xi32>,
        %mul3A_237 = arith.constant 8 : i32
        %mul3A_238 = arith.muli %scan3A_188, %mul3A_237 : i32
        %add3A_239 = arith.constant 6 : i32
        %add3A_240 = arith.addi %mul3A_238, %add3A_239 : i32
        %mul3A_241 = arith.constant 16 : i32
        %mul3A_242 = arith.muli %add3A_240, %mul3A_241 : i32
        %swap3A_243 = arith.index_cast %mul3A_242 : i32 to index
        %swap3A_244 = tpu.vector_load %arg10[%swap3A_243] {strides = array<i32>} : memref<4224xi32, #tpu.memory_space<vmem>>, vector<16xi32>,
        tpu.vector_store %arg10[%swap3A_243], %broadcast_in_dim3A_5 {strides = array<i32>} : memref<4224xi32, #tpu.memory_space<vmem>>, vector<16xi32>,
        %mul3A_245 = arith.constant 8 : i32
        %mul3A_246 = arith.muli %scan3A_188, %mul3A_245 : i32
        %add3A_247 = arith.constant 7 : i32
        %add3A_248 = arith.addi %mul3A_246, %add3A_247 : i32
        %mul3A_249 = arith.constant 16 : i32
        %mul3A_250 = arith.muli %add3A_248, %mul3A_249 : i32
        %swap3A_251 = arith.index_cast %mul3A_250 : i32 to index
        %swap3A_252 = tpu.vector_load %arg10[%swap3A_251] {strides = array<i32>} : memref<4224xi32, #tpu.memory_space<vmem>>, vector<16xi32>,
        tpu.vector_store %arg10[%swap3A_251], %broadcast_in_dim3A_5 {strides = array<i32>} : memref<4224xi32, #tpu.memory_space<vmem>>, vector<16xi32>,
        %scan3A_253 = arith.constant 0 : i32
        scf.yield %scan3A_253 : i32
      }
      %scan3A_110 = arith.constant 33 : i32
      %scan3A_111 = arith.constant 0 : i32
      %scan3A_112 = arith.constant 0 : i32
      %scan3A_113 = arith.constant 32 : i32
      %scan3A_114 = arith.addi %scan3A_112, %scan3A_113 : i32
      %scan3A_115 = arith.constant 1 : i32
      %scan3A_116 = scf.for %scan3A_188 = %scan3A_112 to %scan3A_114 step %scan3A_115 iter_args(%scan3A_189 = %scan3A_111) -> (i32)  : i32 {
        %mul3A_190 = arith.constant 8 : i32
        %mul3A_191 = arith.muli %scan3A_188, %mul3A_190 : i32
        %add3A_192 = arith.constant 0 : i32
        %add3A_193 = arith.addi %mul3A_191, %add3A_192 : i32
        %add3A_194 = vector.broadcast %add3A_193 : i32 to vector<16xi32>
        %add3A_195 = arith.addi %mul3A_1, %add3A_194 : vector<16xi32>
        %gather3A = tpu.vector_load_idx %arg6[%add3A_195] : memref<4112xi32, #tpu.memory_space<vmem>>[vector<16xi32>], vector<16xi32>,
        %shift_right_logical3A = arith.constant 16 : i32
        %shift_right_logical3A_196 = vector.broadcast %shift_right_logical3A : i32 to vector<16xi32>
        %shift_right_logical3A_197 = arith.shrui %gather3A, %shift_right_logical3A_196 : vector<16xi32>
        %and3A = arith.constant 255 : i32
        %and3A_198 = vector.broadcast %and3A : i32 to vector<16xi32>
        %and3A_199 = arith.andi %shift_right_logical3A_197, %and3A_198 : vector<16xi32>
        %add3A_200 = arith.addi %mul3A_4, %and3A_199 : vector<16xi32>
        tpu.vector_store_idx %arg10[%add3A_200], %broadcast_in_dim3A_7 {add = true} : memref<4224xi32, #tpu.memory_space<vmem>>[vector<16xi32>], vector<16xi32>,
        %mul3A_201 = arith.constant 8 : i32
        %mul3A_202 = arith.muli %scan3A_188, %mul3A_201 : i32
        %add3A_203 = arith.constant 1 : i32
        %add3A_204 = arith.addi %mul3A_202, %add3A_203 : i32
        %add3A_205 = vector.broadcast %add3A_204 : i32 to vector<16xi32>
        %add3A_206 = arith.addi %mul3A_1, %add3A_205 : vector<16xi32>
        %gather3A_207 = tpu.vector_load_idx %arg6[%add3A_206] : memref<4112xi32, #tpu.memory_space<vmem>>[vector<16xi32>], vector<16xi32>,
        %shift_right_logical3A_208 = arith.constant 16 : i32
        %shift_right_logical3A_209 = vector.broadcast %shift_right_logical3A_208 : i32 to vector<16xi32>
        %shift_right_logical3A_210 = arith.shrui %gather3A_207, %shift_right_logical3A_209 : vector<16xi32>
        %and3A_211 = arith.constant 255 : i32
        %and3A_212 = vector.broadcast %and3A_211 : i32 to vector<16xi32>
        %and3A_213 = arith.andi %shift_right_logical3A_210, %and3A_212 : vector<16xi32>
        %add3A_214 = arith.addi %mul3A_4, %and3A_213 : vector<16xi32>
        tpu.vector_store_idx %arg10[%add3A_214], %broadcast_in_dim3A_7 {add = true} : memref<4224xi32, #tpu.memory_space<vmem>>[vector<16xi32>], vector<16xi32>,
        %mul3A_215 = arith.constant 8 : i32
        %mul3A_216 = arith.muli %scan3A_188, %mul3A_215 : i32
        %add3A_217 = arith.constant 2 : i32
        %add3A_218 = arith.addi %mul3A_216, %add3A_217 : i32
        %add3A_219 = vector.broadcast %add3A_218 : i32 to vector<16xi32>
        %add3A_220 = arith.addi %mul3A_1, %add3A_219 : vector<16xi32>
        %gather3A_221 = tpu.vector_load_idx %arg6[%add3A_220] : memref<4112xi32, #tpu.memory_space<vmem>>[vector<16xi32>], vector<16xi32>,
        %shift_right_logical3A_222 = arith.constant 16 : i32
        %shift_right_logical3A_223 = vector.broadcast %shift_right_logical3A_222 : i32 to vector<16xi32>
        %shift_right_logical3A_224 = arith.shrui %gather3A_221, %shift_right_logical3A_223 : vector<16xi32>
        %and3A_225 = arith.constant 255 : i32
        %and3A_226 = vector.broadcast %and3A_225 : i32 to vector<16xi32>
        %and3A_227 = arith.andi %shift_right_logical3A_224, %and3A_226 : vector<16xi32>
        %add3A_228 = arith.addi %mul3A_4, %and3A_227 : vector<16xi32>
        tpu.vector_store_idx %arg10[%add3A_228], %broadcast_in_dim3A_7 {add = true} : memref<4224xi32, #tpu.memory_space<vmem>>[vector<16xi32>], vector<16xi32>,
        %mul3A_229 = arith.constant 8 : i32
        %mul3A_230 = arith.muli %scan3A_188, %mul3A_229 : i32
        %add3A_231 = arith.constant 3 : i32
        %add3A_232 = arith.addi %mul3A_230, %add3A_231 : i32
        %add3A_233 = vector.broadcast %add3A_232 : i32 to vector<16xi32>
        %add3A_234 = arith.addi %mul3A_1, %add3A_233 : vector<16xi32>
        %gather3A_235 = tpu.vector_load_idx %arg6[%add3A_234] : memref<4112xi32, #tpu.memory_space<vmem>>[vector<16xi32>], vector<16xi32>,
        %shift_right_logical3A_236 = arith.constant 16 : i32
        %shift_right_logical3A_237 = vector.broadcast %shift_right_logical3A_236 : i32 to vector<16xi32>
        %shift_right_logical3A_238 = arith.shrui %gather3A_235, %shift_right_logical3A_237 : vector<16xi32>
        %and3A_239 = arith.constant 255 : i32
        %and3A_240 = vector.broadcast %and3A_239 : i32 to vector<16xi32>
        %and3A_241 = arith.andi %shift_right_logical3A_238, %and3A_240 : vector<16xi32>
        %add3A_242 = arith.addi %mul3A_4, %and3A_241 : vector<16xi32>
        tpu.vector_store_idx %arg10[%add3A_242], %broadcast_in_dim3A_7 {add = true} : memref<4224xi32, #tpu.memory_space<vmem>>[vector<16xi32>], vector<16xi32>,
        %mul3A_243 = arith.constant 8 : i32
        %mul3A_244 = arith.muli %scan3A_188, %mul3A_243 : i32
        %add3A_245 = arith.constant 4 : i32
        %add3A_246 = arith.addi %mul3A_244, %add3A_245 : i32
        %add3A_247 = vector.broadcast %add3A_246 : i32 to vector<16xi32>
        %add3A_248 = arith.addi %mul3A_1, %add3A_247 : vector<16xi32>
        %gather3A_249 = tpu.vector_load_idx %arg6[%add3A_248] : memref<4112xi32, #tpu.memory_space<vmem>>[vector<16xi32>], vector<16xi32>,
        %shift_right_logical3A_250 = arith.constant 16 : i32
        %shift_right_logical3A_251 = vector.broadcast %shift_right_logical3A_250 : i32 to vector<16xi32>
        %shift_right_logical3A_252 = arith.shrui %gather3A_249, %shift_right_logical3A_251 : vector<16xi32>
        %and3A_253 = arith.constant 255 : i32
        %and3A_254 = vector.broadcast %and3A_253 : i32 to vector<16xi32>
        %and3A_255 = arith.andi %shift_right_logical3A_252, %and3A_254 : vector<16xi32>
        %add3A_256 = arith.addi %mul3A_4, %and3A_255 : vector<16xi32>
        tpu.vector_store_idx %arg10[%add3A_256], %broadcast_in_dim3A_7 {add = true} : memref<4224xi32, #tpu.memory_space<vmem>>[vector<16xi32>], vector<16xi32>,
        %mul3A_257 = arith.constant 8 : i32
        %mul3A_258 = arith.muli %scan3A_188, %mul3A_257 : i32
        %add3A_259 = arith.constant 5 : i32
        %add3A_260 = arith.addi %mul3A_258, %add3A_259 : i32
        %add3A_261 = vector.broadcast %add3A_260 : i32 to vector<16xi32>
        %add3A_262 = arith.addi %mul3A_1, %add3A_261 : vector<16xi32>
        %gather3A_263 = tpu.vector_load_idx %arg6[%add3A_262] : memref<4112xi32, #tpu.memory_space<vmem>>[vector<16xi32>], vector<16xi32>,
        %shift_right_logical3A_264 = arith.constant 16 : i32
        %shift_right_logical3A_265 = vector.broadcast %shift_right_logical3A_264 : i32 to vector<16xi32>
        %shift_right_logical3A_266 = arith.shrui %gather3A_263, %shift_right_logical3A_265 : vector<16xi32>
        %and3A_267 = arith.constant 255 : i32
        %and3A_268 = vector.broadcast %and3A_267 : i32 to vector<16xi32>
        %and3A_269 = arith.andi %shift_right_logical3A_266, %and3A_268 : vector<16xi32>
        %add3A_270 = arith.addi %mul3A_4, %and3A_269 : vector<16xi32>
        tpu.vector_store_idx %arg10[%add3A_270], %broadcast_in_dim3A_7 {add = true} : memref<4224xi32, #tpu.memory_space<vmem>>[vector<16xi32>], vector<16xi32>,
        %mul3A_271 = arith.constant 8 : i32
        %mul3A_272 = arith.muli %scan3A_188, %mul3A_271 : i32
        %add3A_273 = arith.constant 6 : i32
        %add3A_274 = arith.addi %mul3A_272, %add3A_273 : i32
        %add3A_275 = vector.broadcast %add3A_274 : i32 to vector<16xi32>
        %add3A_276 = arith.addi %mul3A_1, %add3A_275 : vector<16xi32>
        %gather3A_277 = tpu.vector_load_idx %arg6[%add3A_276] : memref<4112xi32, #tpu.memory_space<vmem>>[vector<16xi32>], vector<16xi32>,
        %shift_right_logical3A_278 = arith.constant 16 : i32
        %shift_right_logical3A_279 = vector.broadcast %shift_right_logical3A_278 : i32 to vector<16xi32>
        %shift_right_logical3A_280 = arith.shrui %gather3A_277, %shift_right_logical3A_279 : vector<16xi32>
        %and3A_281 = arith.constant 255 : i32
        %and3A_282 = vector.broadcast %and3A_281 : i32 to vector<16xi32>
        %and3A_283 = arith.andi %shift_right_logical3A_280, %and3A_282 : vector<16xi32>
        %add3A_284 = arith.addi %mul3A_4, %and3A_283 : vector<16xi32>
        tpu.vector_store_idx %arg10[%add3A_284], %broadcast_in_dim3A_7 {add = true} : memref<4224xi32, #tpu.memory_space<vmem>>[vector<16xi32>], vector<16xi32>,
        %mul3A_285 = arith.constant 8 : i32
        %mul3A_286 = arith.muli %scan3A_188, %mul3A_285 : i32
        %add3A_287 = arith.constant 7 : i32
        %add3A_288 = arith.addi %mul3A_286, %add3A_287 : i32
        %add3A_289 = vector.broadcast %add3A_288 : i32 to vector<16xi32>
        %add3A_290 = arith.addi %mul3A_1, %add3A_289 : vector<16xi32>
        %gather3A_291 = tpu.vector_load_idx %arg6[%add3A_290] : memref<4112xi32, #tpu.memory_space<vmem>>[vector<16xi32>], vector<16xi32>,
        %shift_right_logical3A_292 = arith.constant 16 : i32
        %shift_right_logical3A_293 = vector.broadcast %shift_right_logical3A_292 : i32 to vector<16xi32>
        %shift_right_logical3A_294 = arith.shrui %gather3A_291, %shift_right_logical3A_293 : vector<16xi32>
        %and3A_295 = arith.constant 255 : i32
        %and3A_296 = vector.broadcast %and3A_295 : i32 to vector<16xi32>
        %and3A_297 = arith.andi %shift_right_logical3A_294, %and3A_296 : vector<16xi32>
        %add3A_298 = arith.addi %mul3A_4, %and3A_297 : vector<16xi32>
        tpu.vector_store_idx %arg10[%add3A_298], %broadcast_in_dim3A_7 {add = true} : memref<4224xi32, #tpu.memory_space<vmem>>[vector<16xi32>], vector<16xi32>,
        %scan3A_299 = arith.constant 0 : i32
        scf.yield %scan3A_299 : i32
      }
      %scan3A_117 = arith.constant 32 : i32
      %scan3A_118 = arith.constant 0 : i32
      %scan3A_119 = arith.constant 0 : i32
      %scan3A_120 = arith.constant 16 : i32
      %scan3A_121 = arith.addi %scan3A_119, %scan3A_120 : i32
      %scan3A_122 = arith.constant 1 : i32
      %scan3A_123 = scf.for %scan3A_188 = %scan3A_119 to %scan3A_121 step %scan3A_122 iter_args(%scan3A_189 = %scan3A_118) -> (i32)  : i32 {
        %mul3A_190 = arith.constant 16 : i32
        %mul3A_191 = arith.muli %scan3A_188, %mul3A_190 : i32
        %add3A_192 = arith.constant 0 : i32
        %add3A_193 = arith.addi %add3A_192, %mul3A_191 : i32
        %get3A = arith.index_cast %add3A_193 : i32 to index
        %get3A_194 = tpu.vector_load %arg10[%get3A] {strides = array<i32>} : memref<4224xi32, #tpu.memory_space<vmem>>, vector<16xi32>,
        %swap3A = arith.index_cast %add3A_193 : i32 to index
        %swap3A_195 = tpu.vector_load %arg10[%swap3A] {strides = array<i32>} : memref<4224xi32, #tpu.memory_space<vmem>>, vector<16xi32>,
        tpu.vector_store %arg10[%swap3A], %broadcast_in_dim3A_5 {strides = array<i32>} : memref<4224xi32, #tpu.memory_space<vmem>>, vector<16xi32>,
        %add3A_196 = arith.addi %broadcast_in_dim3A_5, %get3A_194 : vector<16xi32>
        %mul3A_197 = arith.constant 16 : i32
        %mul3A_198 = arith.muli %scan3A_188, %mul3A_197 : i32
        %add3A_199 = arith.constant 257 : i32
        %add3A_200 = arith.addi %add3A_199, %mul3A_198 : i32
        %get3A_201 = arith.index_cast %add3A_200 : i32 to index
        %get3A_202 = tpu.vector_load %arg10[%get3A_201] {strides = array<i32>} : memref<4224xi32, #tpu.memory_space<vmem>>, vector<16xi32>,
        %swap3A_203 = arith.index_cast %add3A_200 : i32 to index
        %swap3A_204 = tpu.vector_load %arg10[%swap3A_203] {strides = array<i32>} : memref<4224xi32, #tpu.memory_space<vmem>>, vector<16xi32>,
        tpu.vector_store %arg10[%swap3A_203], %add3A_196 {strides = array<i32>} : memref<4224xi32, #tpu.memory_space<vmem>>, vector<16xi32>,
        %add3A_205 = arith.addi %add3A_196, %get3A_202 : vector<16xi32>
        %mul3A_206 = arith.constant 16 : i32
        %mul3A_207 = arith.muli %scan3A_188, %mul3A_206 : i32
        %add3A_208 = arith.constant 514 : i32
        %add3A_209 = arith.addi %add3A_208, %mul3A_207 : i32
        %get3A_210 = arith.index_cast %add3A_209 : i32 to index
        %get3A_211 = tpu.vector_load %arg10[%get3A_210] {strides = array<i32>} : memref<4224xi32, #tpu.memory_space<vmem>>, vector<16xi32>,
        %swap3A_212 = arith.index_cast %add3A_209 : i32 to index
        %swap3A_213 = tpu.vector_load %arg10[%swap3A_212] {strides = array<i32>} : memref<4224xi32, #tpu.memory_space<vmem>>, vector<16xi32>,
        tpu.vector_store %arg10[%swap3A_212], %add3A_205 {strides = array<i32>} : memref<4224xi32, #tpu.memory_space<vmem>>, vector<16xi32>,
        %add3A_214 = arith.addi %add3A_205, %get3A_211 : vector<16xi32>
        %mul3A_215 = arith.constant 16 : i32
        %mul3A_216 = arith.muli %scan3A_188, %mul3A_215 : i32
        %add3A_217 = arith.constant 771 : i32
        %add3A_218 = arith.addi %add3A_217, %mul3A_216 : i32
        %get3A_219 = arith.index_cast %add3A_218 : i32 to index
        %get3A_220 = tpu.vector_load %arg10[%get3A_219] {strides = array<i32>} : memref<4224xi32, #tpu.memory_space<vmem>>, vector<16xi32>,
        %swap3A_221 = arith.index_cast %add3A_218 : i32 to index
        %swap3A_222 = tpu.vector_load %arg10[%swap3A_221] {strides = array<i32>} : memref<4224xi32, #tpu.memory_space<vmem>>, vector<16xi32>,
        tpu.vector_store %arg10[%swap3A_221], %add3A_214 {strides = array<i32>} : memref<4224xi32, #tpu.memory_space<vmem>>, vector<16xi32>,
        %add3A_223 = arith.addi %add3A_214, %get3A_220 : vector<16xi32>
        %mul3A_224 = arith.constant 16 : i32
        %mul3A_225 = arith.muli %scan3A_188, %mul3A_224 : i32
        %add3A_226 = arith.constant 1028 : i32
        %add3A_227 = arith.addi %add3A_226, %mul3A_225 : i32
        %get3A_228 = arith.index_cast %add3A_227 : i32 to index
        %get3A_229 = tpu.vector_load %arg10[%get3A_228] {strides = array<i32>} : memref<4224xi32, #tpu.memory_space<vmem>>, vector<16xi32>,
        %swap3A_230 = arith.index_cast %add3A_227 : i32 to index
        %swap3A_231 = tpu.vector_load %arg10[%swap3A_230] {strides = array<i32>} : memref<4224xi32, #tpu.memory_space<vmem>>, vector<16xi32>,
        tpu.vector_store %arg10[%swap3A_230], %add3A_223 {strides = array<i32>} : memref<4224xi32, #tpu.memory_space<vmem>>, vector<16xi32>,
        %add3A_232 = arith.addi %add3A_223, %get3A_229 : vector<16xi32>
        %mul3A_233 = arith.constant 16 : i32
        %mul3A_234 = arith.muli %scan3A_188, %mul3A_233 : i32
        %add3A_235 = arith.constant 1285 : i32
        %add3A_236 = arith.addi %add3A_235, %mul3A_234 : i32
        %get3A_237 = arith.index_cast %add3A_236 : i32 to index
        %get3A_238 = tpu.vector_load %arg10[%get3A_237] {strides = array<i32>} : memref<4224xi32, #tpu.memory_space<vmem>>, vector<16xi32>,
        %swap3A_239 = arith.index_cast %add3A_236 : i32 to index
        %swap3A_240 = tpu.vector_load %arg10[%swap3A_239] {strides = array<i32>} : memref<4224xi32, #tpu.memory_space<vmem>>, vector<16xi32>,
        tpu.vector_store %arg10[%swap3A_239], %add3A_232 {strides = array<i32>} : memref<4224xi32, #tpu.memory_space<vmem>>, vector<16xi32>,
        %add3A_241 = arith.addi %add3A_232, %get3A_238 : vector<16xi32>
        %mul3A_242 = arith.constant 16 : i32
        %mul3A_243 = arith.muli %scan3A_188, %mul3A_242 : i32
        %add3A_244 = arith.constant 1542 : i32
        %add3A_245 = arith.addi %add3A_244, %mul3A_243 : i32
        %get3A_246 = arith.index_cast %add3A_245 : i32 to index
        %get3A_247 = tpu.vector_load %arg10[%get3A_246] {strides = array<i32>} : memref<4224xi32, #tpu.memory_space<vmem>>, vector<16xi32>,
        %swap3A_248 = arith.index_cast %add3A_245 : i32 to index
        %swap3A_249 = tpu.vector_load %arg10[%swap3A_248] {strides = array<i32>} : memref<4224xi32, #tpu.memory_space<vmem>>, vector<16xi32>,
        tpu.vector_store %arg10[%swap3A_248], %add3A_241 {strides = array<i32>} : memref<4224xi32, #tpu.memory_space<vmem>>, vector<16xi32>,
        %add3A_250 = arith.addi %add3A_241, %get3A_247 : vector<16xi32>
        %mul3A_251 = arith.constant 16 : i32
        %mul3A_252 = arith.muli %scan3A_188, %mul3A_251 : i32
        %add3A_253 = arith.constant 1799 : i32
        %add3A_254 = arith.addi %add3A_253, %mul3A_252 : i32
        %get3A_255 = arith.index_cast %add3A_254 : i32 to index
        %get3A_256 = tpu.vector_load %arg10[%get3A_255] {strides = array<i32>} : memref<4224xi32, #tpu.memory_space<vmem>>, vector<16xi32>,
        %swap3A_257 = arith.index_cast %add3A_254 : i32 to index
        %swap3A_258 = tpu.vector_load %arg10[%swap3A_257] {strides = array<i32>} : memref<4224xi32, #tpu.memory_space<vmem>>, vector<16xi32>,
        tpu.vector_store %arg10[%swap3A_257], %add3A_250 {strides = array<i32>} : memref<4224xi32, #tpu.memory_space<vmem>>, vector<16xi32>,
        %add3A_259 = arith.addi %add3A_250, %get3A_256 : vector<16xi32>
        %mul3A_260 = arith.constant 16 : i32
        %mul3A_261 = arith.muli %scan3A_188, %mul3A_260 : i32
        %add3A_262 = arith.constant 2056 : i32
        %add3A_263 = arith.addi %add3A_262, %mul3A_261 : i32
        %get3A_264 = arith.index_cast %add3A_263 : i32 to index
        %get3A_265 = tpu.vector_load %arg10[%get3A_264] {strides = array<i32>} : memref<4224xi32, #tpu.memory_space<vmem>>, vector<16xi32>,
        %swap3A_266 = arith.index_cast %add3A_263 : i32 to index
        %swap3A_267 = tpu.vector_load %arg10[%swap3A_266] {strides = array<i32>} : memref<4224xi32, #tpu.memory_space<vmem>>, vector<16xi32>,
        tpu.vector_store %arg10[%swap3A_266], %add3A_259 {strides = array<i32>} : memref<4224xi32, #tpu.memory_space<vmem>>, vector<16xi32>,
        %add3A_268 = arith.addi %add3A_259, %get3A_265 : vector<16xi32>
        %mul3A_269 = arith.constant 16 : i32
        %mul3A_270 = arith.muli %scan3A_188, %mul3A_269 : i32
        %add3A_271 = arith.constant 2313 : i32
        %add3A_272 = arith.addi %add3A_271, %mul3A_270 : i32
        %get3A_273 = arith.index_cast %add3A_272 : i32 to index
        %get3A_274 = tpu.vector_load %arg10[%get3A_273] {strides = array<i32>} : memref<4224xi32, #tpu.memory_space<vmem>>, vector<16xi32>,
        %swap3A_275 = arith.index_cast %add3A_272 : i32 to index
        %swap3A_276 = tpu.vector_load %arg10[%swap3A_275] {strides = array<i32>} : memref<4224xi32, #tpu.memory_space<vmem>>, vector<16xi32>,
        tpu.vector_store %arg10[%swap3A_275], %add3A_268 {strides = array<i32>} : memref<4224xi32, #tpu.memory_space<vmem>>, vector<16xi32>,
        %add3A_277 = arith.addi %add3A_268, %get3A_274 : vector<16xi32>
        %mul3A_278 = arith.constant 16 : i32
        %mul3A_279 = arith.muli %scan3A_188, %mul3A_278 : i32
        %add3A_280 = arith.constant 2570 : i32
        %add3A_281 = arith.addi %add3A_280, %mul3A_279 : i32
        %get3A_282 = arith.index_cast %add3A_281 : i32 to index
        %get3A_283 = tpu.vector_load %arg10[%get3A_282] {strides = array<i32>} : memref<4224xi32, #tpu.memory_space<vmem>>, vector<16xi32>,
        %swap3A_284 = arith.index_cast %add3A_281 : i32 to index
        %swap3A_285 = tpu.vector_load %arg10[%swap3A_284] {strides = array<i32>} : memref<4224xi32, #tpu.memory_space<vmem>>, vector<16xi32>,
        tpu.vector_store %arg10[%swap3A_284], %add3A_277 {strides = array<i32>} : memref<4224xi32, #tpu.memory_space<vmem>>, vector<16xi32>,
        %add3A_286 = arith.addi %add3A_277, %get3A_283 : vector<16xi32>
        %mul3A_287 = arith.constant 16 : i32
        %mul3A_288 = arith.muli %scan3A_188, %mul3A_287 : i32
        %add3A_289 = arith.constant 2827 : i32
        %add3A_290 = arith.addi %add3A_289, %mul3A_288 : i32
        %get3A_291 = arith.index_cast %add3A_290 : i32 to index
        %get3A_292 = tpu.vector_load %arg10[%get3A_291] {strides = array<i32>} : memref<4224xi32, #tpu.memory_space<vmem>>, vector<16xi32>,
        %swap3A_293 = arith.index_cast %add3A_290 : i32 to index
        %swap3A_294 = tpu.vector_load %arg10[%swap3A_293] {strides = array<i32>} : memref<4224xi32, #tpu.memory_space<vmem>>, vector<16xi32>,
        tpu.vector_store %arg10[%swap3A_293], %add3A_286 {strides = array<i32>} : memref<4224xi32, #tpu.memory_space<vmem>>, vector<16xi32>,
        %add3A_295 = arith.addi %add3A_286, %get3A_292 : vector<16xi32>
        %mul3A_296 = arith.constant 16 : i32
        %mul3A_297 = arith.muli %scan3A_188, %mul3A_296 : i32
        %add3A_298 = arith.constant 3084 : i32
        %add3A_299 = arith.addi %add3A_298, %mul3A_297 : i32
        %get3A_300 = arith.index_cast %add3A_299 : i32 to index
        %get3A_301 = tpu.vector_load %arg10[%get3A_300] {strides = array<i32>} : memref<4224xi32, #tpu.memory_space<vmem>>, vector<16xi32>,
        %swap3A_302 = arith.index_cast %add3A_299 : i32 to index
        %swap3A_303 = tpu.vector_load %arg10[%swap3A_302] {strides = array<i32>} : memref<4224xi32, #tpu.memory_space<vmem>>, vector<16xi32>,
        tpu.vector_store %arg10[%swap3A_302], %add3A_295 {strides = array<i32>} : memref<4224xi32, #tpu.memory_space<vmem>>, vector<16xi32>,
        %add3A_304 = arith.addi %add3A_295, %get3A_301 : vector<16xi32>
        %mul3A_305 = arith.constant 16 : i32
        %mul3A_306 = arith.muli %scan3A_188, %mul3A_305 : i32
        %add3A_307 = arith.constant 3341 : i32
        %add3A_308 = arith.addi %add3A_307, %mul3A_306 : i32
        %get3A_309 = arith.index_cast %add3A_308 : i32 to index
        %get3A_310 = tpu.vector_load %arg10[%get3A_309] {strides = array<i32>} : memref<4224xi32, #tpu.memory_space<vmem>>, vector<16xi32>,
        %swap3A_311 = arith.index_cast %add3A_308 : i32 to index
        %swap3A_312 = tpu.vector_load %arg10[%swap3A_311] {strides = array<i32>} : memref<4224xi32, #tpu.memory_space<vmem>>, vector<16xi32>,
        tpu.vector_store %arg10[%swap3A_311], %add3A_304 {strides = array<i32>} : memref<4224xi32, #tpu.memory_space<vmem>>, vector<16xi32>,
        %add3A_313 = arith.addi %add3A_304, %get3A_310 : vector<16xi32>
        %mul3A_314 = arith.constant 16 : i32
        %mul3A_315 = arith.muli %scan3A_188, %mul3A_314 : i32
        %add3A_316 = arith.constant 3598 : i32
        %add3A_317 = arith.addi %add3A_316, %mul3A_315 : i32
        %get3A_318 = arith.index_cast %add3A_317 : i32 to index
        %get3A_319 = tpu.vector_load %arg10[%get3A_318] {strides = array<i32>} : memref<4224xi32, #tpu.memory_space<vmem>>, vector<16xi32>,
        %swap3A_320 = arith.index_cast %add3A_317 : i32 to index
        %swap3A_321 = tpu.vector_load %arg10[%swap3A_320] {strides = array<i32>} : memref<4224xi32, #tpu.memory_space<vmem>>, vector<16xi32>,
        tpu.vector_store %arg10[%swap3A_320], %add3A_313 {strides = array<i32>} : memref<4224xi32, #tpu.memory_space<vmem>>, vector<16xi32>,
        %add3A_322 = arith.addi %add3A_313, %get3A_319 : vector<16xi32>
        %mul3A_323 = arith.constant 16 : i32
        %mul3A_324 = arith.muli %scan3A_188, %mul3A_323 : i32
        %add3A_325 = arith.constant 3855 : i32
        %add3A_326 = arith.addi %add3A_325, %mul3A_324 : i32
        %get3A_327 = arith.index_cast %add3A_326 : i32 to index
        %get3A_328 = tpu.vector_load %arg10[%get3A_327] {strides = array<i32>} : memref<4224xi32, #tpu.memory_space<vmem>>, vector<16xi32>,
        %swap3A_329 = arith.index_cast %add3A_326 : i32 to index
        %swap3A_330 = tpu.vector_load %arg10[%swap3A_329] {strides = array<i32>} : memref<4224xi32, #tpu.memory_space<vmem>>, vector<16xi32>,
        tpu.vector_store %arg10[%swap3A_329], %add3A_322 {strides = array<i32>} : memref<4224xi32, #tpu.memory_space<vmem>>, vector<16xi32>,
        %add3A_331 = arith.addi %add3A_322, %get3A_328 : vector<16xi32>
        %mul3A_332 = arith.constant 16 : i32
        %mul3A_333 = arith.muli %scan3A_188, %mul3A_332 : i32
        %swap3A_334 = arith.index_cast %mul3A_333 : i32 to index
        %swap3A_335 = tpu.vector_load %arg11[%swap3A_334] {strides = array<i32>} : memref<256xi32, #tpu.memory_space<vmem>>, vector<16xi32>,
        tpu.vector_store %arg11[%swap3A_334], %add3A_331 {strides = array<i32>} : memref<256xi32, #tpu.memory_space<vmem>>, vector<16xi32>,
        %scan3A_336 = arith.constant 0 : i32
        scf.yield %scan3A_336 : i32
      }
      %scan3A_124 = arith.constant 16 : i32
      %scan3A_125 = arith.constant 0 : i32
      %scan3A_126 = arith.constant 0 : i32
      %scan3A_127 = arith.constant 16 : i32
      %scan3A_128 = arith.addi %scan3A_126, %scan3A_127 : i32
      %scan3A_129 = arith.constant 1 : i32
      %scan3A_130 = scf.for %scan3A_188 = %scan3A_126 to %scan3A_128 step %scan3A_129 iter_args(%scan3A_189 = %scan3A_125) -> (i32)  : i32 {
        %mul3A_190 = arith.constant 16 : i32
        %mul3A_191 = arith.muli %scan3A_188, %mul3A_190 : i32
        %get3A = arith.index_cast %mul3A_191 : i32 to index
        %get3A_192 = tpu.vector_load %arg11[%get3A] {strides = array<i32>} : memref<256xi32, #tpu.memory_space<vmem>>, vector<16xi32>,
        %broadcast_in_dim3A_193 = arith.constant true
        %broadcast_in_dim3A_194 = vector.broadcast %broadcast_in_dim3A_193 : i1 to vector<16xi1>
        %masked_cumsum3A = tpu.scan <sum>, %get3A_192 masked %broadcast_in_dim3A_194 : vector<16xi32>, vector<16xi1> -> vector<16xi32>
        %sub3A = arith.subi %masked_cumsum3A, %get3A_192 : vector<16xi32>
        %add3A_195 = vector.broadcast %scan3A_189 : i32 to vector<16xi32>
        %add3A_196 = arith.addi %sub3A, %add3A_195 : vector<16xi32>
        %mul3A_197 = arith.constant 16 : i32
        %mul3A_198 = arith.muli %scan3A_188, %mul3A_197 : i32
        %swap3A = arith.index_cast %mul3A_198 : i32 to index
        %swap3A_199 = tpu.vector_load %arg12[%swap3A] {strides = array<i32>} : memref<256xi32, #tpu.memory_space<vmem>>, vector<16xi32>,
        tpu.vector_store %arg12[%swap3A], %add3A_196 {strides = array<i32>} : memref<256xi32, #tpu.memory_space<vmem>>, vector<16xi32>,
        %reduce_sum3A = arith.constant true
        %reduce_sum3A_200 = vector.broadcast %reduce_sum3A : i1 to vector<16xi1>
        %reduce_sum3A_201 = tpu.scan <sum>, %get3A_192 masked %reduce_sum3A_200 : vector<16xi32>, vector<16xi1> -> vector<16xi32>
        %reduce_sum3A_202 = vector.extract %reduce_sum3A_201[15] : i32 from vector<16xi32>
        %add3A_203 = arith.addi %scan3A_189, %reduce_sum3A_202 : i32
        scf.yield %add3A_203 : i32
      }
      %scan3A_131 = arith.constant 16 : i32
      %scan3A_132 = arith.constant 0 : i32
      %scan3A_133 = arith.constant 0 : i32
      %scan3A_134 = arith.constant 16 : i32
      %scan3A_135 = arith.addi %scan3A_133, %scan3A_134 : i32
      %scan3A_136 = arith.constant 1 : i32
      %scan3A_137 = scf.for %scan3A_188 = %scan3A_133 to %scan3A_135 step %scan3A_136 iter_args(%scan3A_189 = %scan3A_132) -> (i32)  : i32 {
        %mul3A_190 = arith.constant 16 : i32
        %mul3A_191 = arith.muli %scan3A_188, %mul3A_190 : i32
        %get3A = arith.index_cast %mul3A_191 : i32 to index
        %get3A_192 = tpu.vector_load %arg12[%get3A] {strides = array<i32>} : memref<256xi32, #tpu.memory_space<vmem>>, vector<16xi32>,
        %mul3A_193 = arith.constant 16 : i32
        %mul3A_194 = arith.muli %scan3A_188, %mul3A_193 : i32
        %add3A_195 = arith.constant 0 : i32
        %add3A_196 = arith.addi %add3A_195, %mul3A_194 : i32
        %get3A_197 = arith.index_cast %add3A_196 : i32 to index
        %get3A_198 = tpu.vector_load %arg10[%get3A_197] {strides = array<i32>} : memref<4224xi32, #tpu.memory_space<vmem>>, vector<16xi32>,
        %add3A_199 = arith.addi %get3A_198, %get3A_192 : vector<16xi32>
        %swap3A = arith.index_cast %add3A_196 : i32 to index
        %swap3A_200 = tpu.vector_load %arg10[%swap3A] {strides = array<i32>} : memref<4224xi32, #tpu.memory_space<vmem>>, vector<16xi32>,
        tpu.vector_store %arg10[%swap3A], %add3A_199 {strides = array<i32>} : memref<4224xi32, #tpu.memory_space<vmem>>, vector<16xi32>,
        %mul3A_201 = arith.constant 16 : i32
        %mul3A_202 = arith.muli %scan3A_188, %mul3A_201 : i32
        %add3A_203 = arith.constant 257 : i32
        %add3A_204 = arith.addi %add3A_203, %mul3A_202 : i32
        %get3A_205 = arith.index_cast %add3A_204 : i32 to index
        %get3A_206 = tpu.vector_load %arg10[%get3A_205] {strides = array<i32>} : memref<4224xi32, #tpu.memory_space<vmem>>, vector<16xi32>,
        %add3A_207 = arith.addi %get3A_206, %get3A_192 : vector<16xi32>
        %swap3A_208 = arith.index_cast %add3A_204 : i32 to index
        %swap3A_209 = tpu.vector_load %arg10[%swap3A_208] {strides = array<i32>} : memref<4224xi32, #tpu.memory_space<vmem>>, vector<16xi32>,
        tpu.vector_store %arg10[%swap3A_208], %add3A_207 {strides = array<i32>} : memref<4224xi32, #tpu.memory_space<vmem>>, vector<16xi32>,
        %mul3A_210 = arith.constant 16 : i32
        %mul3A_211 = arith.muli %scan3A_188, %mul3A_210 : i32
        %add3A_212 = arith.constant 514 : i32
        %add3A_213 = arith.addi %add3A_212, %mul3A_211 : i32
        %get3A_214 = arith.index_cast %add3A_213 : i32 to index
        %get3A_215 = tpu.vector_load %arg10[%get3A_214] {strides = array<i32>} : memref<4224xi32, #tpu.memory_space<vmem>>, vector<16xi32>,
        %add3A_216 = arith.addi %get3A_215, %get3A_192 : vector<16xi32>
        %swap3A_217 = arith.index_cast %add3A_213 : i32 to index
        %swap3A_218 = tpu.vector_load %arg10[%swap3A_217] {strides = array<i32>} : memref<4224xi32, #tpu.memory_space<vmem>>, vector<16xi32>,
        tpu.vector_store %arg10[%swap3A_217], %add3A_216 {strides = array<i32>} : memref<4224xi32, #tpu.memory_space<vmem>>, vector<16xi32>,
        %mul3A_219 = arith.constant 16 : i32
        %mul3A_220 = arith.muli %scan3A_188, %mul3A_219 : i32
        %add3A_221 = arith.constant 771 : i32
        %add3A_222 = arith.addi %add3A_221, %mul3A_220 : i32
        %get3A_223 = arith.index_cast %add3A_222 : i32 to index
        %get3A_224 = tpu.vector_load %arg10[%get3A_223] {strides = array<i32>} : memref<4224xi32, #tpu.memory_space<vmem>>, vector<16xi32>,
        %add3A_225 = arith.addi %get3A_224, %get3A_192 : vector<16xi32>
        %swap3A_226 = arith.index_cast %add3A_222 : i32 to index
        %swap3A_227 = tpu.vector_load %arg10[%swap3A_226] {strides = array<i32>} : memref<4224xi32, #tpu.memory_space<vmem>>, vector<16xi32>,
        tpu.vector_store %arg10[%swap3A_226], %add3A_225 {strides = array<i32>} : memref<4224xi32, #tpu.memory_space<vmem>>, vector<16xi32>,
        %mul3A_228 = arith.constant 16 : i32
        %mul3A_229 = arith.muli %scan3A_188, %mul3A_228 : i32
        %add3A_230 = arith.constant 1028 : i32
        %add3A_231 = arith.addi %add3A_230, %mul3A_229 : i32
        %get3A_232 = arith.index_cast %add3A_231 : i32 to index
        %get3A_233 = tpu.vector_load %arg10[%get3A_232] {strides = array<i32>} : memref<4224xi32, #tpu.memory_space<vmem>>, vector<16xi32>,
        %add3A_234 = arith.addi %get3A_233, %get3A_192 : vector<16xi32>
        %swap3A_235 = arith.index_cast %add3A_231 : i32 to index
        %swap3A_236 = tpu.vector_load %arg10[%swap3A_235] {strides = array<i32>} : memref<4224xi32, #tpu.memory_space<vmem>>, vector<16xi32>,
        tpu.vector_store %arg10[%swap3A_235], %add3A_234 {strides = array<i32>} : memref<4224xi32, #tpu.memory_space<vmem>>, vector<16xi32>,
        %mul3A_237 = arith.constant 16 : i32
        %mul3A_238 = arith.muli %scan3A_188, %mul3A_237 : i32
        %add3A_239 = arith.constant 1285 : i32
        %add3A_240 = arith.addi %add3A_239, %mul3A_238 : i32
        %get3A_241 = arith.index_cast %add3A_240 : i32 to index
        %get3A_242 = tpu.vector_load %arg10[%get3A_241] {strides = array<i32>} : memref<4224xi32, #tpu.memory_space<vmem>>, vector<16xi32>,
        %add3A_243 = arith.addi %get3A_242, %get3A_192 : vector<16xi32>
        %swap3A_244 = arith.index_cast %add3A_240 : i32 to index
        %swap3A_245 = tpu.vector_load %arg10[%swap3A_244] {strides = array<i32>} : memref<4224xi32, #tpu.memory_space<vmem>>, vector<16xi32>,
        tpu.vector_store %arg10[%swap3A_244], %add3A_243 {strides = array<i32>} : memref<4224xi32, #tpu.memory_space<vmem>>, vector<16xi32>,
        %mul3A_246 = arith.constant 16 : i32
        %mul3A_247 = arith.muli %scan3A_188, %mul3A_246 : i32
        %add3A_248 = arith.constant 1542 : i32
        %add3A_249 = arith.addi %add3A_248, %mul3A_247 : i32
        %get3A_250 = arith.index_cast %add3A_249 : i32 to index
        %get3A_251 = tpu.vector_load %arg10[%get3A_250] {strides = array<i32>} : memref<4224xi32, #tpu.memory_space<vmem>>, vector<16xi32>,
        %add3A_252 = arith.addi %get3A_251, %get3A_192 : vector<16xi32>
        %swap3A_253 = arith.index_cast %add3A_249 : i32 to index
        %swap3A_254 = tpu.vector_load %arg10[%swap3A_253] {strides = array<i32>} : memref<4224xi32, #tpu.memory_space<vmem>>, vector<16xi32>,
        tpu.vector_store %arg10[%swap3A_253], %add3A_252 {strides = array<i32>} : memref<4224xi32, #tpu.memory_space<vmem>>, vector<16xi32>,
        %mul3A_255 = arith.constant 16 : i32
        %mul3A_256 = arith.muli %scan3A_188, %mul3A_255 : i32
        %add3A_257 = arith.constant 1799 : i32
        %add3A_258 = arith.addi %add3A_257, %mul3A_256 : i32
        %get3A_259 = arith.index_cast %add3A_258 : i32 to index
        %get3A_260 = tpu.vector_load %arg10[%get3A_259] {strides = array<i32>} : memref<4224xi32, #tpu.memory_space<vmem>>, vector<16xi32>,
        %add3A_261 = arith.addi %get3A_260, %get3A_192 : vector<16xi32>
        %swap3A_262 = arith.index_cast %add3A_258 : i32 to index
        %swap3A_263 = tpu.vector_load %arg10[%swap3A_262] {strides = array<i32>} : memref<4224xi32, #tpu.memory_space<vmem>>, vector<16xi32>,
        tpu.vector_store %arg10[%swap3A_262], %add3A_261 {strides = array<i32>} : memref<4224xi32, #tpu.memory_space<vmem>>, vector<16xi32>,
        %mul3A_264 = arith.constant 16 : i32
        %mul3A_265 = arith.muli %scan3A_188, %mul3A_264 : i32
        %add3A_266 = arith.constant 2056 : i32
        %add3A_267 = arith.addi %add3A_266, %mul3A_265 : i32
        %get3A_268 = arith.index_cast %add3A_267 : i32 to index
        %get3A_269 = tpu.vector_load %arg10[%get3A_268] {strides = array<i32>} : memref<4224xi32, #tpu.memory_space<vmem>>, vector<16xi32>,
        %add3A_270 = arith.addi %get3A_269, %get3A_192 : vector<16xi32>
        %swap3A_271 = arith.index_cast %add3A_267 : i32 to index
        %swap3A_272 = tpu.vector_load %arg10[%swap3A_271] {strides = array<i32>} : memref<4224xi32, #tpu.memory_space<vmem>>, vector<16xi32>,
        tpu.vector_store %arg10[%swap3A_271], %add3A_270 {strides = array<i32>} : memref<4224xi32, #tpu.memory_space<vmem>>, vector<16xi32>,
        %mul3A_273 = arith.constant 16 : i32
        %mul3A_274 = arith.muli %scan3A_188, %mul3A_273 : i32
        %add3A_275 = arith.constant 2313 : i32
        %add3A_276 = arith.addi %add3A_275, %mul3A_274 : i32
        %get3A_277 = arith.index_cast %add3A_276 : i32 to index
        %get3A_278 = tpu.vector_load %arg10[%get3A_277] {strides = array<i32>} : memref<4224xi32, #tpu.memory_space<vmem>>, vector<16xi32>,
        %add3A_279 = arith.addi %get3A_278, %get3A_192 : vector<16xi32>
        %swap3A_280 = arith.index_cast %add3A_276 : i32 to index
        %swap3A_281 = tpu.vector_load %arg10[%swap3A_280] {strides = array<i32>} : memref<4224xi32, #tpu.memory_space<vmem>>, vector<16xi32>,
        tpu.vector_store %arg10[%swap3A_280], %add3A_279 {strides = array<i32>} : memref<4224xi32, #tpu.memory_space<vmem>>, vector<16xi32>,
        %mul3A_282 = arith.constant 16 : i32
        %mul3A_283 = arith.muli %scan3A_188, %mul3A_282 : i32
        %add3A_284 = arith.constant 2570 : i32
        %add3A_285 = arith.addi %add3A_284, %mul3A_283 : i32
        %get3A_286 = arith.index_cast %add3A_285 : i32 to index
        %get3A_287 = tpu.vector_load %arg10[%get3A_286] {strides = array<i32>} : memref<4224xi32, #tpu.memory_space<vmem>>, vector<16xi32>,
        %add3A_288 = arith.addi %get3A_287, %get3A_192 : vector<16xi32>
        %swap3A_289 = arith.index_cast %add3A_285 : i32 to index
        %swap3A_290 = tpu.vector_load %arg10[%swap3A_289] {strides = array<i32>} : memref<4224xi32, #tpu.memory_space<vmem>>, vector<16xi32>,
        tpu.vector_store %arg10[%swap3A_289], %add3A_288 {strides = array<i32>} : memref<4224xi32, #tpu.memory_space<vmem>>, vector<16xi32>,
        %mul3A_291 = arith.constant 16 : i32
        %mul3A_292 = arith.muli %scan3A_188, %mul3A_291 : i32
        %add3A_293 = arith.constant 2827 : i32
        %add3A_294 = arith.addi %add3A_293, %mul3A_292 : i32
        %get3A_295 = arith.index_cast %add3A_294 : i32 to index
        %get3A_296 = tpu.vector_load %arg10[%get3A_295] {strides = array<i32>} : memref<4224xi32, #tpu.memory_space<vmem>>, vector<16xi32>,
        %add3A_297 = arith.addi %get3A_296, %get3A_192 : vector<16xi32>
        %swap3A_298 = arith.index_cast %add3A_294 : i32 to index
        %swap3A_299 = tpu.vector_load %arg10[%swap3A_298] {strides = array<i32>} : memref<4224xi32, #tpu.memory_space<vmem>>, vector<16xi32>,
        tpu.vector_store %arg10[%swap3A_298], %add3A_297 {strides = array<i32>} : memref<4224xi32, #tpu.memory_space<vmem>>, vector<16xi32>,
        %mul3A_300 = arith.constant 16 : i32
        %mul3A_301 = arith.muli %scan3A_188, %mul3A_300 : i32
        %add3A_302 = arith.constant 3084 : i32
        %add3A_303 = arith.addi %add3A_302, %mul3A_301 : i32
        %get3A_304 = arith.index_cast %add3A_303 : i32 to index
        %get3A_305 = tpu.vector_load %arg10[%get3A_304] {strides = array<i32>} : memref<4224xi32, #tpu.memory_space<vmem>>, vector<16xi32>,
        %add3A_306 = arith.addi %get3A_305, %get3A_192 : vector<16xi32>
        %swap3A_307 = arith.index_cast %add3A_303 : i32 to index
        %swap3A_308 = tpu.vector_load %arg10[%swap3A_307] {strides = array<i32>} : memref<4224xi32, #tpu.memory_space<vmem>>, vector<16xi32>,
        tpu.vector_store %arg10[%swap3A_307], %add3A_306 {strides = array<i32>} : memref<4224xi32, #tpu.memory_space<vmem>>, vector<16xi32>,
        %mul3A_309 = arith.constant 16 : i32
        %mul3A_310 = arith.muli %scan3A_188, %mul3A_309 : i32
        %add3A_311 = arith.constant 3341 : i32
        %add3A_312 = arith.addi %add3A_311, %mul3A_310 : i32
        %get3A_313 = arith.index_cast %add3A_312 : i32 to index
        %get3A_314 = tpu.vector_load %arg10[%get3A_313] {strides = array<i32>} : memref<4224xi32, #tpu.memory_space<vmem>>, vector<16xi32>,
        %add3A_315 = arith.addi %get3A_314, %get3A_192 : vector<16xi32>
        %swap3A_316 = arith.index_cast %add3A_312 : i32 to index
        %swap3A_317 = tpu.vector_load %arg10[%swap3A_316] {strides = array<i32>} : memref<4224xi32, #tpu.memory_space<vmem>>, vector<16xi32>,
        tpu.vector_store %arg10[%swap3A_316], %add3A_315 {strides = array<i32>} : memref<4224xi32, #tpu.memory_space<vmem>>, vector<16xi32>,
        %mul3A_318 = arith.constant 16 : i32
        %mul3A_319 = arith.muli %scan3A_188, %mul3A_318 : i32
        %add3A_320 = arith.constant 3598 : i32
        %add3A_321 = arith.addi %add3A_320, %mul3A_319 : i32
        %get3A_322 = arith.index_cast %add3A_321 : i32 to index
        %get3A_323 = tpu.vector_load %arg10[%get3A_322] {strides = array<i32>} : memref<4224xi32, #tpu.memory_space<vmem>>, vector<16xi32>,
        %add3A_324 = arith.addi %get3A_323, %get3A_192 : vector<16xi32>
        %swap3A_325 = arith.index_cast %add3A_321 : i32 to index
        %swap3A_326 = tpu.vector_load %arg10[%swap3A_325] {strides = array<i32>} : memref<4224xi32, #tpu.memory_space<vmem>>, vector<16xi32>,
        tpu.vector_store %arg10[%swap3A_325], %add3A_324 {strides = array<i32>} : memref<4224xi32, #tpu.memory_space<vmem>>, vector<16xi32>,
        %mul3A_327 = arith.constant 16 : i32
        %mul3A_328 = arith.muli %scan3A_188, %mul3A_327 : i32
        %add3A_329 = arith.constant 3855 : i32
        %add3A_330 = arith.addi %add3A_329, %mul3A_328 : i32
        %get3A_331 = arith.index_cast %add3A_330 : i32 to index
        %get3A_332 = tpu.vector_load %arg10[%get3A_331] {strides = array<i32>} : memref<4224xi32, #tpu.memory_space<vmem>>, vector<16xi32>,
        %add3A_333 = arith.addi %get3A_332, %get3A_192 : vector<16xi32>
        %swap3A_334 = arith.index_cast %add3A_330 : i32 to index
        %swap3A_335 = tpu.vector_load %arg10[%swap3A_334] {strides = array<i32>} : memref<4224xi32, #tpu.memory_space<vmem>>, vector<16xi32>,
        tpu.vector_store %arg10[%swap3A_334], %add3A_333 {strides = array<i32>} : memref<4224xi32, #tpu.memory_space<vmem>>, vector<16xi32>,
        %scan3A_336 = arith.constant 0 : i32
        scf.yield %scan3A_336 : i32
      }
      %scan3A_138 = arith.constant 16 : i32
      %scan3A_139 = arith.constant 0 : i32
      %scan3A_140 = arith.constant 0 : i32
      %scan3A_141 = arith.constant 32 : i32
      %scan3A_142 = arith.addi %scan3A_140, %scan3A_141 : i32
      %scan3A_143 = arith.constant 1 : i32
      %scan3A_144 = scf.for %scan3A_188 = %scan3A_140 to %scan3A_142 step %scan3A_143 iter_args(%scan3A_189 = %scan3A_139) -> (i32)  : i32 {
        %mul3A_190 = arith.constant 8 : i32
        %mul3A_191 = arith.muli %scan3A_188, %mul3A_190 : i32
        %add3A_192 = arith.constant 0 : i32
        %add3A_193 = arith.addi %mul3A_191, %add3A_192 : i32
        %add3A_194 = vector.broadcast %add3A_193 : i32 to vector<16xi32>
        %add3A_195 = arith.addi %mul3A_1, %add3A_194 : vector<16xi32>
        %gather3A = tpu.vector_load_idx %arg6[%add3A_195] : memref<4112xi32, #tpu.memory_space<vmem>>[vector<16xi32>], vector<16xi32>,
        %add3A_196 = vector.broadcast %add3A_193 : i32 to vector<16xi32>
        %add3A_197 = arith.addi %mul3A_1, %add3A_196 : vector<16xi32>
        %gather3A_198 = tpu.vector_load_idx %arg8[%add3A_197] : memref<4112xi32, #tpu.memory_space<vmem>>[vector<16xi32>], vector<16xi32>,
        %shift_right_logical3A = arith.constant 16 : i32
        %shift_right_logical3A_199 = vector.broadcast %shift_right_logical3A : i32 to vector<16xi32>
        %shift_right_logical3A_200 = arith.shrui %gather3A, %shift_right_logical3A_199 : vector<16xi32>
        %and3A = arith.constant 255 : i32
        %and3A_201 = vector.broadcast %and3A : i32 to vector<16xi32>
        %and3A_202 = arith.andi %shift_right_logical3A_200, %and3A_201 : vector<16xi32>
        %add3A_203 = arith.addi %mul3A_4, %and3A_202 : vector<16xi32>
        %gather3A_204 = tpu.vector_load_idx %arg10[%add3A_203] : memref<4224xi32, #tpu.memory_space<vmem>>[vector<16xi32>], vector<16xi32>,
        tpu.vector_store_idx %arg10[%add3A_203], %broadcast_in_dim3A_7 {add = true} : memref<4224xi32, #tpu.memory_space<vmem>>[vector<16xi32>], vector<16xi32>,
        %shift_right_logical3A_205 = arith.constant 8 : i32
        %shift_right_logical3A_206 = vector.broadcast %shift_right_logical3A_205 : i32 to vector<16xi32>
        %shift_right_logical3A_207 = arith.shrui %gather3A_204, %shift_right_logical3A_206 : vector<16xi32>
        %add3A_208 = arith.addi %gather3A_204, %shift_right_logical3A_207 : vector<16xi32>
        tpu.vector_store_idx %arg7[%add3A_208], %gather3A : memref<4112xi32, #tpu.memory_space<vmem>>[vector<16xi32>], vector<16xi32>,
        tpu.vector_store_idx %arg9[%add3A_208], %gather3A_198 : memref<4112xi32, #tpu.memory_space<vmem>>[vector<16xi32>], vector<16xi32>,
        %mul3A_209 = arith.constant 8 : i32
        %mul3A_210 = arith.muli %scan3A_188, %mul3A_209 : i32
        %add3A_211 = arith.constant 1 : i32
        %add3A_212 = arith.addi %mul3A_210, %add3A_211 : i32
        %add3A_213 = vector.broadcast %add3A_212 : i32 to vector<16xi32>
        %add3A_214 = arith.addi %mul3A_1, %add3A_213 : vector<16xi32>
        %gather3A_215 = tpu.vector_load_idx %arg6[%add3A_214] : memref<4112xi32, #tpu.memory_space<vmem>>[vector<16xi32>], vector<16xi32>,
        %add3A_216 = vector.broadcast %add3A_212 : i32 to vector<16xi32>
        %add3A_217 = arith.addi %mul3A_1, %add3A_216 : vector<16xi32>
        %gather3A_218 = tpu.vector_load_idx %arg8[%add3A_217] : memref<4112xi32, #tpu.memory_space<vmem>>[vector<16xi32>], vector<16xi32>,
        %shift_right_logical3A_219 = arith.constant 16 : i32
        %shift_right_logical3A_220 = vector.broadcast %shift_right_logical3A_219 : i32 to vector<16xi32>
        %shift_right_logical3A_221 = arith.shrui %gather3A_215, %shift_right_logical3A_220 : vector<16xi32>
        %and3A_222 = arith.constant 255 : i32
        %and3A_223 = vector.broadcast %and3A_222 : i32 to vector<16xi32>
        %and3A_224 = arith.andi %shift_right_logical3A_221, %and3A_223 : vector<16xi32>
        %add3A_225 = arith.addi %mul3A_4, %and3A_224 : vector<16xi32>
        %gather3A_226 = tpu.vector_load_idx %arg10[%add3A_225] : memref<4224xi32, #tpu.memory_space<vmem>>[vector<16xi32>], vector<16xi32>,
        tpu.vector_store_idx %arg10[%add3A_225], %broadcast_in_dim3A_7 {add = true} : memref<4224xi32, #tpu.memory_space<vmem>>[vector<16xi32>], vector<16xi32>,
        %shift_right_logical3A_227 = arith.constant 8 : i32
        %shift_right_logical3A_228 = vector.broadcast %shift_right_logical3A_227 : i32 to vector<16xi32>
        %shift_right_logical3A_229 = arith.shrui %gather3A_226, %shift_right_logical3A_228 : vector<16xi32>
        %add3A_230 = arith.addi %gather3A_226, %shift_right_logical3A_229 : vector<16xi32>
        tpu.vector_store_idx %arg7[%add3A_230], %gather3A_215 : memref<4112xi32, #tpu.memory_space<vmem>>[vector<16xi32>], vector<16xi32>,
        tpu.vector_store_idx %arg9[%add3A_230], %gather3A_218 : memref<4112xi32, #tpu.memory_space<vmem>>[vector<16xi32>], vector<16xi32>,
        %mul3A_231 = arith.constant 8 : i32
        %mul3A_232 = arith.muli %scan3A_188, %mul3A_231 : i32
        %add3A_233 = arith.constant 2 : i32
        %add3A_234 = arith.addi %mul3A_232, %add3A_233 : i32
        %add3A_235 = vector.broadcast %add3A_234 : i32 to vector<16xi32>
        %add3A_236 = arith.addi %mul3A_1, %add3A_235 : vector<16xi32>
        %gather3A_237 = tpu.vector_load_idx %arg6[%add3A_236] : memref<4112xi32, #tpu.memory_space<vmem>>[vector<16xi32>], vector<16xi32>,
        %add3A_238 = vector.broadcast %add3A_234 : i32 to vector<16xi32>
        %add3A_239 = arith.addi %mul3A_1, %add3A_238 : vector<16xi32>
        %gather3A_240 = tpu.vector_load_idx %arg8[%add3A_239] : memref<4112xi32, #tpu.memory_space<vmem>>[vector<16xi32>], vector<16xi32>,
        %shift_right_logical3A_241 = arith.constant 16 : i32
        %shift_right_logical3A_242 = vector.broadcast %shift_right_logical3A_241 : i32 to vector<16xi32>
        %shift_right_logical3A_243 = arith.shrui %gather3A_237, %shift_right_logical3A_242 : vector<16xi32>
        %and3A_244 = arith.constant 255 : i32
        %and3A_245 = vector.broadcast %and3A_244 : i32 to vector<16xi32>
        %and3A_246 = arith.andi %shift_right_logical3A_243, %and3A_245 : vector<16xi32>
        %add3A_247 = arith.addi %mul3A_4, %and3A_246 : vector<16xi32>
        %gather3A_248 = tpu.vector_load_idx %arg10[%add3A_247] : memref<4224xi32, #tpu.memory_space<vmem>>[vector<16xi32>], vector<16xi32>,
        tpu.vector_store_idx %arg10[%add3A_247], %broadcast_in_dim3A_7 {add = true} : memref<4224xi32, #tpu.memory_space<vmem>>[vector<16xi32>], vector<16xi32>,
        %shift_right_logical3A_249 = arith.constant 8 : i32
        %shift_right_logical3A_250 = vector.broadcast %shift_right_logical3A_249 : i32 to vector<16xi32>
        %shift_right_logical3A_251 = arith.shrui %gather3A_248, %shift_right_logical3A_250 : vector<16xi32>
        %add3A_252 = arith.addi %gather3A_248, %shift_right_logical3A_251 : vector<16xi32>
        tpu.vector_store_idx %arg7[%add3A_252], %gather3A_237 : memref<4112xi32, #tpu.memory_space<vmem>>[vector<16xi32>], vector<16xi32>,
        tpu.vector_store_idx %arg9[%add3A_252], %gather3A_240 : memref<4112xi32, #tpu.memory_space<vmem>>[vector<16xi32>], vector<16xi32>,
        %mul3A_253 = arith.constant 8 : i32
        %mul3A_254 = arith.muli %scan3A_188, %mul3A_253 : i32
        %add3A_255 = arith.constant 3 : i32
        %add3A_256 = arith.addi %mul3A_254, %add3A_255 : i32
        %add3A_257 = vector.broadcast %add3A_256 : i32 to vector<16xi32>
        %add3A_258 = arith.addi %mul3A_1, %add3A_257 : vector<16xi32>
        %gather3A_259 = tpu.vector_load_idx %arg6[%add3A_258] : memref<4112xi32, #tpu.memory_space<vmem>>[vector<16xi32>], vector<16xi32>,
        %add3A_260 = vector.broadcast %add3A_256 : i32 to vector<16xi32>
        %add3A_261 = arith.addi %mul3A_1, %add3A_260 : vector<16xi32>
        %gather3A_262 = tpu.vector_load_idx %arg8[%add3A_261] : memref<4112xi32, #tpu.memory_space<vmem>>[vector<16xi32>], vector<16xi32>,
        %shift_right_logical3A_263 = arith.constant 16 : i32
        %shift_right_logical3A_264 = vector.broadcast %shift_right_logical3A_263 : i32 to vector<16xi32>
        %shift_right_logical3A_265 = arith.shrui %gather3A_259, %shift_right_logical3A_264 : vector<16xi32>
        %and3A_266 = arith.constant 255 : i32
        %and3A_267 = vector.broadcast %and3A_266 : i32 to vector<16xi32>
        %and3A_268 = arith.andi %shift_right_logical3A_265, %and3A_267 : vector<16xi32>
        %add3A_269 = arith.addi %mul3A_4, %and3A_268 : vector<16xi32>
        %gather3A_270 = tpu.vector_load_idx %arg10[%add3A_269] : memref<4224xi32, #tpu.memory_space<vmem>>[vector<16xi32>], vector<16xi32>,
        tpu.vector_store_idx %arg10[%add3A_269], %broadcast_in_dim3A_7 {add = true} : memref<4224xi32, #tpu.memory_space<vmem>>[vector<16xi32>], vector<16xi32>,
        %shift_right_logical3A_271 = arith.constant 8 : i32
        %shift_right_logical3A_272 = vector.broadcast %shift_right_logical3A_271 : i32 to vector<16xi32>
        %shift_right_logical3A_273 = arith.shrui %gather3A_270, %shift_right_logical3A_272 : vector<16xi32>
        %add3A_274 = arith.addi %gather3A_270, %shift_right_logical3A_273 : vector<16xi32>
        tpu.vector_store_idx %arg7[%add3A_274], %gather3A_259 : memref<4112xi32, #tpu.memory_space<vmem>>[vector<16xi32>], vector<16xi32>,
        tpu.vector_store_idx %arg9[%add3A_274], %gather3A_262 : memref<4112xi32, #tpu.memory_space<vmem>>[vector<16xi32>], vector<16xi32>,
        %mul3A_275 = arith.constant 8 : i32
        %mul3A_276 = arith.muli %scan3A_188, %mul3A_275 : i32
        %add3A_277 = arith.constant 4 : i32
        %add3A_278 = arith.addi %mul3A_276, %add3A_277 : i32
        %add3A_279 = vector.broadcast %add3A_278 : i32 to vector<16xi32>
        %add3A_280 = arith.addi %mul3A_1, %add3A_279 : vector<16xi32>
        %gather3A_281 = tpu.vector_load_idx %arg6[%add3A_280] : memref<4112xi32, #tpu.memory_space<vmem>>[vector<16xi32>], vector<16xi32>,
        %add3A_282 = vector.broadcast %add3A_278 : i32 to vector<16xi32>
        %add3A_283 = arith.addi %mul3A_1, %add3A_282 : vector<16xi32>
        %gather3A_284 = tpu.vector_load_idx %arg8[%add3A_283] : memref<4112xi32, #tpu.memory_space<vmem>>[vector<16xi32>], vector<16xi32>,
        %shift_right_logical3A_285 = arith.constant 16 : i32
        %shift_right_logical3A_286 = vector.broadcast %shift_right_logical3A_285 : i32 to vector<16xi32>
        %shift_right_logical3A_287 = arith.shrui %gather3A_281, %shift_right_logical3A_286 : vector<16xi32>
        %and3A_288 = arith.constant 255 : i32
        %and3A_289 = vector.broadcast %and3A_288 : i32 to vector<16xi32>
        %and3A_290 = arith.andi %shift_right_logical3A_287, %and3A_289 : vector<16xi32>
        %add3A_291 = arith.addi %mul3A_4, %and3A_290 : vector<16xi32>
        %gather3A_292 = tpu.vector_load_idx %arg10[%add3A_291] : memref<4224xi32, #tpu.memory_space<vmem>>[vector<16xi32>], vector<16xi32>,
        tpu.vector_store_idx %arg10[%add3A_291], %broadcast_in_dim3A_7 {add = true} : memref<4224xi32, #tpu.memory_space<vmem>>[vector<16xi32>], vector<16xi32>,
        %shift_right_logical3A_293 = arith.constant 8 : i32
        %shift_right_logical3A_294 = vector.broadcast %shift_right_logical3A_293 : i32 to vector<16xi32>
        %shift_right_logical3A_295 = arith.shrui %gather3A_292, %shift_right_logical3A_294 : vector<16xi32>
        %add3A_296 = arith.addi %gather3A_292, %shift_right_logical3A_295 : vector<16xi32>
        tpu.vector_store_idx %arg7[%add3A_296], %gather3A_281 : memref<4112xi32, #tpu.memory_space<vmem>>[vector<16xi32>], vector<16xi32>,
        tpu.vector_store_idx %arg9[%add3A_296], %gather3A_284 : memref<4112xi32, #tpu.memory_space<vmem>>[vector<16xi32>], vector<16xi32>,
        %mul3A_297 = arith.constant 8 : i32
        %mul3A_298 = arith.muli %scan3A_188, %mul3A_297 : i32
        %add3A_299 = arith.constant 5 : i32
        %add3A_300 = arith.addi %mul3A_298, %add3A_299 : i32
        %add3A_301 = vector.broadcast %add3A_300 : i32 to vector<16xi32>
        %add3A_302 = arith.addi %mul3A_1, %add3A_301 : vector<16xi32>
        %gather3A_303 = tpu.vector_load_idx %arg6[%add3A_302] : memref<4112xi32, #tpu.memory_space<vmem>>[vector<16xi32>], vector<16xi32>,
        %add3A_304 = vector.broadcast %add3A_300 : i32 to vector<16xi32>
        %add3A_305 = arith.addi %mul3A_1, %add3A_304 : vector<16xi32>
        %gather3A_306 = tpu.vector_load_idx %arg8[%add3A_305] : memref<4112xi32, #tpu.memory_space<vmem>>[vector<16xi32>], vector<16xi32>,
        %shift_right_logical3A_307 = arith.constant 16 : i32
        %shift_right_logical3A_308 = vector.broadcast %shift_right_logical3A_307 : i32 to vector<16xi32>
        %shift_right_logical3A_309 = arith.shrui %gather3A_303, %shift_right_logical3A_308 : vector<16xi32>
        %and3A_310 = arith.constant 255 : i32
        %and3A_311 = vector.broadcast %and3A_310 : i32 to vector<16xi32>
        %and3A_312 = arith.andi %shift_right_logical3A_309, %and3A_311 : vector<16xi32>
        %add3A_313 = arith.addi %mul3A_4, %and3A_312 : vector<16xi32>
        %gather3A_314 = tpu.vector_load_idx %arg10[%add3A_313] : memref<4224xi32, #tpu.memory_space<vmem>>[vector<16xi32>], vector<16xi32>,
        tpu.vector_store_idx %arg10[%add3A_313], %broadcast_in_dim3A_7 {add = true} : memref<4224xi32, #tpu.memory_space<vmem>>[vector<16xi32>], vector<16xi32>,
        %shift_right_logical3A_315 = arith.constant 8 : i32
        %shift_right_logical3A_316 = vector.broadcast %shift_right_logical3A_315 : i32 to vector<16xi32>
        %shift_right_logical3A_317 = arith.shrui %gather3A_314, %shift_right_logical3A_316 : vector<16xi32>
        %add3A_318 = arith.addi %gather3A_314, %shift_right_logical3A_317 : vector<16xi32>
        tpu.vector_store_idx %arg7[%add3A_318], %gather3A_303 : memref<4112xi32, #tpu.memory_space<vmem>>[vector<16xi32>], vector<16xi32>,
        tpu.vector_store_idx %arg9[%add3A_318], %gather3A_306 : memref<4112xi32, #tpu.memory_space<vmem>>[vector<16xi32>], vector<16xi32>,
        %mul3A_319 = arith.constant 8 : i32
        %mul3A_320 = arith.muli %scan3A_188, %mul3A_319 : i32
        %add3A_321 = arith.constant 6 : i32
        %add3A_322 = arith.addi %mul3A_320, %add3A_321 : i32
        %add3A_323 = vector.broadcast %add3A_322 : i32 to vector<16xi32>
        %add3A_324 = arith.addi %mul3A_1, %add3A_323 : vector<16xi32>
        %gather3A_325 = tpu.vector_load_idx %arg6[%add3A_324] : memref<4112xi32, #tpu.memory_space<vmem>>[vector<16xi32>], vector<16xi32>,
        %add3A_326 = vector.broadcast %add3A_322 : i32 to vector<16xi32>
        %add3A_327 = arith.addi %mul3A_1, %add3A_326 : vector<16xi32>
        %gather3A_328 = tpu.vector_load_idx %arg8[%add3A_327] : memref<4112xi32, #tpu.memory_space<vmem>>[vector<16xi32>], vector<16xi32>,
        %shift_right_logical3A_329 = arith.constant 16 : i32
        %shift_right_logical3A_330 = vector.broadcast %shift_right_logical3A_329 : i32 to vector<16xi32>
        %shift_right_logical3A_331 = arith.shrui %gather3A_325, %shift_right_logical3A_330 : vector<16xi32>
        %and3A_332 = arith.constant 255 : i32
        %and3A_333 = vector.broadcast %and3A_332 : i32 to vector<16xi32>
        %and3A_334 = arith.andi %shift_right_logical3A_331, %and3A_333 : vector<16xi32>
        %add3A_335 = arith.addi %mul3A_4, %and3A_334 : vector<16xi32>
        %gather3A_336 = tpu.vector_load_idx %arg10[%add3A_335] : memref<4224xi32, #tpu.memory_space<vmem>>[vector<16xi32>], vector<16xi32>,
        tpu.vector_store_idx %arg10[%add3A_335], %broadcast_in_dim3A_7 {add = true} : memref<4224xi32, #tpu.memory_space<vmem>>[vector<16xi32>], vector<16xi32>,
        %shift_right_logical3A_337 = arith.constant 8 : i32
        %shift_right_logical3A_338 = vector.broadcast %shift_right_logical3A_337 : i32 to vector<16xi32>
        %shift_right_logical3A_339 = arith.shrui %gather3A_336, %shift_right_logical3A_338 : vector<16xi32>
        %add3A_340 = arith.addi %gather3A_336, %shift_right_logical3A_339 : vector<16xi32>
        tpu.vector_store_idx %arg7[%add3A_340], %gather3A_325 : memref<4112xi32, #tpu.memory_space<vmem>>[vector<16xi32>], vector<16xi32>,
        tpu.vector_store_idx %arg9[%add3A_340], %gather3A_328 : memref<4112xi32, #tpu.memory_space<vmem>>[vector<16xi32>], vector<16xi32>,
        %mul3A_341 = arith.constant 8 : i32
        %mul3A_342 = arith.muli %scan3A_188, %mul3A_341 : i32
        %add3A_343 = arith.constant 7 : i32
        %add3A_344 = arith.addi %mul3A_342, %add3A_343 : i32
        %add3A_345 = vector.broadcast %add3A_344 : i32 to vector<16xi32>
        %add3A_346 = arith.addi %mul3A_1, %add3A_345 : vector<16xi32>
        %gather3A_347 = tpu.vector_load_idx %arg6[%add3A_346] : memref<4112xi32, #tpu.memory_space<vmem>>[vector<16xi32>], vector<16xi32>,
        %add3A_348 = vector.broadcast %add3A_344 : i32 to vector<16xi32>
        %add3A_349 = arith.addi %mul3A_1, %add3A_348 : vector<16xi32>
        %gather3A_350 = tpu.vector_load_idx %arg8[%add3A_349] : memref<4112xi32, #tpu.memory_space<vmem>>[vector<16xi32>], vector<16xi32>,
        %shift_right_logical3A_351 = arith.constant 16 : i32
        %shift_right_logical3A_352 = vector.broadcast %shift_right_logical3A_351 : i32 to vector<16xi32>
        %shift_right_logical3A_353 = arith.shrui %gather3A_347, %shift_right_logical3A_352 : vector<16xi32>
        %and3A_354 = arith.constant 255 : i32
        %and3A_355 = vector.broadcast %and3A_354 : i32 to vector<16xi32>
        %and3A_356 = arith.andi %shift_right_logical3A_353, %and3A_355 : vector<16xi32>
        %add3A_357 = arith.addi %mul3A_4, %and3A_356 : vector<16xi32>
        %gather3A_358 = tpu.vector_load_idx %arg10[%add3A_357] : memref<4224xi32, #tpu.memory_space<vmem>>[vector<16xi32>], vector<16xi32>,
        tpu.vector_store_idx %arg10[%add3A_357], %broadcast_in_dim3A_7 {add = true} : memref<4224xi32, #tpu.memory_space<vmem>>[vector<16xi32>], vector<16xi32>,
        %shift_right_logical3A_359 = arith.constant 8 : i32
        %shift_right_logical3A_360 = vector.broadcast %shift_right_logical3A_359 : i32 to vector<16xi32>
        %shift_right_logical3A_361 = arith.shrui %gather3A_358, %shift_right_logical3A_360 : vector<16xi32>
        %add3A_362 = arith.addi %gather3A_358, %shift_right_logical3A_361 : vector<16xi32>
        tpu.vector_store_idx %arg7[%add3A_362], %gather3A_347 : memref<4112xi32, #tpu.memory_space<vmem>>[vector<16xi32>], vector<16xi32>,
        tpu.vector_store_idx %arg9[%add3A_362], %gather3A_350 : memref<4112xi32, #tpu.memory_space<vmem>>[vector<16xi32>], vector<16xi32>,
        %scan3A_363 = arith.constant 0 : i32
        scf.yield %scan3A_363 : i32
      }
      %scan3A_145 = arith.constant 32 : i32
      %scan3A_146 = arith.constant 0 : i32
      %scan3A_147 = arith.constant 0 : i32
      %scan3A_148 = arith.constant 33 : i32
      %scan3A_149 = arith.addi %scan3A_147, %scan3A_148 : i32
      %scan3A_150 = arith.constant 1 : i32
      %scan3A_151 = scf.for %scan3A_188 = %scan3A_147 to %scan3A_149 step %scan3A_150 iter_args(%scan3A_189 = %scan3A_146) -> (i32)  : i32 {
        %mul3A_190 = arith.constant 8 : i32
        %mul3A_191 = arith.muli %scan3A_188, %mul3A_190 : i32
        %add3A_192 = arith.constant 0 : i32
        %add3A_193 = arith.addi %mul3A_191, %add3A_192 : i32
        %mul3A_194 = arith.constant 16 : i32
        %mul3A_195 = arith.muli %add3A_193, %mul3A_194 : i32
        %swap3A = arith.index_cast %mul3A_195 : i32 to index
        %swap3A_196 = tpu.vector_load %arg10[%swap3A] {strides = array<i32>} : memref<4224xi32, #tpu.memory_space<vmem>>, vector<16xi32>,
        tpu.vector_store %arg10[%swap3A], %broadcast_in_dim3A_5 {strides = array<i32>} : memref<4224xi32, #tpu.memory_space<vmem>>, vector<16xi32>,
        %mul3A_197 = arith.constant 8 : i32
        %mul3A_198 = arith.muli %scan3A_188, %mul3A_197 : i32
        %add3A_199 = arith.constant 1 : i32
        %add3A_200 = arith.addi %mul3A_198, %add3A_199 : i32
        %mul3A_201 = arith.constant 16 : i32
        %mul3A_202 = arith.muli %add3A_200, %mul3A_201 : i32
        %swap3A_203 = arith.index_cast %mul3A_202 : i32 to index
        %swap3A_204 = tpu.vector_load %arg10[%swap3A_203] {strides = array<i32>} : memref<4224xi32, #tpu.memory_space<vmem>>, vector<16xi32>,
        tpu.vector_store %arg10[%swap3A_203], %broadcast_in_dim3A_5 {strides = array<i32>} : memref<4224xi32, #tpu.memory_space<vmem>>, vector<16xi32>,
        %mul3A_205 = arith.constant 8 : i32
        %mul3A_206 = arith.muli %scan3A_188, %mul3A_205 : i32
        %add3A_207 = arith.constant 2 : i32
        %add3A_208 = arith.addi %mul3A_206, %add3A_207 : i32
        %mul3A_209 = arith.constant 16 : i32
        %mul3A_210 = arith.muli %add3A_208, %mul3A_209 : i32
        %swap3A_211 = arith.index_cast %mul3A_210 : i32 to index
        %swap3A_212 = tpu.vector_load %arg10[%swap3A_211] {strides = array<i32>} : memref<4224xi32, #tpu.memory_space<vmem>>, vector<16xi32>,
        tpu.vector_store %arg10[%swap3A_211], %broadcast_in_dim3A_5 {strides = array<i32>} : memref<4224xi32, #tpu.memory_space<vmem>>, vector<16xi32>,
        %mul3A_213 = arith.constant 8 : i32
        %mul3A_214 = arith.muli %scan3A_188, %mul3A_213 : i32
        %add3A_215 = arith.constant 3 : i32
        %add3A_216 = arith.addi %mul3A_214, %add3A_215 : i32
        %mul3A_217 = arith.constant 16 : i32
        %mul3A_218 = arith.muli %add3A_216, %mul3A_217 : i32
        %swap3A_219 = arith.index_cast %mul3A_218 : i32 to index
        %swap3A_220 = tpu.vector_load %arg10[%swap3A_219] {strides = array<i32>} : memref<4224xi32, #tpu.memory_space<vmem>>, vector<16xi32>,
        tpu.vector_store %arg10[%swap3A_219], %broadcast_in_dim3A_5 {strides = array<i32>} : memref<4224xi32, #tpu.memory_space<vmem>>, vector<16xi32>,
        %mul3A_221 = arith.constant 8 : i32
        %mul3A_222 = arith.muli %scan3A_188, %mul3A_221 : i32
        %add3A_223 = arith.constant 4 : i32
        %add3A_224 = arith.addi %mul3A_222, %add3A_223 : i32
        %mul3A_225 = arith.constant 16 : i32
        %mul3A_226 = arith.muli %add3A_224, %mul3A_225 : i32
        %swap3A_227 = arith.index_cast %mul3A_226 : i32 to index
        %swap3A_228 = tpu.vector_load %arg10[%swap3A_227] {strides = array<i32>} : memref<4224xi32, #tpu.memory_space<vmem>>, vector<16xi32>,
        tpu.vector_store %arg10[%swap3A_227], %broadcast_in_dim3A_5 {strides = array<i32>} : memref<4224xi32, #tpu.memory_space<vmem>>, vector<16xi32>,
        %mul3A_229 = arith.constant 8 : i32
        %mul3A_230 = arith.muli %scan3A_188, %mul3A_229 : i32
        %add3A_231 = arith.constant 5 : i32
        %add3A_232 = arith.addi %mul3A_230, %add3A_231 : i32
        %mul3A_233 = arith.constant 16 : i32
        %mul3A_234 = arith.muli %add3A_232, %mul3A_233 : i32
        %swap3A_235 = arith.index_cast %mul3A_234 : i32 to index
        %swap3A_236 = tpu.vector_load %arg10[%swap3A_235] {strides = array<i32>} : memref<4224xi32, #tpu.memory_space<vmem>>, vector<16xi32>,
        tpu.vector_store %arg10[%swap3A_235], %broadcast_in_dim3A_5 {strides = array<i32>} : memref<4224xi32, #tpu.memory_space<vmem>>, vector<16xi32>,
        %mul3A_237 = arith.constant 8 : i32
        %mul3A_238 = arith.muli %scan3A_188, %mul3A_237 : i32
        %add3A_239 = arith.constant 6 : i32
        %add3A_240 = arith.addi %mul3A_238, %add3A_239 : i32
        %mul3A_241 = arith.constant 16 : i32
        %mul3A_242 = arith.muli %add3A_240, %mul3A_241 : i32
        %swap3A_243 = arith.index_cast %mul3A_242 : i32 to index
        %swap3A_244 = tpu.vector_load %arg10[%swap3A_243] {strides = array<i32>} : memref<4224xi32, #tpu.memory_space<vmem>>, vector<16xi32>,
        tpu.vector_store %arg10[%swap3A_243], %broadcast_in_dim3A_5 {strides = array<i32>} : memref<4224xi32, #tpu.memory_space<vmem>>, vector<16xi32>,
        %mul3A_245 = arith.constant 8 : i32
        %mul3A_246 = arith.muli %scan3A_188, %mul3A_245 : i32
        %add3A_247 = arith.constant 7 : i32
        %add3A_248 = arith.addi %mul3A_246, %add3A_247 : i32
        %mul3A_249 = arith.constant 16 : i32
        %mul3A_250 = arith.muli %add3A_248, %mul3A_249 : i32
        %swap3A_251 = arith.index_cast %mul3A_250 : i32 to index
        %swap3A_252 = tpu.vector_load %arg10[%swap3A_251] {strides = array<i32>} : memref<4224xi32, #tpu.memory_space<vmem>>, vector<16xi32>,
        tpu.vector_store %arg10[%swap3A_251], %broadcast_in_dim3A_5 {strides = array<i32>} : memref<4224xi32, #tpu.memory_space<vmem>>, vector<16xi32>,
        %scan3A_253 = arith.constant 0 : i32
        scf.yield %scan3A_253 : i32
      }
      %scan3A_152 = arith.constant 33 : i32
      %scan3A_153 = arith.constant 0 : i32
      %scan3A_154 = arith.constant 0 : i32
      %scan3A_155 = arith.constant 32 : i32
      %scan3A_156 = arith.addi %scan3A_154, %scan3A_155 : i32
      %scan3A_157 = arith.constant 1 : i32
      %scan3A_158 = scf.for %scan3A_188 = %scan3A_154 to %scan3A_156 step %scan3A_157 iter_args(%scan3A_189 = %scan3A_153) -> (i32)  : i32 {
        %mul3A_190 = arith.constant 8 : i32
        %mul3A_191 = arith.muli %scan3A_188, %mul3A_190 : i32
        %add3A_192 = arith.constant 0 : i32
        %add3A_193 = arith.addi %mul3A_191, %add3A_192 : i32
        %add3A_194 = vector.broadcast %add3A_193 : i32 to vector<16xi32>
        %add3A_195 = arith.addi %mul3A_1, %add3A_194 : vector<16xi32>
        %gather3A = tpu.vector_load_idx %arg7[%add3A_195] : memref<4112xi32, #tpu.memory_space<vmem>>[vector<16xi32>], vector<16xi32>,
        %shift_right_logical3A = arith.constant 24 : i32
        %shift_right_logical3A_196 = vector.broadcast %shift_right_logical3A : i32 to vector<16xi32>
        %shift_right_logical3A_197 = arith.shrui %gather3A, %shift_right_logical3A_196 : vector<16xi32>
        %and3A = arith.constant 255 : i32
        %and3A_198 = vector.broadcast %and3A : i32 to vector<16xi32>
        %and3A_199 = arith.andi %shift_right_logical3A_197, %and3A_198 : vector<16xi32>
        %add3A_200 = arith.addi %mul3A_4, %and3A_199 : vector<16xi32>
        tpu.vector_store_idx %arg10[%add3A_200], %broadcast_in_dim3A_7 {add = true} : memref<4224xi32, #tpu.memory_space<vmem>>[vector<16xi32>], vector<16xi32>,
        %mul3A_201 = arith.constant 8 : i32
        %mul3A_202 = arith.muli %scan3A_188, %mul3A_201 : i32
        %add3A_203 = arith.constant 1 : i32
        %add3A_204 = arith.addi %mul3A_202, %add3A_203 : i32
        %add3A_205 = vector.broadcast %add3A_204 : i32 to vector<16xi32>
        %add3A_206 = arith.addi %mul3A_1, %add3A_205 : vector<16xi32>
        %gather3A_207 = tpu.vector_load_idx %arg7[%add3A_206] : memref<4112xi32, #tpu.memory_space<vmem>>[vector<16xi32>], vector<16xi32>,
        %shift_right_logical3A_208 = arith.constant 24 : i32
        %shift_right_logical3A_209 = vector.broadcast %shift_right_logical3A_208 : i32 to vector<16xi32>
        %shift_right_logical3A_210 = arith.shrui %gather3A_207, %shift_right_logical3A_209 : vector<16xi32>
        %and3A_211 = arith.constant 255 : i32
        %and3A_212 = vector.broadcast %and3A_211 : i32 to vector<16xi32>
        %and3A_213 = arith.andi %shift_right_logical3A_210, %and3A_212 : vector<16xi32>
        %add3A_214 = arith.addi %mul3A_4, %and3A_213 : vector<16xi32>
        tpu.vector_store_idx %arg10[%add3A_214], %broadcast_in_dim3A_7 {add = true} : memref<4224xi32, #tpu.memory_space<vmem>>[vector<16xi32>], vector<16xi32>,
        %mul3A_215 = arith.constant 8 : i32
        %mul3A_216 = arith.muli %scan3A_188, %mul3A_215 : i32
        %add3A_217 = arith.constant 2 : i32
        %add3A_218 = arith.addi %mul3A_216, %add3A_217 : i32
        %add3A_219 = vector.broadcast %add3A_218 : i32 to vector<16xi32>
        %add3A_220 = arith.addi %mul3A_1, %add3A_219 : vector<16xi32>
        %gather3A_221 = tpu.vector_load_idx %arg7[%add3A_220] : memref<4112xi32, #tpu.memory_space<vmem>>[vector<16xi32>], vector<16xi32>,
        %shift_right_logical3A_222 = arith.constant 24 : i32
        %shift_right_logical3A_223 = vector.broadcast %shift_right_logical3A_222 : i32 to vector<16xi32>
        %shift_right_logical3A_224 = arith.shrui %gather3A_221, %shift_right_logical3A_223 : vector<16xi32>
        %and3A_225 = arith.constant 255 : i32
        %and3A_226 = vector.broadcast %and3A_225 : i32 to vector<16xi32>
        %and3A_227 = arith.andi %shift_right_logical3A_224, %and3A_226 : vector<16xi32>
        %add3A_228 = arith.addi %mul3A_4, %and3A_227 : vector<16xi32>
        tpu.vector_store_idx %arg10[%add3A_228], %broadcast_in_dim3A_7 {add = true} : memref<4224xi32, #tpu.memory_space<vmem>>[vector<16xi32>], vector<16xi32>,
        %mul3A_229 = arith.constant 8 : i32
        %mul3A_230 = arith.muli %scan3A_188, %mul3A_229 : i32
        %add3A_231 = arith.constant 3 : i32
        %add3A_232 = arith.addi %mul3A_230, %add3A_231 : i32
        %add3A_233 = vector.broadcast %add3A_232 : i32 to vector<16xi32>
        %add3A_234 = arith.addi %mul3A_1, %add3A_233 : vector<16xi32>
        %gather3A_235 = tpu.vector_load_idx %arg7[%add3A_234] : memref<4112xi32, #tpu.memory_space<vmem>>[vector<16xi32>], vector<16xi32>,
        %shift_right_logical3A_236 = arith.constant 24 : i32
        %shift_right_logical3A_237 = vector.broadcast %shift_right_logical3A_236 : i32 to vector<16xi32>
        %shift_right_logical3A_238 = arith.shrui %gather3A_235, %shift_right_logical3A_237 : vector<16xi32>
        %and3A_239 = arith.constant 255 : i32
        %and3A_240 = vector.broadcast %and3A_239 : i32 to vector<16xi32>
        %and3A_241 = arith.andi %shift_right_logical3A_238, %and3A_240 : vector<16xi32>
        %add3A_242 = arith.addi %mul3A_4, %and3A_241 : vector<16xi32>
        tpu.vector_store_idx %arg10[%add3A_242], %broadcast_in_dim3A_7 {add = true} : memref<4224xi32, #tpu.memory_space<vmem>>[vector<16xi32>], vector<16xi32>,
        %mul3A_243 = arith.constant 8 : i32
        %mul3A_244 = arith.muli %scan3A_188, %mul3A_243 : i32
        %add3A_245 = arith.constant 4 : i32
        %add3A_246 = arith.addi %mul3A_244, %add3A_245 : i32
        %add3A_247 = vector.broadcast %add3A_246 : i32 to vector<16xi32>
        %add3A_248 = arith.addi %mul3A_1, %add3A_247 : vector<16xi32>
        %gather3A_249 = tpu.vector_load_idx %arg7[%add3A_248] : memref<4112xi32, #tpu.memory_space<vmem>>[vector<16xi32>], vector<16xi32>,
        %shift_right_logical3A_250 = arith.constant 24 : i32
        %shift_right_logical3A_251 = vector.broadcast %shift_right_logical3A_250 : i32 to vector<16xi32>
        %shift_right_logical3A_252 = arith.shrui %gather3A_249, %shift_right_logical3A_251 : vector<16xi32>
        %and3A_253 = arith.constant 255 : i32
        %and3A_254 = vector.broadcast %and3A_253 : i32 to vector<16xi32>
        %and3A_255 = arith.andi %shift_right_logical3A_252, %and3A_254 : vector<16xi32>
        %add3A_256 = arith.addi %mul3A_4, %and3A_255 : vector<16xi32>
        tpu.vector_store_idx %arg10[%add3A_256], %broadcast_in_dim3A_7 {add = true} : memref<4224xi32, #tpu.memory_space<vmem>>[vector<16xi32>], vector<16xi32>,
        %mul3A_257 = arith.constant 8 : i32
        %mul3A_258 = arith.muli %scan3A_188, %mul3A_257 : i32
        %add3A_259 = arith.constant 5 : i32
        %add3A_260 = arith.addi %mul3A_258, %add3A_259 : i32
        %add3A_261 = vector.broadcast %add3A_260 : i32 to vector<16xi32>
        %add3A_262 = arith.addi %mul3A_1, %add3A_261 : vector<16xi32>
        %gather3A_263 = tpu.vector_load_idx %arg7[%add3A_262] : memref<4112xi32, #tpu.memory_space<vmem>>[vector<16xi32>], vector<16xi32>,
        %shift_right_logical3A_264 = arith.constant 24 : i32
        %shift_right_logical3A_265 = vector.broadcast %shift_right_logical3A_264 : i32 to vector<16xi32>
        %shift_right_logical3A_266 = arith.shrui %gather3A_263, %shift_right_logical3A_265 : vector<16xi32>
        %and3A_267 = arith.constant 255 : i32
        %and3A_268 = vector.broadcast %and3A_267 : i32 to vector<16xi32>
        %and3A_269 = arith.andi %shift_right_logical3A_266, %and3A_268 : vector<16xi32>
        %add3A_270 = arith.addi %mul3A_4, %and3A_269 : vector<16xi32>
        tpu.vector_store_idx %arg10[%add3A_270], %broadcast_in_dim3A_7 {add = true} : memref<4224xi32, #tpu.memory_space<vmem>>[vector<16xi32>], vector<16xi32>,
        %mul3A_271 = arith.constant 8 : i32
        %mul3A_272 = arith.muli %scan3A_188, %mul3A_271 : i32
        %add3A_273 = arith.constant 6 : i32
        %add3A_274 = arith.addi %mul3A_272, %add3A_273 : i32
        %add3A_275 = vector.broadcast %add3A_274 : i32 to vector<16xi32>
        %add3A_276 = arith.addi %mul3A_1, %add3A_275 : vector<16xi32>
        %gather3A_277 = tpu.vector_load_idx %arg7[%add3A_276] : memref<4112xi32, #tpu.memory_space<vmem>>[vector<16xi32>], vector<16xi32>,
        %shift_right_logical3A_278 = arith.constant 24 : i32
        %shift_right_logical3A_279 = vector.broadcast %shift_right_logical3A_278 : i32 to vector<16xi32>
        %shift_right_logical3A_280 = arith.shrui %gather3A_277, %shift_right_logical3A_279 : vector<16xi32>
        %and3A_281 = arith.constant 255 : i32
        %and3A_282 = vector.broadcast %and3A_281 : i32 to vector<16xi32>
        %and3A_283 = arith.andi %shift_right_logical3A_280, %and3A_282 : vector<16xi32>
        %add3A_284 = arith.addi %mul3A_4, %and3A_283 : vector<16xi32>
        tpu.vector_store_idx %arg10[%add3A_284], %broadcast_in_dim3A_7 {add = true} : memref<4224xi32, #tpu.memory_space<vmem>>[vector<16xi32>], vector<16xi32>,
        %mul3A_285 = arith.constant 8 : i32
        %mul3A_286 = arith.muli %scan3A_188, %mul3A_285 : i32
        %add3A_287 = arith.constant 7 : i32
        %add3A_288 = arith.addi %mul3A_286, %add3A_287 : i32
        %add3A_289 = vector.broadcast %add3A_288 : i32 to vector<16xi32>
        %add3A_290 = arith.addi %mul3A_1, %add3A_289 : vector<16xi32>
        %gather3A_291 = tpu.vector_load_idx %arg7[%add3A_290] : memref<4112xi32, #tpu.memory_space<vmem>>[vector<16xi32>], vector<16xi32>,
        %shift_right_logical3A_292 = arith.constant 24 : i32
        %shift_right_logical3A_293 = vector.broadcast %shift_right_logical3A_292 : i32 to vector<16xi32>
        %shift_right_logical3A_294 = arith.shrui %gather3A_291, %shift_right_logical3A_293 : vector<16xi32>
        %and3A_295 = arith.constant 255 : i32
        %and3A_296 = vector.broadcast %and3A_295 : i32 to vector<16xi32>
        %and3A_297 = arith.andi %shift_right_logical3A_294, %and3A_296 : vector<16xi32>
        %add3A_298 = arith.addi %mul3A_4, %and3A_297 : vector<16xi32>
        tpu.vector_store_idx %arg10[%add3A_298], %broadcast_in_dim3A_7 {add = true} : memref<4224xi32, #tpu.memory_space<vmem>>[vector<16xi32>], vector<16xi32>,
        %scan3A_299 = arith.constant 0 : i32
        scf.yield %scan3A_299 : i32
      }
      %scan3A_159 = arith.constant 32 : i32
      %scan3A_160 = arith.constant 0 : i32
      %scan3A_161 = arith.constant 0 : i32
      %scan3A_162 = arith.constant 16 : i32
      %scan3A_163 = arith.addi %scan3A_161, %scan3A_162 : i32
      %scan3A_164 = arith.constant 1 : i32
      %scan3A_165 = scf.for %scan3A_188 = %scan3A_161 to %scan3A_163 step %scan3A_164 iter_args(%scan3A_189 = %scan3A_160) -> (i32)  : i32 {
        %mul3A_190 = arith.constant 16 : i32
        %mul3A_191 = arith.muli %scan3A_188, %mul3A_190 : i32
        %add3A_192 = arith.constant 0 : i32
        %add3A_193 = arith.addi %add3A_192, %mul3A_191 : i32
        %get3A = arith.index_cast %add3A_193 : i32 to index
        %get3A_194 = tpu.vector_load %arg10[%get3A] {strides = array<i32>} : memref<4224xi32, #tpu.memory_space<vmem>>, vector<16xi32>,
        %swap3A = arith.index_cast %add3A_193 : i32 to index
        %swap3A_195 = tpu.vector_load %arg10[%swap3A] {strides = array<i32>} : memref<4224xi32, #tpu.memory_space<vmem>>, vector<16xi32>,
        tpu.vector_store %arg10[%swap3A], %broadcast_in_dim3A_5 {strides = array<i32>} : memref<4224xi32, #tpu.memory_space<vmem>>, vector<16xi32>,
        %add3A_196 = arith.addi %broadcast_in_dim3A_5, %get3A_194 : vector<16xi32>
        %mul3A_197 = arith.constant 16 : i32
        %mul3A_198 = arith.muli %scan3A_188, %mul3A_197 : i32
        %add3A_199 = arith.constant 257 : i32
        %add3A_200 = arith.addi %add3A_199, %mul3A_198 : i32
        %get3A_201 = arith.index_cast %add3A_200 : i32 to index
        %get3A_202 = tpu.vector_load %arg10[%get3A_201] {strides = array<i32>} : memref<4224xi32, #tpu.memory_space<vmem>>, vector<16xi32>,
        %swap3A_203 = arith.index_cast %add3A_200 : i32 to index
        %swap3A_204 = tpu.vector_load %arg10[%swap3A_203] {strides = array<i32>} : memref<4224xi32, #tpu.memory_space<vmem>>, vector<16xi32>,
        tpu.vector_store %arg10[%swap3A_203], %add3A_196 {strides = array<i32>} : memref<4224xi32, #tpu.memory_space<vmem>>, vector<16xi32>,
        %add3A_205 = arith.addi %add3A_196, %get3A_202 : vector<16xi32>
        %mul3A_206 = arith.constant 16 : i32
        %mul3A_207 = arith.muli %scan3A_188, %mul3A_206 : i32
        %add3A_208 = arith.constant 514 : i32
        %add3A_209 = arith.addi %add3A_208, %mul3A_207 : i32
        %get3A_210 = arith.index_cast %add3A_209 : i32 to index
        %get3A_211 = tpu.vector_load %arg10[%get3A_210] {strides = array<i32>} : memref<4224xi32, #tpu.memory_space<vmem>>, vector<16xi32>,
        %swap3A_212 = arith.index_cast %add3A_209 : i32 to index
        %swap3A_213 = tpu.vector_load %arg10[%swap3A_212] {strides = array<i32>} : memref<4224xi32, #tpu.memory_space<vmem>>, vector<16xi32>,
        tpu.vector_store %arg10[%swap3A_212], %add3A_205 {strides = array<i32>} : memref<4224xi32, #tpu.memory_space<vmem>>, vector<16xi32>,
        %add3A_214 = arith.addi %add3A_205, %get3A_211 : vector<16xi32>
        %mul3A_215 = arith.constant 16 : i32
        %mul3A_216 = arith.muli %scan3A_188, %mul3A_215 : i32
        %add3A_217 = arith.constant 771 : i32
        %add3A_218 = arith.addi %add3A_217, %mul3A_216 : i32
        %get3A_219 = arith.index_cast %add3A_218 : i32 to index
        %get3A_220 = tpu.vector_load %arg10[%get3A_219] {strides = array<i32>} : memref<4224xi32, #tpu.memory_space<vmem>>, vector<16xi32>,
        %swap3A_221 = arith.index_cast %add3A_218 : i32 to index
        %swap3A_222 = tpu.vector_load %arg10[%swap3A_221] {strides = array<i32>} : memref<4224xi32, #tpu.memory_space<vmem>>, vector<16xi32>,
        tpu.vector_store %arg10[%swap3A_221], %add3A_214 {strides = array<i32>} : memref<4224xi32, #tpu.memory_space<vmem>>, vector<16xi32>,
        %add3A_223 = arith.addi %add3A_214, %get3A_220 : vector<16xi32>
        %mul3A_224 = arith.constant 16 : i32
        %mul3A_225 = arith.muli %scan3A_188, %mul3A_224 : i32
        %add3A_226 = arith.constant 1028 : i32
        %add3A_227 = arith.addi %add3A_226, %mul3A_225 : i32
        %get3A_228 = arith.index_cast %add3A_227 : i32 to index
        %get3A_229 = tpu.vector_load %arg10[%get3A_228] {strides = array<i32>} : memref<4224xi32, #tpu.memory_space<vmem>>, vector<16xi32>,
        %swap3A_230 = arith.index_cast %add3A_227 : i32 to index
        %swap3A_231 = tpu.vector_load %arg10[%swap3A_230] {strides = array<i32>} : memref<4224xi32, #tpu.memory_space<vmem>>, vector<16xi32>,
        tpu.vector_store %arg10[%swap3A_230], %add3A_223 {strides = array<i32>} : memref<4224xi32, #tpu.memory_space<vmem>>, vector<16xi32>,
        %add3A_232 = arith.addi %add3A_223, %get3A_229 : vector<16xi32>
        %mul3A_233 = arith.constant 16 : i32
        %mul3A_234 = arith.muli %scan3A_188, %mul3A_233 : i32
        %add3A_235 = arith.constant 1285 : i32
        %add3A_236 = arith.addi %add3A_235, %mul3A_234 : i32
        %get3A_237 = arith.index_cast %add3A_236 : i32 to index
        %get3A_238 = tpu.vector_load %arg10[%get3A_237] {strides = array<i32>} : memref<4224xi32, #tpu.memory_space<vmem>>, vector<16xi32>,
        %swap3A_239 = arith.index_cast %add3A_236 : i32 to index
        %swap3A_240 = tpu.vector_load %arg10[%swap3A_239] {strides = array<i32>} : memref<4224xi32, #tpu.memory_space<vmem>>, vector<16xi32>,
        tpu.vector_store %arg10[%swap3A_239], %add3A_232 {strides = array<i32>} : memref<4224xi32, #tpu.memory_space<vmem>>, vector<16xi32>,
        %add3A_241 = arith.addi %add3A_232, %get3A_238 : vector<16xi32>
        %mul3A_242 = arith.constant 16 : i32
        %mul3A_243 = arith.muli %scan3A_188, %mul3A_242 : i32
        %add3A_244 = arith.constant 1542 : i32
        %add3A_245 = arith.addi %add3A_244, %mul3A_243 : i32
        %get3A_246 = arith.index_cast %add3A_245 : i32 to index
        %get3A_247 = tpu.vector_load %arg10[%get3A_246] {strides = array<i32>} : memref<4224xi32, #tpu.memory_space<vmem>>, vector<16xi32>,
        %swap3A_248 = arith.index_cast %add3A_245 : i32 to index
        %swap3A_249 = tpu.vector_load %arg10[%swap3A_248] {strides = array<i32>} : memref<4224xi32, #tpu.memory_space<vmem>>, vector<16xi32>,
        tpu.vector_store %arg10[%swap3A_248], %add3A_241 {strides = array<i32>} : memref<4224xi32, #tpu.memory_space<vmem>>, vector<16xi32>,
        %add3A_250 = arith.addi %add3A_241, %get3A_247 : vector<16xi32>
        %mul3A_251 = arith.constant 16 : i32
        %mul3A_252 = arith.muli %scan3A_188, %mul3A_251 : i32
        %add3A_253 = arith.constant 1799 : i32
        %add3A_254 = arith.addi %add3A_253, %mul3A_252 : i32
        %get3A_255 = arith.index_cast %add3A_254 : i32 to index
        %get3A_256 = tpu.vector_load %arg10[%get3A_255] {strides = array<i32>} : memref<4224xi32, #tpu.memory_space<vmem>>, vector<16xi32>,
        %swap3A_257 = arith.index_cast %add3A_254 : i32 to index
        %swap3A_258 = tpu.vector_load %arg10[%swap3A_257] {strides = array<i32>} : memref<4224xi32, #tpu.memory_space<vmem>>, vector<16xi32>,
        tpu.vector_store %arg10[%swap3A_257], %add3A_250 {strides = array<i32>} : memref<4224xi32, #tpu.memory_space<vmem>>, vector<16xi32>,
        %add3A_259 = arith.addi %add3A_250, %get3A_256 : vector<16xi32>
        %mul3A_260 = arith.constant 16 : i32
        %mul3A_261 = arith.muli %scan3A_188, %mul3A_260 : i32
        %add3A_262 = arith.constant 2056 : i32
        %add3A_263 = arith.addi %add3A_262, %mul3A_261 : i32
        %get3A_264 = arith.index_cast %add3A_263 : i32 to index
        %get3A_265 = tpu.vector_load %arg10[%get3A_264] {strides = array<i32>} : memref<4224xi32, #tpu.memory_space<vmem>>, vector<16xi32>,
        %swap3A_266 = arith.index_cast %add3A_263 : i32 to index
        %swap3A_267 = tpu.vector_load %arg10[%swap3A_266] {strides = array<i32>} : memref<4224xi32, #tpu.memory_space<vmem>>, vector<16xi32>,
        tpu.vector_store %arg10[%swap3A_266], %add3A_259 {strides = array<i32>} : memref<4224xi32, #tpu.memory_space<vmem>>, vector<16xi32>,
        %add3A_268 = arith.addi %add3A_259, %get3A_265 : vector<16xi32>
        %mul3A_269 = arith.constant 16 : i32
        %mul3A_270 = arith.muli %scan3A_188, %mul3A_269 : i32
        %add3A_271 = arith.constant 2313 : i32
        %add3A_272 = arith.addi %add3A_271, %mul3A_270 : i32
        %get3A_273 = arith.index_cast %add3A_272 : i32 to index
        %get3A_274 = tpu.vector_load %arg10[%get3A_273] {strides = array<i32>} : memref<4224xi32, #tpu.memory_space<vmem>>, vector<16xi32>,
        %swap3A_275 = arith.index_cast %add3A_272 : i32 to index
        %swap3A_276 = tpu.vector_load %arg10[%swap3A_275] {strides = array<i32>} : memref<4224xi32, #tpu.memory_space<vmem>>, vector<16xi32>,
        tpu.vector_store %arg10[%swap3A_275], %add3A_268 {strides = array<i32>} : memref<4224xi32, #tpu.memory_space<vmem>>, vector<16xi32>,
        %add3A_277 = arith.addi %add3A_268, %get3A_274 : vector<16xi32>
        %mul3A_278 = arith.constant 16 : i32
        %mul3A_279 = arith.muli %scan3A_188, %mul3A_278 : i32
        %add3A_280 = arith.constant 2570 : i32
        %add3A_281 = arith.addi %add3A_280, %mul3A_279 : i32
        %get3A_282 = arith.index_cast %add3A_281 : i32 to index
        %get3A_283 = tpu.vector_load %arg10[%get3A_282] {strides = array<i32>} : memref<4224xi32, #tpu.memory_space<vmem>>, vector<16xi32>,
        %swap3A_284 = arith.index_cast %add3A_281 : i32 to index
        %swap3A_285 = tpu.vector_load %arg10[%swap3A_284] {strides = array<i32>} : memref<4224xi32, #tpu.memory_space<vmem>>, vector<16xi32>,
        tpu.vector_store %arg10[%swap3A_284], %add3A_277 {strides = array<i32>} : memref<4224xi32, #tpu.memory_space<vmem>>, vector<16xi32>,
        %add3A_286 = arith.addi %add3A_277, %get3A_283 : vector<16xi32>
        %mul3A_287 = arith.constant 16 : i32
        %mul3A_288 = arith.muli %scan3A_188, %mul3A_287 : i32
        %add3A_289 = arith.constant 2827 : i32
        %add3A_290 = arith.addi %add3A_289, %mul3A_288 : i32
        %get3A_291 = arith.index_cast %add3A_290 : i32 to index
        %get3A_292 = tpu.vector_load %arg10[%get3A_291] {strides = array<i32>} : memref<4224xi32, #tpu.memory_space<vmem>>, vector<16xi32>,
        %swap3A_293 = arith.index_cast %add3A_290 : i32 to index
        %swap3A_294 = tpu.vector_load %arg10[%swap3A_293] {strides = array<i32>} : memref<4224xi32, #tpu.memory_space<vmem>>, vector<16xi32>,
        tpu.vector_store %arg10[%swap3A_293], %add3A_286 {strides = array<i32>} : memref<4224xi32, #tpu.memory_space<vmem>>, vector<16xi32>,
        %add3A_295 = arith.addi %add3A_286, %get3A_292 : vector<16xi32>
        %mul3A_296 = arith.constant 16 : i32
        %mul3A_297 = arith.muli %scan3A_188, %mul3A_296 : i32
        %add3A_298 = arith.constant 3084 : i32
        %add3A_299 = arith.addi %add3A_298, %mul3A_297 : i32
        %get3A_300 = arith.index_cast %add3A_299 : i32 to index
        %get3A_301 = tpu.vector_load %arg10[%get3A_300] {strides = array<i32>} : memref<4224xi32, #tpu.memory_space<vmem>>, vector<16xi32>,
        %swap3A_302 = arith.index_cast %add3A_299 : i32 to index
        %swap3A_303 = tpu.vector_load %arg10[%swap3A_302] {strides = array<i32>} : memref<4224xi32, #tpu.memory_space<vmem>>, vector<16xi32>,
        tpu.vector_store %arg10[%swap3A_302], %add3A_295 {strides = array<i32>} : memref<4224xi32, #tpu.memory_space<vmem>>, vector<16xi32>,
        %add3A_304 = arith.addi %add3A_295, %get3A_301 : vector<16xi32>
        %mul3A_305 = arith.constant 16 : i32
        %mul3A_306 = arith.muli %scan3A_188, %mul3A_305 : i32
        %add3A_307 = arith.constant 3341 : i32
        %add3A_308 = arith.addi %add3A_307, %mul3A_306 : i32
        %get3A_309 = arith.index_cast %add3A_308 : i32 to index
        %get3A_310 = tpu.vector_load %arg10[%get3A_309] {strides = array<i32>} : memref<4224xi32, #tpu.memory_space<vmem>>, vector<16xi32>,
        %swap3A_311 = arith.index_cast %add3A_308 : i32 to index
        %swap3A_312 = tpu.vector_load %arg10[%swap3A_311] {strides = array<i32>} : memref<4224xi32, #tpu.memory_space<vmem>>, vector<16xi32>,
        tpu.vector_store %arg10[%swap3A_311], %add3A_304 {strides = array<i32>} : memref<4224xi32, #tpu.memory_space<vmem>>, vector<16xi32>,
        %add3A_313 = arith.addi %add3A_304, %get3A_310 : vector<16xi32>
        %mul3A_314 = arith.constant 16 : i32
        %mul3A_315 = arith.muli %scan3A_188, %mul3A_314 : i32
        %add3A_316 = arith.constant 3598 : i32
        %add3A_317 = arith.addi %add3A_316, %mul3A_315 : i32
        %get3A_318 = arith.index_cast %add3A_317 : i32 to index
        %get3A_319 = tpu.vector_load %arg10[%get3A_318] {strides = array<i32>} : memref<4224xi32, #tpu.memory_space<vmem>>, vector<16xi32>,
        %swap3A_320 = arith.index_cast %add3A_317 : i32 to index
        %swap3A_321 = tpu.vector_load %arg10[%swap3A_320] {strides = array<i32>} : memref<4224xi32, #tpu.memory_space<vmem>>, vector<16xi32>,
        tpu.vector_store %arg10[%swap3A_320], %add3A_313 {strides = array<i32>} : memref<4224xi32, #tpu.memory_space<vmem>>, vector<16xi32>,
        %add3A_322 = arith.addi %add3A_313, %get3A_319 : vector<16xi32>
        %mul3A_323 = arith.constant 16 : i32
        %mul3A_324 = arith.muli %scan3A_188, %mul3A_323 : i32
        %add3A_325 = arith.constant 3855 : i32
        %add3A_326 = arith.addi %add3A_325, %mul3A_324 : i32
        %get3A_327 = arith.index_cast %add3A_326 : i32 to index
        %get3A_328 = tpu.vector_load %arg10[%get3A_327] {strides = array<i32>} : memref<4224xi32, #tpu.memory_space<vmem>>, vector<16xi32>,
        %swap3A_329 = arith.index_cast %add3A_326 : i32 to index
        %swap3A_330 = tpu.vector_load %arg10[%swap3A_329] {strides = array<i32>} : memref<4224xi32, #tpu.memory_space<vmem>>, vector<16xi32>,
        tpu.vector_store %arg10[%swap3A_329], %add3A_322 {strides = array<i32>} : memref<4224xi32, #tpu.memory_space<vmem>>, vector<16xi32>,
        %add3A_331 = arith.addi %add3A_322, %get3A_328 : vector<16xi32>
        %mul3A_332 = arith.constant 16 : i32
        %mul3A_333 = arith.muli %scan3A_188, %mul3A_332 : i32
        %swap3A_334 = arith.index_cast %mul3A_333 : i32 to index
        %swap3A_335 = tpu.vector_load %arg11[%swap3A_334] {strides = array<i32>} : memref<256xi32, #tpu.memory_space<vmem>>, vector<16xi32>,
        tpu.vector_store %arg11[%swap3A_334], %add3A_331 {strides = array<i32>} : memref<256xi32, #tpu.memory_space<vmem>>, vector<16xi32>,
        %scan3A_336 = arith.constant 0 : i32
        scf.yield %scan3A_336 : i32
      }
      %scan3A_166 = arith.constant 16 : i32
      %scan3A_167 = arith.constant 0 : i32
      %scan3A_168 = arith.constant 0 : i32
      %scan3A_169 = arith.constant 16 : i32
      %scan3A_170 = arith.addi %scan3A_168, %scan3A_169 : i32
      %scan3A_171 = arith.constant 1 : i32
      %scan3A_172 = scf.for %scan3A_188 = %scan3A_168 to %scan3A_170 step %scan3A_171 iter_args(%scan3A_189 = %scan3A_167) -> (i32)  : i32 {
        %mul3A_190 = arith.constant 16 : i32
        %mul3A_191 = arith.muli %scan3A_188, %mul3A_190 : i32
        %get3A = arith.index_cast %mul3A_191 : i32 to index
        %get3A_192 = tpu.vector_load %arg11[%get3A] {strides = array<i32>} : memref<256xi32, #tpu.memory_space<vmem>>, vector<16xi32>,
        %broadcast_in_dim3A_193 = arith.constant true
        %broadcast_in_dim3A_194 = vector.broadcast %broadcast_in_dim3A_193 : i1 to vector<16xi1>
        %masked_cumsum3A = tpu.scan <sum>, %get3A_192 masked %broadcast_in_dim3A_194 : vector<16xi32>, vector<16xi1> -> vector<16xi32>
        %sub3A = arith.subi %masked_cumsum3A, %get3A_192 : vector<16xi32>
        %add3A_195 = vector.broadcast %scan3A_189 : i32 to vector<16xi32>
        %add3A_196 = arith.addi %sub3A, %add3A_195 : vector<16xi32>
        %mul3A_197 = arith.constant 16 : i32
        %mul3A_198 = arith.muli %scan3A_188, %mul3A_197 : i32
        %swap3A = arith.index_cast %mul3A_198 : i32 to index
        %swap3A_199 = tpu.vector_load %arg12[%swap3A] {strides = array<i32>} : memref<256xi32, #tpu.memory_space<vmem>>, vector<16xi32>,
        tpu.vector_store %arg12[%swap3A], %add3A_196 {strides = array<i32>} : memref<256xi32, #tpu.memory_space<vmem>>, vector<16xi32>,
        %reduce_sum3A = arith.constant true
        %reduce_sum3A_200 = vector.broadcast %reduce_sum3A : i1 to vector<16xi1>
        %reduce_sum3A_201 = tpu.scan <sum>, %get3A_192 masked %reduce_sum3A_200 : vector<16xi32>, vector<16xi1> -> vector<16xi32>
        %reduce_sum3A_202 = vector.extract %reduce_sum3A_201[15] : i32 from vector<16xi32>
        %add3A_203 = arith.addi %scan3A_189, %reduce_sum3A_202 : i32
        scf.yield %add3A_203 : i32
      }
      %scan3A_173 = arith.constant 16 : i32
      %scan3A_174 = arith.constant 0 : i32
      %scan3A_175 = arith.constant 0 : i32
      %scan3A_176 = arith.constant 16 : i32
      %scan3A_177 = arith.addi %scan3A_175, %scan3A_176 : i32
      %scan3A_178 = arith.constant 1 : i32
      %scan3A_179 = scf.for %scan3A_188 = %scan3A_175 to %scan3A_177 step %scan3A_178 iter_args(%scan3A_189 = %scan3A_174) -> (i32)  : i32 {
        %mul3A_190 = arith.constant 16 : i32
        %mul3A_191 = arith.muli %scan3A_188, %mul3A_190 : i32
        %get3A = arith.index_cast %mul3A_191 : i32 to index
        %get3A_192 = tpu.vector_load %arg12[%get3A] {strides = array<i32>} : memref<256xi32, #tpu.memory_space<vmem>>, vector<16xi32>,
        %mul3A_193 = arith.constant 16 : i32
        %mul3A_194 = arith.muli %scan3A_188, %mul3A_193 : i32
        %add3A_195 = arith.constant 0 : i32
        %add3A_196 = arith.addi %add3A_195, %mul3A_194 : i32
        %get3A_197 = arith.index_cast %add3A_196 : i32 to index
        %get3A_198 = tpu.vector_load %arg10[%get3A_197] {strides = array<i32>} : memref<4224xi32, #tpu.memory_space<vmem>>, vector<16xi32>,
        %add3A_199 = arith.addi %get3A_198, %get3A_192 : vector<16xi32>
        %swap3A = arith.index_cast %add3A_196 : i32 to index
        %swap3A_200 = tpu.vector_load %arg10[%swap3A] {strides = array<i32>} : memref<4224xi32, #tpu.memory_space<vmem>>, vector<16xi32>,
        tpu.vector_store %arg10[%swap3A], %add3A_199 {strides = array<i32>} : memref<4224xi32, #tpu.memory_space<vmem>>, vector<16xi32>,
        %mul3A_201 = arith.constant 16 : i32
        %mul3A_202 = arith.muli %scan3A_188, %mul3A_201 : i32
        %add3A_203 = arith.constant 257 : i32
        %add3A_204 = arith.addi %add3A_203, %mul3A_202 : i32
        %get3A_205 = arith.index_cast %add3A_204 : i32 to index
        %get3A_206 = tpu.vector_load %arg10[%get3A_205] {strides = array<i32>} : memref<4224xi32, #tpu.memory_space<vmem>>, vector<16xi32>,
        %add3A_207 = arith.addi %get3A_206, %get3A_192 : vector<16xi32>
        %swap3A_208 = arith.index_cast %add3A_204 : i32 to index
        %swap3A_209 = tpu.vector_load %arg10[%swap3A_208] {strides = array<i32>} : memref<4224xi32, #tpu.memory_space<vmem>>, vector<16xi32>,
        tpu.vector_store %arg10[%swap3A_208], %add3A_207 {strides = array<i32>} : memref<4224xi32, #tpu.memory_space<vmem>>, vector<16xi32>,
        %mul3A_210 = arith.constant 16 : i32
        %mul3A_211 = arith.muli %scan3A_188, %mul3A_210 : i32
        %add3A_212 = arith.constant 514 : i32
        %add3A_213 = arith.addi %add3A_212, %mul3A_211 : i32
        %get3A_214 = arith.index_cast %add3A_213 : i32 to index
        %get3A_215 = tpu.vector_load %arg10[%get3A_214] {strides = array<i32>} : memref<4224xi32, #tpu.memory_space<vmem>>, vector<16xi32>,
        %add3A_216 = arith.addi %get3A_215, %get3A_192 : vector<16xi32>
        %swap3A_217 = arith.index_cast %add3A_213 : i32 to index
        %swap3A_218 = tpu.vector_load %arg10[%swap3A_217] {strides = array<i32>} : memref<4224xi32, #tpu.memory_space<vmem>>, vector<16xi32>,
        tpu.vector_store %arg10[%swap3A_217], %add3A_216 {strides = array<i32>} : memref<4224xi32, #tpu.memory_space<vmem>>, vector<16xi32>,
        %mul3A_219 = arith.constant 16 : i32
        %mul3A_220 = arith.muli %scan3A_188, %mul3A_219 : i32
        %add3A_221 = arith.constant 771 : i32
        %add3A_222 = arith.addi %add3A_221, %mul3A_220 : i32
        %get3A_223 = arith.index_cast %add3A_222 : i32 to index
        %get3A_224 = tpu.vector_load %arg10[%get3A_223] {strides = array<i32>} : memref<4224xi32, #tpu.memory_space<vmem>>, vector<16xi32>,
        %add3A_225 = arith.addi %get3A_224, %get3A_192 : vector<16xi32>
        %swap3A_226 = arith.index_cast %add3A_222 : i32 to index
        %swap3A_227 = tpu.vector_load %arg10[%swap3A_226] {strides = array<i32>} : memref<4224xi32, #tpu.memory_space<vmem>>, vector<16xi32>,
        tpu.vector_store %arg10[%swap3A_226], %add3A_225 {strides = array<i32>} : memref<4224xi32, #tpu.memory_space<vmem>>, vector<16xi32>,
        %mul3A_228 = arith.constant 16 : i32
        %mul3A_229 = arith.muli %scan3A_188, %mul3A_228 : i32
        %add3A_230 = arith.constant 1028 : i32
        %add3A_231 = arith.addi %add3A_230, %mul3A_229 : i32
        %get3A_232 = arith.index_cast %add3A_231 : i32 to index
        %get3A_233 = tpu.vector_load %arg10[%get3A_232] {strides = array<i32>} : memref<4224xi32, #tpu.memory_space<vmem>>, vector<16xi32>,
        %add3A_234 = arith.addi %get3A_233, %get3A_192 : vector<16xi32>
        %swap3A_235 = arith.index_cast %add3A_231 : i32 to index
        %swap3A_236 = tpu.vector_load %arg10[%swap3A_235] {strides = array<i32>} : memref<4224xi32, #tpu.memory_space<vmem>>, vector<16xi32>,
        tpu.vector_store %arg10[%swap3A_235], %add3A_234 {strides = array<i32>} : memref<4224xi32, #tpu.memory_space<vmem>>, vector<16xi32>,
        %mul3A_237 = arith.constant 16 : i32
        %mul3A_238 = arith.muli %scan3A_188, %mul3A_237 : i32
        %add3A_239 = arith.constant 1285 : i32
        %add3A_240 = arith.addi %add3A_239, %mul3A_238 : i32
        %get3A_241 = arith.index_cast %add3A_240 : i32 to index
        %get3A_242 = tpu.vector_load %arg10[%get3A_241] {strides = array<i32>} : memref<4224xi32, #tpu.memory_space<vmem>>, vector<16xi32>,
        %add3A_243 = arith.addi %get3A_242, %get3A_192 : vector<16xi32>
        %swap3A_244 = arith.index_cast %add3A_240 : i32 to index
        %swap3A_245 = tpu.vector_load %arg10[%swap3A_244] {strides = array<i32>} : memref<4224xi32, #tpu.memory_space<vmem>>, vector<16xi32>,
        tpu.vector_store %arg10[%swap3A_244], %add3A_243 {strides = array<i32>} : memref<4224xi32, #tpu.memory_space<vmem>>, vector<16xi32>,
        %mul3A_246 = arith.constant 16 : i32
        %mul3A_247 = arith.muli %scan3A_188, %mul3A_246 : i32
        %add3A_248 = arith.constant 1542 : i32
        %add3A_249 = arith.addi %add3A_248, %mul3A_247 : i32
        %get3A_250 = arith.index_cast %add3A_249 : i32 to index
        %get3A_251 = tpu.vector_load %arg10[%get3A_250] {strides = array<i32>} : memref<4224xi32, #tpu.memory_space<vmem>>, vector<16xi32>,
        %add3A_252 = arith.addi %get3A_251, %get3A_192 : vector<16xi32>
        %swap3A_253 = arith.index_cast %add3A_249 : i32 to index
        %swap3A_254 = tpu.vector_load %arg10[%swap3A_253] {strides = array<i32>} : memref<4224xi32, #tpu.memory_space<vmem>>, vector<16xi32>,
        tpu.vector_store %arg10[%swap3A_253], %add3A_252 {strides = array<i32>} : memref<4224xi32, #tpu.memory_space<vmem>>, vector<16xi32>,
        %mul3A_255 = arith.constant 16 : i32
        %mul3A_256 = arith.muli %scan3A_188, %mul3A_255 : i32
        %add3A_257 = arith.constant 1799 : i32
        %add3A_258 = arith.addi %add3A_257, %mul3A_256 : i32
        %get3A_259 = arith.index_cast %add3A_258 : i32 to index
        %get3A_260 = tpu.vector_load %arg10[%get3A_259] {strides = array<i32>} : memref<4224xi32, #tpu.memory_space<vmem>>, vector<16xi32>,
        %add3A_261 = arith.addi %get3A_260, %get3A_192 : vector<16xi32>
        %swap3A_262 = arith.index_cast %add3A_258 : i32 to index
        %swap3A_263 = tpu.vector_load %arg10[%swap3A_262] {strides = array<i32>} : memref<4224xi32, #tpu.memory_space<vmem>>, vector<16xi32>,
        tpu.vector_store %arg10[%swap3A_262], %add3A_261 {strides = array<i32>} : memref<4224xi32, #tpu.memory_space<vmem>>, vector<16xi32>,
        %mul3A_264 = arith.constant 16 : i32
        %mul3A_265 = arith.muli %scan3A_188, %mul3A_264 : i32
        %add3A_266 = arith.constant 2056 : i32
        %add3A_267 = arith.addi %add3A_266, %mul3A_265 : i32
        %get3A_268 = arith.index_cast %add3A_267 : i32 to index
        %get3A_269 = tpu.vector_load %arg10[%get3A_268] {strides = array<i32>} : memref<4224xi32, #tpu.memory_space<vmem>>, vector<16xi32>,
        %add3A_270 = arith.addi %get3A_269, %get3A_192 : vector<16xi32>
        %swap3A_271 = arith.index_cast %add3A_267 : i32 to index
        %swap3A_272 = tpu.vector_load %arg10[%swap3A_271] {strides = array<i32>} : memref<4224xi32, #tpu.memory_space<vmem>>, vector<16xi32>,
        tpu.vector_store %arg10[%swap3A_271], %add3A_270 {strides = array<i32>} : memref<4224xi32, #tpu.memory_space<vmem>>, vector<16xi32>,
        %mul3A_273 = arith.constant 16 : i32
        %mul3A_274 = arith.muli %scan3A_188, %mul3A_273 : i32
        %add3A_275 = arith.constant 2313 : i32
        %add3A_276 = arith.addi %add3A_275, %mul3A_274 : i32
        %get3A_277 = arith.index_cast %add3A_276 : i32 to index
        %get3A_278 = tpu.vector_load %arg10[%get3A_277] {strides = array<i32>} : memref<4224xi32, #tpu.memory_space<vmem>>, vector<16xi32>,
        %add3A_279 = arith.addi %get3A_278, %get3A_192 : vector<16xi32>
        %swap3A_280 = arith.index_cast %add3A_276 : i32 to index
        %swap3A_281 = tpu.vector_load %arg10[%swap3A_280] {strides = array<i32>} : memref<4224xi32, #tpu.memory_space<vmem>>, vector<16xi32>,
        tpu.vector_store %arg10[%swap3A_280], %add3A_279 {strides = array<i32>} : memref<4224xi32, #tpu.memory_space<vmem>>, vector<16xi32>,
        %mul3A_282 = arith.constant 16 : i32
        %mul3A_283 = arith.muli %scan3A_188, %mul3A_282 : i32
        %add3A_284 = arith.constant 2570 : i32
        %add3A_285 = arith.addi %add3A_284, %mul3A_283 : i32
        %get3A_286 = arith.index_cast %add3A_285 : i32 to index
        %get3A_287 = tpu.vector_load %arg10[%get3A_286] {strides = array<i32>} : memref<4224xi32, #tpu.memory_space<vmem>>, vector<16xi32>,
        %add3A_288 = arith.addi %get3A_287, %get3A_192 : vector<16xi32>
        %swap3A_289 = arith.index_cast %add3A_285 : i32 to index
        %swap3A_290 = tpu.vector_load %arg10[%swap3A_289] {strides = array<i32>} : memref<4224xi32, #tpu.memory_space<vmem>>, vector<16xi32>,
        tpu.vector_store %arg10[%swap3A_289], %add3A_288 {strides = array<i32>} : memref<4224xi32, #tpu.memory_space<vmem>>, vector<16xi32>,
        %mul3A_291 = arith.constant 16 : i32
        %mul3A_292 = arith.muli %scan3A_188, %mul3A_291 : i32
        %add3A_293 = arith.constant 2827 : i32
        %add3A_294 = arith.addi %add3A_293, %mul3A_292 : i32
        %get3A_295 = arith.index_cast %add3A_294 : i32 to index
        %get3A_296 = tpu.vector_load %arg10[%get3A_295] {strides = array<i32>} : memref<4224xi32, #tpu.memory_space<vmem>>, vector<16xi32>,
        %add3A_297 = arith.addi %get3A_296, %get3A_192 : vector<16xi32>
        %swap3A_298 = arith.index_cast %add3A_294 : i32 to index
        %swap3A_299 = tpu.vector_load %arg10[%swap3A_298] {strides = array<i32>} : memref<4224xi32, #tpu.memory_space<vmem>>, vector<16xi32>,
        tpu.vector_store %arg10[%swap3A_298], %add3A_297 {strides = array<i32>} : memref<4224xi32, #tpu.memory_space<vmem>>, vector<16xi32>,
        %mul3A_300 = arith.constant 16 : i32
        %mul3A_301 = arith.muli %scan3A_188, %mul3A_300 : i32
        %add3A_302 = arith.constant 3084 : i32
        %add3A_303 = arith.addi %add3A_302, %mul3A_301 : i32
        %get3A_304 = arith.index_cast %add3A_303 : i32 to index
        %get3A_305 = tpu.vector_load %arg10[%get3A_304] {strides = array<i32>} : memref<4224xi32, #tpu.memory_space<vmem>>, vector<16xi32>,
        %add3A_306 = arith.addi %get3A_305, %get3A_192 : vector<16xi32>
        %swap3A_307 = arith.index_cast %add3A_303 : i32 to index
        %swap3A_308 = tpu.vector_load %arg10[%swap3A_307] {strides = array<i32>} : memref<4224xi32, #tpu.memory_space<vmem>>, vector<16xi32>,
        tpu.vector_store %arg10[%swap3A_307], %add3A_306 {strides = array<i32>} : memref<4224xi32, #tpu.memory_space<vmem>>, vector<16xi32>,
        %mul3A_309 = arith.constant 16 : i32
        %mul3A_310 = arith.muli %scan3A_188, %mul3A_309 : i32
        %add3A_311 = arith.constant 3341 : i32
        %add3A_312 = arith.addi %add3A_311, %mul3A_310 : i32
        %get3A_313 = arith.index_cast %add3A_312 : i32 to index
        %get3A_314 = tpu.vector_load %arg10[%get3A_313] {strides = array<i32>} : memref<4224xi32, #tpu.memory_space<vmem>>, vector<16xi32>,
        %add3A_315 = arith.addi %get3A_314, %get3A_192 : vector<16xi32>
        %swap3A_316 = arith.index_cast %add3A_312 : i32 to index
        %swap3A_317 = tpu.vector_load %arg10[%swap3A_316] {strides = array<i32>} : memref<4224xi32, #tpu.memory_space<vmem>>, vector<16xi32>,
        tpu.vector_store %arg10[%swap3A_316], %add3A_315 {strides = array<i32>} : memref<4224xi32, #tpu.memory_space<vmem>>, vector<16xi32>,
        %mul3A_318 = arith.constant 16 : i32
        %mul3A_319 = arith.muli %scan3A_188, %mul3A_318 : i32
        %add3A_320 = arith.constant 3598 : i32
        %add3A_321 = arith.addi %add3A_320, %mul3A_319 : i32
        %get3A_322 = arith.index_cast %add3A_321 : i32 to index
        %get3A_323 = tpu.vector_load %arg10[%get3A_322] {strides = array<i32>} : memref<4224xi32, #tpu.memory_space<vmem>>, vector<16xi32>,
        %add3A_324 = arith.addi %get3A_323, %get3A_192 : vector<16xi32>
        %swap3A_325 = arith.index_cast %add3A_321 : i32 to index
        %swap3A_326 = tpu.vector_load %arg10[%swap3A_325] {strides = array<i32>} : memref<4224xi32, #tpu.memory_space<vmem>>, vector<16xi32>,
        tpu.vector_store %arg10[%swap3A_325], %add3A_324 {strides = array<i32>} : memref<4224xi32, #tpu.memory_space<vmem>>, vector<16xi32>,
        %mul3A_327 = arith.constant 16 : i32
        %mul3A_328 = arith.muli %scan3A_188, %mul3A_327 : i32
        %add3A_329 = arith.constant 3855 : i32
        %add3A_330 = arith.addi %add3A_329, %mul3A_328 : i32
        %get3A_331 = arith.index_cast %add3A_330 : i32 to index
        %get3A_332 = tpu.vector_load %arg10[%get3A_331] {strides = array<i32>} : memref<4224xi32, #tpu.memory_space<vmem>>, vector<16xi32>,
        %add3A_333 = arith.addi %get3A_332, %get3A_192 : vector<16xi32>
        %swap3A_334 = arith.index_cast %add3A_330 : i32 to index
        %swap3A_335 = tpu.vector_load %arg10[%swap3A_334] {strides = array<i32>} : memref<4224xi32, #tpu.memory_space<vmem>>, vector<16xi32>,
        tpu.vector_store %arg10[%swap3A_334], %add3A_333 {strides = array<i32>} : memref<4224xi32, #tpu.memory_space<vmem>>, vector<16xi32>,
        %scan3A_336 = arith.constant 0 : i32
        scf.yield %scan3A_336 : i32
      }
      %scan3A_180 = arith.constant 16 : i32
      %scan3A_181 = arith.constant 0 : i32
      %scan3A_182 = arith.constant 0 : i32
      %scan3A_183 = arith.constant 32 : i32
      %scan3A_184 = arith.addi %scan3A_182, %scan3A_183 : i32
      %scan3A_185 = arith.constant 1 : i32
      %scan3A_186 = scf.for %scan3A_188 = %scan3A_182 to %scan3A_184 step %scan3A_185 iter_args(%scan3A_189 = %scan3A_181) -> (i32)  : i32 {
        %mul3A_190 = arith.constant 8 : i32
        %mul3A_191 = arith.muli %scan3A_188, %mul3A_190 : i32
        %add3A_192 = arith.constant 0 : i32
        %add3A_193 = arith.addi %mul3A_191, %add3A_192 : i32
        %add3A_194 = vector.broadcast %add3A_193 : i32 to vector<16xi32>
        %add3A_195 = arith.addi %mul3A_1, %add3A_194 : vector<16xi32>
        %gather3A = tpu.vector_load_idx %arg7[%add3A_195] : memref<4112xi32, #tpu.memory_space<vmem>>[vector<16xi32>], vector<16xi32>,
        %add3A_196 = vector.broadcast %add3A_193 : i32 to vector<16xi32>
        %add3A_197 = arith.addi %mul3A_1, %add3A_196 : vector<16xi32>
        %gather3A_198 = tpu.vector_load_idx %arg9[%add3A_197] : memref<4112xi32, #tpu.memory_space<vmem>>[vector<16xi32>], vector<16xi32>,
        %shift_right_logical3A = arith.constant 24 : i32
        %shift_right_logical3A_199 = vector.broadcast %shift_right_logical3A : i32 to vector<16xi32>
        %shift_right_logical3A_200 = arith.shrui %gather3A, %shift_right_logical3A_199 : vector<16xi32>
        %and3A = arith.constant 255 : i32
        %and3A_201 = vector.broadcast %and3A : i32 to vector<16xi32>
        %and3A_202 = arith.andi %shift_right_logical3A_200, %and3A_201 : vector<16xi32>
        %add3A_203 = arith.addi %mul3A_4, %and3A_202 : vector<16xi32>
        %gather3A_204 = tpu.vector_load_idx %arg10[%add3A_203] : memref<4224xi32, #tpu.memory_space<vmem>>[vector<16xi32>], vector<16xi32>,
        tpu.vector_store_idx %arg10[%add3A_203], %broadcast_in_dim3A_7 {add = true} : memref<4224xi32, #tpu.memory_space<vmem>>[vector<16xi32>], vector<16xi32>,
        %shift_right_arithmetic3A = arith.constant 31 : i32
        %shift_right_arithmetic3A_205 = vector.broadcast %shift_right_arithmetic3A : i32 to vector<16xi32>
        %shift_right_arithmetic3A_206 = arith.shrsi %gather3A, %shift_right_arithmetic3A_205 : vector<16xi32>
        %xor3A = arith.constant -1 : i32
        %xor3A_207 = vector.broadcast %xor3A : i32 to vector<16xi32>
        %xor3A_208 = arith.xori %shift_right_arithmetic3A_206, %xor3A_207 : vector<16xi32>
        %and3A_209 = arith.constant 2147483647 : i32
        %and3A_210 = vector.broadcast %and3A_209 : i32 to vector<16xi32>
        %and3A_211 = arith.andi %xor3A_208, %and3A_210 : vector<16xi32>
        %xor3A_212 = arith.xori %gather3A, %and3A_211 : vector<16xi32>
        %bitcast3A = vector.bitcast %xor3A_212 : vector<16xi32> to vector<16xf32>
        %neg3A = arith.constant 0.000000e+00 : f32
        %neg3A_213 = vector.broadcast %neg3A : f32 to vector<16xf32>
        %neg3A_214 = arith.subf %neg3A_213, %bitcast3A : vector<16xf32>
        %exp3A = math.exp %neg3A_214 : vector<16xf32>
        %add3A_215 = arith.constant 1.000000e+00 : f32
        %add3A_216 = vector.broadcast %add3A_215 : f32 to vector<16xf32>
        %add3A_217 = arith.addf %add3A_216, %exp3A : vector<16xf32>
        %div3A = arith.constant 1.000000e+00 : f32
        %div3A_218 = vector.broadcast %div3A : f32 to vector<16xf32>
        %div3A_219 = arith.divf %div3A_218, %add3A_217 : vector<16xf32>
        tpu.vector_store_idx %arg13[%gather3A_204], %div3A_219 : memref<4096xf32, #tpu.memory_space<vmem>>[vector<16xi32>], vector<16xf32>,
        tpu.vector_store_idx %arg8[%gather3A_204], %gather3A_198 : memref<4112xi32, #tpu.memory_space<vmem>>[vector<16xi32>], vector<16xi32>,
        %mul3A_220 = arith.constant 8 : i32
        %mul3A_221 = arith.muli %scan3A_188, %mul3A_220 : i32
        %add3A_222 = arith.constant 1 : i32
        %add3A_223 = arith.addi %mul3A_221, %add3A_222 : i32
        %add3A_224 = vector.broadcast %add3A_223 : i32 to vector<16xi32>
        %add3A_225 = arith.addi %mul3A_1, %add3A_224 : vector<16xi32>
        %gather3A_226 = tpu.vector_load_idx %arg7[%add3A_225] : memref<4112xi32, #tpu.memory_space<vmem>>[vector<16xi32>], vector<16xi32>,
        %add3A_227 = vector.broadcast %add3A_223 : i32 to vector<16xi32>
        %add3A_228 = arith.addi %mul3A_1, %add3A_227 : vector<16xi32>
        %gather3A_229 = tpu.vector_load_idx %arg9[%add3A_228] : memref<4112xi32, #tpu.memory_space<vmem>>[vector<16xi32>], vector<16xi32>,
        %shift_right_logical3A_230 = arith.constant 24 : i32
        %shift_right_logical3A_231 = vector.broadcast %shift_right_logical3A_230 : i32 to vector<16xi32>
        %shift_right_logical3A_232 = arith.shrui %gather3A_226, %shift_right_logical3A_231 : vector<16xi32>
        %and3A_233 = arith.constant 255 : i32
        %and3A_234 = vector.broadcast %and3A_233 : i32 to vector<16xi32>
        %and3A_235 = arith.andi %shift_right_logical3A_232, %and3A_234 : vector<16xi32>
        %add3A_236 = arith.addi %mul3A_4, %and3A_235 : vector<16xi32>
        %gather3A_237 = tpu.vector_load_idx %arg10[%add3A_236] : memref<4224xi32, #tpu.memory_space<vmem>>[vector<16xi32>], vector<16xi32>,
        tpu.vector_store_idx %arg10[%add3A_236], %broadcast_in_dim3A_7 {add = true} : memref<4224xi32, #tpu.memory_space<vmem>>[vector<16xi32>], vector<16xi32>,
        %shift_right_arithmetic3A_238 = arith.constant 31 : i32
        %shift_right_arithmetic3A_239 = vector.broadcast %shift_right_arithmetic3A_238 : i32 to vector<16xi32>
        %shift_right_arithmetic3A_240 = arith.shrsi %gather3A_226, %shift_right_arithmetic3A_239 : vector<16xi32>
        %xor3A_241 = arith.constant -1 : i32
        %xor3A_242 = vector.broadcast %xor3A_241 : i32 to vector<16xi32>
        %xor3A_243 = arith.xori %shift_right_arithmetic3A_240, %xor3A_242 : vector<16xi32>
        %and3A_244 = arith.constant 2147483647 : i32
        %and3A_245 = vector.broadcast %and3A_244 : i32 to vector<16xi32>
        %and3A_246 = arith.andi %xor3A_243, %and3A_245 : vector<16xi32>
        %xor3A_247 = arith.xori %gather3A_226, %and3A_246 : vector<16xi32>
        %bitcast3A_248 = vector.bitcast %xor3A_247 : vector<16xi32> to vector<16xf32>
        %neg3A_249 = arith.constant 0.000000e+00 : f32
        %neg3A_250 = vector.broadcast %neg3A_249 : f32 to vector<16xf32>
        %neg3A_251 = arith.subf %neg3A_250, %bitcast3A_248 : vector<16xf32>
        %exp3A_252 = math.exp %neg3A_251 : vector<16xf32>
        %add3A_253 = arith.constant 1.000000e+00 : f32
        %add3A_254 = vector.broadcast %add3A_253 : f32 to vector<16xf32>
        %add3A_255 = arith.addf %add3A_254, %exp3A_252 : vector<16xf32>
        %div3A_256 = arith.constant 1.000000e+00 : f32
        %div3A_257 = vector.broadcast %div3A_256 : f32 to vector<16xf32>
        %div3A_258 = arith.divf %div3A_257, %add3A_255 : vector<16xf32>
        tpu.vector_store_idx %arg13[%gather3A_237], %div3A_258 : memref<4096xf32, #tpu.memory_space<vmem>>[vector<16xi32>], vector<16xf32>,
        tpu.vector_store_idx %arg8[%gather3A_237], %gather3A_229 : memref<4112xi32, #tpu.memory_space<vmem>>[vector<16xi32>], vector<16xi32>,
        %mul3A_259 = arith.constant 8 : i32
        %mul3A_260 = arith.muli %scan3A_188, %mul3A_259 : i32
        %add3A_261 = arith.constant 2 : i32
        %add3A_262 = arith.addi %mul3A_260, %add3A_261 : i32
        %add3A_263 = vector.broadcast %add3A_262 : i32 to vector<16xi32>
        %add3A_264 = arith.addi %mul3A_1, %add3A_263 : vector<16xi32>
        %gather3A_265 = tpu.vector_load_idx %arg7[%add3A_264] : memref<4112xi32, #tpu.memory_space<vmem>>[vector<16xi32>], vector<16xi32>,
        %add3A_266 = vector.broadcast %add3A_262 : i32 to vector<16xi32>
        %add3A_267 = arith.addi %mul3A_1, %add3A_266 : vector<16xi32>
        %gather3A_268 = tpu.vector_load_idx %arg9[%add3A_267] : memref<4112xi32, #tpu.memory_space<vmem>>[vector<16xi32>], vector<16xi32>,
        %shift_right_logical3A_269 = arith.constant 24 : i32
        %shift_right_logical3A_270 = vector.broadcast %shift_right_logical3A_269 : i32 to vector<16xi32>
        %shift_right_logical3A_271 = arith.shrui %gather3A_265, %shift_right_logical3A_270 : vector<16xi32>
        %and3A_272 = arith.constant 255 : i32
        %and3A_273 = vector.broadcast %and3A_272 : i32 to vector<16xi32>
        %and3A_274 = arith.andi %shift_right_logical3A_271, %and3A_273 : vector<16xi32>
        %add3A_275 = arith.addi %mul3A_4, %and3A_274 : vector<16xi32>
        %gather3A_276 = tpu.vector_load_idx %arg10[%add3A_275] : memref<4224xi32, #tpu.memory_space<vmem>>[vector<16xi32>], vector<16xi32>,
        tpu.vector_store_idx %arg10[%add3A_275], %broadcast_in_dim3A_7 {add = true} : memref<4224xi32, #tpu.memory_space<vmem>>[vector<16xi32>], vector<16xi32>,
        %shift_right_arithmetic3A_277 = arith.constant 31 : i32
        %shift_right_arithmetic3A_278 = vector.broadcast %shift_right_arithmetic3A_277 : i32 to vector<16xi32>
        %shift_right_arithmetic3A_279 = arith.shrsi %gather3A_265, %shift_right_arithmetic3A_278 : vector<16xi32>
        %xor3A_280 = arith.constant -1 : i32
        %xor3A_281 = vector.broadcast %xor3A_280 : i32 to vector<16xi32>
        %xor3A_282 = arith.xori %shift_right_arithmetic3A_279, %xor3A_281 : vector<16xi32>
        %and3A_283 = arith.constant 2147483647 : i32
        %and3A_284 = vector.broadcast %and3A_283 : i32 to vector<16xi32>
        %and3A_285 = arith.andi %xor3A_282, %and3A_284 : vector<16xi32>
        %xor3A_286 = arith.xori %gather3A_265, %and3A_285 : vector<16xi32>
        %bitcast3A_287 = vector.bitcast %xor3A_286 : vector<16xi32> to vector<16xf32>
        %neg3A_288 = arith.constant 0.000000e+00 : f32
        %neg3A_289 = vector.broadcast %neg3A_288 : f32 to vector<16xf32>
        %neg3A_290 = arith.subf %neg3A_289, %bitcast3A_287 : vector<16xf32>
        %exp3A_291 = math.exp %neg3A_290 : vector<16xf32>
        %add3A_292 = arith.constant 1.000000e+00 : f32
        %add3A_293 = vector.broadcast %add3A_292 : f32 to vector<16xf32>
        %add3A_294 = arith.addf %add3A_293, %exp3A_291 : vector<16xf32>
        %div3A_295 = arith.constant 1.000000e+00 : f32
        %div3A_296 = vector.broadcast %div3A_295 : f32 to vector<16xf32>
        %div3A_297 = arith.divf %div3A_296, %add3A_294 : vector<16xf32>
        tpu.vector_store_idx %arg13[%gather3A_276], %div3A_297 : memref<4096xf32, #tpu.memory_space<vmem>>[vector<16xi32>], vector<16xf32>,
        tpu.vector_store_idx %arg8[%gather3A_276], %gather3A_268 : memref<4112xi32, #tpu.memory_space<vmem>>[vector<16xi32>], vector<16xi32>,
        %mul3A_298 = arith.constant 8 : i32
        %mul3A_299 = arith.muli %scan3A_188, %mul3A_298 : i32
        %add3A_300 = arith.constant 3 : i32
        %add3A_301 = arith.addi %mul3A_299, %add3A_300 : i32
        %add3A_302 = vector.broadcast %add3A_301 : i32 to vector<16xi32>
        %add3A_303 = arith.addi %mul3A_1, %add3A_302 : vector<16xi32>
        %gather3A_304 = tpu.vector_load_idx %arg7[%add3A_303] : memref<4112xi32, #tpu.memory_space<vmem>>[vector<16xi32>], vector<16xi32>,
        %add3A_305 = vector.broadcast %add3A_301 : i32 to vector<16xi32>
        %add3A_306 = arith.addi %mul3A_1, %add3A_305 : vector<16xi32>
        %gather3A_307 = tpu.vector_load_idx %arg9[%add3A_306] : memref<4112xi32, #tpu.memory_space<vmem>>[vector<16xi32>], vector<16xi32>,
        %shift_right_logical3A_308 = arith.constant 24 : i32
        %shift_right_logical3A_309 = vector.broadcast %shift_right_logical3A_308 : i32 to vector<16xi32>
        %shift_right_logical3A_310 = arith.shrui %gather3A_304, %shift_right_logical3A_309 : vector<16xi32>
        %and3A_311 = arith.constant 255 : i32
        %and3A_312 = vector.broadcast %and3A_311 : i32 to vector<16xi32>
        %and3A_313 = arith.andi %shift_right_logical3A_310, %and3A_312 : vector<16xi32>
        %add3A_314 = arith.addi %mul3A_4, %and3A_313 : vector<16xi32>
        %gather3A_315 = tpu.vector_load_idx %arg10[%add3A_314] : memref<4224xi32, #tpu.memory_space<vmem>>[vector<16xi32>], vector<16xi32>,
        tpu.vector_store_idx %arg10[%add3A_314], %broadcast_in_dim3A_7 {add = true} : memref<4224xi32, #tpu.memory_space<vmem>>[vector<16xi32>], vector<16xi32>,
        %shift_right_arithmetic3A_316 = arith.constant 31 : i32
        %shift_right_arithmetic3A_317 = vector.broadcast %shift_right_arithmetic3A_316 : i32 to vector<16xi32>
        %shift_right_arithmetic3A_318 = arith.shrsi %gather3A_304, %shift_right_arithmetic3A_317 : vector<16xi32>
        %xor3A_319 = arith.constant -1 : i32
        %xor3A_320 = vector.broadcast %xor3A_319 : i32 to vector<16xi32>
        %xor3A_321 = arith.xori %shift_right_arithmetic3A_318, %xor3A_320 : vector<16xi32>
        %and3A_322 = arith.constant 2147483647 : i32
        %and3A_323 = vector.broadcast %and3A_322 : i32 to vector<16xi32>
        %and3A_324 = arith.andi %xor3A_321, %and3A_323 : vector<16xi32>
        %xor3A_325 = arith.xori %gather3A_304, %and3A_324 : vector<16xi32>
        %bitcast3A_326 = vector.bitcast %xor3A_325 : vector<16xi32> to vector<16xf32>
        %neg3A_327 = arith.constant 0.000000e+00 : f32
        %neg3A_328 = vector.broadcast %neg3A_327 : f32 to vector<16xf32>
        %neg3A_329 = arith.subf %neg3A_328, %bitcast3A_326 : vector<16xf32>
        %exp3A_330 = math.exp %neg3A_329 : vector<16xf32>
        %add3A_331 = arith.constant 1.000000e+00 : f32
        %add3A_332 = vector.broadcast %add3A_331 : f32 to vector<16xf32>
        %add3A_333 = arith.addf %add3A_332, %exp3A_330 : vector<16xf32>
        %div3A_334 = arith.constant 1.000000e+00 : f32
        %div3A_335 = vector.broadcast %div3A_334 : f32 to vector<16xf32>
        %div3A_336 = arith.divf %div3A_335, %add3A_333 : vector<16xf32>
        tpu.vector_store_idx %arg13[%gather3A_315], %div3A_336 : memref<4096xf32, #tpu.memory_space<vmem>>[vector<16xi32>], vector<16xf32>,
        tpu.vector_store_idx %arg8[%gather3A_315], %gather3A_307 : memref<4112xi32, #tpu.memory_space<vmem>>[vector<16xi32>], vector<16xi32>,
        %mul3A_337 = arith.constant 8 : i32
        %mul3A_338 = arith.muli %scan3A_188, %mul3A_337 : i32
        %add3A_339 = arith.constant 4 : i32
        %add3A_340 = arith.addi %mul3A_338, %add3A_339 : i32
        %add3A_341 = vector.broadcast %add3A_340 : i32 to vector<16xi32>
        %add3A_342 = arith.addi %mul3A_1, %add3A_341 : vector<16xi32>
        %gather3A_343 = tpu.vector_load_idx %arg7[%add3A_342] : memref<4112xi32, #tpu.memory_space<vmem>>[vector<16xi32>], vector<16xi32>,
        %add3A_344 = vector.broadcast %add3A_340 : i32 to vector<16xi32>
        %add3A_345 = arith.addi %mul3A_1, %add3A_344 : vector<16xi32>
        %gather3A_346 = tpu.vector_load_idx %arg9[%add3A_345] : memref<4112xi32, #tpu.memory_space<vmem>>[vector<16xi32>], vector<16xi32>,
        %shift_right_logical3A_347 = arith.constant 24 : i32
        %shift_right_logical3A_348 = vector.broadcast %shift_right_logical3A_347 : i32 to vector<16xi32>
        %shift_right_logical3A_349 = arith.shrui %gather3A_343, %shift_right_logical3A_348 : vector<16xi32>
        %and3A_350 = arith.constant 255 : i32
        %and3A_351 = vector.broadcast %and3A_350 : i32 to vector<16xi32>
        %and3A_352 = arith.andi %shift_right_logical3A_349, %and3A_351 : vector<16xi32>
        %add3A_353 = arith.addi %mul3A_4, %and3A_352 : vector<16xi32>
        %gather3A_354 = tpu.vector_load_idx %arg10[%add3A_353] : memref<4224xi32, #tpu.memory_space<vmem>>[vector<16xi32>], vector<16xi32>,
        tpu.vector_store_idx %arg10[%add3A_353], %broadcast_in_dim3A_7 {add = true} : memref<4224xi32, #tpu.memory_space<vmem>>[vector<16xi32>], vector<16xi32>,
        %shift_right_arithmetic3A_355 = arith.constant 31 : i32
        %shift_right_arithmetic3A_356 = vector.broadcast %shift_right_arithmetic3A_355 : i32 to vector<16xi32>
        %shift_right_arithmetic3A_357 = arith.shrsi %gather3A_343, %shift_right_arithmetic3A_356 : vector<16xi32>
        %xor3A_358 = arith.constant -1 : i32
        %xor3A_359 = vector.broadcast %xor3A_358 : i32 to vector<16xi32>
        %xor3A_360 = arith.xori %shift_right_arithmetic3A_357, %xor3A_359 : vector<16xi32>
        %and3A_361 = arith.constant 2147483647 : i32
        %and3A_362 = vector.broadcast %and3A_361 : i32 to vector<16xi32>
        %and3A_363 = arith.andi %xor3A_360, %and3A_362 : vector<16xi32>
        %xor3A_364 = arith.xori %gather3A_343, %and3A_363 : vector<16xi32>
        %bitcast3A_365 = vector.bitcast %xor3A_364 : vector<16xi32> to vector<16xf32>
        %neg3A_366 = arith.constant 0.000000e+00 : f32
        %neg3A_367 = vector.broadcast %neg3A_366 : f32 to vector<16xf32>
        %neg3A_368 = arith.subf %neg3A_367, %bitcast3A_365 : vector<16xf32>
        %exp3A_369 = math.exp %neg3A_368 : vector<16xf32>
        %add3A_370 = arith.constant 1.000000e+00 : f32
        %add3A_371 = vector.broadcast %add3A_370 : f32 to vector<16xf32>
        %add3A_372 = arith.addf %add3A_371, %exp3A_369 : vector<16xf32>
        %div3A_373 = arith.constant 1.000000e+00 : f32
        %div3A_374 = vector.broadcast %div3A_373 : f32 to vector<16xf32>
        %div3A_375 = arith.divf %div3A_374, %add3A_372 : vector<16xf32>
        tpu.vector_store_idx %arg13[%gather3A_354], %div3A_375 : memref<4096xf32, #tpu.memory_space<vmem>>[vector<16xi32>], vector<16xf32>,
        tpu.vector_store_idx %arg8[%gather3A_354], %gather3A_346 : memref<4112xi32, #tpu.memory_space<vmem>>[vector<16xi32>], vector<16xi32>,
        %mul3A_376 = arith.constant 8 : i32
        %mul3A_377 = arith.muli %scan3A_188, %mul3A_376 : i32
        %add3A_378 = arith.constant 5 : i32
        %add3A_379 = arith.addi %mul3A_377, %add3A_378 : i32
        %add3A_380 = vector.broadcast %add3A_379 : i32 to vector<16xi32>
        %add3A_381 = arith.addi %mul3A_1, %add3A_380 : vector<16xi32>
        %gather3A_382 = tpu.vector_load_idx %arg7[%add3A_381] : memref<4112xi32, #tpu.memory_space<vmem>>[vector<16xi32>], vector<16xi32>,
        %add3A_383 = vector.broadcast %add3A_379 : i32 to vector<16xi32>
        %add3A_384 = arith.addi %mul3A_1, %add3A_383 : vector<16xi32>
        %gather3A_385 = tpu.vector_load_idx %arg9[%add3A_384] : memref<4112xi32, #tpu.memory_space<vmem>>[vector<16xi32>], vector<16xi32>,
        %shift_right_logical3A_386 = arith.constant 24 : i32
        %shift_right_logical3A_387 = vector.broadcast %shift_right_logical3A_386 : i32 to vector<16xi32>
        %shift_right_logical3A_388 = arith.shrui %gather3A_382, %shift_right_logical3A_387 : vector<16xi32>
        %and3A_389 = arith.constant 255 : i32
        %and3A_390 = vector.broadcast %and3A_389 : i32 to vector<16xi32>
        %and3A_391 = arith.andi %shift_right_logical3A_388, %and3A_390 : vector<16xi32>
        %add3A_392 = arith.addi %mul3A_4, %and3A_391 : vector<16xi32>
        %gather3A_393 = tpu.vector_load_idx %arg10[%add3A_392] : memref<4224xi32, #tpu.memory_space<vmem>>[vector<16xi32>], vector<16xi32>,
        tpu.vector_store_idx %arg10[%add3A_392], %broadcast_in_dim3A_7 {add = true} : memref<4224xi32, #tpu.memory_space<vmem>>[vector<16xi32>], vector<16xi32>,
        %shift_right_arithmetic3A_394 = arith.constant 31 : i32
        %shift_right_arithmetic3A_395 = vector.broadcast %shift_right_arithmetic3A_394 : i32 to vector<16xi32>
        %shift_right_arithmetic3A_396 = arith.shrsi %gather3A_382, %shift_right_arithmetic3A_395 : vector<16xi32>
        %xor3A_397 = arith.constant -1 : i32
        %xor3A_398 = vector.broadcast %xor3A_397 : i32 to vector<16xi32>
        %xor3A_399 = arith.xori %shift_right_arithmetic3A_396, %xor3A_398 : vector<16xi32>
        %and3A_400 = arith.constant 2147483647 : i32
        %and3A_401 = vector.broadcast %and3A_400 : i32 to vector<16xi32>
        %and3A_402 = arith.andi %xor3A_399, %and3A_401 : vector<16xi32>
        %xor3A_403 = arith.xori %gather3A_382, %and3A_402 : vector<16xi32>
        %bitcast3A_404 = vector.bitcast %xor3A_403 : vector<16xi32> to vector<16xf32>
        %neg3A_405 = arith.constant 0.000000e+00 : f32
        %neg3A_406 = vector.broadcast %neg3A_405 : f32 to vector<16xf32>
        %neg3A_407 = arith.subf %neg3A_406, %bitcast3A_404 : vector<16xf32>
        %exp3A_408 = math.exp %neg3A_407 : vector<16xf32>
        %add3A_409 = arith.constant 1.000000e+00 : f32
        %add3A_410 = vector.broadcast %add3A_409 : f32 to vector<16xf32>
        %add3A_411 = arith.addf %add3A_410, %exp3A_408 : vector<16xf32>
        %div3A_412 = arith.constant 1.000000e+00 : f32
        %div3A_413 = vector.broadcast %div3A_412 : f32 to vector<16xf32>
        %div3A_414 = arith.divf %div3A_413, %add3A_411 : vector<16xf32>
        tpu.vector_store_idx %arg13[%gather3A_393], %div3A_414 : memref<4096xf32, #tpu.memory_space<vmem>>[vector<16xi32>], vector<16xf32>,
        tpu.vector_store_idx %arg8[%gather3A_393], %gather3A_385 : memref<4112xi32, #tpu.memory_space<vmem>>[vector<16xi32>], vector<16xi32>,
        %mul3A_415 = arith.constant 8 : i32
        %mul3A_416 = arith.muli %scan3A_188, %mul3A_415 : i32
        %add3A_417 = arith.constant 6 : i32
        %add3A_418 = arith.addi %mul3A_416, %add3A_417 : i32
        %add3A_419 = vector.broadcast %add3A_418 : i32 to vector<16xi32>
        %add3A_420 = arith.addi %mul3A_1, %add3A_419 : vector<16xi32>
        %gather3A_421 = tpu.vector_load_idx %arg7[%add3A_420] : memref<4112xi32, #tpu.memory_space<vmem>>[vector<16xi32>], vector<16xi32>,
        %add3A_422 = vector.broadcast %add3A_418 : i32 to vector<16xi32>
        %add3A_423 = arith.addi %mul3A_1, %add3A_422 : vector<16xi32>
        %gather3A_424 = tpu.vector_load_idx %arg9[%add3A_423] : memref<4112xi32, #tpu.memory_space<vmem>>[vector<16xi32>], vector<16xi32>,
        %shift_right_logical3A_425 = arith.constant 24 : i32
        %shift_right_logical3A_426 = vector.broadcast %shift_right_logical3A_425 : i32 to vector<16xi32>
        %shift_right_logical3A_427 = arith.shrui %gather3A_421, %shift_right_logical3A_426 : vector<16xi32>
        %and3A_428 = arith.constant 255 : i32
        %and3A_429 = vector.broadcast %and3A_428 : i32 to vector<16xi32>
        %and3A_430 = arith.andi %shift_right_logical3A_427, %and3A_429 : vector<16xi32>
        %add3A_431 = arith.addi %mul3A_4, %and3A_430 : vector<16xi32>
        %gather3A_432 = tpu.vector_load_idx %arg10[%add3A_431] : memref<4224xi32, #tpu.memory_space<vmem>>[vector<16xi32>], vector<16xi32>,
        tpu.vector_store_idx %arg10[%add3A_431], %broadcast_in_dim3A_7 {add = true} : memref<4224xi32, #tpu.memory_space<vmem>>[vector<16xi32>], vector<16xi32>,
        %shift_right_arithmetic3A_433 = arith.constant 31 : i32
        %shift_right_arithmetic3A_434 = vector.broadcast %shift_right_arithmetic3A_433 : i32 to vector<16xi32>
        %shift_right_arithmetic3A_435 = arith.shrsi %gather3A_421, %shift_right_arithmetic3A_434 : vector<16xi32>
        %xor3A_436 = arith.constant -1 : i32
        %xor3A_437 = vector.broadcast %xor3A_436 : i32 to vector<16xi32>
        %xor3A_438 = arith.xori %shift_right_arithmetic3A_435, %xor3A_437 : vector<16xi32>
        %and3A_439 = arith.constant 2147483647 : i32
        %and3A_440 = vector.broadcast %and3A_439 : i32 to vector<16xi32>
        %and3A_441 = arith.andi %xor3A_438, %and3A_440 : vector<16xi32>
        %xor3A_442 = arith.xori %gather3A_421, %and3A_441 : vector<16xi32>
        %bitcast3A_443 = vector.bitcast %xor3A_442 : vector<16xi32> to vector<16xf32>
        %neg3A_444 = arith.constant 0.000000e+00 : f32
        %neg3A_445 = vector.broadcast %neg3A_444 : f32 to vector<16xf32>
        %neg3A_446 = arith.subf %neg3A_445, %bitcast3A_443 : vector<16xf32>
        %exp3A_447 = math.exp %neg3A_446 : vector<16xf32>
        %add3A_448 = arith.constant 1.000000e+00 : f32
        %add3A_449 = vector.broadcast %add3A_448 : f32 to vector<16xf32>
        %add3A_450 = arith.addf %add3A_449, %exp3A_447 : vector<16xf32>
        %div3A_451 = arith.constant 1.000000e+00 : f32
        %div3A_452 = vector.broadcast %div3A_451 : f32 to vector<16xf32>
        %div3A_453 = arith.divf %div3A_452, %add3A_450 : vector<16xf32>
        tpu.vector_store_idx %arg13[%gather3A_432], %div3A_453 : memref<4096xf32, #tpu.memory_space<vmem>>[vector<16xi32>], vector<16xf32>,
        tpu.vector_store_idx %arg8[%gather3A_432], %gather3A_424 : memref<4112xi32, #tpu.memory_space<vmem>>[vector<16xi32>], vector<16xi32>,
        %mul3A_454 = arith.constant 8 : i32
        %mul3A_455 = arith.muli %scan3A_188, %mul3A_454 : i32
        %add3A_456 = arith.constant 7 : i32
        %add3A_457 = arith.addi %mul3A_455, %add3A_456 : i32
        %add3A_458 = vector.broadcast %add3A_457 : i32 to vector<16xi32>
        %add3A_459 = arith.addi %mul3A_1, %add3A_458 : vector<16xi32>
        %gather3A_460 = tpu.vector_load_idx %arg7[%add3A_459] : memref<4112xi32, #tpu.memory_space<vmem>>[vector<16xi32>], vector<16xi32>,
        %add3A_461 = vector.broadcast %add3A_457 : i32 to vector<16xi32>
        %add3A_462 = arith.addi %mul3A_1, %add3A_461 : vector<16xi32>
        %gather3A_463 = tpu.vector_load_idx %arg9[%add3A_462] : memref<4112xi32, #tpu.memory_space<vmem>>[vector<16xi32>], vector<16xi32>,
        %shift_right_logical3A_464 = arith.constant 24 : i32
        %shift_right_logical3A_465 = vector.broadcast %shift_right_logical3A_464 : i32 to vector<16xi32>
        %shift_right_logical3A_466 = arith.shrui %gather3A_460, %shift_right_logical3A_465 : vector<16xi32>
        %and3A_467 = arith.constant 255 : i32
        %and3A_468 = vector.broadcast %and3A_467 : i32 to vector<16xi32>
        %and3A_469 = arith.andi %shift_right_logical3A_466, %and3A_468 : vector<16xi32>
        %add3A_470 = arith.addi %mul3A_4, %and3A_469 : vector<16xi32>
        %gather3A_471 = tpu.vector_load_idx %arg10[%add3A_470] : memref<4224xi32, #tpu.memory_space<vmem>>[vector<16xi32>], vector<16xi32>,
        tpu.vector_store_idx %arg10[%add3A_470], %broadcast_in_dim3A_7 {add = true} : memref<4224xi32, #tpu.memory_space<vmem>>[vector<16xi32>], vector<16xi32>,
        %shift_right_arithmetic3A_472 = arith.constant 31 : i32
        %shift_right_arithmetic3A_473 = vector.broadcast %shift_right_arithmetic3A_472 : i32 to vector<16xi32>
        %shift_right_arithmetic3A_474 = arith.shrsi %gather3A_460, %shift_right_arithmetic3A_473 : vector<16xi32>
        %xor3A_475 = arith.constant -1 : i32
        %xor3A_476 = vector.broadcast %xor3A_475 : i32 to vector<16xi32>
        %xor3A_477 = arith.xori %shift_right_arithmetic3A_474, %xor3A_476 : vector<16xi32>
        %and3A_478 = arith.constant 2147483647 : i32
        %and3A_479 = vector.broadcast %and3A_478 : i32 to vector<16xi32>
        %and3A_480 = arith.andi %xor3A_477, %and3A_479 : vector<16xi32>
        %xor3A_481 = arith.xori %gather3A_460, %and3A_480 : vector<16xi32>
        %bitcast3A_482 = vector.bitcast %xor3A_481 : vector<16xi32> to vector<16xf32>
        %neg3A_483 = arith.constant 0.000000e+00 : f32
        %neg3A_484 = vector.broadcast %neg3A_483 : f32 to vector<16xf32>
        %neg3A_485 = arith.subf %neg3A_484, %bitcast3A_482 : vector<16xf32>
        %exp3A_486 = math.exp %neg3A_485 : vector<16xf32>
        %add3A_487 = arith.constant 1.000000e+00 : f32
        %add3A_488 = vector.broadcast %add3A_487 : f32 to vector<16xf32>
        %add3A_489 = arith.addf %add3A_488, %exp3A_486 : vector<16xf32>
        %div3A_490 = arith.constant 1.000000e+00 : f32
        %div3A_491 = vector.broadcast %div3A_490 : f32 to vector<16xf32>
        %div3A_492 = arith.divf %div3A_491, %add3A_489 : vector<16xf32>
        tpu.vector_store_idx %arg13[%gather3A_471], %div3A_492 : memref<4096xf32, #tpu.memory_space<vmem>>[vector<16xi32>], vector<16xf32>,
        tpu.vector_store_idx %arg8[%gather3A_471], %gather3A_463 : memref<4112xi32, #tpu.memory_space<vmem>>[vector<16xi32>], vector<16xi32>,
        %scan3A_493 = arith.constant 0 : i32
        scf.yield %scan3A_493 : i32
      }
      %scan3A_187 = arith.constant 32 : i32
      "tpu.region"() ({
        %run_scoped3A = tpu.sem_alloc : memref<!tpu.dma_semaphore, #tpu.memory_space<semaphore_mem>>
        %dma_start3A = tpu.memref_slice %arg3[%mul3A_13] : memref<16384xf32, #tpu.memory_space<hbm>> -> memref<4096xf32, #tpu.memory_space<hbm>>
        %dma_start3A_188 = tpu.memref_slice %arg3[%mul3A_13] : memref<16384xf32, #tpu.memory_space<hbm>> -> memref<4096xf32, #tpu.memory_space<hbm>>
        tpu.enqueue_dma source(%arg13 : memref<4096xf32, #tpu.memory_space<vmem>>) target(%dma_start3A_188 : memref<4096xf32, #tpu.memory_space<hbm>>) target_semaphore(%run_scoped3A : memref<!tpu.dma_semaphore, #tpu.memory_space<semaphore_mem>>)
        %dma_wait3A = tpu.memref_slice %arg3[%mul3A_13] : memref<16384xf32, #tpu.memory_space<hbm>> -> memref<4096xf32, #tpu.memory_space<hbm>>
        %dma_wait3A_189 = tpu.memref_slice %arg3[%mul3A_13] : memref<16384xf32, #tpu.memory_space<hbm>> -> memref<4096xf32, #tpu.memory_space<hbm>>
        tpu.wait_dma2 semaphore(%run_scoped3A : memref<!tpu.dma_semaphore, #tpu.memory_space<semaphore_mem>>) src(%arg13 : memref<4096xf32, #tpu.memory_space<vmem>>) dst(%dma_wait3A_189 : memref<4096xf32, #tpu.memory_space<hbm>>)
        tpu.yield
      }) : () -> ()
      "tpu.region"() ({
        %run_scoped3A = tpu.sem_alloc : memref<!tpu.dma_semaphore, #tpu.memory_space<semaphore_mem>>
        %dma_start3A = arith.constant 0 : i32
        %dma_start3A_188 = tpu.memref_slice %arg8[%dma_start3A] : memref<4112xi32, #tpu.memory_space<vmem>> -> memref<4096xi32, #tpu.memory_space<vmem>>
        %dma_start3A_189 = tpu.memref_slice %arg4[%mul3A_13] : memref<16384xi32, #tpu.memory_space<hbm>> -> memref<4096xi32, #tpu.memory_space<hbm>>
        %dma_start3A_190 = tpu.memref_slice %arg4[%mul3A_13] : memref<16384xi32, #tpu.memory_space<hbm>> -> memref<4096xi32, #tpu.memory_space<hbm>>
        %dma_start3A_191 = arith.constant 0 : i32
        %dma_start3A_192 = tpu.memref_slice %arg8[%dma_start3A_191] : memref<4112xi32, #tpu.memory_space<vmem>> -> memref<4096xi32, #tpu.memory_space<vmem>>
        tpu.enqueue_dma source(%dma_start3A_192 : memref<4096xi32, #tpu.memory_space<vmem>>) target(%dma_start3A_190 : memref<4096xi32, #tpu.memory_space<hbm>>) target_semaphore(%run_scoped3A : memref<!tpu.dma_semaphore, #tpu.memory_space<semaphore_mem>>)
        %dma_wait3A = arith.constant 0 : i32
        %dma_wait3A_193 = tpu.memref_slice %arg8[%dma_wait3A] : memref<4112xi32, #tpu.memory_space<vmem>> -> memref<4096xi32, #tpu.memory_space<vmem>>
        %dma_wait3A_194 = tpu.memref_slice %arg4[%mul3A_13] : memref<16384xi32, #tpu.memory_space<hbm>> -> memref<4096xi32, #tpu.memory_space<hbm>>
        %dma_wait3A_195 = tpu.memref_slice %arg4[%mul3A_13] : memref<16384xi32, #tpu.memory_space<hbm>> -> memref<4096xi32, #tpu.memory_space<hbm>>
        %dma_wait3A_196 = arith.constant 0 : i32
        %dma_wait3A_197 = tpu.memref_slice %arg8[%dma_wait3A_196] : memref<4112xi32, #tpu.memory_space<vmem>> -> memref<4096xi32, #tpu.memory_space<vmem>>
        tpu.wait_dma2 semaphore(%run_scoped3A : memref<!tpu.dma_semaphore, #tpu.memory_space<semaphore_mem>>) src(%dma_wait3A_197 : memref<4096xi32, #tpu.memory_space<vmem>>) dst(%dma_wait3A_195 : memref<4096xi32, #tpu.memory_space<hbm>>)
        tpu.yield
      }) : () -> ()
    } else {
    }
    return
  }
}

module attributes {stable_mosaic.version = 14 : i64} {
  func.func @_logits_body(%arg0: i32, %arg1: i32, %arg2: memref<1x2048x2048xf32, #tpu.memory_space<vmem>>, %arg3: memref<1x2048xf32, #tpu.memory_space<vmem>>, %arg4: memref<1x1x2048xf32, #tpu.memory_space<vmem>>) attributes {dimension_semantics = [#tpu.dimension_semantics<arbitrary>, #tpu.dimension_semantics<arbitrary>], iteration_bounds = array<i64: 4, 2>, scalar_prefetch = 0 : i64, scratch_operands = 0 : i64, tpu.core_type = #tpu.core_type<tc>, window_params = [{transform_indices = @transform_0, window_bounds = array<i64: 1, 2048, 2048>}, {pipeline_mode = #tpu.pipeline_mode<synchronous>, transform_indices = @transform_1, window_bounds = array<i64: 1, 2048>}, {transform_indices = @transform_2, window_bounds = array<i64: 1, 1, 2048>}]} {
    %get3A = arith.constant 0 : index
    %get3A_0 = arith.constant 0 : index
    %get3A_1 = arith.constant 0 : index
    %get3A_2 = vector.load %arg2[%get3A, %get3A_0, %get3A_1] : memref<1x2048x2048xf32, #tpu.memory_space<vmem>>, vector<1x2048x2048xf32>
    %get3A_3 = vector.shape_cast %get3A_2 : vector<1x2048x2048xf32> to vector<2048x2048xf32>
    %get3A_4 = arith.constant 0 : index
    %get3A_5 = arith.constant 0 : index
    %get3A_6 = vector.load %arg3[%get3A_4, %get3A_5] : memref<1x2048xf32, #tpu.memory_space<vmem>>, vector<1x2048xf32>
    %dot_general3A = arith.constant dense<0.000000e+00> : vector<1x2048xf32>
    %dot_general3A_7 = tpu.matmul %get3A_6, %get3A_3, %dot_general3A {dimension_numbers = #tpu.dot_dimension_numbers<[1], [1], [0], [0], [0, 0, 1, 0], [], []>, transpose_lhs_hint = false} : vector<1x2048xf32>, vector<2048x2048xf32>, vector<1x2048xf32> -> vector<1x2048xf32>
    %swap3A = arith.constant 0 : index
    %swap3A_8 = arith.constant 0 : index
    %swap3A_9 = arith.constant 0 : index
    %swap3A_10 = vector.load %arg4[%swap3A, %swap3A_8, %swap3A_9] : memref<1x1x2048xf32, #tpu.memory_space<vmem>>, vector<1x1x2048xf32>
    %swap3A_11 = vector.shape_cast %swap3A_10 : vector<1x1x2048xf32> to vector<1x2048xf32>
    %swap3A_12 = vector.shape_cast %dot_general3A_7 : vector<1x2048xf32> to vector<1x1x2048xf32>
    tpu.vector_store %arg4[%swap3A, %swap3A_8, %swap3A_9], %swap3A_12 {strides = array<i32>} : memref<1x1x2048xf32, #tpu.memory_space<vmem>>, vector<1x1x2048xf32>,
    return
  }
  func.func @transform_0(%arg0: i32, %arg1: i32) -> (i32, i32, i32) {
    %c0_i32 = arith.constant 0 : i32
    %c0_i32_0 = arith.constant 0 : i32
    return %arg0, %arg1, %c0_i32 : i32, i32, i32
  }
  func.func @transform_1(%arg0: i32, %arg1: i32) -> (i32, i32) {
    %c0_i32 = arith.constant 0 : i32
    %c0_i32_0 = arith.constant 0 : i32
    %c0_i32_1 = arith.constant 0 : i32
    return %c0_i32, %c0_i32_0 : i32, i32
  }
  func.func @transform_2(%arg0: i32, %arg1: i32) -> (i32, i32, i32) {
    %c0_i32 = arith.constant 0 : i32
    %c0_i32_0 = arith.constant 0 : i32
    return %arg0, %c0_i32, %arg1 : i32, i32, i32
  }
}

</mosaic_0001>

<sc_bundles>
// kernel: kernel.4.cloned.1.call-start
scs
__scs_entry_jumppad:
0x0: {  	(pc) =	sbr.rel $0x88, $3  }
0x1: {  	(tag) =	ssettag $0x0;
	lr =	simm.s32 $0x1  }
0x2: {  	[smem:$0x3F9F] =	sst lr;
	_ =	strace $0xD0000000  }
0x3: {  	_ = 	snop  }
0x4: {  	_ = 	snop  }
0x5: {  	_ = 	snop  }
0x6: {  	_ = 	snop  }
0x7: {  	_ = 	snop  }
__scs_overlays_trampoline_lowered:
0x8: {  	[smem:$0x3FAE] =	sst s0  }
0x9: {  	[smem:$0x3FAF] =	sst s1  }
0xa: {  	[smem:$0x3FB0] =	sst s2  }
0xb: {  	[smem:$0x3FB1] =	sst s3  }
0xc: {  	[smem:$0x3FB2] =	sst s4  }
0xd: {  	[smem:$0x3FB3] =	sst s5  }
0xe: {  	[smem:$0x3FB4] =	sst s6  }
0xf: {  	[smem:$0x3FB5] =	sst s7  }
0x10: {  	[smem:$0x3FB6] =	sst s8  }
0x11: {  	[smem:$0x3FB7] =	sst s9;
	s0 =	simm.s32 @!p0 $0x0  }
0x12: {  	s1 =	sld [smem:$0x3F9D];
	s0 =	simm.s32 @p0 $0x1  }
0x13: {  	[smem:$0x3FB8] =	sst s0;
	s0 =	simm.s32 @!p1 $0x0  }
0x14: {  	s2 =	sld [smem:$0x3F9C];
	s0 =	simm.s32 @p1 $0x1  }
0x15: {  	[smem:$0x3FB9] =	sst s0;
	s0 =	simm.s32 @!p2 $0x0  }
0x16: {  	s3 =	sld [smem:$0x3FDB];
	s0 =	simm.s32 @p2 $0x1  }
0x17: {  	s4 =	simm.s32 $0x1BF5;
	[smem:$0x3FBB] =	sst s0  }
0x18: {  	s0 =	sld [smem:$0x3F9E];
	_ =	swait.ge [sflag:s4], $0x0  }
0x19: {  	s7 =	sld [smem:$0x3F9F]  }
0x1a: {  	s8 =	sadd.s32 $0xFFFFE003, lr  }
0x1b: {  	s9 =	sadd.s32 $0xFFFFFEF7, lr;
	s5 =	simm.s32 $0xFFFFFFFF;
	p2 =	slt.u32 s8, $0xFFFFF086  }
0x1c: {  	p1 =	slt.u32 s9, $0xF7A;
	s5 =	simm.s32 @!p2 $0x0  }
0x1d: {  	s5 =	simm.s32 @p1 $0x1;
	p0 =	seq.s32 s7, s2  }
0x1e: {  	s7 =	smul.u32 @!p0 $0xF7A, s2;
	p2 =	seq.s32 @!p0 s5, $0x0  }
0x1f: {  	s9 =	smul.u32 $0xF7A, s1;
	s8 =	simm.s32 @!p0 $0x1BF5;
	p2 =	por !p2, p0  }
0x20: {  	[sflag:s8] =	ssyncset.s32 @!p0 $0xFFFFF086;
	s6 =	sadd.s32 @!p0 s3, s7;
	s7 =	simm.s32 @!p0 $0x108  }
0x21: {  	s3 =	sadd.s32 s3, s9;
	s6 =	sadd.s32 @!p0 $0x88, s6;
	s7 =	simm.s32 @p2 $0x1082  }
0x22: {  	[simem:s7], [sflag:s8] =	dma.local @!p0 [hbm:s6], $0xF7A  }
0x23: {  	s9 =	sor.u32 $0xD0000000, s2;
	s6 =	simm.s32 $0x108;
	_ =	swait.ge @!p0 [sflag:s8], $0x0  }
0x24: {  	s3 =	sadd.s32 $0x88, s3;
	s6 =	simm.s32 @!p1 $0x1082;
	[sflag:s4] =	ssyncset.s32 $0xFFFFF086  }
0x25: {  	[simem:s6], [sflag:s4] =	dma.local [hbm:s3], $0xF7A  }
0x26: {  	[smem:$0x3F9F] =	sst s1;
	(tag) =	ssettag s2;
	_ =	strace s9  }
0x27: {  	s1 =	sld [smem:$0x3FAF]  }
0x28: {  	s2 =	sld [smem:$0x3FB0]  }
0x29: {  	s4 =	sld [smem:$0x3FB2]  }
0x2a: {  	p0 =	seq.s32 s5, $0x0;
	s5 =	sld [smem:$0x3FB3]  }
0x2b: {  	s6 =	sld [smem:$0x3FB4]  }
0x2c: {  	s7 =	sld [smem:$0x3FB5]  }
0x2d: {  	s3 =	simm.s32 $0x108;
	s8 =	sld [smem:$0x3FB6]  }
0x2e: {  	s3 =	simm.s32 @!p0 $0x1082;
	s9 =	sld [smem:$0x3FB7]  }
0x2f: {  	lr =	sadd.s32 s0, s3;
	s0 =	sld [smem:$0x3FAE]  }
0x30: {  	s3 =	sld [smem:$0x3FB1]  }
0x31: {  	[smem:$0x3FBA] =	sst s10  }
0x32: {  	s10 =	sld [smem:$0x3FB8];
	_ =	sdelay $0x3  }
0x33: {  	p0 =	seq.s32 s10, $0x1;
	s10 =	sld [smem:$0x3FBA];
	_ =	sdelay $0x3  }
0x34: {  	[smem:$0x3FBA] =	sst s10  }
0x35: {  	s10 =	sld [smem:$0x3FB9];
	_ =	sdelay $0x3  }
0x36: {  	p1 =	seq.s32 s10, $0x1;
	s10 =	sld [smem:$0x3FBA];
	_ =	sdelay $0x3  }
0x37: {  	[smem:$0x3FBA] =	sst s10  }
0x38: {  	s10 =	sld [smem:$0x3FBB]  }
0x39: {  	_ = 	snop;
	(pc) =	sbr.ind lr, $3  }
0x3a: {  	_ = 	snop  }
0x3b: {  	_ = 	snop  }
0x3c: {  	p2 =	seq.s32 s10, $0x1;
	s10 =	sld [smem:$0x3FBA]  }
0x3d: {  	_ =	shalt  }
0x3e: {  	_ =	shalt  }
0x3f: {  	_ =	shalt  }
0x40: {  	_ =	shalt  }
0x41: {  	_ =	shalt  }
0x42: {  	_ =	shalt  }
0x43: {  	_ =	shalt  }
0x44: {  	_ =	shalt  }
0x45: {  	_ =	shalt  }
0x46: {  	_ =	shalt  }
0x47: {  	_ =	shalt  }
0x48: {  	_ =	shalt  }
0x49: {  	_ =	shalt  }
0x4a: {  	_ =	shalt  }
0x4b: {  	_ =	shalt  }
0x4c: {  	_ =	shalt  }
0x4d: {  	_ =	shalt  }
0x4e: {  	_ =	shalt  }
0x4f: {  	_ =	shalt  }
0x50: {  	_ =	shalt  }
0x51: {  	_ =	shalt  }
0x52: {  	_ =	shalt  }
0x53: {  	_ =	shalt  }
0x54: {  	_ =	shalt  }
0x55: {  	_ =	shalt  }
0x56: {  	_ =	shalt  }
0x57: {  	_ =	shalt  }
0x58: {  	_ =	shalt  }
0x59: {  	_ =	shalt  }
0x5a: {  	_ =	shalt  }
0x5b: {  	_ =	shalt  }
0x5c: {  	_ =	shalt  }
0x5d: {  	_ =	shalt  }
0x5e: {  	_ =	shalt  }
0x5f: {  	_ =	shalt  }
0x60: {  	_ =	shalt  }
0x61: {  	_ =	shalt  }
0x62: {  	_ =	shalt  }
0x63: {  	_ =	shalt  }
0x64: {  	_ =	shalt  }
0x65: {  	_ =	shalt  }
0x66: {  	_ =	shalt  }
0x67: {  	_ =	shalt  }
0x68: {  	_ =	shalt  }
0x69: {  	_ =	shalt  }
0x6a: {  	_ =	shalt  }
0x6b: {  	_ =	shalt  }
0x6c: {  	_ =	shalt  }
0x6d: {  	_ =	shalt  }
0x6e: {  	_ =	shalt  }
0x6f: {  	_ =	shalt  }
0x70: {  	_ =	shalt  }
0x71: {  	_ =	shalt  }
0x72: {  	_ =	shalt  }
0x73: {  	_ =	shalt  }
0x74: {  	_ =	shalt  }
0x75: {  	_ =	shalt  }
0x76: {  	_ =	shalt  }
0x77: {  	_ =	shalt  }
0x78: {  	_ =	shalt  }
0x79: {  	_ =	shalt  }
0x7a: {  	_ =	shalt  }
0x7b: {  	_ =	shalt  }
0x7c: {  	_ =	shalt  }
0x7d: {  	_ =	shalt  }
0x7e: {  	_ =	shalt  }
0x7f: {  	_ =	shalt  }
0x80: {  	_ =	shalt  }
0x81: {  	_ =	shalt  }
0x82: {  	_ =	shalt  }
0x83: {  	_ =	shalt  }
0x84: {  	_ =	shalt  }
0x85: {  	_ =	shalt  }
0x86: {  	_ =	shalt  }
0x87: {  	_ =	shalt  }
.Lfunc_end0:
.L_simem_size_0:
called_computation_lowered:
.L_overlay_start_0:
0x88: {  	s2 =	sld [smem:$0x3FD9]  }
0x89: {  	s3 =	sld [smem:$0x3FFE];
	_ =	sdelay $0x1  }
0x8a: {  	s1 =	srdreg.scid  }
0x8b: {  	s0 =	sand.u32 $0x1, s1  }
0x8c: {  	s14 =	sshll.u32 s0, $0xA;
	s2 =	sadd.s32 s3, s2  }
0x8d: {  	s2 =	sadd.s32 s2, s14  }
0x8e: {  	[smem:$0x3FC6] =	sst s2  }
0x8f: {  	_ = 	snop  }
0x90: {  	s2 =	sld [smem:$0x3FD0];
	_ =	sdelay $0x2  }
0x91: {  	s15 =	simm.s32 $0xA;
	s4 =	simm.s32 $0x10  }
0x92: {  	[smem:s4], [sflag:s15] =	dma.local [hbm:s2], $0x1  }
0x93: {  	_ =	swait.eq [sflag:s15], $0x1  }
0x94: {  	[sflag:s15] =	ssyncset.done $0x0  }
0x95: {  	s16 =	sld [smem:$0x11];
	[sflag:s15] =	ssyncadd.s32 $0xFFFFFFFF  }
0x96: {  	s17 =	sld [smem:$0x12];
	(tm) =	ssettm $0x1  }
0x97: {  	s18 =	sld [smem:$0x3FFB];
	_ =	sdelay $0x3  }
0x98: {  	_ =	strace s18  }
0x99: {  	s4 =	sld [smem:$0x3FFC];
	_ =	sdelay $0x3  }
0x9a: {  	_ =	strace s4  }
0x9b: {  	s4 =	sld [smem:$0x3FFD];
	_ =	sdelay $0x3  }
0x9c: {  	_ =	strace s4  }
0x9d: {  	_ =	strace $0x8FFFFFFF  }
0x9e: {  	s19 =	sld [smem:$0x3FDB];
	_ =	sdelay $0x1  }
0x9f: {  	s5 =	simm.s32 $_scs_section_size  }
0xa0: {  	s6 =	simm.s32 $_size__tile_overlayer_lowered;
	s7 =	simm.s32 $_tile_overlayer_lowered  }
0xa1: {  	s22 =	simm.s32 $0x1BFF;
	s21 =	sshll.u32 s7, $0x1;
	s4 =	sadd.s32 s5, s19  }
0xa2: {  	s8 =	simm.s32 $0x0;
	s20 =	sshll.u32 s6, $0x1;
	s6 =	sadd.s32 s21, s4  }
0xa3: {  	[timem:s8], [sflag:s22] =	dma.local [hbm:s6], s20  }
0xa4: {  	_ =	swait.ge [sflag:s22], s20  }
0xa5: {  	s5 =	ssub.s32 $0x0, s20;
	[sflag:s22] =	ssyncset.done $0x0  }
0xa6: {  	[sflag:s22] =	ssyncadd.s32 s5;
	_ =	sdelay $0x1  }
0xa7: {  	s23 =	simm.s32 $0x1B8B  }
0xa8: {  	_ =	swait.ge [sflag:s23], $0x1  }
0xa9: {  	[sflag:s23] =	ssyncset.done $0x0  }
0xaa: {  	s25 =	simm.s32 $0x1B8E;
	s24 =	sld [smem:$0x3FFE];
	[sflag:s23] =	ssyncadd.s32 $0xFFFFFFFF  }
0xab: {  	s26 =	simm.s32 $execute0_lowered;
	[smem:$0x3FD2] =	sst s25  }
0xac: {  	s6 =	sshll.u32 s26, $0x1;
	_ =	strace $0x80000046;
	[dreg:$0x1] =	wrdreg $0xFFFFFFFF  }
0xad: {  	s28 =	simm.s32 $_size_execute0_lowered;
	s4 =	sadd.s32 s4, s6;
	[dreg:$0x0] =	wrdreg $0x0  }
0xae: {  	s6 =	sshll.u32 s28, $0x1;
	[dreg:$0x2] =	wrdreg s4  }
0xaf: {  	[dreg:$0x3] =	wrdreg s6  }
0xb0: {  	[dreg:$0x4] =	wrdreg $0xC0  }
0xb1: {  	_ =	task [dreg:s8], $0x5FFFF  }
0xb2: {  	[dreg:$0x1] =	wrdreg $0xFFFFFFFF  }
0xb3: {  	[dreg:$0x0] =	wrdreg $0x60  }
0xb4: {  	[dreg:$0x2] =	wrdreg s24  }
0xb5: {  	[dreg:$0x3] =	wrdreg s17  }
0xb6: {  	[dreg:$0x4] =	wrdreg s16  }
0xb7: {  	[dreg:$0x5] =	wrdreg $0x9  }
0xb8: {  	_ =	task.clear_ibuf [dreg:s8], $0x6FFFF;
	_ =	strace $0x90000046  }
0xb9: {  	s29 =	simm.s32 $0x9;
	_ =	strace $0x80000048  }
0xba: {  	_ =	swait.ge [sflag:s29], $0x1  }
0xbb: {  	[sflag:s29] =	ssyncadd.s32 $0xFFFFFFFF  }
0xbc: {  	_ =	strace $0x90000048  }
0xbd: {  	_ =	sfence  }
0xbe: {  	s30 =	sld [smem:$0x0];
	_ =	sdelay $0x2  }
0xbf: {  	s31 =	sshll.u32 s1, $0xD;
	s1 =	sshrl.u32 s1, $0x2  }
0xc0: {  	s3 =	sand.u32 $0x4000, s31;
	s1 =	sadd.s32 s1, s30  }
0xc1: {  	s0 =	sor.u32 s3, s0;
	s1 =	sshll.u32 s1, $0x11  }
0xc2: {  	s0 =	sor.u32 s1, s0  }
0xc3: {  	s0 =	sadd.s32 $0x8F2B, s0  }
0xc4: {  	[sflag:s0] =	ssyncadd.remote.s32 $0x1  }
0xc5: {  	_ =	sfence.sel $0xFFFF  }
0xc6: {  	[dreg:$0x0] =	wrdreg $0xFFFFFFFF;
	(pc) =	sbr.abs _section_cstart, $3  }
0xc7: {  	[dreg:$0x1] =	wrdreg $0xFFFFFFFF  }
0xc8: {  	_ =	task.clear_ibuf [dreg:s8], $0x2FFFF;
	_ =	strace $0x9FFFFFFF  }
0xc9: {  	(tm) =	ssettm $0x7FFFFFFF  }
tec
execute0_lowered:
.L_overlay_start_1:
0x0: {  	(tag) =	ssettag $0x1  }
0x1: {  	s1 =	stileid.u32  }
0x2: {  	p0 =	sgt.u32 s1, $0x1  }
.Ltmp0:
0x3: {  	s3 =	rddreg [dreg:$0x0];
	(pc) =	sbr.rel @p0 .LBB2_53-.Ltmp0, $4  }
0x4: {  	s5 =	rddreg [dreg:$0x1]  }
0x5: {  	s4 =	rddreg [dreg:$0x2];
	s2 =	simm.s32 $0x0  }
0x6: {  	[smem:$0x7FF] =	sst s2  }
0x7: {  	s0 =	rddreg [dreg:$0x3];
	_ =	strace $0x80000047  }
0x8: {  	s6 =	srdreg.scid;
	s7 =	sshll.u32 s1, $0xA;
	s30 =	sadd.s32 $0xC00, s3  }
0x9: {  	s9 =	simm.s32 $0x5040;
	s10 =	simm.s32 $0x3020;
	s11 =	simm.s32 $0x2010  }
0xa: {  	s12 =	simm.s32 $0x4030;
	s13 =	simm.s32 $0x62C0;
	s6 =	sand.u32 $0x1, s6  }
0xb: {  	s14 =	simm.s32 $0x0;
	s8 =	sshll.u32 s6, $0x9;
	s6 =	ssub.s32 $0x2, s6  }
0xc: {  	s7 =	sor.u32 s8, s7;
	s31 =	sshrl.u32 s6, $0x1;
	s8 =	simm.s32 $0x1000  }
0xd: {  	v0 =	vlaneseq.u32;
	v1 =	vimm.s32 $0x7FFFFFFF;
	v2 =	vimm.s32 $0x0;
	s3 =	sadd.s32 s5, s7;
	s4 =	sadd.s32 s4, s7;
	s6 =	ssub.s32 s6, s31  }
0xe: {  	v5 =	vimm.s32 $0x1;
	v3 =	vmul.u32 $0x101, v0;
	v4 =	vand.u32 $0x7, v0;
	s5 =	sadd.s32 s30, s7;
	s7 =	simm.s32 $0x1;
	s6 =	smax.u32 s6, $0x1  }
.LBB2_2:
0xf: {  	s15 =	simm.s32 $0x0  }
0x10: {  	[tilespmem:s15], [sflag:$0x1] =	stream.linear.gather [hbm4b:s5+s15], $0x1000, $0x38;
	[tilespmem:$0x72C0] =	vst v63  }
0x11: {  	_ =	swait.ge [sflag:s7], $0x1000  }
0x12: {  	[sflag:s7] =	ssyncset.done $0x0  }
0x13: {  	s17 =	simm.s32 $0x40;
	[sflag:s7] =	ssyncadd.s32 $0xFFFFF000  }
0x14: {  	v6 =	vld [tilespmem:s17+$0xFFFFFFC0];
	_ =	sdelay $0x4  }
0x15: {  	s16 =	simm.s32 $0x0;
	vm0 =	vlt.s32 v6, $0x0  }
0x16: {  	s18 =	simm.s32 $0x70;
	v7 =	vor.u32 s16, v0;
	v8 =	vsel vm0, $0x0, v1  }
0x17: {  	[tilespmem:s18+$0x2FB0] =	vst v7;
	v6 =	vxor.u32 v6, v8  }
0x18: {  	[tilespmem:s18+$0xF90] =	vst v6  }
0x19: {  	v6 =	vld [tilespmem:s17+$0xFFFFFFD0];
	_ =	sdelay $0x4  }
0x1a: {  	s24 =	simm.s32 $0x10;
	vm10 =	vlt.s32 v6, $0x0  }
0x1b: {  	v7 =	vor.u32 s24, v0;
	v8 =	vsel vm10, $0x0, v1  }
0x1c: {  	[tilespmem:s18+$0x2FC0] =	vst v7;
	v6 =	vxor.u32 v6, v8  }
0x1d: {  	[tilespmem:s18+$0xFA0] =	vst v6  }
0x1e: {  	v6 =	vld [tilespmem:s17+$0xFFFFFFE0];
	_ =	sdelay $0x4  }
0x1f: {  	s25 =	simm.s32 $0x20;
	vm11 =	vlt.s32 v6, $0x0  }
0x20: {  	v7 =	vor.u32 s25, v0;
	v8 =	vsel vm11, $0x0, v1  }
0x21: {  	[tilespmem:s18+$0x2FD0] =	vst v7;
	v6 =	vxor.u32 v6, v8  }
0x22: {  	[tilespmem:s18+$0xFB0] =	vst v6  }
0x23: {  	v6 =	vld [tilespmem:s17+$0xFFFFFFF0];
	_ =	sdelay $0x4  }
0x24: {  	s26 =	simm.s32 $0x30;
	vm12 =	vlt.s32 v6, $0x0  }
0x25: {  	v7 =	vor.u32 s26, v0;
	v8 =	vsel vm12, $0x0, v1  }
0x26: {  	[tilespmem:s18+$0x2FE0] =	vst v7;
	v6 =	vxor.u32 v6, v8  }
0x27: {  	[tilespmem:s18+$0xFC0] =	vst v6  }
0x28: {  	v6 =	vld [tilespmem:s17+$0x0];
	_ =	sdelay $0x4  }
0x29: {  	s28 =	simm.s32 $0x40;
	vm13 =	vlt.s32 v6, $0x0  }
0x2a: {  	v7 =	vor.u32 s28, v0;
	v8 =	vsel vm13, $0x0, v1  }
0x2b: {  	[tilespmem:s18+$0x2FF0] =	vst v7;
	v6 =	vxor.u32 v6, v8  }
0x2c: {  	[tilespmem:s18+$0xFD0] =	vst v6  }
0x2d: {  	v6 =	vld [tilespmem:s17+$0x10];
	_ =	sdelay $0x4  }
0x2e: {  	s29 =	simm.s32 $0x50;
	vm14 =	vlt.s32 v6, $0x0  }
0x2f: {  	v7 =	vor.u32 s29, v0;
	v8 =	vsel vm14, $0x0, v1  }
0x30: {  	[tilespmem:s18+$0x3000] =	vst v7;
	v6 =	vxor.u32 v6, v8  }
0x31: {  	[tilespmem:s18+$0xFE0] =	vst v6  }
0x32: {  	v6 =	vld [tilespmem:s17+$0x20];
	_ =	sdelay $0x4  }
0x33: {  	s30 =	simm.s32 $0x60;
	vm15 =	vlt.s32 v6, $0x0  }
0x34: {  	v7 =	vor.u32 s30, v0;
	v8 =	vsel vm15, $0x0, v1  }
0x35: {  	[tilespmem:s18+$0x3010] =	vst v7;
	v6 =	vxor.u32 v6, v8  }
0x36: {  	s31 =	simm.s32 $0x70;
	[tilespmem:s18+$0xFF0] =	vst v6  }
0x37: {  	v7 =	vor.u32 s31, v0;
	v6 =	vld [tilespmem:s17+$0x30]  }
0x38: {  	s19 =	simm.s32 $0x170;
	s16 =	simm.s32 $0xF0;
	[tilespmem:s18+$0x3020] =	vst v7  }
.LBB2_3:
0x39: {  	p0 =	sne.s32 s19, $0xFF0;
	_ =	sdelay $0x2  }
0x3a: {  	vm0 =	vlt.s32 v6, $0x0  }
0x3b: {  	s15 =	sadd.s32 $0x1, s15;
	v7 =	vsel vm0, $0x0, v1  }
0x3c: {  	s21 =	sadd.s32 $0xFFFFFF90, s16;
	s20 =	sshrl.u32 s15, $0x1;
	v6 =	vxor.u32 v6, v7  }
0x3d: {  	s17 =	sadd.s32 $0x80, s17;
	v7 =	vor.u32 s21, v0;
	[tilespmem:s18+$0x1000] =	vst v6;
	s18 =	sadd.s32 s20, s16  }
0x3e: {  	v6 =	vld [tilespmem:s17+$0xFFFFFFC0];
	[tilespmem:s18+$0x2FB0] =	vst v7;
	_ =	sdelay $0x4  }
0x3f: {  	vm0 =	vlt.s32 v6, $0x0  }
0x40: {  	v7 =	vsel vm0, $0x0, v1  }
0x41: {  	s20 =	sadd.s32 $0xFFFFFFA0, s16;
	v6 =	vxor.u32 v6, v7  }
0x42: {  	[tilespmem:s18+$0xF90] =	vst v6;
	v6 =	vor.u32 s20, v0  }
0x43: {  	v7 =	vld [tilespmem:s17+$0xFFFFFFD0];
	[tilespmem:s18+$0x2FC0] =	vst v6;
	_ =	sdelay $0x4  }
0x44: {  	vm0 =	vlt.s32 v7, $0x0  }
0x45: {  	v6 =	vsel vm0, $0x0, v1  }
0x46: {  	v6 =	vxor.u32 v7, v6  }
0x47: {  	[tilespmem:s18+$0xFA0] =	vst v6  }
0x48: {  	v6 =	vld [tilespmem:s17+$0xFFFFFFE0];
	_ =	sdelay $0x4  }
0x49: {  	s20 =	sadd.s32 $0xFFFFFFB0, s16;
	vm0 =	vlt.s32 v6, $0x0  }
0x4a: {  	v7 =	vor.u32 s20, v0;
	v8 =	vsel vm0, $0x0, v1  }
0x4b: {  	v6 =	vxor.u32 v6, v8;
	[tilespmem:s18+$0x2FD0] =	vst v7  }
0x4c: {  	[tilespmem:s18+$0xFB0] =	vst v6  }
0x4d: {  	v6 =	vld [tilespmem:s17+$0xFFFFFFF0];
	_ =	sdelay $0x4  }
0x4e: {  	s20 =	sadd.s32 $0xFFFFFFC0, s16;
	vm0 =	vlt.s32 v6, $0x0  }
0x4f: {  	v7 =	vor.u32 s20, v0;
	v8 =	vsel vm0, $0x0, v1  }
0x50: {  	v6 =	vxor.u32 v6, v8;
	[tilespmem:s18+$0x2FE0] =	vst v7  }
0x51: {  	[tilespmem:s18+$0xFC0] =	vst v6  }
0x52: {  	v6 =	vld [tilespmem:s17+$0x0];
	_ =	sdelay $0x4  }
0x53: {  	s20 =	sadd.s32 $0xFFFFFFD0, s16;
	vm0 =	vlt.s32 v6, $0x0  }
0x54: {  	v7 =	vor.u32 s20, v0;
	v8 =	vsel vm0, $0x0, v1  }
0x55: {  	v6 =	vxor.u32 v6, v8;
	[tilespmem:s18+$0x2FF0] =	vst v7  }
0x56: {  	[tilespmem:s18+$0xFD0] =	vst v6  }
0x57: {  	v6 =	vld [tilespmem:s17+$0x10];
	_ =	sdelay $0x4  }
0x58: {  	s20 =	sadd.s32 $0xFFFFFFE0, s16;
	vm0 =	vlt.s32 v6, $0x0  }
0x59: {  	v7 =	vor.u32 s20, v0;
	v8 =	vsel vm0, $0x0, v1  }
0x5a: {  	v6 =	vxor.u32 v6, v8;
	[tilespmem:s18+$0x3000] =	vst v7  }
0x5b: {  	[tilespmem:s18+$0xFE0] =	vst v6  }
0x5c: {  	v6 =	vld [tilespmem:s17+$0x20];
	_ =	sdelay $0x4  }
0x5d: {  	s20 =	sadd.s32 $0xFFFFFFF0, s16;
	vm0 =	vlt.s32 v6, $0x0  }
.Ltmp1:
0x5e: {  	v7 =	vor.u32 s20, v0;
	v8 =	vsel vm0, $0x0, v1;
	(pc) =	sbr.rel @p0 .LBB2_3-.Ltmp1, $4  }
0x5f: {  	v6 =	vxor.u32 v6, v8;
	[tilespmem:s18+$0x3010] =	vst v7  }
0x60: {  	v7 =	vor.u32 s16, v0;
	s16 =	smov.u32 s19;
	[tilespmem:s18+$0xFF0] =	vst v6  }
0x61: {  	v6 =	vld [tilespmem:s17+$0x30];
	[tilespmem:s18+$0x3020] =	vst v7  }
0x62: {  	s19 =	sadd.s32 $0x80, s19  }
0x63: {  	_ =	sdelay $0x2  }
0x64: {  	vm0 =	vlt.s32 v6, $0x0  }
0x65: {  	v7 =	vsel vm0, $0x0, v1  }
0x66: {  	v6 =	vxor.u32 v6, v7  }
0x67: {  	s17 =	sadd.s32 $0x80, s17;
	[tilespmem:s18+$0x1000] =	vst v6  }
0x68: {  	v6 =	vld [tilespmem:s17+$0xFFFFFFC0];
	_ =	sdelay $0x3  }
0x69: {  	s15 =	sadd.s32 $0x1, s15  }
0x6a: {  	s24 =	sadd.s32 $0xFFFFFF90, s16;
	s15 =	sshrl.u32 s15, $0x1;
	vm8 =	vlt.s32 v6, $0x0  }
0x6b: {  	s15 =	sadd.s32 s15, s16;
	v7 =	vor.u32 s24, v0;
	v8 =	vsel vm8, $0x0, v1  }
0x6c: {  	[tilespmem:s15+$0x2FB0] =	vst v7;
	v6 =	vxor.u32 v6, v8  }
0x6d: {  	[tilespmem:s15+$0xF90] =	vst v6  }
0x6e: {  	v6 =	vld [tilespmem:s17+$0xFFFFFFD0];
	_ =	sdelay $0x4  }
0x6f: {  	s25 =	sadd.s32 $0xFFFFFFA0, s16;
	vm9 =	vlt.s32 v6, $0x0  }
0x70: {  	v7 =	vor.u32 s25, v0;
	v57 =	vsel vm9, $0x0, v1  }
0x71: {  	[tilespmem:s15+$0x2FC0] =	vst v7;
	v6 =	vxor.u32 v6, v57  }
0x72: {  	[tilespmem:s15+$0xFA0] =	vst v6  }
0x73: {  	v6 =	vld [tilespmem:s17+$0xFFFFFFE0];
	_ =	sdelay $0x4  }
0x74: {  	s26 =	sadd.s32 $0xFFFFFFB0, s16;
	vm10 =	vlt.s32 v6, $0x0  }
0x75: {  	v7 =	vor.u32 s26, v0;
	v58 =	vsel vm10, $0x0, v1  }
0x76: {  	[tilespmem:s15+$0x2FD0] =	vst v7;
	v6 =	vxor.u32 v6, v58  }
0x77: {  	[tilespmem:s15+$0xFB0] =	vst v6  }
0x78: {  	v6 =	vld [tilespmem:s17+$0xFFFFFFF0];
	_ =	sdelay $0x4  }
0x79: {  	s28 =	sadd.s32 $0xFFFFFFC0, s16;
	vm11 =	vlt.s32 v6, $0x0  }
0x7a: {  	v7 =	vor.u32 s28, v0;
	v59 =	vsel vm11, $0x0, v1  }
0x7b: {  	[tilespmem:s15+$0x2FE0] =	vst v7;
	v6 =	vxor.u32 v6, v59  }
0x7c: {  	[tilespmem:s15+$0xFC0] =	vst v6  }
0x7d: {  	v6 =	vld [tilespmem:s17+$0x0];
	_ =	sdelay $0x4  }
0x7e: {  	s29 =	sadd.s32 $0xFFFFFFD0, s16;
	vm12 =	vlt.s32 v6, $0x0  }
0x7f: {  	v7 =	vor.u32 s29, v0;
	v60 =	vsel vm12, $0x0, v1  }
0x80: {  	[tilespmem:s15+$0x2FF0] =	vst v7;
	v6 =	vxor.u32 v6, v60  }
0x81: {  	[tilespmem:s15+$0xFD0] =	vst v6  }
0x82: {  	v6 =	vld [tilespmem:s17+$0x10];
	_ =	sdelay $0x4  }
0x83: {  	s30 =	sadd.s32 $0xFFFFFFE0, s16;
	vm13 =	vlt.s32 v6, $0x0  }
0x84: {  	v7 =	vor.u32 s30, v0;
	v61 =	vsel vm13, $0x0, v1  }
0x85: {  	[tilespmem:s15+$0x3000] =	vst v7;
	v6 =	vxor.u32 v6, v61  }
0x86: {  	[tilespmem:s15+$0xFE0] =	vst v6  }
0x87: {  	v6 =	vld [tilespmem:s17+$0x20];
	_ =	sdelay $0x4  }
0x88: {  	s31 =	sadd.s32 $0xFFFFFFF0, s16;
	vm14 =	vlt.s32 v6, $0x0  }
0x89: {  	v7 =	vor.u32 s31, v0;
	v62 =	vsel vm14, $0x0, v1  }
0x8a: {  	[tilespmem:s15+$0x3010] =	vst v7;
	v6 =	vxor.u32 v6, v62  }
0x8b: {  	[tilespmem:s15+$0xFF0] =	vst v6  }
0x8c: {  	v6 =	vld [tilespmem:s17+$0x30];
	_ =	sdelay $0x4  }
0x8d: {  	vm15 =	vlt.s32 v6, $0x0  }
0x8e: {  	v7 =	vor.u32 s16, v0;
	v63 =	vsel vm15, $0x0, v1  }
0x8f: {  	[tilespmem:s15+$0x3020] =	vst v7;
	v6 =	vxor.u32 v6, v63  }
0x90: {  	s16 =	simm.s32 $0x200;
	[tilespmem:s15+$0x1000] =	vst v6;
	s15 =	simm.s32 $0x0  }
.LBB2_5:
0x91: {  	p0 =	sne.s32 s16, $0x4000;
	[tilespmem:s15+$0x50B0] =	vst v2  }
0x92: {  	[tilespmem:s15+$0x5040] =	vst v2  }
0x93: {  	[tilespmem:s15+$0x5050] =	vst v2  }
.Ltmp2:
0x94: {  	[tilespmem:s15+$0x5060] =	vst v2;
	(pc) =	sbr.rel @p0 .LBB2_5-.Ltmp2, $4  }
0x95: {  	[tilespmem:s15+$0x5070] =	vst v2  }
0x96: {  	[tilespmem:s15+$0x5080] =	vst v2  }
0x97: {  	[tilespmem:s15+$0x5090] =	vst v2  }
0x98: {  	[tilespmem:s15+$0x50A0] =	vst v2;
	s15 =	sshra.s32 s16, $0x2;
	s16 =	sadd.s32 $0x200, s16  }
0x99: {  	[tilespmem:s15+$0x50B0] =	vst v2  }
0x9a: {  	[tilespmem:s15+$0x5040] =	vst v2  }
0x9b: {  	[tilespmem:s15+$0x5050] =	vst v2  }
0x9c: {  	[tilespmem:s15+$0x5060] =	vst v2  }
0x9d: {  	[tilespmem:s15+$0x5070] =	vst v2  }
0x9e: {  	[tilespmem:s15+$0x5080] =	vst v2  }
0x9f: {  	[tilespmem:s15+$0x5090] =	vst v2  }
0xa0: {  	[tilespmem:s15+$0x50A0] =	vst v2;
	s15 =	simm.s32 $0x7  }
.LBB2_7:
0xa1: {  	s16 =	sadd.s32 $0xFFFFFFF9, s15  }
0xa2: {  	v6 =	vadd.s32 s16, v3  }
0xa3: {  	v6 =	vand.u32 $0x1FF8, v6  }
0xa4: {  	v6 =	vor.u32 v4, v6;
	_ =	sdelay $0x4  }
0xa5: {  	v6 =	vld.idx.msk [tilespmem:v6+s8+$0x0], $0xffff;
	_ =	sdelay $0x4  }
0xa6: {  	v6 =	vand.u32 $0xFF, v6  }
0xa7: {  	s25 =	sadd.s32 $0xFFFFFFFA, s15;
	v6 =	vadd.s32 v3, v6  }
0xa8: {  	v7 =	vadd.s32 s25, v3;
	_ =	sdelay $0x3  }
0xa9: {  	[tilespmem:v6+s9+$0x0] =	vst.idx.add.s32.msk $0xffff, v5  }
0xaa: {  	v6 =	vld.idx.msk [tilespmem:v7+s8+$0x0], $0xffff;
	_ =	sdelay $0x4  }
0xab: {  	v6 =	vand.u32 $0xFF, v6  }
0xac: {  	s26 =	sadd.s32 $0xFFFFFFFB, s15;
	v6 =	vadd.s32 v3, v6  }
0xad: {  	v7 =	vadd.s32 s26, v3;
	_ =	sdelay $0x3  }
0xae: {  	[tilespmem:v6+s9+$0x0] =	vst.idx.add.s32.msk $0xffff, v5  }
0xaf: {  	v6 =	vld.idx.msk [tilespmem:v7+s8+$0x0], $0xffff;
	_ =	sdelay $0x4  }
0xb0: {  	v6 =	vand.u32 $0xFF, v6  }
0xb1: {  	s28 =	sadd.s32 $0xFFFFFFFC, s15;
	v6 =	vadd.s32 v3, v6  }
0xb2: {  	v7 =	vadd.s32 s28, v3;
	_ =	sdelay $0x3  }
0xb3: {  	[tilespmem:v6+s9+$0x0] =	vst.idx.add.s32.msk $0xffff, v5  }
0xb4: {  	v6 =	vld.idx.msk [tilespmem:v7+s8+$0x0], $0xffff;
	_ =	sdelay $0x4  }
0xb5: {  	v6 =	vand.u32 $0xFF, v6  }
0xb6: {  	s29 =	sadd.s32 $0xFFFFFFFD, s15;
	v6 =	vadd.s32 v3, v6  }
0xb7: {  	v7 =	vadd.s32 s29, v3;
	_ =	sdelay $0x3  }
0xb8: {  	[tilespmem:v6+s9+$0x0] =	vst.idx.add.s32.msk $0xffff, v5  }
0xb9: {  	v6 =	vld.idx.msk [tilespmem:v7+s8+$0x0], $0xffff;
	_ =	sdelay $0x4  }
0xba: {  	v6 =	vand.u32 $0xFF, v6  }
0xbb: {  	s30 =	sadd.s32 $0xFFFFFFFE, s15;
	v6 =	vadd.s32 v3, v6  }
0xbc: {  	v7 =	vadd.s32 s30, v3;
	_ =	sdelay $0x3  }
0xbd: {  	[tilespmem:v6+s9+$0x0] =	vst.idx.add.s32.msk $0xffff, v5  }
0xbe: {  	v6 =	vld.idx.msk [tilespmem:v7+s8+$0x0], $0xffff;
	_ =	sdelay $0x4  }
0xbf: {  	v6 =	vand.u32 $0xFF, v6  }
0xc0: {  	s31 =	sadd.s32 $0xFFFFFFFF, s15;
	v6 =	vadd.s32 v3, v6  }
0xc1: {  	v7 =	vadd.s32 s31, v3;
	_ =	sdelay $0x3  }
0xc2: {  	[tilespmem:v6+s9+$0x0] =	vst.idx.add.s32.msk $0xffff, v5  }
0xc3: {  	v6 =	vld.idx.msk [tilespmem:v7+s8+$0x0], $0xffff;
	_ =	sdelay $0x4  }
0xc4: {  	v6 =	vand.u32 $0xFF, v6  }
0xc5: {  	v6 =	vadd.s32 v3, v6  }
0xc6: {  	v7 =	vadd.s32 s15, v3;
	_ =	sdelay $0x3  }
0xc7: {  	[tilespmem:v6+s9+$0x0] =	vst.idx.add.s32.msk $0xffff, v5  }
0xc8: {  	v6 =	vld.idx.msk [tilespmem:v7+s8+$0x0], $0xffff;
	_ =	sdelay $0x4  }
0xc9: {  	v6 =	vand.u32 $0xFF, v6  }
0xca: {  	p0 =	sne.s32 s15, $0xFF;
	v6 =	vadd.s32 v3, v6  }
.Ltmp3:
0xcb: {  	_ = 	snop;
	(pc) =	sbr.rel @p0 .LBB2_7-.Ltmp3, $2  }
0xcc: {  	_ =	sdelay $0x2  }
0xcd: {  	s16 =	simm.s32 $0x0;
	s15 =	sadd.s32 $0x8, s15;
	[tilespmem:v6+s9+$0x0] =	vst.idx.add.s32.msk $0xffff, v5  }
0xce: {  	s15 =	simm.s32 $0x0  }
0xcf: {  	v10 =	vld [tilespmem:s15+$0x5545]  }
0xd0: {  	v9 =	vld [tilespmem:s15+$0x5444]  }
0xd1: {  	v12 =	vld [tilespmem:s15+$0x5343]  }
0xd2: {  	v13 =	vld [tilespmem:s15+$0x5141]  }
0xd3: {  	v16 =	vld [tilespmem:s15+$0x5040]  }
0xd4: {  	v11 =	vld [tilespmem:s15+$0x5242]  }
0xd5: {  	v8 =	vld [tilespmem:s15+$0x5848]  }
0xd6: {  	v7 =	vld [tilespmem:s15+$0x5949]  }
0xd7: {  	v6 =	vld [tilespmem:s15+$0x5A4A]  }
0xd8: {  	[tilespmem:s15+$0x5040] =	vst v2;
	v17 =	vld [tilespmem:s15+$0x5646];
	v13 =	vadd.s32 v16, v13  }
0xd9: {  	v14 =	vld [tilespmem:s15+$0x5747];
	[tilespmem:s15+$0x5242] =	vst v13;
	v13 =	vadd.s32 v13, v11  }
0xda: {  	v11 =	vld [tilespmem:s15+$0x5B4B];
	[tilespmem:s15+$0x5343] =	vst v13;
	v13 =	vadd.s32 v13, v12  }
0xdb: {  	v12 =	vld [tilespmem:s15+$0x5C4C];
	[tilespmem:s15+$0x5444] =	vst v13;
	v13 =	vadd.s32 v13, v9  }
0xdc: {  	[tilespmem:s15+$0x5141] =	vst v16;
	v9 =	vld [tilespmem:s15+$0x5F4F];
	v15 =	vadd.s32 v13, v10  }
0xdd: {  	s18 =	simm.s32 $0x40;
	s17 =	simm.s32 $0x0;
	[tilespmem:s15+$0x5545] =	vst v13;
	v13 =	vld [tilespmem:s15+$0x5E4E];
	v10 =	vadd.s32 v15, v17  }
.LBB2_9:
0xde: {  	s19 =	sshra.s32 s18, $0x2;
	p0 =	sne.s32 s18, $0x3C0;
	s18 =	sadd.s32 $0x40, s18;
	[tilespmem:s17+$0x5646] =	vst v15;
	v14 =	vadd.s32 v10, v14;
	v15 =	vld [tilespmem:s17+$0x5D4D]  }
0xdf: {  	v16 =	vld [tilespmem:s19+$0x5545];
	[tilespmem:s17+$0x5848] =	vst v14;
	v8 =	vadd.s32 v14, v8  }
0xe0: {  	v17 =	vld [tilespmem:s19+$0x5444];
	[tilespmem:s17+$0x5949] =	vst v8;
	v7 =	vadd.s32 v8, v7  }
0xe1: {  	v18 =	vld [tilespmem:s19+$0x5343];
	[tilespmem:s17+$0x5A4A] =	vst v7;
	v6 =	vadd.s32 v7, v6  }
0xe2: {  	v19 =	vld [tilespmem:s19+$0x5242];
	[tilespmem:s17+$0x5B4B] =	vst v6;
	v6 =	vadd.s32 v6, v11  }
0xe3: {  	v11 =	vld [tilespmem:s19+$0x5141];
	[tilespmem:s17+$0x5C4C] =	vst v6;
	v6 =	vadd.s32 v6, v12  }
0xe4: {  	v20 =	vld [tilespmem:s19+$0x5040];
	[tilespmem:s17+$0x5D4D] =	vst v6;
	v6 =	vadd.s32 v6, v15  }
0xe5: {  	v8 =	vld [tilespmem:s19+$0x5848];
	[tilespmem:s17+$0x5E4E] =	vst v6;
	v12 =	vadd.s32 v6, v13  }
0xe6: {  	v7 =	vld [tilespmem:s19+$0x5949];
	[tilespmem:s17+$0x5F4F] =	vst v12  }
0xe7: {  	v9 =	vadd.s32 v12, v9;
	v6 =	vld [tilespmem:s19+$0x5A4A];
	[tilespmem:s17+$0x5747] =	vst v10  }
0xe8: {  	v14 =	vld [tilespmem:s19+$0x5747];
	[tilespmem:s17+$0x60C0] =	vst v9;
	s17 =	smov.u32 s19  }
0xe9: {  	[tilespmem:s17+$0x5040] =	vst v2;
	v9 =	vadd.s32 v20, v11;
	v10 =	vld [tilespmem:s17+$0x5646]  }
.Ltmp4:
0xea: {  	[tilespmem:s17+$0x5242] =	vst v9;
	v9 =	vadd.s32 v9, v19;
	v11 =	vld [tilespmem:s17+$0x5B4B];
	(pc) =	sbr.rel @p0 .LBB2_9-.Ltmp4, $4  }
0xeb: {  	[tilespmem:s17+$0x5343] =	vst v9;
	v9 =	vadd.s32 v9, v18;
	v12 =	vld [tilespmem:s17+$0x5C4C]  }
0xec: {  	[tilespmem:s17+$0x5444] =	vst v9;
	v9 =	vadd.s32 v9, v17  }
0xed: {  	[tilespmem:s17+$0x5545] =	vst v9;
	v15 =	vadd.s32 v9, v16;
	v9 =	vld [tilespmem:s17+$0x5F4F]  }
0xee: {  	[tilespmem:s17+$0x5141] =	vst v20;
	v10 =	vadd.s32 v15, v10;
	v13 =	vld [tilespmem:s17+$0x5E4E]  }
0xef: {  	[tilespmem:s17+$0x5646] =	vst v15  }
0xf0: {  	v14 =	vadd.s32 v10, v14;
	[tilespmem:s17+$0x5747] =	vst v10  }
0xf1: {  	v63 =	vld [tilespmem:s17+$0x5D4D];
	[tilespmem:s17+$0x5848] =	vst v14;
	v8 =	vadd.s32 v14, v8  }
0xf2: {  	[tilespmem:s17+$0x5949] =	vst v8;
	v7 =	vadd.s32 v8, v7  }
0xf3: {  	[tilespmem:s17+$0x5A4A] =	vst v7;
	v6 =	vadd.s32 v7, v6  }
0xf4: {  	[tilespmem:s17+$0x5B4B] =	vst v6;
	v6 =	vadd.s32 v6, v11  }
0xf5: {  	[tilespmem:s17+$0x5C4C] =	vst v6;
	v6 =	vadd.s32 v6, v12  }
0xf6: {  	[tilespmem:s17+$0x5D4D] =	vst v6;
	v6 =	vadd.s32 v6, v63  }
0xf7: {  	[tilespmem:s17+$0x5E4E] =	vst v6;
	v6 =	vadd.s32 v6, v13  }
0xf8: {  	[tilespmem:s17+$0x5F4F] =	vst v6;
	v6 =	vadd.s32 v6, v9  }
0xf9: {  	[tilespmem:s17+$0x60C0] =	vst v6  }
0xfa: {  	s17 =	simm.s32 $0x10;
	v8 =	vld [tilespmem:s15+$0x60C0]  }
0xfb: {  	v6 =	vld [tilespmem:s17+$0x60C0];
	_ =	sdelay $0x3  }
0xfc: {  	(xrf0) =	vadd.scan.msk.s32 $0xffff, v8  }
0xfd: {  	(xrf0) =	vadd.scan.msk.s32 $0xffff, v6;
	_ =	sdelay $0x4  }
0xfe: {  	s18 =	simm.s32 $0x20;
	v11, _, _ =	vpop (xrf0)  }
0xff: {  	v9 =	vld [tilespmem:s18+$0x60C0];
	(v2sf) =	vpush v11, $0xF;
	v10, _, _ =	vpop (xrf0)  }
0x100: {  	(v2sf) =	vpush v10, $0xF;
	_ =	sdelay $0x3  }
0x101: {  	s19 =	simm.s32 $0x30;
	(xrf0) =	vadd.scan.msk.s32 $0xffff, v9  }
0x102: {  	v7 =	vld [tilespmem:s19+$0x60C0];
	_ =	sdelay $0x3  }
0x103: {  	s20 =	simm.s32 $0x100  }
.LBB2_11:
0x104: {  	s21 =	sshra.s32 s20, $0x2;
	p0 =	sne.s32 s20, $0x3C0;
	s20 =	sadd.s32 $0x40, s20;
	(xrf0) =	vadd.scan.msk.s32 $0xffff, v7;
	v12, _, _ =	vpop (xrf0);
	v13 =	vsub.s32 s16, v8;
	v8 =	vmov v6;
	v6 =	vmov v9  }
.Ltmp5:
0x105: {  	v9 =	vmovc v7;
	(v2sf) =	vpush v12, $0xF;
	v13 =	vadd.s32 v11, v13;
	v11 =	vmovc v10;
	v10 =	vmov v12;
	v7 =	vld [tilespmem:s21+$0x60C0];
	(pc) =	sbr.rel @p0 .LBB2_11-.Ltmp5, $4  }
0x106: {  	[tilespmem:s15+$0x61C0] =	vst v13;
	s15 =	smov.u32 s17;
	s17 =	smov.u32 s18;
	s18 =	smov.u32 s19  }
0x107: {  	s19 =	smov.u32 s21  }
0x108: {  	s21 =	spop (v2sf)  }
0x109: {  	s16 =	sadd.s32 s16, s21  }
0x10a: {  	v12, _, _ =	vpop (xrf0)  }
0x10b: {  	(v2sf) =	vpush v12, $0xF;
	_ =	sdelay $0xa  }
0x10c: {  	(xrf0) =	vadd.scan.msk.s32 $0xffff, v7;
	_ =	sdelay $0x1  }
0x10d: {  	s20 =	spop (v2sf)  }
0x10e: {  	v8 =	vsub.s32 s16, v8;
	s26 =	sadd.s32 s16, s20;
	s28 =	spop (v2sf)  }
0x10f: {  	v8 =	vadd.s32 v11, v8;
	v6 =	vsub.s32 s26, v6;
	s16 =	sadd.s32 s26, s28;
	s29 =	spop (v2sf)  }
0x110: {  	[tilespmem:s15+$0x61C0] =	vst v8;
	v6 =	vadd.s32 v10, v6;
	v8 =	vsub.s32 s16, v9;
	s30 =	sadd.s32 s16, s29  }
0x111: {  	[tilespmem:s17+$0x61C0] =	vst v6;
	v9, _, _ =	vpop (xrf0);
	v6 =	vadd.s32 v12, v8;
	v7 =	vsub.s32 s30, v7  }
0x112: {  	[tilespmem:s18+$0x61C0] =	vst v6;
	v6 =	vadd.s32 v9, v7  }
0x113: {  	s15 =	simm.s32 $0x0;
	[tilespmem:s19+$0x61C0] =	vst v6  }
0x114: {  	(v2sf) =	vpush v9, $0xF;
	v6 =	vld [tilespmem:s15+$0x61C0]  }
0x115: {  	v7 =	vld [tilespmem:s15+$0x5040]  }
0x116: {  	v8 =	vld [tilespmem:s15+$0x5141]  }
0x117: {  	v10 =	vld [tilespmem:s15+$0x5242]  }
0x118: {  	v11 =	vld [tilespmem:s15+$0x5343]  }
0x119: {  	v12 =	vld [tilespmem:s15+$0x5444]  }
0x11a: {  	v13 =	vld [tilespmem:s15+$0x5545];
	v7 =	vadd.s32 v6, v7  }
0x11b: {  	v14 =	vld [tilespmem:s15+$0x5646];
	[tilespmem:s15+$0x5040] =	vst v7;
	v7 =	vadd.s32 v6, v8  }
0x11c: {  	v9 =	vld [tilespmem:s15+$0x5747];
	[tilespmem:s15+$0x5141] =	vst v7;
	v7 =	vadd.s32 v6, v10  }
0x11d: {  	v10 =	vld [tilespmem:s15+$0x5848];
	[tilespmem:s15+$0x5242] =	vst v7;
	v7 =	vadd.s32 v6, v11  }
0x11e: {  	v11 =	vld [tilespmem:s15+$0x5949];
	[tilespmem:s15+$0x5343] =	vst v7;
	v7 =	vadd.s32 v6, v12  }
0x11f: {  	v8 =	vld [tilespmem:s15+$0x5A4A];
	[tilespmem:s15+$0x5444] =	vst v7;
	v7 =	vadd.s32 v6, v13  }
0x120: {  	v12 =	vadd.s32 v6, v14;
	[tilespmem:s15+$0x5545] =	vst v7;
	v7 =	vld [tilespmem:s15+$0x5B4B]  }
0x121: {  	[tilespmem:s15+$0x5646] =	vst v12;
	v12 =	vadd.s32 v6, v9;
	v9 =	vld [tilespmem:s15+$0x5C4C]  }
0x122: {  	[tilespmem:s15+$0x5747] =	vst v12;
	v12 =	vadd.s32 v6, v10;
	v10 =	vld [tilespmem:s15+$0x5D4D]  }
0x123: {  	s16 =	simm.s32 $0x40;
	s31 =	spop (v2sf);
	[tilespmem:s15+$0x5848] =	vst v12;
	v12 =	vadd.s32 v6, v11;
	v11 =	vld [tilespmem:s15+$0x5E4E]  }
.LBB2_13:
0x124: {  	s17 =	sshra.s32 s16, $0x2;
	p0 =	sne.s32 s16, $0x3C0;
	[tilespmem:s15+$0x5949] =	vst v12;
	v8 =	vadd.s32 v6, v8;
	v12 =	vld [tilespmem:s15+$0x5F4F]  }
0x125: {  	v13 =	vld [tilespmem:s17+$0x61C0];
	[tilespmem:s15+$0x5A4A] =	vst v8;
	v7 =	vadd.s32 v6, v7  }
0x126: {  	v8 =	vld [tilespmem:s17+$0x5040];
	[tilespmem:s15+$0x5B4B] =	vst v7;
	v7 =	vadd.s32 v6, v9  }
0x127: {  	v9 =	vld [tilespmem:s17+$0x5141];
	[tilespmem:s15+$0x5C4C] =	vst v7;
	v7 =	vadd.s32 v6, v10  }
0x128: {  	v10 =	vld [tilespmem:s17+$0x5242];
	[tilespmem:s15+$0x5D4D] =	vst v7;
	v7 =	vadd.s32 v6, v11  }
0x129: {  	v11 =	vld [tilespmem:s17+$0x5343];
	[tilespmem:s15+$0x5E4E] =	vst v7;
	v12 =	vadd.s32 v6, v12  }
0x12a: {  	v7 =	vld [tilespmem:s17+$0x5444];
	[tilespmem:s15+$0x5F4F] =	vst v12;
	v6 =	vmov v13;
	s15 =	smov.u32 s17  }
0x12b: {  	v8 =	vadd.s32 v6, v8;
	v12 =	vld [tilespmem:s15+$0x5545]  }
0x12c: {  	[tilespmem:s15+$0x5040] =	vst v8;
	v8 =	vadd.s32 v6, v9;
	v9 =	vld [tilespmem:s15+$0x5646]  }
0x12d: {  	[tilespmem:s15+$0x5141] =	vst v8;
	v8 =	vadd.s32 v6, v10;
	v10 =	vld [tilespmem:s15+$0x5747]  }
0x12e: {  	[tilespmem:s15+$0x5242] =	vst v8;
	v8 =	vadd.s32 v6, v11;
	v11 =	vld [tilespmem:s15+$0x5848]  }
0x12f: {  	[tilespmem:s15+$0x5343] =	vst v8;
	v7 =	vadd.s32 v6, v7;
	v13 =	vld [tilespmem:s15+$0x5949]  }
.Ltmp6:
0x130: {  	[tilespmem:s15+$0x5444] =	vst v7;
	v7 =	vadd.s32 v6, v12;
	v8 =	vld [tilespmem:s15+$0x5A4A];
	(pc) =	sbr.rel @p0 .LBB2_13-.Ltmp6, $4  }
0x131: {  	[tilespmem:s15+$0x5545] =	vst v7;
	v9 =	vadd.s32 v6, v9;
	v7 =	vld [tilespmem:s15+$0x5B4B]  }
0x132: {  	[tilespmem:s15+$0x5646] =	vst v9;
	v10 =	vadd.s32 v6, v10;
	v9 =	vld [tilespmem:s15+$0x5C4C]  }
0x133: {  	[tilespmem:s15+$0x5747] =	vst v10;
	v11 =	vadd.s32 v6, v11;
	v10 =	vld [tilespmem:s15+$0x5D4D]  }
0x134: {  	s16 =	sadd.s32 $0x40, s16;
	[tilespmem:s15+$0x5848] =	vst v11;
	v12 =	vadd.s32 v6, v13;
	v11 =	vld [tilespmem:s15+$0x5E4E]  }
0x135: {  	[tilespmem:s15+$0x5949] =	vst v12;
	v8 =	vadd.s32 v6, v8;
	v63 =	vld [tilespmem:s15+$0x5F4F]  }
0x136: {  	[tilespmem:s15+$0x5A4A] =	vst v8;
	v7 =	vadd.s32 v6, v7  }
0x137: {  	[tilespmem:s15+$0x5B4B] =	vst v7;
	v7 =	vadd.s32 v6, v9  }
0x138: {  	[tilespmem:s15+$0x5C4C] =	vst v7;
	v7 =	vadd.s32 v6, v10  }
0x139: {  	[tilespmem:s15+$0x5D4D] =	vst v7;
	v7 =	vadd.s32 v6, v11  }
0x13a: {  	[tilespmem:s15+$0x5E4E] =	vst v7;
	v6 =	vadd.s32 v6, v63  }
0x13b: {  	[tilespmem:s15+$0x5F4F] =	vst v6;
	s15 =	simm.s32 $0x7  }
.LBB2_15:
0x13c: {  	s16 =	sadd.s32 $0xFFFFFFF9, s15  }
0x13d: {  	v6 =	vadd.s32 s16, v3  }
0x13e: {  	v6 =	vand.u32 $0x1FF8, v6  }
0x13f: {  	v6 =	vor.u32 v4, v6;
	_ =	sdelay $0x4  }
0x140: {  	v7 =	vld.idx.msk [tilespmem:v6+s8+$0x0], $0xffff;
	_ =	sdelay $0x4  }
0x141: {  	v8 =	vand.u32 $0xFF, v7  }
0x142: {  	v8 =	vadd.s32 v3, v8;
	_ =	sdelay $0x4  }
0x143: {  	v9 =	vld.idx.msk [tilespmem:v8+s9+$0x0], $0xffff;
	_ =	sdelay $0x4  }
0x144: {  	v10 =	vshrl.u32 v9, $0x8  }
0x145: {  	v9 =	vadd.s32 v9, v10  }
0x146: {  	s25 =	sadd.s32 $0xFFFFFFFA, s15;
	v6 =	vld.idx.msk [tilespmem:v6+s10+$0x0], $0xffff  }
0x147: {  	v43 =	vadd.s32 s25, v3;
	_ =	sdelay $0x1  }
0x148: {  	[tilespmem:v8+s9+$0x0] =	vst.idx.add.s32.msk $0xffff, v5  }
0x149: {  	[tilespmem:v9+s11+$0x0] =	vst.idx.msk $0xffff, v7  }
0x14a: {  	[tilespmem:v9+s12+$0x0] =	vst.idx.msk $0xffff, v6  }
0x14b: {  	v6 =	vld.idx.msk [tilespmem:v43+s8+$0x0], $0xffff;
	_ =	sdelay $0x4  }
0x14c: {  	v7 =	vand.u32 $0xFF, v6  }
0x14d: {  	v7 =	vadd.s32 v3, v7;
	_ =	sdelay $0x4  }
0x14e: {  	v8 =	vld.idx.msk [tilespmem:v7+s9+$0x0], $0xffff;
	_ =	sdelay $0x4  }
0x14f: {  	v44 =	vshrl.u32 v8, $0x8  }
0x150: {  	v8 =	vadd.s32 v8, v44  }
0x151: {  	s26 =	sadd.s32 $0xFFFFFFFB, s15;
	v45 =	vld.idx.msk [tilespmem:v43+s10+$0x0], $0xffff  }
0x152: {  	v46 =	vadd.s32 s26, v3;
	_ =	sdelay $0x1  }
0x153: {  	[tilespmem:v7+s9+$0x0] =	vst.idx.add.s32.msk $0xffff, v5  }
0x154: {  	[tilespmem:v8+s11+$0x0] =	vst.idx.msk $0xffff, v6  }
0x155: {  	[tilespmem:v8+s12+$0x0] =	vst.idx.msk $0xffff, v45  }
0x156: {  	v6 =	vld.idx.msk [tilespmem:v46+s8+$0x0], $0xffff;
	_ =	sdelay $0x4  }
0x157: {  	v7 =	vand.u32 $0xFF, v6  }
0x158: {  	v7 =	vadd.s32 v3, v7;
	_ =	sdelay $0x4  }
0x159: {  	v8 =	vld.idx.msk [tilespmem:v7+s9+$0x0], $0xffff;
	_ =	sdelay $0x4  }
0x15a: {  	v47 =	vshrl.u32 v8, $0x8  }
0x15b: {  	v8 =	vadd.s32 v8, v47  }
0x15c: {  	s28 =	sadd.s32 $0xFFFFFFFC, s15;
	v48 =	vld.idx.msk [tilespmem:v46+s10+$0x0], $0xffff  }
0x15d: {  	v49 =	vadd.s32 s28, v3;
	_ =	sdelay $0x1  }
0x15e: {  	[tilespmem:v7+s9+$0x0] =	vst.idx.add.s32.msk $0xffff, v5  }
0x15f: {  	[tilespmem:v8+s11+$0x0] =	vst.idx.msk $0xffff, v6  }
0x160: {  	[tilespmem:v8+s12+$0x0] =	vst.idx.msk $0xffff, v48  }
0x161: {  	v6 =	vld.idx.msk [tilespmem:v49+s8+$0x0], $0xffff;
	_ =	sdelay $0x4  }
0x162: {  	v7 =	vand.u32 $0xFF, v6  }
0x163: {  	v7 =	vadd.s32 v3, v7;
	_ =	sdelay $0x4  }
0x164: {  	v8 =	vld.idx.msk [tilespmem:v7+s9+$0x0], $0xffff;
	_ =	sdelay $0x4  }
0x165: {  	v50 =	vshrl.u32 v8, $0x8  }
0x166: {  	v8 =	vadd.s32 v8, v50  }
0x167: {  	s29 =	sadd.s32 $0xFFFFFFFD, s15;
	v51 =	vld.idx.msk [tilespmem:v49+s10+$0x0], $0xffff  }
0x168: {  	v52 =	vadd.s32 s29, v3;
	_ =	sdelay $0x1  }
0x169: {  	[tilespmem:v7+s9+$0x0] =	vst.idx.add.s32.msk $0xffff, v5  }
0x16a: {  	[tilespmem:v8+s11+$0x0] =	vst.idx.msk $0xffff, v6  }
0x16b: {  	[tilespmem:v8+s12+$0x0] =	vst.idx.msk $0xffff, v51  }
0x16c: {  	v6 =	vld.idx.msk [tilespmem:v52+s8+$0x0], $0xffff;
	_ =	sdelay $0x4  }
0x16d: {  	v7 =	vand.u32 $0xFF, v6  }
0x16e: {  	v7 =	vadd.s32 v3, v7;
	_ =	sdelay $0x4  }
0x16f: {  	v8 =	vld.idx.msk [tilespmem:v7+s9+$0x0], $0xffff;
	_ =	sdelay $0x4  }
0x170: {  	v53 =	vshrl.u32 v8, $0x8  }
0x171: {  	v8 =	vadd.s32 v8, v53  }
0x172: {  	s30 =	sadd.s32 $0xFFFFFFFE, s15;
	v54 =	vld.idx.msk [tilespmem:v52+s10+$0x0], $0xffff  }
0x173: {  	v55 =	vadd.s32 s30, v3;
	_ =	sdelay $0x1  }
0x174: {  	[tilespmem:v7+s9+$0x0] =	vst.idx.add.s32.msk $0xffff, v5  }
0x175: {  	[tilespmem:v8+s11+$0x0] =	vst.idx.msk $0xffff, v6  }
0x176: {  	[tilespmem:v8+s12+$0x0] =	vst.idx.msk $0xffff, v54  }
0x177: {  	v6 =	vld.idx.msk [tilespmem:v55+s8+$0x0], $0xffff;
	_ =	sdelay $0x4  }
0x178: {  	v7 =	vand.u32 $0xFF, v6  }
0x179: {  	v7 =	vadd.s32 v3, v7;
	_ =	sdelay $0x4  }
0x17a: {  	v8 =	vld.idx.msk [tilespmem:v7+s9+$0x0], $0xffff;
	_ =	sdelay $0x4  }
0x17b: {  	v56 =	vshrl.u32 v8, $0x8  }
0x17c: {  	v8 =	vadd.s32 v8, v56  }
0x17d: {  	s31 =	sadd.s32 $0xFFFFFFFF, s15;
	v57 =	vld.idx.msk [tilespmem:v55+s10+$0x0], $0xffff  }
0x17e: {  	v58 =	vadd.s32 s31, v3;
	_ =	sdelay $0x1  }
0x17f: {  	[tilespmem:v7+s9+$0x0] =	vst.idx.add.s32.msk $0xffff, v5  }
0x180: {  	[tilespmem:v8+s11+$0x0] =	vst.idx.msk $0xffff, v6  }
0x181: {  	[tilespmem:v8+s12+$0x0] =	vst.idx.msk $0xffff, v57  }
0x182: {  	v6 =	vld.idx.msk [tilespmem:v58+s8+$0x0], $0xffff;
	_ =	sdelay $0x4  }
0x183: {  	v7 =	vand.u32 $0xFF, v6  }
0x184: {  	v7 =	vadd.s32 v3, v7;
	_ =	sdelay $0x4  }
0x185: {  	v8 =	vld.idx.msk [tilespmem:v7+s9+$0x0], $0xffff;
	_ =	sdelay $0x4  }
0x186: {  	v59 =	vshrl.u32 v8, $0x8  }
0x187: {  	v8 =	vadd.s32 v8, v59  }
0x188: {  	v60 =	vld.idx.msk [tilespmem:v58+s10+$0x0], $0xffff  }
0x189: {  	v61 =	vadd.s32 s15, v3;
	_ =	sdelay $0x1  }
0x18a: {  	[tilespmem:v7+s9+$0x0] =	vst.idx.add.s32.msk $0xffff, v5  }
0x18b: {  	[tilespmem:v8+s11+$0x0] =	vst.idx.msk $0xffff, v6  }
0x18c: {  	[tilespmem:v8+s12+$0x0] =	vst.idx.msk $0xffff, v60  }
0x18d: {  	v6 =	vld.idx.msk [tilespmem:v61+s8+$0x0], $0xffff;
	_ =	sdelay $0x4  }
0x18e: {  	v7 =	vand.u32 $0xFF, v6  }
0x18f: {  	v7 =	vadd.s32 v3, v7;
	_ =	sdelay $0x4  }
0x190: {  	v8 =	vld.idx.msk [tilespmem:v7+s9+$0x0], $0xffff;
	_ =	sdelay $0x4  }
0x191: {  	v62 =	vshrl.u32 v8, $0x8  }
0x192: {  	v8 =	vadd.s32 v8, v62  }
0x193: {  	p0 =	sne.s32 s15, $0xFF;
	v63 =	vld.idx.msk [tilespmem:v61+s10+$0x0], $0xffff  }
.Ltmp7:
0x194: {  	_ = 	snop;
	(pc) =	sbr.rel @p0 .LBB2_15-.Ltmp7, $4  }
0x195: {  	_ = 	snop  }
0x196: {  	[tilespmem:v7+s9+$0x0] =	vst.idx.add.s32.msk $0xffff, v5  }
0x197: {  	[tilespmem:v8+s11+$0x0] =	vst.idx.msk $0xffff, v6  }
0x198: {  	s15 =	sadd.s32 $0x8, s15;
	[tilespmem:v8+s12+$0x0] =	vst.idx.msk $0xffff, v63  }
0x199: {  	s15 =	simm.s32 $0x0;
	s16 =	simm.s32 $0x200  }
.LBB2_17:
0x19a: {  	p0 =	sne.s32 s16, $0x4000;
	[tilespmem:s15+$0x50B0] =	vst v2  }
0x19b: {  	[tilespmem:s15+$0x5040] =	vst v2  }
0x19c: {  	[tilespmem:s15+$0x5050] =	vst v2  }
.Ltmp8:
0x19d: {  	[tilespmem:s15+$0x5060] =	vst v2;
	(pc) =	sbr.rel @p0 .LBB2_17-.Ltmp8, $4  }
0x19e: {  	[tilespmem:s15+$0x5070] =	vst v2  }
0x19f: {  	[tilespmem:s15+$0x5080] =	vst v2  }
0x1a0: {  	[tilespmem:s15+$0x5090] =	vst v2  }
0x1a1: {  	[tilespmem:s15+$0x50A0] =	vst v2;
	s15 =	sshra.s32 s16, $0x2;
	s16 =	sadd.s32 $0x200, s16  }
0x1a2: {  	[tilespmem:s15+$0x50B0] =	vst v2  }
0x1a3: {  	[tilespmem:s15+$0x5040] =	vst v2  }
0x1a4: {  	[tilespmem:s15+$0x5050] =	vst v2  }
0x1a5: {  	[tilespmem:s15+$0x5060] =	vst v2  }
0x1a6: {  	[tilespmem:s15+$0x5070] =	vst v2  }
0x1a7: {  	[tilespmem:s15+$0x5080] =	vst v2  }
0x1a8: {  	[tilespmem:s15+$0x5090] =	vst v2  }
0x1a9: {  	[tilespmem:s15+$0x50A0] =	vst v2;
	s15 =	simm.s32 $0x7  }
.LBB2_19:
0x1aa: {  	s16 =	sadd.s32 $0xFFFFFFF9, s15  }
0x1ab: {  	v6 =	vadd.s32 s16, v3  }
0x1ac: {  	v6 =	vand.u32 $0x1FF8, v6  }
0x1ad: {  	v6 =	vor.u32 v4, v6;
	_ =	sdelay $0x4  }
0x1ae: {  	v6 =	vld.idx.msk [tilespmem:v6+s11+$0x0], $0xffff;
	_ =	sdelay $0x4  }
0x1af: {  	v6 =	vshrl.u32 v6, $0x8  }
0x1b0: {  	v6 =	vand.u32 $0xFF, v6  }
0x1b1: {  	s25 =	sadd.s32 $0xFFFFFFFA, s15;
	v6 =	vadd.s32 v3, v6  }
0x1b2: {  	v7 =	vadd.s32 s25, v3;
	_ =	sdelay $0x3  }
0x1b3: {  	[tilespmem:v6+s9+$0x0] =	vst.idx.add.s32.msk $0xffff, v5  }
0x1b4: {  	v6 =	vld.idx.msk [tilespmem:v7+s11+$0x0], $0xffff;
	_ =	sdelay $0x4  }
0x1b5: {  	v6 =	vshrl.u32 v6, $0x8  }
0x1b6: {  	v6 =	vand.u32 $0xFF, v6  }
0x1b7: {  	s26 =	sadd.s32 $0xFFFFFFFB, s15;
	v6 =	vadd.s32 v3, v6  }
0x1b8: {  	v7 =	vadd.s32 s26, v3;
	_ =	sdelay $0x3  }
0x1b9: {  	[tilespmem:v6+s9+$0x0] =	vst.idx.add.s32.msk $0xffff, v5  }
0x1ba: {  	v6 =	vld.idx.msk [tilespmem:v7+s11+$0x0], $0xffff;
	_ =	sdelay $0x4  }
0x1bb: {  	v6 =	vshrl.u32 v6, $0x8  }
0x1bc: {  	v6 =	vand.u32 $0xFF, v6  }
0x1bd: {  	s28 =	sadd.s32 $0xFFFFFFFC, s15;
	v6 =	vadd.s32 v3, v6  }
0x1be: {  	v7 =	vadd.s32 s28, v3;
	_ =	sdelay $0x3  }
0x1bf: {  	[tilespmem:v6+s9+$0x0] =	vst.idx.add.s32.msk $0xffff, v5  }
0x1c0: {  	v6 =	vld.idx.msk [tilespmem:v7+s11+$0x0], $0xffff;
	_ =	sdelay $0x4  }
0x1c1: {  	v6 =	vshrl.u32 v6, $0x8  }
0x1c2: {  	v6 =	vand.u32 $0xFF, v6  }
0x1c3: {  	s29 =	sadd.s32 $0xFFFFFFFD, s15;
	v6 =	vadd.s32 v3, v6  }
0x1c4: {  	v7 =	vadd.s32 s29, v3;
	_ =	sdelay $0x3  }
0x1c5: {  	[tilespmem:v6+s9+$0x0] =	vst.idx.add.s32.msk $0xffff, v5  }
0x1c6: {  	v6 =	vld.idx.msk [tilespmem:v7+s11+$0x0], $0xffff;
	_ =	sdelay $0x4  }
0x1c7: {  	v6 =	vshrl.u32 v6, $0x8  }
0x1c8: {  	v6 =	vand.u32 $0xFF, v6  }
0x1c9: {  	s30 =	sadd.s32 $0xFFFFFFFE, s15;
	v6 =	vadd.s32 v3, v6  }
0x1ca: {  	v7 =	vadd.s32 s30, v3;
	_ =	sdelay $0x3  }
0x1cb: {  	[tilespmem:v6+s9+$0x0] =	vst.idx.add.s32.msk $0xffff, v5  }
0x1cc: {  	v6 =	vld.idx.msk [tilespmem:v7+s11+$0x0], $0xffff;
	_ =	sdelay $0x4  }
0x1cd: {  	v6 =	vshrl.u32 v6, $0x8  }
0x1ce: {  	v6 =	vand.u32 $0xFF, v6  }
0x1cf: {  	s31 =	sadd.s32 $0xFFFFFFFF, s15;
	v6 =	vadd.s32 v3, v6  }
0x1d0: {  	v7 =	vadd.s32 s31, v3;
	_ =	sdelay $0x3  }
0x1d1: {  	[tilespmem:v6+s9+$0x0] =	vst.idx.add.s32.msk $0xffff, v5  }
0x1d2: {  	v6 =	vld.idx.msk [tilespmem:v7+s11+$0x0], $0xffff;
	_ =	sdelay $0x4  }
0x1d3: {  	v6 =	vshrl.u32 v6, $0x8  }
0x1d4: {  	v6 =	vand.u32 $0xFF, v6  }
0x1d5: {  	v6 =	vadd.s32 v3, v6  }
0x1d6: {  	v7 =	vadd.s32 s15, v3;
	_ =	sdelay $0x3  }
0x1d7: {  	[tilespmem:v6+s9+$0x0] =	vst.idx.add.s32.msk $0xffff, v5  }
0x1d8: {  	v6 =	vld.idx.msk [tilespmem:v7+s11+$0x0], $0xffff;
	_ =	sdelay $0x4  }
0x1d9: {  	v6 =	vshrl.u32 v6, $0x8  }
0x1da: {  	v6 =	vand.u32 $0xFF, v6  }
0x1db: {  	p0 =	sne.s32 s15, $0xFF;
	v6 =	vadd.s32 v3, v6  }
.Ltmp9:
0x1dc: {  	_ = 	snop;
	(pc) =	sbr.rel @p0 .LBB2_19-.Ltmp9, $2  }
0x1dd: {  	_ =	sdelay $0x2  }
0x1de: {  	s16 =	simm.s32 $0x0;
	s15 =	sadd.s32 $0x8, s15;
	[tilespmem:v6+s9+$0x0] =	vst.idx.add.s32.msk $0xffff, v5  }
0x1df: {  	s15 =	simm.s32 $0x0  }
0x1e0: {  	v10 =	vld [tilespmem:s15+$0x5545]  }
0x1e1: {  	v9 =	vld [tilespmem:s15+$0x5444]  }
0x1e2: {  	v12 =	vld [tilespmem:s15+$0x5343]  }
0x1e3: {  	v13 =	vld [tilespmem:s15+$0x5141]  }
0x1e4: {  	v16 =	vld [tilespmem:s15+$0x5040]  }
0x1e5: {  	v11 =	vld [tilespmem:s15+$0x5242]  }
0x1e6: {  	v8 =	vld [tilespmem:s15+$0x5848]  }
0x1e7: {  	v7 =	vld [tilespmem:s15+$0x5949]  }
0x1e8: {  	v6 =	vld [tilespmem:s15+$0x5A4A]  }
0x1e9: {  	[tilespmem:s15+$0x5040] =	vst v2;
	v17 =	vld [tilespmem:s15+$0x5646];
	v13 =	vadd.s32 v16, v13  }
0x1ea: {  	v14 =	vld [tilespmem:s15+$0x5747];
	[tilespmem:s15+$0x5242] =	vst v13;
	v13 =	vadd.s32 v13, v11  }
0x1eb: {  	v11 =	vld [tilespmem:s15+$0x5B4B];
	[tilespmem:s15+$0x5343] =	vst v13;
	v13 =	vadd.s32 v13, v12  }
0x1ec: {  	v12 =	vld [tilespmem:s15+$0x5C4C];
	[tilespmem:s15+$0x5444] =	vst v13;
	v13 =	vadd.s32 v13, v9  }
0x1ed: {  	[tilespmem:s15+$0x5141] =	vst v16;
	v9 =	vld [tilespmem:s15+$0x5F4F];
	v15 =	vadd.s32 v13, v10  }
0x1ee: {  	s18 =	simm.s32 $0x40;
	s17 =	simm.s32 $0x0;
	[tilespmem:s15+$0x5545] =	vst v13;
	v13 =	vld [tilespmem:s15+$0x5E4E];
	v10 =	vadd.s32 v15, v17  }
.LBB2_21:
0x1ef: {  	s19 =	sshra.s32 s18, $0x2;
	p0 =	sne.s32 s18, $0x3C0;
	s18 =	sadd.s32 $0x40, s18;
	[tilespmem:s17+$0x5646] =	vst v15;
	v14 =	vadd.s32 v10, v14;
	v15 =	vld [tilespmem:s17+$0x5D4D]  }
0x1f0: {  	v16 =	vld [tilespmem:s19+$0x5545];
	[tilespmem:s17+$0x5848] =	vst v14;
	v8 =	vadd.s32 v14, v8  }
0x1f1: {  	v17 =	vld [tilespmem:s19+$0x5444];
	[tilespmem:s17+$0x5949] =	vst v8;
	v7 =	vadd.s32 v8, v7  }
0x1f2: {  	v18 =	vld [tilespmem:s19+$0x5343];
	[tilespmem:s17+$0x5A4A] =	vst v7;
	v6 =	vadd.s32 v7, v6  }
0x1f3: {  	v19 =	vld [tilespmem:s19+$0x5242];
	[tilespmem:s17+$0x5B4B] =	vst v6;
	v6 =	vadd.s32 v6, v11  }
0x1f4: {  	v11 =	vld [tilespmem:s19+$0x5141];
	[tilespmem:s17+$0x5C4C] =	vst v6;
	v6 =	vadd.s32 v6, v12  }
0x1f5: {  	v20 =	vld [tilespmem:s19+$0x5040];
	[tilespmem:s17+$0x5D4D] =	vst v6;
	v6 =	vadd.s32 v6, v15  }
0x1f6: {  	v8 =	vld [tilespmem:s19+$0x5848];
	[tilespmem:s17+$0x5E4E] =	vst v6;
	v12 =	vadd.s32 v6, v13  }
0x1f7: {  	v7 =	vld [tilespmem:s19+$0x5949];
	[tilespmem:s17+$0x5F4F] =	vst v12  }
0x1f8: {  	v9 =	vadd.s32 v12, v9;
	v6 =	vld [tilespmem:s19+$0x5A4A];
	[tilespmem:s17+$0x5747] =	vst v10  }
0x1f9: {  	v14 =	vld [tilespmem:s19+$0x5747];
	[tilespmem:s17+$0x60C0] =	vst v9;
	s17 =	smov.u32 s19  }
0x1fa: {  	[tilespmem:s17+$0x5040] =	vst v2;
	v9 =	vadd.s32 v20, v11;
	v10 =	vld [tilespmem:s17+$0x5646]  }
.Ltmp10:
0x1fb: {  	[tilespmem:s17+$0x5242] =	vst v9;
	v9 =	vadd.s32 v9, v19;
	v11 =	vld [tilespmem:s17+$0x5B4B];
	(pc) =	sbr.rel @p0 .LBB2_21-.Ltmp10, $4  }
0x1fc: {  	[tilespmem:s17+$0x5343] =	vst v9;
	v9 =	vadd.s32 v9, v18;
	v12 =	vld [tilespmem:s17+$0x5C4C]  }
0x1fd: {  	[tilespmem:s17+$0x5444] =	vst v9;
	v9 =	vadd.s32 v9, v17  }
0x1fe: {  	[tilespmem:s17+$0x5545] =	vst v9;
	v15 =	vadd.s32 v9, v16;
	v9 =	vld [tilespmem:s17+$0x5F4F]  }
0x1ff: {  	[tilespmem:s17+$0x5141] =	vst v20;
	v10 =	vadd.s32 v15, v10;
	v13 =	vld [tilespmem:s17+$0x5E4E]  }
0x200: {  	[tilespmem:s17+$0x5646] =	vst v15  }
0x201: {  	v14 =	vadd.s32 v10, v14;
	[tilespmem:s17+$0x5747] =	vst v10  }
0x202: {  	v63 =	vld [tilespmem:s17+$0x5D4D];
	[tilespmem:s17+$0x5848] =	vst v14;
	v8 =	vadd.s32 v14, v8  }
0x203: {  	[tilespmem:s17+$0x5949] =	vst v8;
	v7 =	vadd.s32 v8, v7  }
0x204: {  	[tilespmem:s17+$0x5A4A] =	vst v7;
	v6 =	vadd.s32 v7, v6  }
0x205: {  	[tilespmem:s17+$0x5B4B] =	vst v6;
	v6 =	vadd.s32 v6, v11  }
0x206: {  	[tilespmem:s17+$0x5C4C] =	vst v6;
	v6 =	vadd.s32 v6, v12  }
0x207: {  	[tilespmem:s17+$0x5D4D] =	vst v6;
	v6 =	vadd.s32 v6, v63  }
0x208: {  	[tilespmem:s17+$0x5E4E] =	vst v6;
	v6 =	vadd.s32 v6, v13  }
0x209: {  	[tilespmem:s17+$0x5F4F] =	vst v6;
	v6 =	vadd.s32 v6, v9  }
0x20a: {  	[tilespmem:s17+$0x60C0] =	vst v6  }
0x20b: {  	s17 =	simm.s32 $0x10;
	v8 =	vld [tilespmem:s15+$0x60C0]  }
0x20c: {  	v6 =	vld [tilespmem:s17+$0x60C0];
	_ =	sdelay $0x3  }
0x20d: {  	(xrf0) =	vadd.scan.msk.s32 $0xffff, v8  }
0x20e: {  	(xrf0) =	vadd.scan.msk.s32 $0xffff, v6;
	_ =	sdelay $0x4  }
0x20f: {  	s18 =	simm.s32 $0x20;
	v11, _, _ =	vpop (xrf0)  }
0x210: {  	v9 =	vld [tilespmem:s18+$0x60C0];
	(v2sf) =	vpush v11, $0xF;
	v10, _, _ =	vpop (xrf0)  }
0x211: {  	(v2sf) =	vpush v10, $0xF;
	_ =	sdelay $0x3  }
0x212: {  	s19 =	simm.s32 $0x30;
	(xrf0) =	vadd.scan.msk.s32 $0xffff, v9  }
0x213: {  	v7 =	vld [tilespmem:s19+$0x60C0];
	_ =	sdelay $0x3  }
0x214: {  	s20 =	simm.s32 $0x100  }
.LBB2_23:
0x215: {  	s21 =	sshra.s32 s20, $0x2;
	p0 =	sne.s32 s20, $0x3C0;
	s20 =	sadd.s32 $0x40, s20;
	(xrf0) =	vadd.scan.msk.s32 $0xffff, v7;
	v12, _, _ =	vpop (xrf0);
	v13 =	vsub.s32 s16, v8;
	v8 =	vmov v6;
	v6 =	vmov v9  }
.Ltmp11:
0x216: {  	v9 =	vmovc v7;
	(v2sf) =	vpush v12, $0xF;
	v13 =	vadd.s32 v11, v13;
	v11 =	vmovc v10;
	v10 =	vmov v12;
	v7 =	vld [tilespmem:s21+$0x60C0];
	(pc) =	sbr.rel @p0 .LBB2_23-.Ltmp11, $4  }
0x217: {  	[tilespmem:s15+$0x61C0] =	vst v13;
	s15 =	smov.u32 s17;
	s17 =	smov.u32 s18;
	s18 =	smov.u32 s19  }
0x218: {  	s19 =	smov.u32 s21  }
0x219: {  	s21 =	spop (v2sf)  }
0x21a: {  	s16 =	sadd.s32 s16, s21  }
0x21b: {  	v12, _, _ =	vpop (xrf0)  }
0x21c: {  	(v2sf) =	vpush v12, $0xF;
	_ =	sdelay $0xa  }
0x21d: {  	(xrf0) =	vadd.scan.msk.s32 $0xffff, v7;
	_ =	sdelay $0x1  }
0x21e: {  	s20 =	spop (v2sf)  }
0x21f: {  	v8 =	vsub.s32 s16, v8;
	s26 =	sadd.s32 s16, s20;
	s28 =	spop (v2sf)  }
0x220: {  	v8 =	vadd.s32 v11, v8;
	v6 =	vsub.s32 s26, v6;
	s16 =	sadd.s32 s26, s28;
	s29 =	spop (v2sf)  }
0x221: {  	[tilespmem:s15+$0x61C0] =	vst v8;
	v6 =	vadd.s32 v10, v6;
	v8 =	vsub.s32 s16, v9;
	s30 =	sadd.s32 s16, s29  }
0x222: {  	[tilespmem:s17+$0x61C0] =	vst v6;
	v9, _, _ =	vpop (xrf0);
	v6 =	vadd.s32 v12, v8;
	v7 =	vsub.s32 s30, v7  }
0x223: {  	[tilespmem:s18+$0x61C0] =	vst v6;
	v6 =	vadd.s32 v9, v7  }
0x224: {  	s15 =	simm.s32 $0x0;
	[tilespmem:s19+$0x61C0] =	vst v6  }
0x225: {  	(v2sf) =	vpush v9, $0xF;
	v6 =	vld [tilespmem:s15+$0x61C0]  }
0x226: {  	v7 =	vld [tilespmem:s15+$0x5040]  }
0x227: {  	v8 =	vld [tilespmem:s15+$0x5141]  }
0x228: {  	v10 =	vld [tilespmem:s15+$0x5242]  }
0x229: {  	v11 =	vld [tilespmem:s15+$0x5343]  }
0x22a: {  	v12 =	vld [tilespmem:s15+$0x5444]  }
0x22b: {  	v13 =	vld [tilespmem:s15+$0x5545];
	v7 =	vadd.s32 v6, v7  }
0x22c: {  	v14 =	vld [tilespmem:s15+$0x5646];
	[tilespmem:s15+$0x5040] =	vst v7;
	v7 =	vadd.s32 v6, v8  }
0x22d: {  	v9 =	vld [tilespmem:s15+$0x5747];
	[tilespmem:s15+$0x5141] =	vst v7;
	v7 =	vadd.s32 v6, v10  }
0x22e: {  	v10 =	vld [tilespmem:s15+$0x5848];
	[tilespmem:s15+$0x5242] =	vst v7;
	v7 =	vadd.s32 v6, v11  }
0x22f: {  	v11 =	vld [tilespmem:s15+$0x5949];
	[tilespmem:s15+$0x5343] =	vst v7;
	v7 =	vadd.s32 v6, v12  }
0x230: {  	v8 =	vld [tilespmem:s15+$0x5A4A];
	[tilespmem:s15+$0x5444] =	vst v7;
	v7 =	vadd.s32 v6, v13  }
0x231: {  	v12 =	vadd.s32 v6, v14;
	[tilespmem:s15+$0x5545] =	vst v7;
	v7 =	vld [tilespmem:s15+$0x5B4B]  }
0x232: {  	[tilespmem:s15+$0x5646] =	vst v12;
	v12 =	vadd.s32 v6, v9;
	v9 =	vld [tilespmem:s15+$0x5C4C]  }
0x233: {  	[tilespmem:s15+$0x5747] =	vst v12;
	v12 =	vadd.s32 v6, v10;
	v10 =	vld [tilespmem:s15+$0x5D4D]  }
0x234: {  	s16 =	simm.s32 $0x40;
	s31 =	spop (v2sf);
	[tilespmem:s15+$0x5848] =	vst v12;
	v12 =	vadd.s32 v6, v11;
	v11 =	vld [tilespmem:s15+$0x5E4E]  }
.LBB2_25:
0x235: {  	s17 =	sshra.s32 s16, $0x2;
	p0 =	sne.s32 s16, $0x3C0;
	[tilespmem:s15+$0x5949] =	vst v12;
	v8 =	vadd.s32 v6, v8;
	v12 =	vld [tilespmem:s15+$0x5F4F]  }
0x236: {  	v13 =	vld [tilespmem:s17+$0x61C0];
	[tilespmem:s15+$0x5A4A] =	vst v8;
	v7 =	vadd.s32 v6, v7  }
0x237: {  	v8 =	vld [tilespmem:s17+$0x5040];
	[tilespmem:s15+$0x5B4B] =	vst v7;
	v7 =	vadd.s32 v6, v9  }
0x238: {  	v9 =	vld [tilespmem:s17+$0x5141];
	[tilespmem:s15+$0x5C4C] =	vst v7;
	v7 =	vadd.s32 v6, v10  }
0x239: {  	v10 =	vld [tilespmem:s17+$0x5242];
	[tilespmem:s15+$0x5D4D] =	vst v7;
	v7 =	vadd.s32 v6, v11  }
0x23a: {  	v11 =	vld [tilespmem:s17+$0x5343];
	[tilespmem:s15+$0x5E4E] =	vst v7;
	v12 =	vadd.s32 v6, v12  }
0x23b: {  	v7 =	vld [tilespmem:s17+$0x5444];
	[tilespmem:s15+$0x5F4F] =	vst v12;
	v6 =	vmov v13;
	s15 =	smov.u32 s17  }
0x23c: {  	v8 =	vadd.s32 v6, v8;
	v12 =	vld [tilespmem:s15+$0x5545]  }
0x23d: {  	[tilespmem:s15+$0x5040] =	vst v8;
	v8 =	vadd.s32 v6, v9;
	v9 =	vld [tilespmem:s15+$0x5646]  }
0x23e: {  	[tilespmem:s15+$0x5141] =	vst v8;
	v8 =	vadd.s32 v6, v10;
	v10 =	vld [tilespmem:s15+$0x5747]  }
0x23f: {  	[tilespmem:s15+$0x5242] =	vst v8;
	v8 =	vadd.s32 v6, v11;
	v11 =	vld [tilespmem:s15+$0x5848]  }
0x240: {  	[tilespmem:s15+$0x5343] =	vst v8;
	v7 =	vadd.s32 v6, v7;
	v13 =	vld [tilespmem:s15+$0x5949]  }
.Ltmp12:
0x241: {  	[tilespmem:s15+$0x5444] =	vst v7;
	v7 =	vadd.s32 v6, v12;
	v8 =	vld [tilespmem:s15+$0x5A4A];
	(pc) =	sbr.rel @p0 .LBB2_25-.Ltmp12, $4  }
0x242: {  	[tilespmem:s15+$0x5545] =	vst v7;
	v9 =	vadd.s32 v6, v9;
	v7 =	vld [tilespmem:s15+$0x5B4B]  }
0x243: {  	[tilespmem:s15+$0x5646] =	vst v9;
	v10 =	vadd.s32 v6, v10;
	v9 =	vld [tilespmem:s15+$0x5C4C]  }
0x244: {  	[tilespmem:s15+$0x5747] =	vst v10;
	v11 =	vadd.s32 v6, v11;
	v10 =	vld [tilespmem:s15+$0x5D4D]  }
0x245: {  	s16 =	sadd.s32 $0x40, s16;
	[tilespmem:s15+$0x5848] =	vst v11;
	v12 =	vadd.s32 v6, v13;
	v11 =	vld [tilespmem:s15+$0x5E4E]  }
0x246: {  	[tilespmem:s15+$0x5949] =	vst v12;
	v8 =	vadd.s32 v6, v8;
	v63 =	vld [tilespmem:s15+$0x5F4F]  }
0x247: {  	[tilespmem:s15+$0x5A4A] =	vst v8;
	v7 =	vadd.s32 v6, v7  }
0x248: {  	[tilespmem:s15+$0x5B4B] =	vst v7;
	v7 =	vadd.s32 v6, v9  }
0x249: {  	[tilespmem:s15+$0x5C4C] =	vst v7;
	v7 =	vadd.s32 v6, v10  }
0x24a: {  	[tilespmem:s15+$0x5D4D] =	vst v7;
	v7 =	vadd.s32 v6, v11  }
0x24b: {  	[tilespmem:s15+$0x5E4E] =	vst v7;
	v6 =	vadd.s32 v6, v63  }
0x24c: {  	[tilespmem:s15+$0x5F4F] =	vst v6;
	s15 =	simm.s32 $0x7  }
.LBB2_27:
0x24d: {  	s16 =	sadd.s32 $0xFFFFFFF9, s15  }
0x24e: {  	v6 =	vadd.s32 s16, v3  }
0x24f: {  	v6 =	vand.u32 $0x1FF8, v6  }
0x250: {  	v6 =	vor.u32 v4, v6;
	_ =	sdelay $0x4  }
0x251: {  	v7 =	vld.idx.msk [tilespmem:v6+s11+$0x0], $0xffff;
	_ =	sdelay $0x4  }
0x252: {  	v8 =	vshrl.u32 v7, $0x8  }
0x253: {  	v8 =	vand.u32 $0xFF, v8  }
0x254: {  	v8 =	vadd.s32 v3, v8;
	_ =	sdelay $0x4  }
0x255: {  	v9 =	vld.idx.msk [tilespmem:v8+s9+$0x0], $0xffff;
	_ =	sdelay $0x4  }
0x256: {  	v10 =	vshrl.u32 v9, $0x8  }
0x257: {  	v9 =	vadd.s32 v9, v10  }
0x258: {  	s25 =	sadd.s32 $0xFFFFFFFA, s15;
	v6 =	vld.idx.msk [tilespmem:v6+s12+$0x0], $0xffff  }
0x259: {  	v43 =	vadd.s32 s25, v3;
	_ =	sdelay $0x1  }
0x25a: {  	[tilespmem:v8+s9+$0x0] =	vst.idx.add.s32.msk $0xffff, v5  }
0x25b: {  	[tilespmem:v9+s8+$0x0] =	vst.idx.msk $0xffff, v7  }
0x25c: {  	[tilespmem:v9+s10+$0x0] =	vst.idx.msk $0xffff, v6  }
0x25d: {  	v6 =	vld.idx.msk [tilespmem:v43+s11+$0x0], $0xffff;
	_ =	sdelay $0x4  }
0x25e: {  	v7 =	vshrl.u32 v6, $0x8  }
0x25f: {  	v7 =	vand.u32 $0xFF, v7  }
0x260: {  	v7 =	vadd.s32 v3, v7;
	_ =	sdelay $0x4  }
0x261: {  	v8 =	vld.idx.msk [tilespmem:v7+s9+$0x0], $0xffff;
	_ =	sdelay $0x4  }
0x262: {  	v44 =	vshrl.u32 v8, $0x8  }
0x263: {  	v8 =	vadd.s32 v8, v44  }
0x264: {  	s26 =	sadd.s32 $0xFFFFFFFB, s15;
	v45 =	vld.idx.msk [tilespmem:v43+s12+$0x0], $0xffff  }
0x265: {  	v46 =	vadd.s32 s26, v3;
	_ =	sdelay $0x1  }
0x266: {  	[tilespmem:v7+s9+$0x0] =	vst.idx.add.s32.msk $0xffff, v5  }
0x267: {  	[tilespmem:v8+s8+$0x0] =	vst.idx.msk $0xffff, v6  }
0x268: {  	[tilespmem:v8+s10+$0x0] =	vst.idx.msk $0xffff, v45  }
0x269: {  	v6 =	vld.idx.msk [tilespmem:v46+s11+$0x0], $0xffff;
	_ =	sdelay $0x4  }
0x26a: {  	v7 =	vshrl.u32 v6, $0x8  }
0x26b: {  	v7 =	vand.u32 $0xFF, v7  }
0x26c: {  	v7 =	vadd.s32 v3, v7;
	_ =	sdelay $0x4  }
0x26d: {  	v8 =	vld.idx.msk [tilespmem:v7+s9+$0x0], $0xffff;
	_ =	sdelay $0x4  }
0x26e: {  	v47 =	vshrl.u32 v8, $0x8  }
0x26f: {  	v8 =	vadd.s32 v8, v47  }
0x270: {  	s28 =	sadd.s32 $0xFFFFFFFC, s15;
	v48 =	vld.idx.msk [tilespmem:v46+s12+$0x0], $0xffff  }
0x271: {  	v49 =	vadd.s32 s28, v3;
	_ =	sdelay $0x1  }
0x272: {  	[tilespmem:v7+s9+$0x0] =	vst.idx.add.s32.msk $0xffff, v5  }
0x273: {  	[tilespmem:v8+s8+$0x0] =	vst.idx.msk $0xffff, v6  }
0x274: {  	[tilespmem:v8+s10+$0x0] =	vst.idx.msk $0xffff, v48  }
0x275: {  	v6 =	vld.idx.msk [tilespmem:v49+s11+$0x0], $0xffff;
	_ =	sdelay $0x4  }
0x276: {  	v7 =	vshrl.u32 v6, $0x8  }
0x277: {  	v7 =	vand.u32 $0xFF, v7  }
0x278: {  	v7 =	vadd.s32 v3, v7;
	_ =	sdelay $0x4  }
0x279: {  	v8 =	vld.idx.msk [tilespmem:v7+s9+$0x0], $0xffff;
	_ =	sdelay $0x4  }
0x27a: {  	v50 =	vshrl.u32 v8, $0x8  }
0x27b: {  	v8 =	vadd.s32 v8, v50  }
0x27c: {  	s29 =	sadd.s32 $0xFFFFFFFD, s15;
	v51 =	vld.idx.msk [tilespmem:v49+s12+$0x0], $0xffff  }
0x27d: {  	v52 =	vadd.s32 s29, v3;
	_ =	sdelay $0x1  }
0x27e: {  	[tilespmem:v7+s9+$0x0] =	vst.idx.add.s32.msk $0xffff, v5  }
0x27f: {  	[tilespmem:v8+s8+$0x0] =	vst.idx.msk $0xffff, v6  }
0x280: {  	[tilespmem:v8+s10+$0x0] =	vst.idx.msk $0xffff, v51  }
0x281: {  	v6 =	vld.idx.msk [tilespmem:v52+s11+$0x0], $0xffff;
	_ =	sdelay $0x4  }
0x282: {  	v7 =	vshrl.u32 v6, $0x8  }
0x283: {  	v7 =	vand.u32 $0xFF, v7  }
0x284: {  	v7 =	vadd.s32 v3, v7;
	_ =	sdelay $0x4  }
0x285: {  	v8 =	vld.idx.msk [tilespmem:v7+s9+$0x0], $0xffff;
	_ =	sdelay $0x4  }
0x286: {  	v53 =	vshrl.u32 v8, $0x8  }
0x287: {  	v8 =	vadd.s32 v8, v53  }
0x288: {  	s30 =	sadd.s32 $0xFFFFFFFE, s15;
	v54 =	vld.idx.msk [tilespmem:v52+s12+$0x0], $0xffff  }
0x289: {  	v55 =	vadd.s32 s30, v3;
	_ =	sdelay $0x1  }
0x28a: {  	[tilespmem:v7+s9+$0x0] =	vst.idx.add.s32.msk $0xffff, v5  }
0x28b: {  	[tilespmem:v8+s8+$0x0] =	vst.idx.msk $0xffff, v6  }
0x28c: {  	[tilespmem:v8+s10+$0x0] =	vst.idx.msk $0xffff, v54  }
0x28d: {  	v6 =	vld.idx.msk [tilespmem:v55+s11+$0x0], $0xffff;
	_ =	sdelay $0x4  }
0x28e: {  	v7 =	vshrl.u32 v6, $0x8  }
0x28f: {  	v7 =	vand.u32 $0xFF, v7  }
0x290: {  	v7 =	vadd.s32 v3, v7;
	_ =	sdelay $0x4  }
0x291: {  	v8 =	vld.idx.msk [tilespmem:v7+s9+$0x0], $0xffff;
	_ =	sdelay $0x4  }
0x292: {  	v56 =	vshrl.u32 v8, $0x8  }
0x293: {  	v8 =	vadd.s32 v8, v56  }
0x294: {  	s31 =	sadd.s32 $0xFFFFFFFF, s15;
	v57 =	vld.idx.msk [tilespmem:v55+s12+$0x0], $0xffff  }
0x295: {  	v58 =	vadd.s32 s31, v3;
	_ =	sdelay $0x1  }
0x296: {  	[tilespmem:v7+s9+$0x0] =	vst.idx.add.s32.msk $0xffff, v5  }
0x297: {  	[tilespmem:v8+s8+$0x0] =	vst.idx.msk $0xffff, v6  }
0x298: {  	[tilespmem:v8+s10+$0x0] =	vst.idx.msk $0xffff, v57  }
0x299: {  	v6 =	vld.idx.msk [tilespmem:v58+s11+$0x0], $0xffff;
	_ =	sdelay $0x4  }
0x29a: {  	v7 =	vshrl.u32 v6, $0x8  }
0x29b: {  	v7 =	vand.u32 $0xFF, v7  }
0x29c: {  	v7 =	vadd.s32 v3, v7;
	_ =	sdelay $0x4  }
0x29d: {  	v8 =	vld.idx.msk [tilespmem:v7+s9+$0x0], $0xffff;
	_ =	sdelay $0x4  }
0x29e: {  	v59 =	vshrl.u32 v8, $0x8  }
0x29f: {  	v8 =	vadd.s32 v8, v59  }
0x2a0: {  	v60 =	vld.idx.msk [tilespmem:v58+s12+$0x0], $0xffff  }
0x2a1: {  	v61 =	vadd.s32 s15, v3;
	_ =	sdelay $0x1  }
0x2a2: {  	[tilespmem:v7+s9+$0x0] =	vst.idx.add.s32.msk $0xffff, v5  }
0x2a3: {  	[tilespmem:v8+s8+$0x0] =	vst.idx.msk $0xffff, v6  }
0x2a4: {  	[tilespmem:v8+s10+$0x0] =	vst.idx.msk $0xffff, v60  }
0x2a5: {  	v6 =	vld.idx.msk [tilespmem:v61+s11+$0x0], $0xffff;
	_ =	sdelay $0x4  }
0x2a6: {  	v7 =	vshrl.u32 v6, $0x8  }
0x2a7: {  	v7 =	vand.u32 $0xFF, v7  }
0x2a8: {  	v7 =	vadd.s32 v3, v7;
	_ =	sdelay $0x4  }
0x2a9: {  	v8 =	vld.idx.msk [tilespmem:v7+s9+$0x0], $0xffff;
	_ =	sdelay $0x4  }
0x2aa: {  	v62 =	vshrl.u32 v8, $0x8  }
0x2ab: {  	v8 =	vadd.s32 v8, v62  }
0x2ac: {  	p0 =	sne.s32 s15, $0xFF;
	v63 =	vld.idx.msk [tilespmem:v61+s12+$0x0], $0xffff  }
.Ltmp13:
0x2ad: {  	_ = 	snop;
	(pc) =	sbr.rel @p0 .LBB2_27-.Ltmp13, $4  }
0x2ae: {  	_ = 	snop  }
0x2af: {  	[tilespmem:v7+s9+$0x0] =	vst.idx.add.s32.msk $0xffff, v5  }
0x2b0: {  	[tilespmem:v8+s8+$0x0] =	vst.idx.msk $0xffff, v6  }
0x2b1: {  	s15 =	sadd.s32 $0x8, s15;
	[tilespmem:v8+s10+$0x0] =	vst.idx.msk $0xffff, v63  }
0x2b2: {  	s15 =	simm.s32 $0x0;
	s16 =	simm.s32 $0x200  }
.LBB2_29:
0x2b3: {  	p0 =	sne.s32 s16, $0x4000;
	[tilespmem:s15+$0x50B0] =	vst v2  }
0x2b4: {  	[tilespmem:s15+$0x5040] =	vst v2  }
0x2b5: {  	[tilespmem:s15+$0x5050] =	vst v2  }
.Ltmp14:
0x2b6: {  	[tilespmem:s15+$0x5060] =	vst v2;
	(pc) =	sbr.rel @p0 .LBB2_29-.Ltmp14, $4  }
0x2b7: {  	[tilespmem:s15+$0x5070] =	vst v2  }
0x2b8: {  	[tilespmem:s15+$0x5080] =	vst v2  }
0x2b9: {  	[tilespmem:s15+$0x5090] =	vst v2  }
0x2ba: {  	[tilespmem:s15+$0x50A0] =	vst v2;
	s15 =	sshra.s32 s16, $0x2;
	s16 =	sadd.s32 $0x200, s16  }
0x2bb: {  	[tilespmem:s15+$0x50B0] =	vst v2  }
0x2bc: {  	[tilespmem:s15+$0x5040] =	vst v2  }
0x2bd: {  	[tilespmem:s15+$0x5050] =	vst v2  }
0x2be: {  	[tilespmem:s15+$0x5060] =	vst v2  }
0x2bf: {  	[tilespmem:s15+$0x5070] =	vst v2  }
0x2c0: {  	[tilespmem:s15+$0x5080] =	vst v2  }
0x2c1: {  	[tilespmem:s15+$0x5090] =	vst v2  }
0x2c2: {  	[tilespmem:s15+$0x50A0] =	vst v2;
	s15 =	simm.s32 $0x7  }
.LBB2_31:
0x2c3: {  	s16 =	sadd.s32 $0xFFFFFFF9, s15  }
0x2c4: {  	v6 =	vadd.s32 s16, v3  }
0x2c5: {  	v6 =	vand.u32 $0x1FF8, v6  }
0x2c6: {  	v6 =	vor.u32 v4, v6;
	_ =	sdelay $0x4  }
0x2c7: {  	v6 =	vld.idx.msk [tilespmem:v6+s8+$0x0], $0xffff;
	_ =	sdelay $0x4  }
0x2c8: {  	v6 =	vshrl.u32 v6, $0x10  }
0x2c9: {  	v6 =	vand.u32 $0xFF, v6  }
0x2ca: {  	s25 =	sadd.s32 $0xFFFFFFFA, s15;
	v6 =	vadd.s32 v3, v6  }
0x2cb: {  	v7 =	vadd.s32 s25, v3;
	_ =	sdelay $0x3  }
0x2cc: {  	[tilespmem:v6+s9+$0x0] =	vst.idx.add.s32.msk $0xffff, v5  }
0x2cd: {  	v6 =	vld.idx.msk [tilespmem:v7+s8+$0x0], $0xffff;
	_ =	sdelay $0x4  }
0x2ce: {  	v6 =	vshrl.u32 v6, $0x10  }
0x2cf: {  	v6 =	vand.u32 $0xFF, v6  }
0x2d0: {  	s26 =	sadd.s32 $0xFFFFFFFB, s15;
	v6 =	vadd.s32 v3, v6  }
0x2d1: {  	v7 =	vadd.s32 s26, v3;
	_ =	sdelay $0x3  }
0x2d2: {  	[tilespmem:v6+s9+$0x0] =	vst.idx.add.s32.msk $0xffff, v5  }
0x2d3: {  	v6 =	vld.idx.msk [tilespmem:v7+s8+$0x0], $0xffff;
	_ =	sdelay $0x4  }
0x2d4: {  	v6 =	vshrl.u32 v6, $0x10  }
0x2d5: {  	v6 =	vand.u32 $0xFF, v6  }
0x2d6: {  	s28 =	sadd.s32 $0xFFFFFFFC, s15;
	v6 =	vadd.s32 v3, v6  }
0x2d7: {  	v7 =	vadd.s32 s28, v3;
	_ =	sdelay $0x3  }
0x2d8: {  	[tilespmem:v6+s9+$0x0] =	vst.idx.add.s32.msk $0xffff, v5  }
0x2d9: {  	v6 =	vld.idx.msk [tilespmem:v7+s8+$0x0], $0xffff;
	_ =	sdelay $0x4  }
0x2da: {  	v6 =	vshrl.u32 v6, $0x10  }
0x2db: {  	v6 =	vand.u32 $0xFF, v6  }
0x2dc: {  	s29 =	sadd.s32 $0xFFFFFFFD, s15;
	v6 =	vadd.s32 v3, v6  }
0x2dd: {  	v7 =	vadd.s32 s29, v3;
	_ =	sdelay $0x3  }
0x2de: {  	[tilespmem:v6+s9+$0x0] =	vst.idx.add.s32.msk $0xffff, v5  }
0x2df: {  	v6 =	vld.idx.msk [tilespmem:v7+s8+$0x0], $0xffff;
	_ =	sdelay $0x4  }
0x2e0: {  	v6 =	vshrl.u32 v6, $0x10  }
0x2e1: {  	v6 =	vand.u32 $0xFF, v6  }
0x2e2: {  	s30 =	sadd.s32 $0xFFFFFFFE, s15;
	v6 =	vadd.s32 v3, v6  }
0x2e3: {  	v7 =	vadd.s32 s30, v3;
	_ =	sdelay $0x3  }
0x2e4: {  	[tilespmem:v6+s9+$0x0] =	vst.idx.add.s32.msk $0xffff, v5  }
0x2e5: {  	v6 =	vld.idx.msk [tilespmem:v7+s8+$0x0], $0xffff;
	_ =	sdelay $0x4  }
0x2e6: {  	v6 =	vshrl.u32 v6, $0x10  }
0x2e7: {  	v6 =	vand.u32 $0xFF, v6  }
0x2e8: {  	s31 =	sadd.s32 $0xFFFFFFFF, s15;
	v6 =	vadd.s32 v3, v6  }
0x2e9: {  	v7 =	vadd.s32 s31, v3;
	_ =	sdelay $0x3  }
0x2ea: {  	[tilespmem:v6+s9+$0x0] =	vst.idx.add.s32.msk $0xffff, v5  }
0x2eb: {  	v6 =	vld.idx.msk [tilespmem:v7+s8+$0x0], $0xffff;
	_ =	sdelay $0x4  }
0x2ec: {  	v6 =	vshrl.u32 v6, $0x10  }
0x2ed: {  	v6 =	vand.u32 $0xFF, v6  }
0x2ee: {  	v6 =	vadd.s32 v3, v6  }
0x2ef: {  	v7 =	vadd.s32 s15, v3;
	_ =	sdelay $0x3  }
0x2f0: {  	[tilespmem:v6+s9+$0x0] =	vst.idx.add.s32.msk $0xffff, v5  }
0x2f1: {  	v6 =	vld.idx.msk [tilespmem:v7+s8+$0x0], $0xffff;
	_ =	sdelay $0x4  }
0x2f2: {  	v6 =	vshrl.u32 v6, $0x10  }
0x2f3: {  	v6 =	vand.u32 $0xFF, v6  }
0x2f4: {  	p0 =	sne.s32 s15, $0xFF;
	v6 =	vadd.s32 v3, v6  }
.Ltmp15:
0x2f5: {  	_ = 	snop;
	(pc) =	sbr.rel @p0 .LBB2_31-.Ltmp15, $2  }
0x2f6: {  	_ =	sdelay $0x2  }
0x2f7: {  	s16 =	simm.s32 $0x0;
	s15 =	sadd.s32 $0x8, s15;
	[tilespmem:v6+s9+$0x0] =	vst.idx.add.s32.msk $0xffff, v5  }
0x2f8: {  	s15 =	simm.s32 $0x0  }
0x2f9: {  	v10 =	vld [tilespmem:s15+$0x5545]  }
0x2fa: {  	v9 =	vld [tilespmem:s15+$0x5444]  }
0x2fb: {  	v12 =	vld [tilespmem:s15+$0x5343]  }
0x2fc: {  	v13 =	vld [tilespmem:s15+$0x5141]  }
0x2fd: {  	v16 =	vld [tilespmem:s15+$0x5040]  }
0x2fe: {  	v11 =	vld [tilespmem:s15+$0x5242]  }
0x2ff: {  	v8 =	vld [tilespmem:s15+$0x5848]  }
0x300: {  	v7 =	vld [tilespmem:s15+$0x5949]  }
0x301: {  	v6 =	vld [tilespmem:s15+$0x5A4A]  }
0x302: {  	[tilespmem:s15+$0x5040] =	vst v2;
	v17 =	vld [tilespmem:s15+$0x5646];
	v13 =	vadd.s32 v16, v13  }
0x303: {  	v14 =	vld [tilespmem:s15+$0x5747];
	[tilespmem:s15+$0x5242] =	vst v13;
	v13 =	vadd.s32 v13, v11  }
0x304: {  	v11 =	vld [tilespmem:s15+$0x5B4B];
	[tilespmem:s15+$0x5343] =	vst v13;
	v13 =	vadd.s32 v13, v12  }
0x305: {  	v12 =	vld [tilespmem:s15+$0x5C4C];
	[tilespmem:s15+$0x5444] =	vst v13;
	v13 =	vadd.s32 v13, v9  }
0x306: {  	[tilespmem:s15+$0x5141] =	vst v16;
	v9 =	vld [tilespmem:s15+$0x5F4F];
	v15 =	vadd.s32 v13, v10  }
0x307: {  	s18 =	simm.s32 $0x40;
	s17 =	simm.s32 $0x0;
	[tilespmem:s15+$0x5545] =	vst v13;
	v13 =	vld [tilespmem:s15+$0x5E4E];
	v10 =	vadd.s32 v15, v17  }
.LBB2_33:
0x308: {  	s19 =	sshra.s32 s18, $0x2;
	p0 =	sne.s32 s18, $0x3C0;
	s18 =	sadd.s32 $0x40, s18;
	[tilespmem:s17+$0x5646] =	vst v15;
	v14 =	vadd.s32 v10, v14;
	v15 =	vld [tilespmem:s17+$0x5D4D]  }
0x309: {  	v16 =	vld [tilespmem:s19+$0x5545];
	[tilespmem:s17+$0x5848] =	vst v14;
	v8 =	vadd.s32 v14, v8  }
0x30a: {  	v17 =	vld [tilespmem:s19+$0x5444];
	[tilespmem:s17+$0x5949] =	vst v8;
	v7 =	vadd.s32 v8, v7  }
0x30b: {  	v18 =	vld [tilespmem:s19+$0x5343];
	[tilespmem:s17+$0x5A4A] =	vst v7;
	v6 =	vadd.s32 v7, v6  }
0x30c: {  	v19 =	vld [tilespmem:s19+$0x5242];
	[tilespmem:s17+$0x5B4B] =	vst v6;
	v6 =	vadd.s32 v6, v11  }
0x30d: {  	v11 =	vld [tilespmem:s19+$0x5141];
	[tilespmem:s17+$0x5C4C] =	vst v6;
	v6 =	vadd.s32 v6, v12  }
0x30e: {  	v20 =	vld [tilespmem:s19+$0x5040];
	[tilespmem:s17+$0x5D4D] =	vst v6;
	v6 =	vadd.s32 v6, v15  }
0x30f: {  	v8 =	vld [tilespmem:s19+$0x5848];
	[tilespmem:s17+$0x5E4E] =	vst v6;
	v12 =	vadd.s32 v6, v13  }
0x310: {  	v7 =	vld [tilespmem:s19+$0x5949];
	[tilespmem:s17+$0x5F4F] =	vst v12  }
0x311: {  	v9 =	vadd.s32 v12, v9;
	v6 =	vld [tilespmem:s19+$0x5A4A];
	[tilespmem:s17+$0x5747] =	vst v10  }
0x312: {  	v14 =	vld [tilespmem:s19+$0x5747];
	[tilespmem:s17+$0x60C0] =	vst v9;
	s17 =	smov.u32 s19  }
0x313: {  	[tilespmem:s17+$0x5040] =	vst v2;
	v9 =	vadd.s32 v20, v11;
	v10 =	vld [tilespmem:s17+$0x5646]  }
.Ltmp16:
0x314: {  	[tilespmem:s17+$0x5242] =	vst v9;
	v9 =	vadd.s32 v9, v19;
	v11 =	vld [tilespmem:s17+$0x5B4B];
	(pc) =	sbr.rel @p0 .LBB2_33-.Ltmp16, $4  }
0x315: {  	[tilespmem:s17+$0x5343] =	vst v9;
	v9 =	vadd.s32 v9, v18;
	v12 =	vld [tilespmem:s17+$0x5C4C]  }
0x316: {  	[tilespmem:s17+$0x5444] =	vst v9;
	v9 =	vadd.s32 v9, v17  }
0x317: {  	[tilespmem:s17+$0x5545] =	vst v9;
	v15 =	vadd.s32 v9, v16;
	v9 =	vld [tilespmem:s17+$0x5F4F]  }
0x318: {  	[tilespmem:s17+$0x5141] =	vst v20;
	v10 =	vadd.s32 v15, v10;
	v13 =	vld [tilespmem:s17+$0x5E4E]  }
0x319: {  	[tilespmem:s17+$0x5646] =	vst v15  }
0x31a: {  	v14 =	vadd.s32 v10, v14;
	[tilespmem:s17+$0x5747] =	vst v10  }
0x31b: {  	v63 =	vld [tilespmem:s17+$0x5D4D];
	[tilespmem:s17+$0x5848] =	vst v14;
	v8 =	vadd.s32 v14, v8  }
0x31c: {  	[tilespmem:s17+$0x5949] =	vst v8;
	v7 =	vadd.s32 v8, v7  }
0x31d: {  	[tilespmem:s17+$0x5A4A] =	vst v7;
	v6 =	vadd.s32 v7, v6  }
0x31e: {  	[tilespmem:s17+$0x5B4B] =	vst v6;
	v6 =	vadd.s32 v6, v11  }
0x31f: {  	[tilespmem:s17+$0x5C4C] =	vst v6;
	v6 =	vadd.s32 v6, v12  }
0x320: {  	[tilespmem:s17+$0x5D4D] =	vst v6;
	v6 =	vadd.s32 v6, v63  }
0x321: {  	[tilespmem:s17+$0x5E4E] =	vst v6;
	v6 =	vadd.s32 v6, v13  }
0x322: {  	[tilespmem:s17+$0x5F4F] =	vst v6;
	v6 =	vadd.s32 v6, v9  }
0x323: {  	[tilespmem:s17+$0x60C0] =	vst v6  }
0x324: {  	s17 =	simm.s32 $0x10;
	v8 =	vld [tilespmem:s15+$0x60C0]  }
0x325: {  	v6 =	vld [tilespmem:s17+$0x60C0];
	_ =	sdelay $0x3  }
0x326: {  	(xrf0) =	vadd.scan.msk.s32 $0xffff, v8  }
0x327: {  	(xrf0) =	vadd.scan.msk.s32 $0xffff, v6;
	_ =	sdelay $0x4  }
0x328: {  	s18 =	simm.s32 $0x20;
	v11, _, _ =	vpop (xrf0)  }
0x329: {  	v9 =	vld [tilespmem:s18+$0x60C0];
	(v2sf) =	vpush v11, $0xF;
	v10, _, _ =	vpop (xrf0)  }
0x32a: {  	(v2sf) =	vpush v10, $0xF;
	_ =	sdelay $0x3  }
0x32b: {  	s19 =	simm.s32 $0x30;
	(xrf0) =	vadd.scan.msk.s32 $0xffff, v9  }
0x32c: {  	v7 =	vld [tilespmem:s19+$0x60C0];
	_ =	sdelay $0x3  }
0x32d: {  	s20 =	simm.s32 $0x100  }
.LBB2_35:
0x32e: {  	s21 =	sshra.s32 s20, $0x2;
	p0 =	sne.s32 s20, $0x3C0;
	s20 =	sadd.s32 $0x40, s20;
	(xrf0) =	vadd.scan.msk.s32 $0xffff, v7;
	v12, _, _ =	vpop (xrf0);
	v13 =	vsub.s32 s16, v8;
	v8 =	vmov v6;
	v6 =	vmov v9  }
.Ltmp17:
0x32f: {  	v9 =	vmovc v7;
	(v2sf) =	vpush v12, $0xF;
	v13 =	vadd.s32 v11, v13;
	v11 =	vmovc v10;
	v10 =	vmov v12;
	v7 =	vld [tilespmem:s21+$0x60C0];
	(pc) =	sbr.rel @p0 .LBB2_35-.Ltmp17, $4  }
0x330: {  	[tilespmem:s15+$0x61C0] =	vst v13;
	s15 =	smov.u32 s17;
	s17 =	smov.u32 s18;
	s18 =	smov.u32 s19  }
0x331: {  	s19 =	smov.u32 s21  }
0x332: {  	s21 =	spop (v2sf)  }
0x333: {  	s16 =	sadd.s32 s16, s21  }
0x334: {  	v12, _, _ =	vpop (xrf0)  }
0x335: {  	(v2sf) =	vpush v12, $0xF;
	_ =	sdelay $0xa  }
0x336: {  	(xrf0) =	vadd.scan.msk.s32 $0xffff, v7;
	_ =	sdelay $0x1  }
0x337: {  	s20 =	spop (v2sf)  }
0x338: {  	v8 =	vsub.s32 s16, v8;
	s26 =	sadd.s32 s16, s20;
	s28 =	spop (v2sf)  }
0x339: {  	v8 =	vadd.s32 v11, v8;
	v6 =	vsub.s32 s26, v6;
	s16 =	sadd.s32 s26, s28;
	s29 =	spop (v2sf)  }
0x33a: {  	[tilespmem:s15+$0x61C0] =	vst v8;
	v6 =	vadd.s32 v10, v6;
	v8 =	vsub.s32 s16, v9;
	s30 =	sadd.s32 s16, s29  }
0x33b: {  	[tilespmem:s17+$0x61C0] =	vst v6;
	v9, _, _ =	vpop (xrf0);
	v6 =	vadd.s32 v12, v8;
	v7 =	vsub.s32 s30, v7  }
0x33c: {  	[tilespmem:s18+$0x61C0] =	vst v6;
	v6 =	vadd.s32 v9, v7  }
0x33d: {  	s15 =	simm.s32 $0x0;
	[tilespmem:s19+$0x61C0] =	vst v6  }
0x33e: {  	(v2sf) =	vpush v9, $0xF;
	v6 =	vld [tilespmem:s15+$0x61C0]  }
0x33f: {  	v7 =	vld [tilespmem:s15+$0x5040]  }
0x340: {  	v8 =	vld [tilespmem:s15+$0x5141]  }
0x341: {  	v10 =	vld [tilespmem:s15+$0x5242]  }
0x342: {  	v11 =	vld [tilespmem:s15+$0x5343]  }
0x343: {  	v12 =	vld [tilespmem:s15+$0x5444]  }
0x344: {  	v13 =	vld [tilespmem:s15+$0x5545];
	v7 =	vadd.s32 v6, v7  }
0x345: {  	v14 =	vld [tilespmem:s15+$0x5646];
	[tilespmem:s15+$0x5040] =	vst v7;
	v7 =	vadd.s32 v6, v8  }
0x346: {  	v9 =	vld [tilespmem:s15+$0x5747];
	[tilespmem:s15+$0x5141] =	vst v7;
	v7 =	vadd.s32 v6, v10  }
0x347: {  	v10 =	vld [tilespmem:s15+$0x5848];
	[tilespmem:s15+$0x5242] =	vst v7;
	v7 =	vadd.s32 v6, v11  }
0x348: {  	v11 =	vld [tilespmem:s15+$0x5949];
	[tilespmem:s15+$0x5343] =	vst v7;
	v7 =	vadd.s32 v6, v12  }
0x349: {  	v8 =	vld [tilespmem:s15+$0x5A4A];
	[tilespmem:s15+$0x5444] =	vst v7;
	v7 =	vadd.s32 v6, v13  }
0x34a: {  	v12 =	vadd.s32 v6, v14;
	[tilespmem:s15+$0x5545] =	vst v7;
	v7 =	vld [tilespmem:s15+$0x5B4B]  }
0x34b: {  	[tilespmem:s15+$0x5646] =	vst v12;
	v12 =	vadd.s32 v6, v9;
	v9 =	vld [tilespmem:s15+$0x5C4C]  }
0x34c: {  	[tilespmem:s15+$0x5747] =	vst v12;
	v12 =	vadd.s32 v6, v10;
	v10 =	vld [tilespmem:s15+$0x5D4D]  }
0x34d: {  	s16 =	simm.s32 $0x40;
	s31 =	spop (v2sf);
	[tilespmem:s15+$0x5848] =	vst v12;
	v12 =	vadd.s32 v6, v11;
	v11 =	vld [tilespmem:s15+$0x5E4E]  }
.LBB2_37:
0x34e: {  	s17 =	sshra.s32 s16, $0x2;
	p0 =	sne.s32 s16, $0x3C0;
	[tilespmem:s15+$0x5949] =	vst v12;
	v8 =	vadd.s32 v6, v8;
	v12 =	vld [tilespmem:s15+$0x5F4F]  }
0x34f: {  	v13 =	vld [tilespmem:s17+$0x61C0];
	[tilespmem:s15+$0x5A4A] =	vst v8;
	v7 =	vadd.s32 v6, v7  }
0x350: {  	v8 =	vld [tilespmem:s17+$0x5040];
	[tilespmem:s15+$0x5B4B] =	vst v7;
	v7 =	vadd.s32 v6, v9  }
0x351: {  	v9 =	vld [tilespmem:s17+$0x5141];
	[tilespmem:s15+$0x5C4C] =	vst v7;
	v7 =	vadd.s32 v6, v10  }
0x352: {  	v10 =	vld [tilespmem:s17+$0x5242];
	[tilespmem:s15+$0x5D4D] =	vst v7;
	v7 =	vadd.s32 v6, v11  }
0x353: {  	v11 =	vld [tilespmem:s17+$0x5343];
	[tilespmem:s15+$0x5E4E] =	vst v7;
	v12 =	vadd.s32 v6, v12  }
0x354: {  	v7 =	vld [tilespmem:s17+$0x5444];
	[tilespmem:s15+$0x5F4F] =	vst v12;
	v6 =	vmov v13;
	s15 =	smov.u32 s17  }
0x355: {  	v8 =	vadd.s32 v6, v8;
	v12 =	vld [tilespmem:s15+$0x5545]  }
0x356: {  	[tilespmem:s15+$0x5040] =	vst v8;
	v8 =	vadd.s32 v6, v9;
	v9 =	vld [tilespmem:s15+$0x5646]  }
0x357: {  	[tilespmem:s15+$0x5141] =	vst v8;
	v8 =	vadd.s32 v6, v10;
	v10 =	vld [tilespmem:s15+$0x5747]  }
0x358: {  	[tilespmem:s15+$0x5242] =	vst v8;
	v8 =	vadd.s32 v6, v11;
	v11 =	vld [tilespmem:s15+$0x5848]  }
0x359: {  	[tilespmem:s15+$0x5343] =	vst v8;
	v7 =	vadd.s32 v6, v7;
	v13 =	vld [tilespmem:s15+$0x5949]  }
.Ltmp18:
0x35a: {  	[tilespmem:s15+$0x5444] =	vst v7;
	v7 =	vadd.s32 v6, v12;
	v8 =	vld [tilespmem:s15+$0x5A4A];
	(pc) =	sbr.rel @p0 .LBB2_37-.Ltmp18, $4  }
0x35b: {  	[tilespmem:s15+$0x5545] =	vst v7;
	v9 =	vadd.s32 v6, v9;
	v7 =	vld [tilespmem:s15+$0x5B4B]  }
0x35c: {  	[tilespmem:s15+$0x5646] =	vst v9;
	v10 =	vadd.s32 v6, v10;
	v9 =	vld [tilespmem:s15+$0x5C4C]  }
0x35d: {  	[tilespmem:s15+$0x5747] =	vst v10;
	v11 =	vadd.s32 v6, v11;
	v10 =	vld [tilespmem:s15+$0x5D4D]  }
0x35e: {  	s16 =	sadd.s32 $0x40, s16;
	[tilespmem:s15+$0x5848] =	vst v11;
	v12 =	vadd.s32 v6, v13;
	v11 =	vld [tilespmem:s15+$0x5E4E]  }
0x35f: {  	[tilespmem:s15+$0x5949] =	vst v12;
	v8 =	vadd.s32 v6, v8;
	v63 =	vld [tilespmem:s15+$0x5F4F]  }
0x360: {  	[tilespmem:s15+$0x5A4A] =	vst v8;
	v7 =	vadd.s32 v6, v7  }
0x361: {  	[tilespmem:s15+$0x5B4B] =	vst v7;
	v7 =	vadd.s32 v6, v9  }
0x362: {  	[tilespmem:s15+$0x5C4C] =	vst v7;
	v7 =	vadd.s32 v6, v10  }
0x363: {  	[tilespmem:s15+$0x5D4D] =	vst v7;
	v7 =	vadd.s32 v6, v11  }
0x364: {  	[tilespmem:s15+$0x5E4E] =	vst v7;
	v6 =	vadd.s32 v6, v63  }
0x365: {  	[tilespmem:s15+$0x5F4F] =	vst v6;
	s15 =	simm.s32 $0x7  }
.LBB2_39:
0x366: {  	s16 =	sadd.s32 $0xFFFFFFF9, s15  }
0x367: {  	v6 =	vadd.s32 s16, v3  }
0x368: {  	v6 =	vand.u32 $0x1FF8, v6  }
0x369: {  	v6 =	vor.u32 v4, v6;
	_ =	sdelay $0x4  }
0x36a: {  	v7 =	vld.idx.msk [tilespmem:v6+s8+$0x0], $0xffff;
	_ =	sdelay $0x4  }
0x36b: {  	v8 =	vshrl.u32 v7, $0x10  }
0x36c: {  	v8 =	vand.u32 $0xFF, v8  }
0x36d: {  	v8 =	vadd.s32 v3, v8;
	_ =	sdelay $0x4  }
0x36e: {  	v9 =	vld.idx.msk [tilespmem:v8+s9+$0x0], $0xffff;
	_ =	sdelay $0x4  }
0x36f: {  	v10 =	vshrl.u32 v9, $0x8  }
0x370: {  	v9 =	vadd.s32 v9, v10  }
0x371: {  	s25 =	sadd.s32 $0xFFFFFFFA, s15;
	v6 =	vld.idx.msk [tilespmem:v6+s10+$0x0], $0xffff  }
0x372: {  	v43 =	vadd.s32 s25, v3;
	_ =	sdelay $0x1  }
0x373: {  	[tilespmem:v8+s9+$0x0] =	vst.idx.add.s32.msk $0xffff, v5  }
0x374: {  	[tilespmem:v9+s11+$0x0] =	vst.idx.msk $0xffff, v7  }
0x375: {  	[tilespmem:v9+s12+$0x0] =	vst.idx.msk $0xffff, v6  }
0x376: {  	v6 =	vld.idx.msk [tilespmem:v43+s8+$0x0], $0xffff;
	_ =	sdelay $0x4  }
0x377: {  	v7 =	vshrl.u32 v6, $0x10  }
0x378: {  	v7 =	vand.u32 $0xFF, v7  }
0x379: {  	v7 =	vadd.s32 v3, v7;
	_ =	sdelay $0x4  }
0x37a: {  	v8 =	vld.idx.msk [tilespmem:v7+s9+$0x0], $0xffff;
	_ =	sdelay $0x4  }
0x37b: {  	v44 =	vshrl.u32 v8, $0x8  }
0x37c: {  	v8 =	vadd.s32 v8, v44  }
0x37d: {  	s26 =	sadd.s32 $0xFFFFFFFB, s15;
	v45 =	vld.idx.msk [tilespmem:v43+s10+$0x0], $0xffff  }
0x37e: {  	v46 =	vadd.s32 s26, v3;
	_ =	sdelay $0x1  }
0x37f: {  	[tilespmem:v7+s9+$0x0] =	vst.idx.add.s32.msk $0xffff, v5  }
0x380: {  	[tilespmem:v8+s11+$0x0] =	vst.idx.msk $0xffff, v6  }
0x381: {  	[tilespmem:v8+s12+$0x0] =	vst.idx.msk $0xffff, v45  }
0x382: {  	v6 =	vld.idx.msk [tilespmem:v46+s8+$0x0], $0xffff;
	_ =	sdelay $0x4  }
0x383: {  	v7 =	vshrl.u32 v6, $0x10  }
0x384: {  	v7 =	vand.u32 $0xFF, v7  }
0x385: {  	v7 =	vadd.s32 v3, v7;
	_ =	sdelay $0x4  }
0x386: {  	v8 =	vld.idx.msk [tilespmem:v7+s9+$0x0], $0xffff;
	_ =	sdelay $0x4  }
0x387: {  	v47 =	vshrl.u32 v8, $0x8  }
0x388: {  	v8 =	vadd.s32 v8, v47  }
0x389: {  	s28 =	sadd.s32 $0xFFFFFFFC, s15;
	v48 =	vld.idx.msk [tilespmem:v46+s10+$0x0], $0xffff  }
0x38a: {  	v49 =	vadd.s32 s28, v3;
	_ =	sdelay $0x1  }
0x38b: {  	[tilespmem:v7+s9+$0x0] =	vst.idx.add.s32.msk $0xffff, v5  }
0x38c: {  	[tilespmem:v8+s11+$0x0] =	vst.idx.msk $0xffff, v6  }
0x38d: {  	[tilespmem:v8+s12+$0x0] =	vst.idx.msk $0xffff, v48  }
0x38e: {  	v6 =	vld.idx.msk [tilespmem:v49+s8+$0x0], $0xffff;
	_ =	sdelay $0x4  }
0x38f: {  	v7 =	vshrl.u32 v6, $0x10  }
0x390: {  	v7 =	vand.u32 $0xFF, v7  }
0x391: {  	v7 =	vadd.s32 v3, v7;
	_ =	sdelay $0x4  }
0x392: {  	v8 =	vld.idx.msk [tilespmem:v7+s9+$0x0], $0xffff;
	_ =	sdelay $0x4  }
0x393: {  	v50 =	vshrl.u32 v8, $0x8  }
0x394: {  	v8 =	vadd.s32 v8, v50  }
0x395: {  	s29 =	sadd.s32 $0xFFFFFFFD, s15;
	v51 =	vld.idx.msk [tilespmem:v49+s10+$0x0], $0xffff  }
0x396: {  	v52 =	vadd.s32 s29, v3;
	_ =	sdelay $0x1  }
0x397: {  	[tilespmem:v7+s9+$0x0] =	vst.idx.add.s32.msk $0xffff, v5  }
0x398: {  	[tilespmem:v8+s11+$0x0] =	vst.idx.msk $0xffff, v6  }
0x399: {  	[tilespmem:v8+s12+$0x0] =	vst.idx.msk $0xffff, v51  }
0x39a: {  	v6 =	vld.idx.msk [tilespmem:v52+s8+$0x0], $0xffff;
	_ =	sdelay $0x4  }
0x39b: {  	v7 =	vshrl.u32 v6, $0x10  }
0x39c: {  	v7 =	vand.u32 $0xFF, v7  }
0x39d: {  	v7 =	vadd.s32 v3, v7;
	_ =	sdelay $0x4  }
0x39e: {  	v8 =	vld.idx.msk [tilespmem:v7+s9+$0x0], $0xffff;
	_ =	sdelay $0x4  }
0x39f: {  	v53 =	vshrl.u32 v8, $0x8  }
0x3a0: {  	v8 =	vadd.s32 v8, v53  }
0x3a1: {  	s30 =	sadd.s32 $0xFFFFFFFE, s15;
	v54 =	vld.idx.msk [tilespmem:v52+s10+$0x0], $0xffff  }
0x3a2: {  	v55 =	vadd.s32 s30, v3;
	_ =	sdelay $0x1  }
0x3a3: {  	[tilespmem:v7+s9+$0x0] =	vst.idx.add.s32.msk $0xffff, v5  }
0x3a4: {  	[tilespmem:v8+s11+$0x0] =	vst.idx.msk $0xffff, v6  }
0x3a5: {  	[tilespmem:v8+s12+$0x0] =	vst.idx.msk $0xffff, v54  }
0x3a6: {  	v6 =	vld.idx.msk [tilespmem:v55+s8+$0x0], $0xffff;
	_ =	sdelay $0x4  }
0x3a7: {  	v7 =	vshrl.u32 v6, $0x10  }
0x3a8: {  	v7 =	vand.u32 $0xFF, v7  }
0x3a9: {  	v7 =	vadd.s32 v3, v7;
	_ =	sdelay $0x4  }
0x3aa: {  	v8 =	vld.idx.msk [tilespmem:v7+s9+$0x0], $0xffff;
	_ =	sdelay $0x4  }
0x3ab: {  	v56 =	vshrl.u32 v8, $0x8  }
0x3ac: {  	v8 =	vadd.s32 v8, v56  }
0x3ad: {  	s31 =	sadd.s32 $0xFFFFFFFF, s15;
	v57 =	vld.idx.msk [tilespmem:v55+s10+$0x0], $0xffff  }
0x3ae: {  	v58 =	vadd.s32 s31, v3;
	_ =	sdelay $0x1  }
0x3af: {  	[tilespmem:v7+s9+$0x0] =	vst.idx.add.s32.msk $0xffff, v5  }
0x3b0: {  	[tilespmem:v8+s11+$0x0] =	vst.idx.msk $0xffff, v6  }
0x3b1: {  	[tilespmem:v8+s12+$0x0] =	vst.idx.msk $0xffff, v57  }
0x3b2: {  	v6 =	vld.idx.msk [tilespmem:v58+s8+$0x0], $0xffff;
	_ =	sdelay $0x4  }
0x3b3: {  	v7 =	vshrl.u32 v6, $0x10  }
0x3b4: {  	v7 =	vand.u32 $0xFF, v7  }
0x3b5: {  	v7 =	vadd.s32 v3, v7;
	_ =	sdelay $0x4  }
0x3b6: {  	v8 =	vld.idx.msk [tilespmem:v7+s9+$0x0], $0xffff;
	_ =	sdelay $0x4  }
0x3b7: {  	v59 =	vshrl.u32 v8, $0x8  }
0x3b8: {  	v8 =	vadd.s32 v8, v59  }
0x3b9: {  	v60 =	vld.idx.msk [tilespmem:v58+s10+$0x0], $0xffff  }
0x3ba: {  	v61 =	vadd.s32 s15, v3;
	_ =	sdelay $0x1  }
0x3bb: {  	[tilespmem:v7+s9+$0x0] =	vst.idx.add.s32.msk $0xffff, v5  }
0x3bc: {  	[tilespmem:v8+s11+$0x0] =	vst.idx.msk $0xffff, v6  }
0x3bd: {  	[tilespmem:v8+s12+$0x0] =	vst.idx.msk $0xffff, v60  }
0x3be: {  	v6 =	vld.idx.msk [tilespmem:v61+s8+$0x0], $0xffff;
	_ =	sdelay $0x4  }
0x3bf: {  	v7 =	vshrl.u32 v6, $0x10  }
0x3c0: {  	v7 =	vand.u32 $0xFF, v7  }
0x3c1: {  	v7 =	vadd.s32 v3, v7;
	_ =	sdelay $0x4  }
0x3c2: {  	v8 =	vld.idx.msk [tilespmem:v7+s9+$0x0], $0xffff;
	_ =	sdelay $0x4  }
0x3c3: {  	v62 =	vshrl.u32 v8, $0x8  }
0x3c4: {  	v8 =	vadd.s32 v8, v62  }
0x3c5: {  	p0 =	sne.s32 s15, $0xFF;
	v63 =	vld.idx.msk [tilespmem:v61+s10+$0x0], $0xffff  }
.Ltmp19:
0x3c6: {  	_ = 	snop;
	(pc) =	sbr.rel @p0 .LBB2_39-.Ltmp19, $4  }
0x3c7: {  	_ = 	snop  }
0x3c8: {  	[tilespmem:v7+s9+$0x0] =	vst.idx.add.s32.msk $0xffff, v5  }
0x3c9: {  	[tilespmem:v8+s11+$0x0] =	vst.idx.msk $0xffff, v6  }
0x3ca: {  	s15 =	sadd.s32 $0x8, s15;
	[tilespmem:v8+s12+$0x0] =	vst.idx.msk $0xffff, v63  }
0x3cb: {  	s15 =	simm.s32 $0x0;
	s16 =	simm.s32 $0x200  }
.LBB2_41:
0x3cc: {  	p0 =	sne.s32 s16, $0x4000;
	[tilespmem:s15+$0x50B0] =	vst v2  }
0x3cd: {  	[tilespmem:s15+$0x5040] =	vst v2  }
0x3ce: {  	[tilespmem:s15+$0x5050] =	vst v2  }
.Ltmp20:
0x3cf: {  	[tilespmem:s15+$0x5060] =	vst v2;
	(pc) =	sbr.rel @p0 .LBB2_41-.Ltmp20, $4  }
0x3d0: {  	[tilespmem:s15+$0x5070] =	vst v2  }
0x3d1: {  	[tilespmem:s15+$0x5080] =	vst v2  }
0x3d2: {  	[tilespmem:s15+$0x5090] =	vst v2  }
0x3d3: {  	[tilespmem:s15+$0x50A0] =	vst v2;
	s15 =	sshra.s32 s16, $0x2;
	s16 =	sadd.s32 $0x200, s16  }
0x3d4: {  	[tilespmem:s15+$0x50B0] =	vst v2  }
0x3d5: {  	[tilespmem:s15+$0x5040] =	vst v2  }
0x3d6: {  	[tilespmem:s15+$0x5050] =	vst v2  }
0x3d7: {  	[tilespmem:s15+$0x5060] =	vst v2  }
0x3d8: {  	[tilespmem:s15+$0x5070] =	vst v2  }
0x3d9: {  	[tilespmem:s15+$0x5080] =	vst v2  }
0x3da: {  	[tilespmem:s15+$0x5090] =	vst v2  }
0x3db: {  	[tilespmem:s15+$0x50A0] =	vst v2;
	s15 =	simm.s32 $0x7  }
.LBB2_43:
0x3dc: {  	s16 =	sadd.s32 $0xFFFFFFF9, s15  }
0x3dd: {  	v6 =	vadd.s32 s16, v3  }
0x3de: {  	v6 =	vand.u32 $0x1FF8, v6  }
0x3df: {  	v6 =	vor.u32 v4, v6;
	_ =	sdelay $0x4  }
0x3e0: {  	v6 =	vld.idx.msk [tilespmem:v6+s11+$0x0], $0xffff;
	_ =	sdelay $0x4  }
0x3e1: {  	v6 =	vshrl.u32 v6, $0x18  }
0x3e2: {  	s25 =	sadd.s32 $0xFFFFFFFA, s15;
	v6 =	vadd.s32 v3, v6  }
0x3e3: {  	v7 =	vadd.s32 s25, v3;
	_ =	sdelay $0x3  }
0x3e4: {  	[tilespmem:v6+s9+$0x0] =	vst.idx.add.s32.msk $0xffff, v5  }
0x3e5: {  	v6 =	vld.idx.msk [tilespmem:v7+s11+$0x0], $0xffff;
	_ =	sdelay $0x4  }
0x3e6: {  	v6 =	vshrl.u32 v6, $0x18  }
0x3e7: {  	s26 =	sadd.s32 $0xFFFFFFFB, s15;
	v6 =	vadd.s32 v3, v6  }
0x3e8: {  	v7 =	vadd.s32 s26, v3;
	_ =	sdelay $0x3  }
0x3e9: {  	[tilespmem:v6+s9+$0x0] =	vst.idx.add.s32.msk $0xffff, v5  }
0x3ea: {  	v6 =	vld.idx.msk [tilespmem:v7+s11+$0x0], $0xffff;
	_ =	sdelay $0x4  }
0x3eb: {  	v6 =	vshrl.u32 v6, $0x18  }
0x3ec: {  	s28 =	sadd.s32 $0xFFFFFFFC, s15;
	v6 =	vadd.s32 v3, v6  }
0x3ed: {  	v7 =	vadd.s32 s28, v3;
	_ =	sdelay $0x3  }
0x3ee: {  	[tilespmem:v6+s9+$0x0] =	vst.idx.add.s32.msk $0xffff, v5  }
0x3ef: {  	v6 =	vld.idx.msk [tilespmem:v7+s11+$0x0], $0xffff;
	_ =	sdelay $0x4  }
0x3f0: {  	v6 =	vshrl.u32 v6, $0x18  }
0x3f1: {  	s29 =	sadd.s32 $0xFFFFFFFD, s15;
	v6 =	vadd.s32 v3, v6  }
0x3f2: {  	v7 =	vadd.s32 s29, v3;
	_ =	sdelay $0x3  }
0x3f3: {  	[tilespmem:v6+s9+$0x0] =	vst.idx.add.s32.msk $0xffff, v5  }
0x3f4: {  	v6 =	vld.idx.msk [tilespmem:v7+s11+$0x0], $0xffff;
	_ =	sdelay $0x4  }
0x3f5: {  	v6 =	vshrl.u32 v6, $0x18  }
0x3f6: {  	s30 =	sadd.s32 $0xFFFFFFFE, s15;
	v6 =	vadd.s32 v3, v6  }
0x3f7: {  	v7 =	vadd.s32 s30, v3;
	_ =	sdelay $0x3  }
0x3f8: {  	[tilespmem:v6+s9+$0x0] =	vst.idx.add.s32.msk $0xffff, v5  }
0x3f9: {  	v6 =	vld.idx.msk [tilespmem:v7+s11+$0x0], $0xffff;
	_ =	sdelay $0x4  }
0x3fa: {  	v6 =	vshrl.u32 v6, $0x18  }
0x3fb: {  	s31 =	sadd.s32 $0xFFFFFFFF, s15;
	v6 =	vadd.s32 v3, v6  }
0x3fc: {  	v7 =	vadd.s32 s31, v3;
	_ =	sdelay $0x3  }
0x3fd: {  	[tilespmem:v6+s9+$0x0] =	vst.idx.add.s32.msk $0xffff, v5  }
0x3fe: {  	v6 =	vld.idx.msk [tilespmem:v7+s11+$0x0], $0xffff;
	_ =	sdelay $0x4  }
0x3ff: {  	v6 =	vshrl.u32 v6, $0x18  }
0x400: {  	v6 =	vadd.s32 v3, v6  }
0x401: {  	v7 =	vadd.s32 s15, v3;
	_ =	sdelay $0x3  }
0x402: {  	[tilespmem:v6+s9+$0x0] =	vst.idx.add.s32.msk $0xffff, v5  }
0x403: {  	v6 =	vld.idx.msk [tilespmem:v7+s11+$0x0], $0xffff;
	_ =	sdelay $0x4  }
0x404: {  	v6 =	vshrl.u32 v6, $0x18  }
0x405: {  	p0 =	sne.s32 s15, $0xFF;
	v6 =	vadd.s32 v3, v6  }
.Ltmp21:
0x406: {  	_ = 	snop;
	(pc) =	sbr.rel @p0 .LBB2_43-.Ltmp21, $2  }
0x407: {  	_ =	sdelay $0x2  }
0x408: {  	s16 =	simm.s32 $0x0;
	s15 =	sadd.s32 $0x8, s15;
	[tilespmem:v6+s9+$0x0] =	vst.idx.add.s32.msk $0xffff, v5  }
0x409: {  	s15 =	simm.s32 $0x0  }
0x40a: {  	v10 =	vld [tilespmem:s15+$0x5545]  }
0x40b: {  	v9 =	vld [tilespmem:s15+$0x5444]  }
0x40c: {  	v12 =	vld [tilespmem:s15+$0x5343]  }
0x40d: {  	v13 =	vld [tilespmem:s15+$0x5141]  }
0x40e: {  	v16 =	vld [tilespmem:s15+$0x5040]  }
0x40f: {  	v11 =	vld [tilespmem:s15+$0x5242]  }
0x410: {  	v8 =	vld [tilespmem:s15+$0x5848]  }
0x411: {  	v7 =	vld [tilespmem:s15+$0x5949]  }
0x412: {  	v6 =	vld [tilespmem:s15+$0x5A4A]  }
0x413: {  	[tilespmem:s15+$0x5040] =	vst v2;
	v17 =	vld [tilespmem:s15+$0x5646];
	v13 =	vadd.s32 v16, v13  }
0x414: {  	v14 =	vld [tilespmem:s15+$0x5747];
	[tilespmem:s15+$0x5242] =	vst v13;
	v13 =	vadd.s32 v13, v11  }
0x415: {  	v11 =	vld [tilespmem:s15+$0x5B4B];
	[tilespmem:s15+$0x5343] =	vst v13;
	v13 =	vadd.s32 v13, v12  }
0x416: {  	v12 =	vld [tilespmem:s15+$0x5C4C];
	[tilespmem:s15+$0x5444] =	vst v13;
	v13 =	vadd.s32 v13, v9  }
0x417: {  	[tilespmem:s15+$0x5141] =	vst v16;
	v9 =	vld [tilespmem:s15+$0x5F4F];
	v15 =	vadd.s32 v13, v10  }
0x418: {  	s18 =	simm.s32 $0x40;
	s17 =	simm.s32 $0x0;
	[tilespmem:s15+$0x5545] =	vst v13;
	v13 =	vld [tilespmem:s15+$0x5E4E];
	v10 =	vadd.s32 v15, v17  }
.LBB2_45:
0x419: {  	s19 =	sshra.s32 s18, $0x2;
	p0 =	sne.s32 s18, $0x3C0;
	s18 =	sadd.s32 $0x40, s18;
	[tilespmem:s17+$0x5646] =	vst v15;
	v14 =	vadd.s32 v10, v14;
	v15 =	vld [tilespmem:s17+$0x5D4D]  }
0x41a: {  	v16 =	vld [tilespmem:s19+$0x5545];
	[tilespmem:s17+$0x5848] =	vst v14;
	v8 =	vadd.s32 v14, v8  }
0x41b: {  	v17 =	vld [tilespmem:s19+$0x5444];
	[tilespmem:s17+$0x5949] =	vst v8;
	v7 =	vadd.s32 v8, v7  }
0x41c: {  	v18 =	vld [tilespmem:s19+$0x5343];
	[tilespmem:s17+$0x5A4A] =	vst v7;
	v6 =	vadd.s32 v7, v6  }
0x41d: {  	v19 =	vld [tilespmem:s19+$0x5242];
	[tilespmem:s17+$0x5B4B] =	vst v6;
	v6 =	vadd.s32 v6, v11  }
0x41e: {  	v11 =	vld [tilespmem:s19+$0x5141];
	[tilespmem:s17+$0x5C4C] =	vst v6;
	v6 =	vadd.s32 v6, v12  }
0x41f: {  	v20 =	vld [tilespmem:s19+$0x5040];
	[tilespmem:s17+$0x5D4D] =	vst v6;
	v6 =	vadd.s32 v6, v15  }
0x420: {  	v8 =	vld [tilespmem:s19+$0x5848];
	[tilespmem:s17+$0x5E4E] =	vst v6;
	v12 =	vadd.s32 v6, v13  }
0x421: {  	v7 =	vld [tilespmem:s19+$0x5949];
	[tilespmem:s17+$0x5F4F] =	vst v12  }
0x422: {  	v9 =	vadd.s32 v12, v9;
	v6 =	vld [tilespmem:s19+$0x5A4A];
	[tilespmem:s17+$0x5747] =	vst v10  }
0x423: {  	v14 =	vld [tilespmem:s19+$0x5747];
	[tilespmem:s17+$0x60C0] =	vst v9;
	s17 =	smov.u32 s19  }
0x424: {  	[tilespmem:s17+$0x5040] =	vst v2;
	v9 =	vadd.s32 v20, v11;
	v10 =	vld [tilespmem:s17+$0x5646]  }
.Ltmp22:
0x425: {  	[tilespmem:s17+$0x5242] =	vst v9;
	v9 =	vadd.s32 v9, v19;
	v11 =	vld [tilespmem:s17+$0x5B4B];
	(pc) =	sbr.rel @p0 .LBB2_45-.Ltmp22, $4  }
0x426: {  	[tilespmem:s17+$0x5343] =	vst v9;
	v9 =	vadd.s32 v9, v18;
	v12 =	vld [tilespmem:s17+$0x5C4C]  }
0x427: {  	[tilespmem:s17+$0x5444] =	vst v9;
	v9 =	vadd.s32 v9, v17  }
0x428: {  	[tilespmem:s17+$0x5545] =	vst v9;
	v15 =	vadd.s32 v9, v16;
	v9 =	vld [tilespmem:s17+$0x5F4F]  }
0x429: {  	[tilespmem:s17+$0x5141] =	vst v20;
	v10 =	vadd.s32 v15, v10;
	v13 =	vld [tilespmem:s17+$0x5E4E]  }
0x42a: {  	[tilespmem:s17+$0x5646] =	vst v15  }
0x42b: {  	v14 =	vadd.s32 v10, v14;
	[tilespmem:s17+$0x5747] =	vst v10  }
0x42c: {  	v63 =	vld [tilespmem:s17+$0x5D4D];
	[tilespmem:s17+$0x5848] =	vst v14;
	v8 =	vadd.s32 v14, v8  }
0x42d: {  	[tilespmem:s17+$0x5949] =	vst v8;
	v7 =	vadd.s32 v8, v7  }
0x42e: {  	[tilespmem:s17+$0x5A4A] =	vst v7;
	v6 =	vadd.s32 v7, v6  }
0x42f: {  	[tilespmem:s17+$0x5B4B] =	vst v6;
	v6 =	vadd.s32 v6, v11  }
0x430: {  	[tilespmem:s17+$0x5C4C] =	vst v6;
	v6 =	vadd.s32 v6, v12  }
0x431: {  	[tilespmem:s17+$0x5D4D] =	vst v6;
	v6 =	vadd.s32 v6, v63  }
0x432: {  	[tilespmem:s17+$0x5E4E] =	vst v6;
	v6 =	vadd.s32 v6, v13  }
0x433: {  	[tilespmem:s17+$0x5F4F] =	vst v6;
	v6 =	vadd.s32 v6, v9  }
0x434: {  	[tilespmem:s17+$0x60C0] =	vst v6  }
0x435: {  	s17 =	simm.s32 $0x10;
	v8 =	vld [tilespmem:s15+$0x60C0]  }
0x436: {  	v6 =	vld [tilespmem:s17+$0x60C0];
	_ =	sdelay $0x3  }
0x437: {  	(xrf0) =	vadd.scan.msk.s32 $0xffff, v8  }
0x438: {  	(xrf0) =	vadd.scan.msk.s32 $0xffff, v6;
	_ =	sdelay $0x4  }
0x439: {  	s18 =	simm.s32 $0x20;
	v11, _, _ =	vpop (xrf0)  }
0x43a: {  	v9 =	vld [tilespmem:s18+$0x60C0];
	(v2sf) =	vpush v11, $0xF;
	v10, _, _ =	vpop (xrf0)  }
0x43b: {  	(v2sf) =	vpush v10, $0xF;
	_ =	sdelay $0x3  }
0x43c: {  	s19 =	simm.s32 $0x30;
	(xrf0) =	vadd.scan.msk.s32 $0xffff, v9  }
0x43d: {  	v7 =	vld [tilespmem:s19+$0x60C0];
	_ =	sdelay $0x3  }
0x43e: {  	s20 =	simm.s32 $0x100  }
.LBB2_47:
0x43f: {  	s21 =	sshra.s32 s20, $0x2;
	p0 =	sne.s32 s20, $0x3C0;
	s20 =	sadd.s32 $0x40, s20;
	(xrf0) =	vadd.scan.msk.s32 $0xffff, v7;
	v12, _, _ =	vpop (xrf0);
	v13 =	vsub.s32 s16, v8;
	v8 =	vmov v6;
	v6 =	vmov v9  }
.Ltmp23:
0x440: {  	v9 =	vmovc v7;
	(v2sf) =	vpush v12, $0xF;
	v13 =	vadd.s32 v11, v13;
	v11 =	vmovc v10;
	v10 =	vmov v12;
	v7 =	vld [tilespmem:s21+$0x60C0];
	(pc) =	sbr.rel @p0 .LBB2_47-.Ltmp23, $4  }
0x441: {  	[tilespmem:s15+$0x61C0] =	vst v13;
	s15 =	smov.u32 s17;
	s17 =	smov.u32 s18;
	s18 =	smov.u32 s19  }
0x442: {  	s19 =	smov.u32 s21  }
0x443: {  	s21 =	spop (v2sf)  }
0x444: {  	s16 =	sadd.s32 s16, s21  }
0x445: {  	v12, _, _ =	vpop (xrf0)  }
0x446: {  	(v2sf) =	vpush v12, $0xF;
	_ =	sdelay $0xa  }
0x447: {  	(xrf0) =	vadd.scan.msk.s32 $0xffff, v7;
	_ =	sdelay $0x1  }
0x448: {  	s20 =	spop (v2sf)  }
0x449: {  	v8 =	vsub.s32 s16, v8;
	s26 =	sadd.s32 s16, s20;
	s28 =	spop (v2sf)  }
0x44a: {  	v8 =	vadd.s32 v11, v8;
	v6 =	vsub.s32 s26, v6;
	s16 =	sadd.s32 s26, s28;
	s29 =	spop (v2sf)  }
0x44b: {  	[tilespmem:s15+$0x61C0] =	vst v8;
	v6 =	vadd.s32 v10, v6;
	v8 =	vsub.s32 s16, v9;
	s30 =	sadd.s32 s16, s29  }
0x44c: {  	[tilespmem:s17+$0x61C0] =	vst v6;
	v9, _, _ =	vpop (xrf0);
	v6 =	vadd.s32 v12, v8;
	v7 =	vsub.s32 s30, v7  }
0x44d: {  	[tilespmem:s18+$0x61C0] =	vst v6;
	v6 =	vadd.s32 v9, v7  }
0x44e: {  	s15 =	simm.s32 $0x0;
	[tilespmem:s19+$0x61C0] =	vst v6  }
0x44f: {  	(v2sf) =	vpush v9, $0xF;
	v6 =	vld [tilespmem:s15+$0x61C0]  }
0x450: {  	v7 =	vld [tilespmem:s15+$0x5040]  }
0x451: {  	v8 =	vld [tilespmem:s15+$0x5141]  }
0x452: {  	v10 =	vld [tilespmem:s15+$0x5242]  }
0x453: {  	v11 =	vld [tilespmem:s15+$0x5343]  }
0x454: {  	v12 =	vld [tilespmem:s15+$0x5444]  }
0x455: {  	v13 =	vld [tilespmem:s15+$0x5545];
	v7 =	vadd.s32 v6, v7  }
0x456: {  	v14 =	vld [tilespmem:s15+$0x5646];
	[tilespmem:s15+$0x5040] =	vst v7;
	v7 =	vadd.s32 v6, v8  }
0x457: {  	v9 =	vld [tilespmem:s15+$0x5747];
	[tilespmem:s15+$0x5141] =	vst v7;
	v7 =	vadd.s32 v6, v10  }
0x458: {  	v10 =	vld [tilespmem:s15+$0x5848];
	[tilespmem:s15+$0x5242] =	vst v7;
	v7 =	vadd.s32 v6, v11  }
0x459: {  	v11 =	vld [tilespmem:s15+$0x5949];
	[tilespmem:s15+$0x5343] =	vst v7;
	v7 =	vadd.s32 v6, v12  }
0x45a: {  	v8 =	vld [tilespmem:s15+$0x5A4A];
	[tilespmem:s15+$0x5444] =	vst v7;
	v7 =	vadd.s32 v6, v13  }
0x45b: {  	v12 =	vadd.s32 v6, v14;
	[tilespmem:s15+$0x5545] =	vst v7;
	v7 =	vld [tilespmem:s15+$0x5B4B]  }
0x45c: {  	[tilespmem:s15+$0x5646] =	vst v12;
	v12 =	vadd.s32 v6, v9;
	v9 =	vld [tilespmem:s15+$0x5C4C]  }
0x45d: {  	[tilespmem:s15+$0x5747] =	vst v12;
	v12 =	vadd.s32 v6, v10;
	v10 =	vld [tilespmem:s15+$0x5D4D]  }
0x45e: {  	s16 =	simm.s32 $0x40;
	s31 =	spop (v2sf);
	[tilespmem:s15+$0x5848] =	vst v12;
	v12 =	vadd.s32 v6, v11;
	v11 =	vld [tilespmem:s15+$0x5E4E]  }
.LBB2_49:
0x45f: {  	s17 =	sshra.s32 s16, $0x2;
	p0 =	sne.s32 s16, $0x3C0;
	[tilespmem:s15+$0x5949] =	vst v12;
	v8 =	vadd.s32 v6, v8;
	v12 =	vld [tilespmem:s15+$0x5F4F]  }
0x460: {  	v13 =	vld [tilespmem:s17+$0x61C0];
	[tilespmem:s15+$0x5A4A] =	vst v8;
	v7 =	vadd.s32 v6, v7  }
0x461: {  	v8 =	vld [tilespmem:s17+$0x5040];
	[tilespmem:s15+$0x5B4B] =	vst v7;
	v7 =	vadd.s32 v6, v9  }
0x462: {  	v9 =	vld [tilespmem:s17+$0x5141];
	[tilespmem:s15+$0x5C4C] =	vst v7;
	v7 =	vadd.s32 v6, v10  }
0x463: {  	v10 =	vld [tilespmem:s17+$0x5242];
	[tilespmem:s15+$0x5D4D] =	vst v7;
	v7 =	vadd.s32 v6, v11  }
0x464: {  	v11 =	vld [tilespmem:s17+$0x5343];
	[tilespmem:s15+$0x5E4E] =	vst v7;
	v12 =	vadd.s32 v6, v12  }
0x465: {  	v7 =	vld [tilespmem:s17+$0x5444];
	[tilespmem:s15+$0x5F4F] =	vst v12;
	v6 =	vmov v13;
	s15 =	smov.u32 s17  }
0x466: {  	v8 =	vadd.s32 v6, v8;
	v12 =	vld [tilespmem:s15+$0x5545]  }
0x467: {  	[tilespmem:s15+$0x5040] =	vst v8;
	v8 =	vadd.s32 v6, v9;
	v9 =	vld [tilespmem:s15+$0x5646]  }
0x468: {  	[tilespmem:s15+$0x5141] =	vst v8;
	v8 =	vadd.s32 v6, v10;
	v10 =	vld [tilespmem:s15+$0x5747]  }
0x469: {  	[tilespmem:s15+$0x5242] =	vst v8;
	v8 =	vadd.s32 v6, v11;
	v11 =	vld [tilespmem:s15+$0x5848]  }
0x46a: {  	[tilespmem:s15+$0x5343] =	vst v8;
	v7 =	vadd.s32 v6, v7;
	v13 =	vld [tilespmem:s15+$0x5949]  }
.Ltmp24:
0x46b: {  	[tilespmem:s15+$0x5444] =	vst v7;
	v7 =	vadd.s32 v6, v12;
	v8 =	vld [tilespmem:s15+$0x5A4A];
	(pc) =	sbr.rel @p0 .LBB2_49-.Ltmp24, $4  }
0x46c: {  	[tilespmem:s15+$0x5545] =	vst v7;
	v9 =	vadd.s32 v6, v9;
	v7 =	vld [tilespmem:s15+$0x5B4B]  }
0x46d: {  	[tilespmem:s15+$0x5646] =	vst v9;
	v10 =	vadd.s32 v6, v10;
	v9 =	vld [tilespmem:s15+$0x5C4C]  }
0x46e: {  	[tilespmem:s15+$0x5747] =	vst v10;
	v11 =	vadd.s32 v6, v11;
	v10 =	vld [tilespmem:s15+$0x5D4D]  }
0x46f: {  	s16 =	sadd.s32 $0x40, s16;
	[tilespmem:s15+$0x5848] =	vst v11;
	v12 =	vadd.s32 v6, v13;
	v11 =	vld [tilespmem:s15+$0x5E4E]  }
0x470: {  	[tilespmem:s15+$0x5949] =	vst v12;
	v8 =	vadd.s32 v6, v8;
	v63 =	vld [tilespmem:s15+$0x5F4F]  }
0x471: {  	[tilespmem:s15+$0x5A4A] =	vst v8;
	v7 =	vadd.s32 v6, v7  }
0x472: {  	[tilespmem:s15+$0x5B4B] =	vst v7;
	v7 =	vadd.s32 v6, v9  }
0x473: {  	[tilespmem:s15+$0x5C4C] =	vst v7;
	v7 =	vadd.s32 v6, v10  }
0x474: {  	[tilespmem:s15+$0x5D4D] =	vst v7;
	v7 =	vadd.s32 v6, v11  }
0x475: {  	[tilespmem:s15+$0x5E4E] =	vst v7;
	v6 =	vadd.s32 v6, v63  }
0x476: {  	[tilespmem:s15+$0x5F4F] =	vst v6;
	s15 =	simm.s32 $0x7  }
.LBB2_51:
0x477: {  	s16 =	sadd.s32 $0xFFFFFFF9, s15  }
0x478: {  	v6 =	vadd.s32 s16, v3  }
0x479: {  	v6 =	vand.u32 $0x1FF8, v6  }
0x47a: {  	v6 =	vor.u32 v4, v6;
	_ =	sdelay $0x4  }
0x47b: {  	v7 =	vld.idx.msk [tilespmem:v6+s11+$0x0], $0xffff;
	_ =	sdelay $0x4  }
0x47c: {  	vm0 =	vlt.s32 v7, $0x0  }
0x47d: {  	v8 =	vsel vm0, $0x0, v1  }
0x47e: {  	v8 =	vxor.u32 v7, v8  }
0x47f: {  	v8 =	vsub.f32 $0.0e+00, v8;
	_ =	sdelay $0x1  }
0x480: {  	v8 =	vmul.f32 $1.442695020e+00, v8;
	_ =	sdelay $0x1  }
0x481: {  	(erf) = vpow2.f32 v8;
	_ =	sdelay $0x7  }
0x482: {  	v7 =	vshrl.u32 v7, $0x18  }
0x483: {  	v7 =	vadd.s32 v3, v7;
	v8 =	vpop (erf)  }
0x484: {  	v8 =	vadd.f32 $1.000000000e+00, v8;
	_ =	sdelay $0x1  }
0x485: {  	(erf) = vrcp.f32 v8;
	_ =	sdelay $0x1  }
0x486: {  	v57 =	vld.idx.msk [tilespmem:v7+s9+$0x0], $0xffff;
	_ =	sdelay $0x3  }
0x487: {  	s25 =	sadd.s32 $0xFFFFFFFA, s15;
	v6 =	vld.idx.msk [tilespmem:v6+s12+$0x0], $0xffff  }
0x488: {  	v9 =	vadd.s32 s25, v3;
	_ =	sdelay $0x1  }
0x489: {  	[tilespmem:v7+s9+$0x0] =	vst.idx.add.s32.msk $0xffff, v5;
	v7 =	vpop (erf)  }
0x48a: {  	[tilespmem:v57+s13+$0x0] =	vst.idx.msk $0xffff, v7  }
0x48b: {  	[tilespmem:v57+s10+$0x0] =	vst.idx.msk $0xffff, v6  }
0x48c: {  	v6 =	vld.idx.msk [tilespmem:v9+s11+$0x0], $0xffff;
	_ =	sdelay $0x4  }
0x48d: {  	vm9 =	vlt.s32 v6, $0x0  }
0x48e: {  	v7 =	vsel vm9, $0x0, v1  }
0x48f: {  	v7 =	vxor.u32 v6, v7  }
0x490: {  	v7 =	vsub.f32 $0.0e+00, v7;
	_ =	sdelay $0x1  }
0x491: {  	v7 =	vmul.f32 $1.442695020e+00, v7;
	_ =	sdelay $0x1  }
0x492: {  	(erf) = vpow2.f32 v7;
	_ =	sdelay $0x7  }
0x493: {  	v6 =	vshrl.u32 v6, $0x18  }
0x494: {  	v6 =	vadd.s32 v3, v6;
	v7 =	vpop (erf)  }
0x495: {  	v7 =	vadd.f32 $1.000000000e+00, v7;
	_ =	sdelay $0x1  }
0x496: {  	(erf) = vrcp.f32 v7;
	_ =	sdelay $0x1  }
0x497: {  	v7 =	vld.idx.msk [tilespmem:v6+s9+$0x0], $0xffff;
	_ =	sdelay $0x3  }
0x498: {  	s26 =	sadd.s32 $0xFFFFFFFB, s15;
	v8 =	vld.idx.msk [tilespmem:v9+s12+$0x0], $0xffff  }
0x499: {  	v58 =	vadd.s32 s26, v3;
	_ =	sdelay $0x1  }
0x49a: {  	[tilespmem:v6+s9+$0x0] =	vst.idx.add.s32.msk $0xffff, v5;
	v6 =	vpop (erf)  }
0x49b: {  	[tilespmem:v7+s13+$0x0] =	vst.idx.msk $0xffff, v6  }
0x49c: {  	[tilespmem:v7+s10+$0x0] =	vst.idx.msk $0xffff, v8  }
0x49d: {  	v6 =	vld.idx.msk [tilespmem:v58+s11+$0x0], $0xffff;
	_ =	sdelay $0x4  }
0x49e: {  	vm10 =	vlt.s32 v6, $0x0  }
0x49f: {  	v7 =	vsel vm10, $0x0, v1  }
0x4a0: {  	v7 =	vxor.u32 v6, v7  }
0x4a1: {  	v7 =	vsub.f32 $0.0e+00, v7;
	_ =	sdelay $0x1  }
0x4a2: {  	v7 =	vmul.f32 $1.442695020e+00, v7;
	_ =	sdelay $0x1  }
0x4a3: {  	(erf) = vpow2.f32 v7;
	_ =	sdelay $0x7  }
0x4a4: {  	v6 =	vshrl.u32 v6, $0x18  }
0x4a5: {  	v6 =	vadd.s32 v3, v6;
	v7 =	vpop (erf)  }
0x4a6: {  	v7 =	vadd.f32 $1.000000000e+00, v7;
	_ =	sdelay $0x1  }
0x4a7: {  	(erf) = vrcp.f32 v7;
	_ =	sdelay $0x1  }
0x4a8: {  	v7 =	vld.idx.msk [tilespmem:v6+s9+$0x0], $0xffff;
	_ =	sdelay $0x3  }
0x4a9: {  	s28 =	sadd.s32 $0xFFFFFFFC, s15;
	v8 =	vld.idx.msk [tilespmem:v58+s12+$0x0], $0xffff  }
0x4aa: {  	v59 =	vadd.s32 s28, v3;
	_ =	sdelay $0x1  }
0x4ab: {  	[tilespmem:v6+s9+$0x0] =	vst.idx.add.s32.msk $0xffff, v5;
	v6 =	vpop (erf)  }
0x4ac: {  	[tilespmem:v7+s13+$0x0] =	vst.idx.msk $0xffff, v6  }
0x4ad: {  	[tilespmem:v7+s10+$0x0] =	vst.idx.msk $0xffff, v8  }
0x4ae: {  	v6 =	vld.idx.msk [tilespmem:v59+s11+$0x0], $0xffff;
	_ =	sdelay $0x4  }
0x4af: {  	vm11 =	vlt.s32 v6, $0x0  }
0x4b0: {  	v7 =	vsel vm11, $0x0, v1  }
0x4b1: {  	v7 =	vxor.u32 v6, v7  }
0x4b2: {  	v7 =	vsub.f32 $0.0e+00, v7;
	_ =	sdelay $0x1  }
0x4b3: {  	v7 =	vmul.f32 $1.442695020e+00, v7;
	_ =	sdelay $0x1  }
0x4b4: {  	(erf) = vpow2.f32 v7;
	_ =	sdelay $0x7  }
0x4b5: {  	v6 =	vshrl.u32 v6, $0x18  }
0x4b6: {  	v6 =	vadd.s32 v3, v6;
	v7 =	vpop (erf)  }
0x4b7: {  	v7 =	vadd.f32 $1.000000000e+00, v7;
	_ =	sdelay $0x1  }
0x4b8: {  	(erf) = vrcp.f32 v7;
	_ =	sdelay $0x1  }
0x4b9: {  	v7 =	vld.idx.msk [tilespmem:v6+s9+$0x0], $0xffff;
	_ =	sdelay $0x3  }
0x4ba: {  	s29 =	sadd.s32 $0xFFFFFFFD, s15;
	v8 =	vld.idx.msk [tilespmem:v59+s12+$0x0], $0xffff  }
0x4bb: {  	v60 =	vadd.s32 s29, v3;
	_ =	sdelay $0x1  }
0x4bc: {  	[tilespmem:v6+s9+$0x0] =	vst.idx.add.s32.msk $0xffff, v5;
	v6 =	vpop (erf)  }
0x4bd: {  	[tilespmem:v7+s13+$0x0] =	vst.idx.msk $0xffff, v6  }
0x4be: {  	[tilespmem:v7+s10+$0x0] =	vst.idx.msk $0xffff, v8  }
0x4bf: {  	v6 =	vld.idx.msk [tilespmem:v60+s11+$0x0], $0xffff;
	_ =	sdelay $0x4  }
0x4c0: {  	vm12 =	vlt.s32 v6, $0x0  }
0x4c1: {  	v7 =	vsel vm12, $0x0, v1  }
0x4c2: {  	v7 =	vxor.u32 v6, v7  }
0x4c3: {  	v7 =	vsub.f32 $0.0e+00, v7;
	_ =	sdelay $0x1  }
0x4c4: {  	v7 =	vmul.f32 $1.442695020e+00, v7;
	_ =	sdelay $0x1  }
0x4c5: {  	(erf) = vpow2.f32 v7;
	_ =	sdelay $0x7  }
0x4c6: {  	v6 =	vshrl.u32 v6, $0x18  }
0x4c7: {  	v6 =	vadd.s32 v3, v6;
	v7 =	vpop (erf)  }
0x4c8: {  	v7 =	vadd.f32 $1.000000000e+00, v7;
	_ =	sdelay $0x1  }
0x4c9: {  	(erf) = vrcp.f32 v7;
	_ =	sdelay $0x1  }
0x4ca: {  	v7 =	vld.idx.msk [tilespmem:v6+s9+$0x0], $0xffff;
	_ =	sdelay $0x3  }
0x4cb: {  	s30 =	sadd.s32 $0xFFFFFFFE, s15;
	v8 =	vld.idx.msk [tilespmem:v60+s12+$0x0], $0xffff  }
0x4cc: {  	v61 =	vadd.s32 s30, v3;
	_ =	sdelay $0x1  }
0x4cd: {  	[tilespmem:v6+s9+$0x0] =	vst.idx.add.s32.msk $0xffff, v5;
	v6 =	vpop (erf)  }
0x4ce: {  	[tilespmem:v7+s13+$0x0] =	vst.idx.msk $0xffff, v6  }
0x4cf: {  	[tilespmem:v7+s10+$0x0] =	vst.idx.msk $0xffff, v8  }
0x4d0: {  	v6 =	vld.idx.msk [tilespmem:v61+s11+$0x0], $0xffff;
	_ =	sdelay $0x4  }
0x4d1: {  	vm13 =	vlt.s32 v6, $0x0  }
0x4d2: {  	v7 =	vsel vm13, $0x0, v1  }
0x4d3: {  	v7 =	vxor.u32 v6, v7  }
0x4d4: {  	v7 =	vsub.f32 $0.0e+00, v7;
	_ =	sdelay $0x1  }
0x4d5: {  	v7 =	vmul.f32 $1.442695020e+00, v7;
	_ =	sdelay $0x1  }
0x4d6: {  	(erf) = vpow2.f32 v7;
	_ =	sdelay $0x7  }
0x4d7: {  	v6 =	vshrl.u32 v6, $0x18  }
0x4d8: {  	v6 =	vadd.s32 v3, v6;
	v7 =	vpop (erf)  }
0x4d9: {  	v7 =	vadd.f32 $1.000000000e+00, v7;
	_ =	sdelay $0x1  }
0x4da: {  	(erf) = vrcp.f32 v7;
	_ =	sdelay $0x1  }
0x4db: {  	v7 =	vld.idx.msk [tilespmem:v6+s9+$0x0], $0xffff;
	_ =	sdelay $0x3  }
0x4dc: {  	s31 =	sadd.s32 $0xFFFFFFFF, s15;
	v8 =	vld.idx.msk [tilespmem:v61+s12+$0x0], $0xffff  }
0x4dd: {  	v62 =	vadd.s32 s31, v3;
	_ =	sdelay $0x1  }
0x4de: {  	[tilespmem:v6+s9+$0x0] =	vst.idx.add.s32.msk $0xffff, v5;
	v6 =	vpop (erf)  }
0x4df: {  	[tilespmem:v7+s13+$0x0] =	vst.idx.msk $0xffff, v6  }
0x4e0: {  	[tilespmem:v7+s10+$0x0] =	vst.idx.msk $0xffff, v8  }
0x4e1: {  	v6 =	vld.idx.msk [tilespmem:v62+s11+$0x0], $0xffff;
	_ =	sdelay $0x4  }
0x4e2: {  	vm14 =	vlt.s32 v6, $0x0  }
0x4e3: {  	v7 =	vsel vm14, $0x0, v1  }
0x4e4: {  	v7 =	vxor.u32 v6, v7  }
0x4e5: {  	v7 =	vsub.f32 $0.0e+00, v7;
	_ =	sdelay $0x1  }
0x4e6: {  	v7 =	vmul.f32 $1.442695020e+00, v7;
	_ =	sdelay $0x1  }
0x4e7: {  	(erf) = vpow2.f32 v7;
	_ =	sdelay $0x7  }
0x4e8: {  	v6 =	vshrl.u32 v6, $0x18  }
0x4e9: {  	v6 =	vadd.s32 v3, v6;
	v7 =	vpop (erf)  }
0x4ea: {  	v7 =	vadd.f32 $1.000000000e+00, v7;
	_ =	sdelay $0x1  }
0x4eb: {  	(erf) = vrcp.f32 v7;
	_ =	sdelay $0x1  }
0x4ec: {  	v7 =	vld.idx.msk [tilespmem:v6+s9+$0x0], $0xffff;
	_ =	sdelay $0x3  }
0x4ed: {  	v8 =	vld.idx.msk [tilespmem:v62+s12+$0x0], $0xffff  }
0x4ee: {  	v63 =	vadd.s32 s15, v3;
	_ =	sdelay $0x1  }
0x4ef: {  	[tilespmem:v6+s9+$0x0] =	vst.idx.add.s32.msk $0xffff, v5;
	v6 =	vpop (erf)  }
0x4f0: {  	[tilespmem:v7+s13+$0x0] =	vst.idx.msk $0xffff, v6  }
0x4f1: {  	[tilespmem:v7+s10+$0x0] =	vst.idx.msk $0xffff, v8  }
0x4f2: {  	v6 =	vld.idx.msk [tilespmem:v63+s11+$0x0], $0xffff;
	_ =	sdelay $0x4  }
0x4f3: {  	vm15 =	vlt.s32 v6, $0x0  }
0x4f4: {  	v7 =	vsel vm15, $0x0, v1  }
0x4f5: {  	v7 =	vxor.u32 v6, v7  }
0x4f6: {  	v7 =	vsub.f32 $0.0e+00, v7;
	_ =	sdelay $0x1  }
0x4f7: {  	v7 =	vmul.f32 $1.442695020e+00, v7;
	_ =	sdelay $0x1  }
0x4f8: {  	(erf) = vpow2.f32 v7;
	_ =	sdelay $0x7  }
0x4f9: {  	v6 =	vshrl.u32 v6, $0x18  }
0x4fa: {  	v6 =	vadd.s32 v3, v6;
	v7 =	vpop (erf)  }
0x4fb: {  	v7 =	vadd.f32 $1.000000000e+00, v7;
	_ =	sdelay $0x1  }
0x4fc: {  	(erf) = vrcp.f32 v7;
	_ =	sdelay $0x1  }
0x4fd: {  	v7 =	vld.idx.msk [tilespmem:v6+s9+$0x0], $0xffff;
	_ =	sdelay $0x3  }
0x4fe: {  	p0 =	sne.s32 s15, $0xFF;
	v8 =	vld.idx.msk [tilespmem:v63+s12+$0x0], $0xffff  }
.Ltmp25:
0x4ff: {  	_ = 	snop;
	(pc) =	sbr.rel @p0 .LBB2_51-.Ltmp25, $4  }
0x500: {  	_ = 	snop  }
0x501: {  	[tilespmem:v6+s9+$0x0] =	vst.idx.add.s32.msk $0xffff, v5;
	v6 =	vpop (erf)  }
0x502: {  	[tilespmem:v7+s13+$0x0] =	vst.idx.msk $0xffff, v6  }
0x503: {  	s15 =	sadd.s32 $0x8, s15;
	[tilespmem:v7+s10+$0x0] =	vst.idx.msk $0xffff, v8  }
0x504: {  	[hbm4b:s3+s2] =	stream.linear.scatter [tilespmem:s13], [sflag:$0x1], $0x1000, $0x38;
	[tilespmem:$0x72C0] =	vst v63  }
0x505: {  	s14 =	sadd.s32 $0x1, s14;
	_ =	swait.ge [sflag:s7], $0x1000  }
0x506: {  	p0 =	sne.s32 s14, s6;
	[sflag:s7] =	ssyncset.done $0x0  }
.Ltmp26:
0x507: {  	[sflag:s7] =	ssyncadd.s32 $0xFFFFF000;
	(pc) =	sbr.rel @p0 .LBB2_2-.Ltmp26, $4  }
0x508: {  	[hbm4b:s4+s2] =	stream.linear.scatter [tilespmem:s10], [sflag:$0x1], $0x1000, $0x38;
	[tilespmem:$0x72C0] =	vst v63  }
0x509: {  	_ =	swait.ge [sflag:s7], $0x1000  }
0x50a: {  	[sflag:s7] =	ssyncset.done $0x0  }
0x50b: {  	[sflag:s7] =	ssyncadd.s32 $0xFFFFF000  }
.LBB2_53:
0x50c: {  	_ =	sfence.sel $0x180000  }
0x50d: {  	[bflag:$0x0] =	sbarrier.arrive $0xFFFF  }
0x50e: {  	p0 =	sne.s32 s1, $0x0;
	_ =	strace $0x90000047  }
0x50f: {  	s0 =	sadd.s32 @!p0 $0x100000, s0;
	[bflag:$0x2] =	sbarrier.arrive $0xFFFF  }
0x510: {  	[sflag:s0] =	ssyncadd.tile.s32 @!p0 $0x1;
	_ =	shalt  }
.Lfunc_end2:
_tile_overlayer_lowered:
.L_overlay_start_2:
0x511: {  	(tag) =	ssettag $0x2  }
0x512: {  	s0 =	rddreg [dreg:$0x0];
	s2 =	stileid.u32  }
0x513: {  	s1 =	rddreg [dreg:$0x1];
	p0 =	sne.s32 s2, $0x0  }
0x514: {  	s3 =	rddreg [dreg:$0x2];
	[bflag:$0x3] =	sbarrier.arrive $0xFFFF;
	s2 =	simm.s32 @!p0 $0x1C01  }
0x515: {  	[timem:s3], [sflag:s2] =	dma.local @!p0 [hbm:s0], s1  }
0x516: {  	s0 =	simm.s32 @!p0 $0x1  }
0x517: {  	_ =	swait.ge @!p0 [sflag:s0], s1  }
0x518: {  	s1 =	ssub.s32 @!p0 $0x0, s1;
	[sflag:s0] =	ssyncset.done @!p0 $0x0  }
0x519: {  	[sflag:s0] =	ssyncadd.s32 @!p0 s1  }
0x51a: {  	[bflag:$0x3] =	sbarrier.arrive $0xFFFF  }
0x51b: {  	_ =	shalt  }

</sc_bundles>
